<compile_context>
chip_gen: v7x
topology: tpu7x:2x2x1
jax: 0.10.2.dev20260603
libtpu: 0.0.44.dev20260713+nightly
codegen_flags: <defaults>
</compile_context>

<pallas_src>
import functools

import numpy as np

import jax
import jax.numpy as jnp
from jax import lax
from jax.experimental import pallas as pl
from jax.experimental.pallas import tpu as pltpu
from jax.experimental.pallas import tpu_sc as plsc

_B = 4
_S = 48
_R = _B * _S
_H = 256
_NZ = 96
_ROWS = 2 * _B * _S * _S * 2 * 2 // 2 + 1
_STAGE_ROWS = _NZ * 4 * _R

_NW = 32
_CHUNK = 128
_NCH = 9
_PW = _NCH * _CHUNK
_TAIL = 8
_BPAD = _NW * _PW + _TAIL


def _block_count(u):
    if u < 0 or u > 2 * _S - 2:
        return 0
    return (u + 1) if u < _S else (2 * _S - 1 - u)


def _perm_table():
    zero_row = 95 * 4 * _R + _R
    perm = np.full((_BPAD,), zero_row, np.int32)
    wp = 1
    for z in range(_NZ):
        for d in (0, 1):
            u = z - d
            a = _block_count(u)
            if a == 0:
                continue
            lo = max(0, u - (_S - 1))
            for xy in (0, 1):
                blk = z * 4 * _R + (2 * d + xy) * _R
                for n in range(_B):
                    for i in range(lo, lo + a):
                        perm[wp] = blk + n * _S + i
                        wp += 1
    assert wp == _ROWS
    return perm


_PERM = _perm_table()


_UNROLL = 8


def _shift_raw(val):
    return jnp.concatenate(
        [jnp.zeros((1, _H), jnp.float32), val[:-1, :]], axis=0)


def _shift_seg(val, i_idx):
    return jnp.where(i_idx == 0, 0.0, _shift_raw(val))


def _dotf(a, b):
    return jnp.dot(a, b, preferred_element_type=jnp.float32)


def _tc_body(src_ref, trg_ref, wxx_ref, wxy_ref, whcat_ref,
             bx_ref, by_ref, out_ref, hx0, hy0, hx1, hy1, ytbuf, srcx,
             tyt):
    g = pl.program_id(0)

    @pl.when(g == 0)
    def _init():
        for r in (hx0, hy0, hx1, hy1, ytbuf):
            r[...] = jnp.zeros((_R, _H), jnp.float32)
        srcx[...] = _dotf(src_ref[...], wxx_ref[0])
        tyt[...] = jnp.zeros((8 * _S, _H), jnp.float32)
        ty = _dotf(trg_ref[...], wxy_ref[0])
        for zz in range(_S):
            for n in range(_B):
                tyt[zz * 8 + n:zz * 8 + n + 1, :] = (
                    ty[n * _S + zz:n * _S + zz + 1, :])

    i_idx = jax.lax.rem(
        jax.lax.broadcasted_iota(jnp.int32, (_R, 1), 0), _S)

    for sub in range(_UNROLL):
        z = g * _UNROLL + sub
        base = sub * 4 * _R

        u1 = z - 1
        lo1 = jnp.maximum(u1 - (_S - 1), 0)
        hi1 = jnp.minimum(u1, _S - 1)
        hx1s = _shift_seg(hx1[...], i_idx)
        hterm1 = _dotf(hx1s, whcat_ref[1, :_H, :]) + _dotf(
            hy1[...], whcat_ref[1, _H:, :])
        ox1 = jnp.tanh(_dotf(hx0[...], wxx_ref[1])
                       + hterm1[:, :_H] + bx_ref[1:2, :])
        oy1 = jnp.tanh(_dotf(hy0[...], wxy_ref[1])
                       + hterm1[:, _H:] + by_ref[1:2, :])
        mask1 = (i_idx >= lo1) & (i_idx <= hi1)
        x1 = ox1
        y1 = jnp.where(mask1, oy1, 0.0)
        hx1[...] = x1
        hy1[...] = y1
        out_ref[base + 2 * _R:base + 3 * _R, :] = x1
        out_ref[base + 3 * _R:base + 4 * _R, :] = y1

        u0 = z
        lo0 = jnp.maximum(u0 - (_S - 1), 0)
        hi0 = jnp.minimum(u0, _S - 1)

        ytbuf[...] = _shift_raw(ytbuf[...])
        tz = tyt[pl.ds(jnp.minimum(u0, _S - 1) * 8, 8)]
        tz = jnp.where(u0 < _S, tz, 0.0)
        for n in range(_B):
            ytbuf[n * _S:n * _S + 1, :] = tz[n:n + 1, :]

        hx0s = _shift_seg(hx0[...], i_idx)
        hterm0 = _dotf(hx0s, whcat_ref[0, :_H, :]) + _dotf(
            hy0[...], whcat_ref[0, _H:, :])
        ox0 = jnp.tanh(srcx[...] + hterm0[:, :_H] + bx_ref[0:1, :])
        oy0 = jnp.tanh(ytbuf[...] + hterm0[:, _H:] + by_ref[0:1, :])
        mask0 = (i_idx >= lo0) & (i_idx <= hi0)
        x0 = ox0
        y0 = jnp.where(mask0, oy0, 0.0)
        hx0[...] = x0
        hy0[...] = y0
        out_ref[base:base + _R, :] = x0
        out_ref[base + _R:base + 2 * _R, :] = y0


def _forward_staging(src, trg, Wx_x, Wh_x, b_x, Wx_y, Wh_y, b_y):
    whcat = jnp.concatenate([Wh_x, Wh_y], axis=2)

    full = lambda shp: pl.BlockSpec(shp, lambda z: (0,) * len(shp))
    return pl.pallas_call(
        _tc_body,
        grid=(_NZ // _UNROLL,),
        in_specs=[
            full((_R, _H)),
            full((_R, _H)),
            full((2, _H, _H)),
            full((2, _H, _H)),
            full((2, 2 * _H, 2 * _H)),
            full((2, _H)),
            full((2, _H)),
        ],
        out_specs=pl.BlockSpec((_UNROLL * 4 * _R, _H), lambda g: (g, 0)),
        out_shape=jax.ShapeDtypeStruct((_STAGE_ROWS, _H), jnp.float32),
        scratch_shapes=[pltpu.VMEM((_R, _H), jnp.float32)] * 6
        + [pltpu.VMEM((8 * _S, _H), jnp.float32)],
        compiler_params=pltpu.CompilerParams(
            dimension_semantics=("arbitrary",),
        ),
    )(src, trg, Wx_x, Wx_y, whcat, b_x, b_y)


def _sc_body(table_hbm, idx_hbm, out_hbm, idx_v, r0, r1, r2,
             tail_i, tail_r, gsem, osem, tsem):
    wid = lax.axis_index("s") * 2 + lax.axis_index("c")
    base = wid * _PW
    pltpu.sync_copy(idx_hbm.at[pl.ds(base, _PW)], idx_v)
    bufs = (r0, r1, r2)

    def _gather(c):
        return pltpu.async_copy(
            table_hbm.at[idx_v.at[pl.ds(c * _CHUNK, _CHUNK)]],
            bufs[c % 3], gsem)

    outs = []
    gathers = [_gather(0)]
    for c in range(_NCH):
        if c + 1 < _NCH:
            if c + 1 >= 3:
                outs[c - 2].wait()
            gathers.append(_gather(c + 1))
        gathers[c].wait()
        o = pltpu.make_async_copy(
            bufs[c % 3], out_hbm.at[pl.ds(base + c * _CHUNK, _CHUNK)], osem)
        o.start()
        outs.append(o)

    @pl.when(wid == 0)
    def _tail():
        pltpu.sync_copy(idx_hbm.at[pl.ds(_NW * _PW, _TAIL)], tail_i)
        pltpu.async_copy(table_hbm.at[tail_i], tail_r, tsem).wait()
        pltpu.sync_copy(tail_r, out_hbm.at[pl.ds(_NW * _PW, _TAIL)])

    for o in outs[-3:]:
        o.wait()


def _sc_permute(staging, idx):
    mesh = plsc.VectorSubcoreMesh(core_axis_name="c", subcore_axis_name="s")
    k = functools.partial(
        pl.kernel,
        mesh=mesh,
        out_type=jax.ShapeDtypeStruct((_BPAD, _H), jnp.float32),
        scratch_types=[
            pltpu.VMEM((_PW,), jnp.int32),
            pltpu.VMEM((_CHUNK, _H), jnp.float32),
            pltpu.VMEM((_CHUNK, _H), jnp.float32),
            pltpu.VMEM((_CHUNK, _H), jnp.float32),
            pltpu.VMEM((_TAIL,), jnp.int32),
            pltpu.VMEM((_TAIL, _H), jnp.float32),
            pltpu.SemaphoreType.DMA,
            pltpu.SemaphoreType.DMA,
            pltpu.SemaphoreType.DMA,
        ],
    )(_sc_body)
    return k(staging, idx)


def kernel(src_array_batch, trg_array_batch, src_lens, trg_lens,
           Wx_x, Wh_x, b_x, Wx_y, Wh_y, b_y):
    del src_lens, trg_lens
    staging = _forward_staging(src_array_batch, trg_array_batch,
                               Wx_x, Wh_x, b_x, Wx_y, Wh_y, b_y)
    out = _sc_permute(staging, jnp.asarray(_PERM))
    return out[:_ROWS]

# --- scband reference (transcript-rebuilt; emitter-appended) ---
"""Pipeline reference for scband-grid-rnnskew-69956427317706 (READ-ONLY COPY).

The authoritative reference and input builder live on the scoring server;
editing this copy changes nothing except your own understanding.
"""

import jax, jax.numpy as jnp
import numpy as np

INPUT_SIZE = 256
HIDDEN_SIZE = 256
GRID_DIM = 2
DEPTH = 2
BATCH = 4
SEQ = 48

def _starts(lens):
    s = [0]
    for l in lens:
        s.append(s[-1] + l)
    return s

def setup_inputs(seed: int = 0):
    key = jax.random.key(seed)
    ks = jax.random.split(key, 8)
    src_lens = np.full((BATCH,), SEQ, dtype=np.int64)
    trg_lens = np.full((BATCH,), SEQ, dtype=np.int64)
    total_src = int(src_lens.sum())
    total_trg = int(trg_lens.sum())
    return {
        'src_array_batch': jax.random.normal(ks[0], (total_src, INPUT_SIZE), jnp.float32),
        'trg_array_batch': jax.random.normal(ks[1], (total_trg, INPUT_SIZE), jnp.float32),
        'src_lens': src_lens,
        'trg_lens': trg_lens,
        'Wx_x': jax.random.normal(ks[2], (DEPTH, INPUT_SIZE, HIDDEN_SIZE), jnp.float32) * 0.05,
        'Wh_x': jax.random.normal(ks[3], (DEPTH, GRID_DIM * HIDDEN_SIZE, HIDDEN_SIZE), jnp.float32) * 0.05,
        'b_x': jnp.zeros((DEPTH, HIDDEN_SIZE), jnp.float32),
        'Wx_y': jax.random.normal(ks[4], (DEPTH, INPUT_SIZE, HIDDEN_SIZE), jnp.float32) * 0.05,
        'Wh_y': jax.random.normal(ks[5], (DEPTH, GRID_DIM * HIDDEN_SIZE, HIDDEN_SIZE), jnp.float32) * 0.05,
        'b_y': jnp.zeros((DEPTH, HIDDEN_SIZE), jnp.float32),
    }

def reference(src_array_batch, trg_array_batch, src_lens, trg_lens, Wx_x, Wh_x, b_x, Wx_y, Wh_y, b_y):
    batch = src_lens.shape[0]
    src_lens = [src_array_batch.shape[0] // batch] * batch
    trg_lens = [trg_array_batch.shape[0] // trg_lens.shape[0]] * trg_lens.shape[0]
    src_start = _starts(src_lens)
    trg_start = _starts(trg_lens)
    row_size = DEPTH * sum(s * t * GRID_DIM for s, t in zip(src_lens, trg_lens)) + 1
    T = jnp.zeros((row_size, HIDDEN_SIZE), jnp.float32)
    address = {}
    wp = 1
    z_upper = max(s + t + DEPTH - 2 for s, t in zip(src_lens, trg_lens))
    for z in range(z_upper):
        for m in range(DEPTH):
            points = []
            for n in range(batch):
                for p in range(src_lens[n]):
                    d = m
                    i = p
                    j = z - d - i
                    if 0 <= j < trg_lens[n]:
                        points.append((n, d, i, j))
            if not points:
                continue
            d = m
            xt_idx, yt_idx, xs_idx, ys_idx = [], [], [], []
            for (n, _, i, j) in points:
                if d == 0:
                    xt_idx.append(src_start[n] + i)
                    yt_idx.append(trg_start[n] + j)
                else:
                    xt_idx.append(address['%d#%d#%d#%d' % (n, d - 1, i, j)])
                    yt_idx.append(address['y#%d#%d#%d#%d' % (n, d - 1, i, j)])
                xs_idx.append(0 if i == 0 else address['%d#%d#%d#%d' % (n, d, i - 1, j)])
                ys_idx.append(0 if j == 0 else address['y#%d#%d#%d#%d' % (n, d, i, j - 1)])
            x_src = src_array_batch if d == 0 else T
            y_src = trg_array_batch if d == 0 else T
            x_t = jnp.take(x_src, jnp.asarray(xt_idx, dtype=jnp.int32), axis=0)
            y_t = jnp.take(y_src, jnp.asarray(yt_idx, dtype=jnp.int32), axis=0)
            state_x = jnp.take(T, jnp.asarray(xs_idx, dtype=jnp.int32), axis=0)
            state_y = jnp.take(T, jnp.asarray(ys_idx, dtype=jnp.int32), axis=0)
            h_prev = jnp.concatenate([state_x, state_y], axis=1)
            P = len(points)
            rows_x = jnp.asarray(np.arange(wp, wp + P, dtype=np.int32))
            for off, (n, _, i, j) in enumerate(points):
                address['%d#%d#%d#%d' % (n, d, i, j)] = wp + off
            wp += P
            out_x = jnp.tanh(x_t @ Wx_x[d] + h_prev @ Wh_x[d] + b_x[d])
            T = T.at[rows_x].set(out_x)
            rows_y = jnp.asarray(np.arange(wp, wp + P, dtype=np.int32))
            for off, (n, _, i, j) in enumerate(points):
                address['y#%d#%d#%d#%d' % (n, d, i, j)] = wp + off
            wp += P
            out_y = jnp.tanh(y_t @ Wx_y[d] + h_prev @ Wh_y[d] + b_y[d])
            T = T.at[rows_y].set(out_y)
    return T

if __name__ == "__main__":
    import jax
    _d = setup_inputs()
    print(jax.jit(kernel)(*tuple(_d.values())))

</pallas_src>

<mosaic_0001>
#map = affine_map<(d0, d1) -> (0, 0)>
#map1 = affine_map<(d0, d1) -> (0)>
module attributes {stable_mosaic.version = 14 : i64} {
  func.func @_sc_body(%arg0: i32, %arg1: i32, %arg2: memref<73728x256xf32, #tpu.memory_space<hbm>>, %arg3: memref<36872xi32, #tpu.memory_space<hbm>>, %arg4: memref<36872x256xf32, #tpu.memory_space<hbm>>, %arg5: memref<1152xi32, #tpu.memory_space<vmem>>, %arg6: memref<128x256xf32, #tpu.memory_space<vmem>>, %arg7: memref<128x256xf32, #tpu.memory_space<vmem>>, %arg8: memref<128x256xf32, #tpu.memory_space<vmem>>, %arg9: memref<8xi32, #tpu.memory_space<vmem>>, %arg10: memref<8x256xf32, #tpu.memory_space<vmem>>, %arg11: memref<!tpu.dma_semaphore, #tpu.memory_space<semaphore_mem>>, %arg12: memref<!tpu.dma_semaphore, #tpu.memory_space<semaphore_mem>>, %arg13: memref<!tpu.dma_semaphore, #tpu.memory_space<semaphore_mem>>) attributes {dimension_semantics = [#tpu.dimension_semantics<core_parallel>, #tpu.dimension_semantics<subcore_parallel>], iteration_bounds = array<i64: 2, 16>, scalar_prefetch = 0 : i64, scratch_operands = 9 : i64, tpu.core_type = #tpu.core_type<sc_vector_subcore>, window_params = [{transform_indices = #map}, {transform_indices = #map1}, {transform_indices = #map}]} {
    %mul3A = arith.constant 2 : i32
    %mul3A_0 = arith.muli %arg1, %mul3A : i32
    %add3A = arith.addi %mul3A_0, %arg0 : i32
    %mul3A_1 = arith.constant 1152 : i32
    %mul3A_2 = arith.muli %add3A, %mul3A_1 : i32
    "tpu.region"() ({
      %run_scoped3A = tpu.sem_alloc : memref<!tpu.dma_semaphore, #tpu.memory_space<semaphore_mem>>
      %dma_start3A_183 = tpu.memref_slice %arg3[%mul3A_2] : memref<36872xi32, #tpu.memory_space<hbm>> -> memref<1152xi32, #tpu.memory_space<hbm>>
      %dma_start3A_184 = tpu.memref_slice %arg3[%mul3A_2] : memref<36872xi32, #tpu.memory_space<hbm>> -> memref<1152xi32, #tpu.memory_space<hbm>>
      tpu.enqueue_dma source(%dma_start3A_184 : memref<1152xi32, #tpu.memory_space<hbm>>) target(%arg5 : memref<1152xi32, #tpu.memory_space<vmem>>) target_semaphore(%run_scoped3A : memref<!tpu.dma_semaphore, #tpu.memory_space<semaphore_mem>>)
      %dma_wait3A_185 = tpu.memref_slice %arg3[%mul3A_2] : memref<36872xi32, #tpu.memory_space<hbm>> -> memref<1152xi32, #tpu.memory_space<hbm>>
      %dma_wait3A_186 = tpu.memref_slice %arg3[%mul3A_2] : memref<36872xi32, #tpu.memory_space<hbm>> -> memref<1152xi32, #tpu.memory_space<hbm>>
      tpu.wait_dma2 semaphore(%run_scoped3A : memref<!tpu.dma_semaphore, #tpu.memory_space<semaphore_mem>>) src(%dma_wait3A_186 : memref<1152xi32, #tpu.memory_space<hbm>>) dst(%arg5 : memref<1152xi32, #tpu.memory_space<vmem>>)
      tpu.yield
    }) : () -> ()
    %dma_start3A = arith.constant 0 : i32
    %dma_start3A_3 = tpu.memref_slice %arg5[%dma_start3A] : memref<1152xi32, #tpu.memory_space<vmem>> -> memref<128xi32, #tpu.memory_space<vmem>>
    %dma_start3A_4 = arith.constant 0 : i32
    %dma_start3A_5 = arith.constant 0 : i32
    %dma_start3A_6 = tpu.memref_slice %arg2[%dma_start3A_4, %dma_start3A_5] : memref<73728x256xf32, #tpu.memory_space<hbm>> -> memref<73728x256xf32, #tpu.memory_space<hbm>>
    tpu.enqueue_indirect_dma source(%dma_start3A_6 : memref<73728x256xf32, #tpu.memory_space<hbm>>) target(%arg6 : memref<128x256xf32, #tpu.memory_space<vmem>>) offsets(%dma_start3A_3 : memref<128xi32, #tpu.memory_space<vmem>>) semaphore(%arg11 : memref<!tpu.dma_semaphore, #tpu.memory_space<semaphore_mem>>)
    %dma_start3A_7 = arith.constant 128 : i32
    %dma_start3A_8 = tpu.memref_slice %arg5[%dma_start3A_7] : memref<1152xi32, #tpu.memory_space<vmem>> -> memref<128xi32, #tpu.memory_space<vmem>>
    %dma_start3A_9 = arith.constant 0 : i32
    %dma_start3A_10 = arith.constant 0 : i32
    %dma_start3A_11 = tpu.memref_slice %arg2[%dma_start3A_9, %dma_start3A_10] : memref<73728x256xf32, #tpu.memory_space<hbm>> -> memref<73728x256xf32, #tpu.memory_space<hbm>>
    tpu.enqueue_indirect_dma source(%dma_start3A_11 : memref<73728x256xf32, #tpu.memory_space<hbm>>) target(%arg7 : memref<128x256xf32, #tpu.memory_space<vmem>>) offsets(%dma_start3A_8 : memref<128xi32, #tpu.memory_space<vmem>>) semaphore(%arg11 : memref<!tpu.dma_semaphore, #tpu.memory_space<semaphore_mem>>)
    %dma_wait3A = arith.constant 0 : i32
    %dma_wait3A_12 = tpu.memref_slice %arg5[%dma_wait3A] : memref<1152xi32, #tpu.memory_space<vmem>> -> memref<128xi32, #tpu.memory_space<vmem>>
    %dma_wait3A_13 = arith.constant 0 : i32
    %dma_wait3A_14 = arith.constant 0 : i32
    %dma_wait3A_15 = tpu.memref_slice %arg2[%dma_wait3A_13, %dma_wait3A_14] : memref<73728x256xf32, #tpu.memory_space<hbm>> -> memref<73728x256xf32, #tpu.memory_space<hbm>>
    tpu.wait_indirect_dma semaphore(%arg11 : memref<!tpu.dma_semaphore, #tpu.memory_space<semaphore_mem>>) src(%dma_wait3A_15 : memref<73728x256xf32, #tpu.memory_space<hbm>>) dst(%arg6 : memref<128x256xf32, #tpu.memory_space<vmem>>)
    %add3A_16 = arith.constant 0 : i32
    %add3A_17 = arith.addi %mul3A_2, %add3A_16 : i32
    %dma_start3A_18 = arith.constant 0 : i32
    %dma_start3A_19 = tpu.memref_slice %arg4[%add3A_17, %dma_start3A_18] : memref<36872x256xf32, #tpu.memory_space<hbm>> -> memref<128x256xf32, #tpu.memory_space<hbm>>
    %dma_start3A_20 = arith.constant 0 : i32
    %dma_start3A_21 = tpu.memref_slice %arg4[%add3A_17, %dma_start3A_20] : memref<36872x256xf32, #tpu.memory_space<hbm>> -> memref<128x256xf32, #tpu.memory_space<hbm>>
    tpu.enqueue_dma source(%arg6 : memref<128x256xf32, #tpu.memory_space<vmem>>) target(%dma_start3A_21 : memref<128x256xf32, #tpu.memory_space<hbm>>) target_semaphore(%arg12 : memref<!tpu.dma_semaphore, #tpu.memory_space<semaphore_mem>>)
    %dma_start3A_22 = arith.constant 256 : i32
    %dma_start3A_23 = tpu.memref_slice %arg5[%dma_start3A_22] : memref<1152xi32, #tpu.memory_space<vmem>> -> memref<128xi32, #tpu.memory_space<vmem>>
    %dma_start3A_24 = arith.constant 0 : i32
    %dma_start3A_25 = arith.constant 0 : i32
    %dma_start3A_26 = tpu.memref_slice %arg2[%dma_start3A_24, %dma_start3A_25] : memref<73728x256xf32, #tpu.memory_space<hbm>> -> memref<73728x256xf32, #tpu.memory_space<hbm>>
    tpu.enqueue_indirect_dma source(%dma_start3A_26 : memref<73728x256xf32, #tpu.memory_space<hbm>>) target(%arg8 : memref<128x256xf32, #tpu.memory_space<vmem>>) offsets(%dma_start3A_23 : memref<128xi32, #tpu.memory_space<vmem>>) semaphore(%arg11 : memref<!tpu.dma_semaphore, #tpu.memory_space<semaphore_mem>>)
    %dma_wait3A_27 = arith.constant 128 : i32
    %dma_wait3A_28 = tpu.memref_slice %arg5[%dma_wait3A_27] : memref<1152xi32, #tpu.memory_space<vmem>> -> memref<128xi32, #tpu.memory_space<vmem>>
    %dma_wait3A_29 = arith.constant 0 : i32
    %dma_wait3A_30 = arith.constant 0 : i32
    %dma_wait3A_31 = tpu.memref_slice %arg2[%dma_wait3A_29, %dma_wait3A_30] : memref<73728x256xf32, #tpu.memory_space<hbm>> -> memref<73728x256xf32, #tpu.memory_space<hbm>>
    tpu.wait_indirect_dma semaphore(%arg11 : memref<!tpu.dma_semaphore, #tpu.memory_space<semaphore_mem>>) src(%dma_wait3A_31 : memref<73728x256xf32, #tpu.memory_space<hbm>>) dst(%arg7 : memref<128x256xf32, #tpu.memory_space<vmem>>)
    %add3A_32 = arith.constant 128 : i32
    %add3A_33 = arith.addi %mul3A_2, %add3A_32 : i32
    %dma_start3A_34 = arith.constant 0 : i32
    %dma_start3A_35 = tpu.memref_slice %arg4[%add3A_33, %dma_start3A_34] : memref<36872x256xf32, #tpu.memory_space<hbm>> -> memref<128x256xf32, #tpu.memory_space<hbm>>
    %dma_start3A_36 = arith.constant 0 : i32
    %dma_start3A_37 = tpu.memref_slice %arg4[%add3A_33, %dma_start3A_36] : memref<36872x256xf32, #tpu.memory_space<hbm>> -> memref<128x256xf32, #tpu.memory_space<hbm>>
    tpu.enqueue_dma source(%arg7 : memref<128x256xf32, #tpu.memory_space<vmem>>) target(%dma_start3A_37 : memref<128x256xf32, #tpu.memory_space<hbm>>) target_semaphore(%arg12 : memref<!tpu.dma_semaphore, #tpu.memory_space<semaphore_mem>>)
    %dma_wait3A_38 = arith.constant 0 : i32
    %dma_wait3A_39 = tpu.memref_slice %arg4[%add3A_17, %dma_wait3A_38] : memref<36872x256xf32, #tpu.memory_space<hbm>> -> memref<128x256xf32, #tpu.memory_space<hbm>>
    %dma_wait3A_40 = arith.constant 0 : i32
    %dma_wait3A_41 = tpu.memref_slice %arg4[%add3A_17, %dma_wait3A_40] : memref<36872x256xf32, #tpu.memory_space<hbm>> -> memref<128x256xf32, #tpu.memory_space<hbm>>
    tpu.wait_dma2 semaphore(%arg12 : memref<!tpu.dma_semaphore, #tpu.memory_space<semaphore_mem>>) src(%arg6 : memref<128x256xf32, #tpu.memory_space<vmem>>) dst(%dma_wait3A_41 : memref<128x256xf32, #tpu.memory_space<hbm>>)
    %dma_start3A_42 = arith.constant 384 : i32
    %dma_start3A_43 = tpu.memref_slice %arg5[%dma_start3A_42] : memref<1152xi32, #tpu.memory_space<vmem>> -> memref<128xi32, #tpu.memory_space<vmem>>
    %dma_start3A_44 = arith.constant 0 : i32
    %dma_start3A_45 = arith.constant 0 : i32
    %dma_start3A_46 = tpu.memref_slice %arg2[%dma_start3A_44, %dma_start3A_45] : memref<73728x256xf32, #tpu.memory_space<hbm>> -> memref<73728x256xf32, #tpu.memory_space<hbm>>
    tpu.enqueue_indirect_dma source(%dma_start3A_46 : memref<73728x256xf32, #tpu.memory_space<hbm>>) target(%arg6 : memref<128x256xf32, #tpu.memory_space<vmem>>) offsets(%dma_start3A_43 : memref<128xi32, #tpu.memory_space<vmem>>) semaphore(%arg11 : memref<!tpu.dma_semaphore, #tpu.memory_space<semaphore_mem>>)
    %dma_wait3A_47 = arith.constant 256 : i32
    %dma_wait3A_48 = tpu.memref_slice %arg5[%dma_wait3A_47] : memref<1152xi32, #tpu.memory_space<vmem>> -> memref<128xi32, #tpu.memory_space<vmem>>
    %dma_wait3A_49 = arith.constant 0 : i32
    %dma_wait3A_50 = arith.constant 0 : i32
    %dma_wait3A_51 = tpu.memref_slice %arg2[%dma_wait3A_49, %dma_wait3A_50] : memref<73728x256xf32, #tpu.memory_space<hbm>> -> memref<73728x256xf32, #tpu.memory_space<hbm>>
    tpu.wait_indirect_dma semaphore(%arg11 : memref<!tpu.dma_semaphore, #tpu.memory_space<semaphore_mem>>) src(%dma_wait3A_51 : memref<73728x256xf32, #tpu.memory_space<hbm>>) dst(%arg8 : memref<128x256xf32, #tpu.memory_space<vmem>>)
    %add3A_52 = arith.constant 256 : i32
    %add3A_53 = arith.addi %mul3A_2, %add3A_52 : i32
    %dma_start3A_54 = arith.constant 0 : i32
    %dma_start3A_55 = tpu.memref_slice %arg4[%add3A_53, %dma_start3A_54] : memref<36872x256xf32, #tpu.memory_space<hbm>> -> memref<128x256xf32, #tpu.memory_space<hbm>>
    %dma_start3A_56 = arith.constant 0 : i32
    %dma_start3A_57 = tpu.memref_slice %arg4[%add3A_53, %dma_start3A_56] : memref<36872x256xf32, #tpu.memory_space<hbm>> -> memref<128x256xf32, #tpu.memory_space<hbm>>
    tpu.enqueue_dma source(%arg8 : memref<128x256xf32, #tpu.memory_space<vmem>>) target(%dma_start3A_57 : memref<128x256xf32, #tpu.memory_space<hbm>>) target_semaphore(%arg12 : memref<!tpu.dma_semaphore, #tpu.memory_space<semaphore_mem>>)
    %dma_wait3A_58 = arith.constant 0 : i32
    %dma_wait3A_59 = tpu.memref_slice %arg4[%add3A_33, %dma_wait3A_58] : memref<36872x256xf32, #tpu.memory_space<hbm>> -> memref<128x256xf32, #tpu.memory_space<hbm>>
    %dma_wait3A_60 = arith.constant 0 : i32
    %dma_wait3A_61 = tpu.memref_slice %arg4[%add3A_33, %dma_wait3A_60] : memref<36872x256xf32, #tpu.memory_space<hbm>> -> memref<128x256xf32, #tpu.memory_space<hbm>>
    tpu.wait_dma2 semaphore(%arg12 : memref<!tpu.dma_semaphore, #tpu.memory_space<semaphore_mem>>) src(%arg7 : memref<128x256xf32, #tpu.memory_space<vmem>>) dst(%dma_wait3A_61 : memref<128x256xf32, #tpu.memory_space<hbm>>)
    %dma_start3A_62 = arith.constant 512 : i32
    %dma_start3A_63 = tpu.memref_slice %arg5[%dma_start3A_62] : memref<1152xi32, #tpu.memory_space<vmem>> -> memref<128xi32, #tpu.memory_space<vmem>>
    %dma_start3A_64 = arith.constant 0 : i32
    %dma_start3A_65 = arith.constant 0 : i32
    %dma_start3A_66 = tpu.memref_slice %arg2[%dma_start3A_64, %dma_start3A_65] : memref<73728x256xf32, #tpu.memory_space<hbm>> -> memref<73728x256xf32, #tpu.memory_space<hbm>>
    tpu.enqueue_indirect_dma source(%dma_start3A_66 : memref<73728x256xf32, #tpu.memory_space<hbm>>) target(%arg7 : memref<128x256xf32, #tpu.memory_space<vmem>>) offsets(%dma_start3A_63 : memref<128xi32, #tpu.memory_space<vmem>>) semaphore(%arg11 : memref<!tpu.dma_semaphore, #tpu.memory_space<semaphore_mem>>)
    %dma_wait3A_67 = arith.constant 384 : i32
    %dma_wait3A_68 = tpu.memref_slice %arg5[%dma_wait3A_67] : memref<1152xi32, #tpu.memory_space<vmem>> -> memref<128xi32, #tpu.memory_space<vmem>>
    %dma_wait3A_69 = arith.constant 0 : i32
    %dma_wait3A_70 = arith.constant 0 : i32
    %dma_wait3A_71 = tpu.memref_slice %arg2[%dma_wait3A_69, %dma_wait3A_70] : memref<73728x256xf32, #tpu.memory_space<hbm>> -> memref<73728x256xf32, #tpu.memory_space<hbm>>
    tpu.wait_indirect_dma semaphore(%arg11 : memref<!tpu.dma_semaphore, #tpu.memory_space<semaphore_mem>>) src(%dma_wait3A_71 : memref<73728x256xf32, #tpu.memory_space<hbm>>) dst(%arg6 : memref<128x256xf32, #tpu.memory_space<vmem>>)
    %add3A_72 = arith.constant 384 : i32
    %add3A_73 = arith.addi %mul3A_2, %add3A_72 : i32
    %dma_start3A_74 = arith.constant 0 : i32
    %dma_start3A_75 = tpu.memref_slice %arg4[%add3A_73, %dma_start3A_74] : memref<36872x256xf32, #tpu.memory_space<hbm>> -> memref<128x256xf32, #tpu.memory_space<hbm>>
    %dma_start3A_76 = arith.constant 0 : i32
    %dma_start3A_77 = tpu.memref_slice %arg4[%add3A_73, %dma_start3A_76] : memref<36872x256xf32, #tpu.memory_space<hbm>> -> memref<128x256xf32, #tpu.memory_space<hbm>>
    tpu.enqueue_dma source(%arg6 : memref<128x256xf32, #tpu.memory_space<vmem>>) target(%dma_start3A_77 : memref<128x256xf32, #tpu.memory_space<hbm>>) target_semaphore(%arg12 : memref<!tpu.dma_semaphore, #tpu.memory_space<semaphore_mem>>)
    %dma_wait3A_78 = arith.constant 0 : i32
    %dma_wait3A_79 = tpu.memref_slice %arg4[%add3A_53, %dma_wait3A_78] : memref<36872x256xf32, #tpu.memory_space<hbm>> -> memref<128x256xf32, #tpu.memory_space<hbm>>
    %dma_wait3A_80 = arith.constant 0 : i32
    %dma_wait3A_81 = tpu.memref_slice %arg4[%add3A_53, %dma_wait3A_80] : memref<36872x256xf32, #tpu.memory_space<hbm>> -> memref<128x256xf32, #tpu.memory_space<hbm>>
    tpu.wait_dma2 semaphore(%arg12 : memref<!tpu.dma_semaphore, #tpu.memory_space<semaphore_mem>>) src(%arg8 : memref<128x256xf32, #tpu.memory_space<vmem>>) dst(%dma_wait3A_81 : memref<128x256xf32, #tpu.memory_space<hbm>>)
    %dma_start3A_82 = arith.constant 640 : i32
    %dma_start3A_83 = tpu.memref_slice %arg5[%dma_start3A_82] : memref<1152xi32, #tpu.memory_space<vmem>> -> memref<128xi32, #tpu.memory_space<vmem>>
    %dma_start3A_84 = arith.constant 0 : i32
    %dma_start3A_85 = arith.constant 0 : i32
    %dma_start3A_86 = tpu.memref_slice %arg2[%dma_start3A_84, %dma_start3A_85] : memref<73728x256xf32, #tpu.memory_space<hbm>> -> memref<73728x256xf32, #tpu.memory_space<hbm>>
    tpu.enqueue_indirect_dma source(%dma_start3A_86 : memref<73728x256xf32, #tpu.memory_space<hbm>>) target(%arg8 : memref<128x256xf32, #tpu.memory_space<vmem>>) offsets(%dma_start3A_83 : memref<128xi32, #tpu.memory_space<vmem>>) semaphore(%arg11 : memref<!tpu.dma_semaphore, #tpu.memory_space<semaphore_mem>>)
    %dma_wait3A_87 = arith.constant 512 : i32
    %dma_wait3A_88 = tpu.memref_slice %arg5[%dma_wait3A_87] : memref<1152xi32, #tpu.memory_space<vmem>> -> memref<128xi32, #tpu.memory_space<vmem>>
    %dma_wait3A_89 = arith.constant 0 : i32
    %dma_wait3A_90 = arith.constant 0 : i32
    %dma_wait3A_91 = tpu.memref_slice %arg2[%dma_wait3A_89, %dma_wait3A_90] : memref<73728x256xf32, #tpu.memory_space<hbm>> -> memref<73728x256xf32, #tpu.memory_space<hbm>>
    tpu.wait_indirect_dma semaphore(%arg11 : memref<!tpu.dma_semaphore, #tpu.memory_space<semaphore_mem>>) src(%dma_wait3A_91 : memref<73728x256xf32, #tpu.memory_space<hbm>>) dst(%arg7 : memref<128x256xf32, #tpu.memory_space<vmem>>)
    %add3A_92 = arith.constant 512 : i32
    %add3A_93 = arith.addi %mul3A_2, %add3A_92 : i32
    %dma_start3A_94 = arith.constant 0 : i32
    %dma_start3A_95 = tpu.memref_slice %arg4[%add3A_93, %dma_start3A_94] : memref<36872x256xf32, #tpu.memory_space<hbm>> -> memref<128x256xf32, #tpu.memory_space<hbm>>
    %dma_start3A_96 = arith.constant 0 : i32
    %dma_start3A_97 = tpu.memref_slice %arg4[%add3A_93, %dma_start3A_96] : memref<36872x256xf32, #tpu.memory_space<hbm>> -> memref<128x256xf32, #tpu.memory_space<hbm>>
    tpu.enqueue_dma source(%arg7 : memref<128x256xf32, #tpu.memory_space<vmem>>) target(%dma_start3A_97 : memref<128x256xf32, #tpu.memory_space<hbm>>) target_semaphore(%arg12 : memref<!tpu.dma_semaphore, #tpu.memory_space<semaphore_mem>>)
    %dma_wait3A_98 = arith.constant 0 : i32
    %dma_wait3A_99 = tpu.memref_slice %arg4[%add3A_73, %dma_wait3A_98] : memref<36872x256xf32, #tpu.memory_space<hbm>> -> memref<128x256xf32, #tpu.memory_space<hbm>>
    %dma_wait3A_100 = arith.constant 0 : i32
    %dma_wait3A_101 = tpu.memref_slice %arg4[%add3A_73, %dma_wait3A_100] : memref<36872x256xf32, #tpu.memory_space<hbm>> -> memref<128x256xf32, #tpu.memory_space<hbm>>
    tpu.wait_dma2 semaphore(%arg12 : memref<!tpu.dma_semaphore, #tpu.memory_space<semaphore_mem>>) src(%arg6 : memref<128x256xf32, #tpu.memory_space<vmem>>) dst(%dma_wait3A_101 : memref<128x256xf32, #tpu.memory_space<hbm>>)
    %dma_start3A_102 = arith.constant 768 : i32
    %dma_start3A_103 = tpu.memref_slice %arg5[%dma_start3A_102] : memref<1152xi32, #tpu.memory_space<vmem>> -> memref<128xi32, #tpu.memory_space<vmem>>
    %dma_start3A_104 = arith.constant 0 : i32
    %dma_start3A_105 = arith.constant 0 : i32
    %dma_start3A_106 = tpu.memref_slice %arg2[%dma_start3A_104, %dma_start3A_105] : memref<73728x256xf32, #tpu.memory_space<hbm>> -> memref<73728x256xf32, #tpu.memory_space<hbm>>
    tpu.enqueue_indirect_dma source(%dma_start3A_106 : memref<73728x256xf32, #tpu.memory_space<hbm>>) target(%arg6 : memref<128x256xf32, #tpu.memory_space<vmem>>) offsets(%dma_start3A_103 : memref<128xi32, #tpu.memory_space<vmem>>) semaphore(%arg11 : memref<!tpu.dma_semaphore, #tpu.memory_space<semaphore_mem>>)
    %dma_wait3A_107 = arith.constant 640 : i32
    %dma_wait3A_108 = tpu.memref_slice %arg5[%dma_wait3A_107] : memref<1152xi32, #tpu.memory_space<vmem>> -> memref<128xi32, #tpu.memory_space<vmem>>
    %dma_wait3A_109 = arith.constant 0 : i32
    %dma_wait3A_110 = arith.constant 0 : i32
    %dma_wait3A_111 = tpu.memref_slice %arg2[%dma_wait3A_109, %dma_wait3A_110] : memref<73728x256xf32, #tpu.memory_space<hbm>> -> memref<73728x256xf32, #tpu.memory_space<hbm>>
    tpu.wait_indirect_dma semaphore(%arg11 : memref<!tpu.dma_semaphore, #tpu.memory_space<semaphore_mem>>) src(%dma_wait3A_111 : memref<73728x256xf32, #tpu.memory_space<hbm>>) dst(%arg8 : memref<128x256xf32, #tpu.memory_space<vmem>>)
    %add3A_112 = arith.constant 640 : i32
    %add3A_113 = arith.addi %mul3A_2, %add3A_112 : i32
    %dma_start3A_114 = arith.constant 0 : i32
    %dma_start3A_115 = tpu.memref_slice %arg4[%add3A_113, %dma_start3A_114] : memref<36872x256xf32, #tpu.memory_space<hbm>> -> memref<128x256xf32, #tpu.memory_space<hbm>>
    %dma_start3A_116 = arith.constant 0 : i32
    %dma_start3A_117 = tpu.memref_slice %arg4[%add3A_113, %dma_start3A_116] : memref<36872x256xf32, #tpu.memory_space<hbm>> -> memref<128x256xf32, #tpu.memory_space<hbm>>
    tpu.enqueue_dma source(%arg8 : memref<128x256xf32, #tpu.memory_space<vmem>>) target(%dma_start3A_117 : memref<128x256xf32, #tpu.memory_space<hbm>>) target_semaphore(%arg12 : memref<!tpu.dma_semaphore, #tpu.memory_space<semaphore_mem>>)
    %dma_wait3A_118 = arith.constant 0 : i32
    %dma_wait3A_119 = tpu.memref_slice %arg4[%add3A_93, %dma_wait3A_118] : memref<36872x256xf32, #tpu.memory_space<hbm>> -> memref<128x256xf32, #tpu.memory_space<hbm>>
    %dma_wait3A_120 = arith.constant 0 : i32
    %dma_wait3A_121 = tpu.memref_slice %arg4[%add3A_93, %dma_wait3A_120] : memref<36872x256xf32, #tpu.memory_space<hbm>> -> memref<128x256xf32, #tpu.memory_space<hbm>>
    tpu.wait_dma2 semaphore(%arg12 : memref<!tpu.dma_semaphore, #tpu.memory_space<semaphore_mem>>) src(%arg7 : memref<128x256xf32, #tpu.memory_space<vmem>>) dst(%dma_wait3A_121 : memref<128x256xf32, #tpu.memory_space<hbm>>)
    %dma_start3A_122 = arith.constant 896 : i32
    %dma_start3A_123 = tpu.memref_slice %arg5[%dma_start3A_122] : memref<1152xi32, #tpu.memory_space<vmem>> -> memref<128xi32, #tpu.memory_space<vmem>>
    %dma_start3A_124 = arith.constant 0 : i32
    %dma_start3A_125 = arith.constant 0 : i32
    %dma_start3A_126 = tpu.memref_slice %arg2[%dma_start3A_124, %dma_start3A_125] : memref<73728x256xf32, #tpu.memory_space<hbm>> -> memref<73728x256xf32, #tpu.memory_space<hbm>>
    tpu.enqueue_indirect_dma source(%dma_start3A_126 : memref<73728x256xf32, #tpu.memory_space<hbm>>) target(%arg7 : memref<128x256xf32, #tpu.memory_space<vmem>>) offsets(%dma_start3A_123 : memref<128xi32, #tpu.memory_space<vmem>>) semaphore(%arg11 : memref<!tpu.dma_semaphore, #tpu.memory_space<semaphore_mem>>)
    %dma_wait3A_127 = arith.constant 768 : i32
    %dma_wait3A_128 = tpu.memref_slice %arg5[%dma_wait3A_127] : memref<1152xi32, #tpu.memory_space<vmem>> -> memref<128xi32, #tpu.memory_space<vmem>>
    %dma_wait3A_129 = arith.constant 0 : i32
    %dma_wait3A_130 = arith.constant 0 : i32
    %dma_wait3A_131 = tpu.memref_slice %arg2[%dma_wait3A_129, %dma_wait3A_130] : memref<73728x256xf32, #tpu.memory_space<hbm>> -> memref<73728x256xf32, #tpu.memory_space<hbm>>
    tpu.wait_indirect_dma semaphore(%arg11 : memref<!tpu.dma_semaphore, #tpu.memory_space<semaphore_mem>>) src(%dma_wait3A_131 : memref<73728x256xf32, #tpu.memory_space<hbm>>) dst(%arg6 : memref<128x256xf32, #tpu.memory_space<vmem>>)
    %add3A_132 = arith.constant 768 : i32
    %add3A_133 = arith.addi %mul3A_2, %add3A_132 : i32
    %dma_start3A_134 = arith.constant 0 : i32
    %dma_start3A_135 = tpu.memref_slice %arg4[%add3A_133, %dma_start3A_134] : memref<36872x256xf32, #tpu.memory_space<hbm>> -> memref<128x256xf32, #tpu.memory_space<hbm>>
    %dma_start3A_136 = arith.constant 0 : i32
    %dma_start3A_137 = tpu.memref_slice %arg4[%add3A_133, %dma_start3A_136] : memref<36872x256xf32, #tpu.memory_space<hbm>> -> memref<128x256xf32, #tpu.memory_space<hbm>>
    tpu.enqueue_dma source(%arg6 : memref<128x256xf32, #tpu.memory_space<vmem>>) target(%dma_start3A_137 : memref<128x256xf32, #tpu.memory_space<hbm>>) target_semaphore(%arg12 : memref<!tpu.dma_semaphore, #tpu.memory_space<semaphore_mem>>)
    %dma_wait3A_138 = arith.constant 0 : i32
    %dma_wait3A_139 = tpu.memref_slice %arg4[%add3A_113, %dma_wait3A_138] : memref<36872x256xf32, #tpu.memory_space<hbm>> -> memref<128x256xf32, #tpu.memory_space<hbm>>
    %dma_wait3A_140 = arith.constant 0 : i32
    %dma_wait3A_141 = tpu.memref_slice %arg4[%add3A_113, %dma_wait3A_140] : memref<36872x256xf32, #tpu.memory_space<hbm>> -> memref<128x256xf32, #tpu.memory_space<hbm>>
    tpu.wait_dma2 semaphore(%arg12 : memref<!tpu.dma_semaphore, #tpu.memory_space<semaphore_mem>>) src(%arg8 : memref<128x256xf32, #tpu.memory_space<vmem>>) dst(%dma_wait3A_141 : memref<128x256xf32, #tpu.memory_space<hbm>>)
    %dma_start3A_142 = arith.constant 1024 : i32
    %dma_start3A_143 = tpu.memref_slice %arg5[%dma_start3A_142] : memref<1152xi32, #tpu.memory_space<vmem>> -> memref<128xi32, #tpu.memory_space<vmem>>
    %dma_start3A_144 = arith.constant 0 : i32
    %dma_start3A_145 = arith.constant 0 : i32
    %dma_start3A_146 = tpu.memref_slice %arg2[%dma_start3A_144, %dma_start3A_145] : memref<73728x256xf32, #tpu.memory_space<hbm>> -> memref<73728x256xf32, #tpu.memory_space<hbm>>
    tpu.enqueue_indirect_dma source(%dma_start3A_146 : memref<73728x256xf32, #tpu.memory_space<hbm>>) target(%arg8 : memref<128x256xf32, #tpu.memory_space<vmem>>) offsets(%dma_start3A_143 : memref<128xi32, #tpu.memory_space<vmem>>) semaphore(%arg11 : memref<!tpu.dma_semaphore, #tpu.memory_space<semaphore_mem>>)
    %dma_wait3A_147 = arith.constant 896 : i32
    %dma_wait3A_148 = tpu.memref_slice %arg5[%dma_wait3A_147] : memref<1152xi32, #tpu.memory_space<vmem>> -> memref<128xi32, #tpu.memory_space<vmem>>
    %dma_wait3A_149 = arith.constant 0 : i32
    %dma_wait3A_150 = arith.constant 0 : i32
    %dma_wait3A_151 = tpu.memref_slice %arg2[%dma_wait3A_149, %dma_wait3A_150] : memref<73728x256xf32, #tpu.memory_space<hbm>> -> memref<73728x256xf32, #tpu.memory_space<hbm>>
    tpu.wait_indirect_dma semaphore(%arg11 : memref<!tpu.dma_semaphore, #tpu.memory_space<semaphore_mem>>) src(%dma_wait3A_151 : memref<73728x256xf32, #tpu.memory_space<hbm>>) dst(%arg7 : memref<128x256xf32, #tpu.memory_space<vmem>>)
    %add3A_152 = arith.constant 896 : i32
    %add3A_153 = arith.addi %mul3A_2, %add3A_152 : i32
    %dma_start3A_154 = arith.constant 0 : i32
    %dma_start3A_155 = tpu.memref_slice %arg4[%add3A_153, %dma_start3A_154] : memref<36872x256xf32, #tpu.memory_space<hbm>> -> memref<128x256xf32, #tpu.memory_space<hbm>>
    %dma_start3A_156 = arith.constant 0 : i32
    %dma_start3A_157 = tpu.memref_slice %arg4[%add3A_153, %dma_start3A_156] : memref<36872x256xf32, #tpu.memory_space<hbm>> -> memref<128x256xf32, #tpu.memory_space<hbm>>
    tpu.enqueue_dma source(%arg7 : memref<128x256xf32, #tpu.memory_space<vmem>>) target(%dma_start3A_157 : memref<128x256xf32, #tpu.memory_space<hbm>>) target_semaphore(%arg12 : memref<!tpu.dma_semaphore, #tpu.memory_space<semaphore_mem>>)
    %dma_wait3A_158 = arith.constant 1024 : i32
    %dma_wait3A_159 = tpu.memref_slice %arg5[%dma_wait3A_158] : memref<1152xi32, #tpu.memory_space<vmem>> -> memref<128xi32, #tpu.memory_space<vmem>>
    %dma_wait3A_160 = arith.constant 0 : i32
    %dma_wait3A_161 = arith.constant 0 : i32
    %dma_wait3A_162 = tpu.memref_slice %arg2[%dma_wait3A_160, %dma_wait3A_161] : memref<73728x256xf32, #tpu.memory_space<hbm>> -> memref<73728x256xf32, #tpu.memory_space<hbm>>
    tpu.wait_indirect_dma semaphore(%arg11 : memref<!tpu.dma_semaphore, #tpu.memory_space<semaphore_mem>>) src(%dma_wait3A_162 : memref<73728x256xf32, #tpu.memory_space<hbm>>) dst(%arg8 : memref<128x256xf32, #tpu.memory_space<vmem>>)
    %add3A_163 = arith.constant 1024 : i32
    %add3A_164 = arith.addi %mul3A_2, %add3A_163 : i32
    %dma_start3A_165 = arith.constant 0 : i32
    %dma_start3A_166 = tpu.memref_slice %arg4[%add3A_164, %dma_start3A_165] : memref<36872x256xf32, #tpu.memory_space<hbm>> -> memref<128x256xf32, #tpu.memory_space<hbm>>
    %dma_start3A_167 = arith.constant 0 : i32
    %dma_start3A_168 = tpu.memref_slice %arg4[%add3A_164, %dma_start3A_167] : memref<36872x256xf32, #tpu.memory_space<hbm>> -> memref<128x256xf32, #tpu.memory_space<hbm>>
    tpu.enqueue_dma source(%arg8 : memref<128x256xf32, #tpu.memory_space<vmem>>) target(%dma_start3A_168 : memref<128x256xf32, #tpu.memory_space<hbm>>) target_semaphore(%arg12 : memref<!tpu.dma_semaphore, #tpu.memory_space<semaphore_mem>>)
    %eq3A = arith.constant 0 : i32
    %eq3A_169 = arith.cmpi eq, %add3A, %eq3A : i32
    %convert_element_type3A = arith.extui %eq3A_169 : i1 to i32
    %cond3A = arith.constant 0 : i32
    %cond3A_170 = arith.cmpi ne, %convert_element_type3A, %cond3A : i32
    scf.if %cond3A_170 {
      "tpu.region"() ({
        %run_scoped3A = tpu.sem_alloc : memref<!tpu.dma_semaphore, #tpu.memory_space<semaphore_mem>>
        %dma_start3A_189 = arith.constant 36864 : i32
        %dma_start3A_190 = tpu.memref_slice %arg3[%dma_start3A_189] : memref<36872xi32, #tpu.memory_space<hbm>> -> memref<8xi32, #tpu.memory_space<hbm>>
        %dma_start3A_191 = arith.constant 36864 : i32
        %dma_start3A_192 = tpu.memref_slice %arg3[%dma_start3A_191] : memref<36872xi32, #tpu.memory_space<hbm>> -> memref<8xi32, #tpu.memory_space<hbm>>
        tpu.enqueue_dma source(%dma_start3A_192 : memref<8xi32, #tpu.memory_space<hbm>>) target(%arg9 : memref<8xi32, #tpu.memory_space<vmem>>) target_semaphore(%run_scoped3A : memref<!tpu.dma_semaphore, #tpu.memory_space<semaphore_mem>>)
        %dma_wait3A_193 = arith.constant 36864 : i32
        %dma_wait3A_194 = tpu.memref_slice %arg3[%dma_wait3A_193] : memref<36872xi32, #tpu.memory_space<hbm>> -> memref<8xi32, #tpu.memory_space<hbm>>
        %dma_wait3A_195 = arith.constant 36864 : i32
        %dma_wait3A_196 = tpu.memref_slice %arg3[%dma_wait3A_195] : memref<36872xi32, #tpu.memory_space<hbm>> -> memref<8xi32, #tpu.memory_space<hbm>>
        tpu.wait_dma2 semaphore(%run_scoped3A : memref<!tpu.dma_semaphore, #tpu.memory_space<semaphore_mem>>) src(%dma_wait3A_196 : memref<8xi32, #tpu.memory_space<hbm>>) dst(%arg9 : memref<8xi32, #tpu.memory_space<vmem>>)
        tpu.yield
      }) : () -> ()
      %dma_start3A_183 = arith.constant 0 : i32
      %dma_start3A_184 = arith.constant 0 : i32
      %dma_start3A_185 = tpu.memref_slice %arg2[%dma_start3A_183, %dma_start3A_184] : memref<73728x256xf32, #tpu.memory_space<hbm>> -> memref<73728x256xf32, #tpu.memory_space<hbm>>
      tpu.enqueue_indirect_dma source(%dma_start3A_185 : memref<73728x256xf32, #tpu.memory_space<hbm>>) target(%arg10 : memref<8x256xf32, #tpu.memory_space<vmem>>) offsets(%arg9 : memref<8xi32, #tpu.memory_space<vmem>>) semaphore(%arg13 : memref<!tpu.dma_semaphore, #tpu.memory_space<semaphore_mem>>)
      %dma_wait3A_186 = arith.constant 0 : i32
      %dma_wait3A_187 = arith.constant 0 : i32
      %dma_wait3A_188 = tpu.memref_slice %arg2[%dma_wait3A_186, %dma_wait3A_187] : memref<73728x256xf32, #tpu.memory_space<hbm>> -> memref<73728x256xf32, #tpu.memory_space<hbm>>
      tpu.wait_indirect_dma semaphore(%arg13 : memref<!tpu.dma_semaphore, #tpu.memory_space<semaphore_mem>>) src(%dma_wait3A_188 : memref<73728x256xf32, #tpu.memory_space<hbm>>) dst(%arg10 : memref<8x256xf32, #tpu.memory_space<vmem>>)
      "tpu.region"() ({
        %run_scoped3A = tpu.sem_alloc : memref<!tpu.dma_semaphore, #tpu.memory_space<semaphore_mem>>
        %dma_start3A_189 = arith.constant 36864 : i32
        %dma_start3A_190 = arith.constant 0 : i32
        %dma_start3A_191 = tpu.memref_slice %arg4[%dma_start3A_189, %dma_start3A_190] : memref<36872x256xf32, #tpu.memory_space<hbm>> -> memref<8x256xf32, #tpu.memory_space<hbm>>
        %dma_start3A_192 = arith.constant 36864 : i32
        %dma_start3A_193 = arith.constant 0 : i32
        %dma_start3A_194 = tpu.memref_slice %arg4[%dma_start3A_192, %dma_start3A_193] : memref<36872x256xf32, #tpu.memory_space<hbm>> -> memref<8x256xf32, #tpu.memory_space<hbm>>
        tpu.enqueue_dma source(%arg10 : memref<8x256xf32, #tpu.memory_space<vmem>>) target(%dma_start3A_194 : memref<8x256xf32, #tpu.memory_space<hbm>>) target_semaphore(%run_scoped3A : memref<!tpu.dma_semaphore, #tpu.memory_space<semaphore_mem>>)
        %dma_wait3A_195 = arith.constant 36864 : i32
        %dma_wait3A_196 = arith.constant 0 : i32
        %dma_wait3A_197 = tpu.memref_slice %arg4[%dma_wait3A_195, %dma_wait3A_196] : memref<36872x256xf32, #tpu.memory_space<hbm>> -> memref<8x256xf32, #tpu.memory_space<hbm>>
        %dma_wait3A_198 = arith.constant 36864 : i32
        %dma_wait3A_199 = arith.constant 0 : i32
        %dma_wait3A_200 = tpu.memref_slice %arg4[%dma_wait3A_198, %dma_wait3A_199] : memref<36872x256xf32, #tpu.memory_space<hbm>> -> memref<8x256xf32, #tpu.memory_space<hbm>>
        tpu.wait_dma2 semaphore(%run_scoped3A : memref<!tpu.dma_semaphore, #tpu.memory_space<semaphore_mem>>) src(%arg10 : memref<8x256xf32, #tpu.memory_space<vmem>>) dst(%dma_wait3A_200 : memref<8x256xf32, #tpu.memory_space<hbm>>)
        tpu.yield
      }) : () -> ()
    } else {
    }
    %dma_wait3A_171 = arith.constant 0 : i32
    %dma_wait3A_172 = tpu.memref_slice %arg4[%add3A_133, %dma_wait3A_171] : memref<36872x256xf32, #tpu.memory_space<hbm>> -> memref<128x256xf32, #tpu.memory_space<hbm>>
    %dma_wait3A_173 = arith.constant 0 : i32
    %dma_wait3A_174 = tpu.memref_slice %arg4[%add3A_133, %dma_wait3A_173] : memref<36872x256xf32, #tpu.memory_space<hbm>> -> memref<128x256xf32, #tpu.memory_space<hbm>>
    tpu.wait_dma2 semaphore(%arg12 : memref<!tpu.dma_semaphore, #tpu.memory_space<semaphore_mem>>) src(%arg6 : memref<128x256xf32, #tpu.memory_space<vmem>>) dst(%dma_wait3A_174 : memref<128x256xf32, #tpu.memory_space<hbm>>)
    %dma_wait3A_175 = arith.constant 0 : i32
    %dma_wait3A_176 = tpu.memref_slice %arg4[%add3A_153, %dma_wait3A_175] : memref<36872x256xf32, #tpu.memory_space<hbm>> -> memref<128x256xf32, #tpu.memory_space<hbm>>
    %dma_wait3A_177 = arith.constant 0 : i32
    %dma_wait3A_178 = tpu.memref_slice %arg4[%add3A_153, %dma_wait3A_177] : memref<36872x256xf32, #tpu.memory_space<hbm>> -> memref<128x256xf32, #tpu.memory_space<hbm>>
    tpu.wait_dma2 semaphore(%arg12 : memref<!tpu.dma_semaphore, #tpu.memory_space<semaphore_mem>>) src(%arg7 : memref<128x256xf32, #tpu.memory_space<vmem>>) dst(%dma_wait3A_178 : memref<128x256xf32, #tpu.memory_space<hbm>>)
    %dma_wait3A_179 = arith.constant 0 : i32
    %dma_wait3A_180 = tpu.memref_slice %arg4[%add3A_164, %dma_wait3A_179] : memref<36872x256xf32, #tpu.memory_space<hbm>> -> memref<128x256xf32, #tpu.memory_space<hbm>>
    %dma_wait3A_181 = arith.constant 0 : i32
    %dma_wait3A_182 = tpu.memref_slice %arg4[%add3A_164, %dma_wait3A_181] : memref<36872x256xf32, #tpu.memory_space<hbm>> -> memref<128x256xf32, #tpu.memory_space<hbm>>
    tpu.wait_dma2 semaphore(%arg12 : memref<!tpu.dma_semaphore, #tpu.memory_space<semaphore_mem>>) src(%arg8 : memref<128x256xf32, #tpu.memory_space<vmem>>) dst(%dma_wait3A_182 : memref<128x256xf32, #tpu.memory_space<hbm>>)
    return
  }
}

module attributes {stable_mosaic.version = 14 : i64} {
  func.func @_tc_body(%arg0: i32, %arg1: memref<192x256xf32, #tpu.memory_space<vmem>>, %arg2: memref<192x256xf32, #tpu.memory_space<vmem>>, %arg3: memref<2x256x256xf32, #tpu.memory_space<vmem>>, %arg4: memref<2x256x256xf32, #tpu.memory_space<vmem>>, %arg5: memref<2x512x512xf32, #tpu.memory_space<vmem>>, %arg6: memref<2x256xf32, #tpu.memory_space<vmem>>, %arg7: memref<2x256xf32, #tpu.memory_space<vmem>>, %arg8: memref<6144x256xf32, #tpu.memory_space<vmem>>, %arg9: memref<192x256xf32, #tpu.memory_space<vmem>>, %arg10: memref<192x256xf32, #tpu.memory_space<vmem>>, %arg11: memref<192x256xf32, #tpu.memory_space<vmem>>, %arg12: memref<192x256xf32, #tpu.memory_space<vmem>>, %arg13: memref<192x256xf32, #tpu.memory_space<vmem>>, %arg14: memref<192x256xf32, #tpu.memory_space<vmem>>, %arg15: memref<384x256xf32, #tpu.memory_space<vmem>>) attributes {dimension_semantics = [#tpu.dimension_semantics<arbitrary>], iteration_bounds = array<i64: 12>, scalar_prefetch = 0 : i64, scratch_operands = 7 : i64, tpu.core_type = #tpu.core_type<tc>, window_params = [{pipeline_mode = #tpu.pipeline_mode<synchronous>, transform_indices = @transform_0, window_bounds = array<i64: 192, 256>}, {pipeline_mode = #tpu.pipeline_mode<synchronous>, transform_indices = @transform_1, window_bounds = array<i64: 192, 256>}, {pipeline_mode = #tpu.pipeline_mode<synchronous>, transform_indices = @transform_2, window_bounds = array<i64: 2, 256, 256>}, {pipeline_mode = #tpu.pipeline_mode<synchronous>, transform_indices = @transform_3, window_bounds = array<i64: 2, 256, 256>}, {pipeline_mode = #tpu.pipeline_mode<synchronous>, transform_indices = @transform_4, window_bounds = array<i64: 2, 512, 512>}, {pipeline_mode = #tpu.pipeline_mode<synchronous>, transform_indices = @transform_5, window_bounds = array<i64: 2, 256>}, {pipeline_mode = #tpu.pipeline_mode<synchronous>, transform_indices = @transform_6, window_bounds = array<i64: 2, 256>}, {transform_indices = @transform_7, window_bounds = array<i64: 6144, 256>}]} {
    %eq3A = arith.constant 0 : i32
    %eq3A_0 = arith.cmpi eq, %arg0, %eq3A : i32
    %convert_element_type3A = arith.extui %eq3A_0 : i1 to i32
    %cond3A = arith.constant 0 : i32
    %cond3A_1 = arith.cmpi ne, %convert_element_type3A, %cond3A : i32
    scf.if %cond3A_1 {
      %broadcast_in_dim3A_1778 = arith.constant 0.000000e+00 : f32
      %broadcast_in_dim3A_1779 = vector.broadcast %broadcast_in_dim3A_1778 : f32 to vector<192x256xf32>
      %swap3A_1780 = arith.constant 0 : index
      %swap3A_1781 = arith.constant 0 : index
      %swap3A_1782 = vector.load %arg9[%swap3A_1780, %swap3A_1781] : memref<192x256xf32, #tpu.memory_space<vmem>>, vector<192x256xf32>
      tpu.vector_store %arg9[%swap3A_1780, %swap3A_1781], %broadcast_in_dim3A_1779 {strides = array<i32>} : memref<192x256xf32, #tpu.memory_space<vmem>>, vector<192x256xf32>,
      %broadcast_in_dim3A_1783 = arith.constant 0.000000e+00 : f32
      %broadcast_in_dim3A_1784 = vector.broadcast %broadcast_in_dim3A_1783 : f32 to vector<192x256xf32>
      %swap3A_1785 = arith.constant 0 : index
      %swap3A_1786 = arith.constant 0 : index
      %swap3A_1787 = vector.load %arg10[%swap3A_1785, %swap3A_1786] : memref<192x256xf32, #tpu.memory_space<vmem>>, vector<192x256xf32>
      tpu.vector_store %arg10[%swap3A_1785, %swap3A_1786], %broadcast_in_dim3A_1784 {strides = array<i32>} : memref<192x256xf32, #tpu.memory_space<vmem>>, vector<192x256xf32>,
      %broadcast_in_dim3A_1788 = arith.constant 0.000000e+00 : f32
      %broadcast_in_dim3A_1789 = vector.broadcast %broadcast_in_dim3A_1788 : f32 to vector<192x256xf32>
      %swap3A_1790 = arith.constant 0 : index
      %swap3A_1791 = arith.constant 0 : index
      %swap3A_1792 = vector.load %arg11[%swap3A_1790, %swap3A_1791] : memref<192x256xf32, #tpu.memory_space<vmem>>, vector<192x256xf32>
      tpu.vector_store %arg11[%swap3A_1790, %swap3A_1791], %broadcast_in_dim3A_1789 {strides = array<i32>} : memref<192x256xf32, #tpu.memory_space<vmem>>, vector<192x256xf32>,
      %broadcast_in_dim3A_1793 = arith.constant 0.000000e+00 : f32
      %broadcast_in_dim3A_1794 = vector.broadcast %broadcast_in_dim3A_1793 : f32 to vector<192x256xf32>
      %swap3A_1795 = arith.constant 0 : index
      %swap3A_1796 = arith.constant 0 : index
      %swap3A_1797 = vector.load %arg12[%swap3A_1795, %swap3A_1796] : memref<192x256xf32, #tpu.memory_space<vmem>>, vector<192x256xf32>
      tpu.vector_store %arg12[%swap3A_1795, %swap3A_1796], %broadcast_in_dim3A_1794 {strides = array<i32>} : memref<192x256xf32, #tpu.memory_space<vmem>>, vector<192x256xf32>,
      %broadcast_in_dim3A_1798 = arith.constant 0.000000e+00 : f32
      %broadcast_in_dim3A_1799 = vector.broadcast %broadcast_in_dim3A_1798 : f32 to vector<192x256xf32>
      %swap3A_1800 = arith.constant 0 : index
      %swap3A_1801 = arith.constant 0 : index
      %swap3A_1802 = vector.load %arg13[%swap3A_1800, %swap3A_1801] : memref<192x256xf32, #tpu.memory_space<vmem>>, vector<192x256xf32>
      tpu.vector_store %arg13[%swap3A_1800, %swap3A_1801], %broadcast_in_dim3A_1799 {strides = array<i32>} : memref<192x256xf32, #tpu.memory_space<vmem>>, vector<192x256xf32>,
      %get3A_1803 = arith.constant 0 : index
      %get3A_1804 = arith.constant 0 : index
      %get3A_1805 = vector.load %arg1[%get3A_1803, %get3A_1804] : memref<192x256xf32, #tpu.memory_space<vmem>>, vector<192x256xf32>
      %get3A_1806 = arith.constant 0 : index
      %get3A_1807 = arith.constant 0 : index
      %get3A_1808 = arith.constant 0 : index
      %get3A_1809 = vector.load %arg3[%get3A_1806, %get3A_1807, %get3A_1808] : memref<2x256x256xf32, #tpu.memory_space<vmem>>, vector<1x256x256xf32>
      %get3A_1810 = vector.shape_cast %get3A_1809 : vector<1x256x256xf32> to vector<256x256xf32>
      %dot_general3A_1811 = arith.constant dense<0.000000e+00> : vector<192x256xf32>
      %dot_general3A_1812 = tpu.matmul %get3A_1805, %get3A_1810, %dot_general3A_1811 {dimension_numbers = #tpu.dot_dimension_numbers<[1], [0], [0], [1], [0, 0, 1, 1], [], []>, transpose_lhs_hint = false} : vector<192x256xf32>, vector<256x256xf32>, vector<192x256xf32> -> vector<192x256xf32>
      %swap3A_1813 = arith.constant 0 : index
      %swap3A_1814 = arith.constant 0 : index
      %swap3A_1815 = vector.load %arg14[%swap3A_1813, %swap3A_1814] : memref<192x256xf32, #tpu.memory_space<vmem>>, vector<192x256xf32>
      tpu.vector_store %arg14[%swap3A_1813, %swap3A_1814], %dot_general3A_1812 {strides = array<i32>} : memref<192x256xf32, #tpu.memory_space<vmem>>, vector<192x256xf32>,
      %broadcast_in_dim3A_1816 = arith.constant 0.000000e+00 : f32
      %broadcast_in_dim3A_1817 = vector.broadcast %broadcast_in_dim3A_1816 : f32 to vector<384x256xf32>
      %swap3A_1818 = arith.constant 0 : index
      %swap3A_1819 = arith.constant 0 : index
      %swap3A_1820 = vector.load %arg15[%swap3A_1818, %swap3A_1819] : memref<384x256xf32, #tpu.memory_space<vmem>>, vector<384x256xf32>
      tpu.vector_store %arg15[%swap3A_1818, %swap3A_1819], %broadcast_in_dim3A_1817 {strides = array<i32>} : memref<384x256xf32, #tpu.memory_space<vmem>>, vector<384x256xf32>,
      %get3A_1821 = arith.constant 0 : index
      %get3A_1822 = arith.constant 0 : index
      %get3A_1823 = vector.load %arg2[%get3A_1821, %get3A_1822] : memref<192x256xf32, #tpu.memory_space<vmem>>, vector<192x256xf32>
      %get3A_1824 = arith.constant 0 : index
      %get3A_1825 = arith.constant 0 : index
      %get3A_1826 = arith.constant 0 : index
      %get3A_1827 = vector.load %arg4[%get3A_1824, %get3A_1825, %get3A_1826] : memref<2x256x256xf32, #tpu.memory_space<vmem>>, vector<1x256x256xf32>
      %get3A_1828 = vector.shape_cast %get3A_1827 : vector<1x256x256xf32> to vector<256x256xf32>
      %dot_general3A_1829 = arith.constant dense<0.000000e+00> : vector<192x256xf32>
      %dot_general3A_1830 = tpu.matmul %get3A_1823, %get3A_1828, %dot_general3A_1829 {dimension_numbers = #tpu.dot_dimension_numbers<[1], [0], [0], [1], [0, 0, 1, 1], [], []>, transpose_lhs_hint = false} : vector<192x256xf32>, vector<256x256xf32>, vector<192x256xf32> -> vector<192x256xf32>
      %slice3A_1831 = vector.extract_strided_slice %dot_general3A_1830 {offsets = [0, 0], sizes = [1, 256], strides = [1, 1]} : vector<192x256xf32> to vector<1x256xf32>
      %swap3A_1832 = arith.constant 0 : index
      %swap3A_1833 = arith.constant 0 : index
      %swap3A_1834 = vector.load %arg15[%swap3A_1832, %swap3A_1833] : memref<384x256xf32, #tpu.memory_space<vmem>>, vector<1x256xf32>
      tpu.vector_store %arg15[%swap3A_1832, %swap3A_1833], %slice3A_1831 {strides = array<i32>} : memref<384x256xf32, #tpu.memory_space<vmem>>, vector<1x256xf32>,
      %slice3A_1835 = vector.extract_strided_slice %dot_general3A_1830 {offsets = [48, 0], sizes = [1, 256], strides = [1, 1]} : vector<192x256xf32> to vector<1x256xf32>
      %swap3A_1836 = arith.constant 1 : index
      %swap3A_1837 = arith.constant 0 : index
      %swap3A_1838 = vector.load %arg15[%swap3A_1836, %swap3A_1837] : memref<384x256xf32, #tpu.memory_space<vmem>>, vector<1x256xf32>
      tpu.vector_store %arg15[%swap3A_1836, %swap3A_1837], %slice3A_1835 {strides = array<i32>} : memref<384x256xf32, #tpu.memory_space<vmem>>, vector<1x256xf32>,
      %slice3A_1839 = vector.extract_strided_slice %dot_general3A_1830 {offsets = [96, 0], sizes = [1, 256], strides = [1, 1]} : vector<192x256xf32> to vector<1x256xf32>
      %swap3A_1840 = arith.constant 2 : index
      %swap3A_1841 = arith.constant 0 : index
      %swap3A_1842 = vector.load %arg15[%swap3A_1840, %swap3A_1841] : memref<384x256xf32, #tpu.memory_space<vmem>>, vector<1x256xf32>
      tpu.vector_store %arg15[%swap3A_1840, %swap3A_1841], %slice3A_1839 {strides = array<i32>} : memref<384x256xf32, #tpu.memory_space<vmem>>, vector<1x256xf32>,
      %slice3A_1843 = vector.extract_strided_slice %dot_general3A_1830 {offsets = [144, 0], sizes = [1, 256], strides = [1, 1]} : vector<192x256xf32> to vector<1x256xf32>
      %swap3A_1844 = arith.constant 3 : index
      %swap3A_1845 = arith.constant 0 : index
      %swap3A_1846 = vector.load %arg15[%swap3A_1844, %swap3A_1845] : memref<384x256xf32, #tpu.memory_space<vmem>>, vector<1x256xf32>
      tpu.vector_store %arg15[%swap3A_1844, %swap3A_1845], %slice3A_1843 {strides = array<i32>} : memref<384x256xf32, #tpu.memory_space<vmem>>, vector<1x256xf32>,
      %slice3A_1847 = vector.extract_strided_slice %dot_general3A_1830 {offsets = [1, 0], sizes = [1, 256], strides = [1, 1]} : vector<192x256xf32> to vector<1x256xf32>
      %swap3A_1848 = arith.constant 8 : index
      %swap3A_1849 = arith.constant 0 : index
      %swap3A_1850 = vector.load %arg15[%swap3A_1848, %swap3A_1849] : memref<384x256xf32, #tpu.memory_space<vmem>>, vector<1x256xf32>
      tpu.vector_store %arg15[%swap3A_1848, %swap3A_1849], %slice3A_1847 {strides = array<i32>} : memref<384x256xf32, #tpu.memory_space<vmem>>, vector<1x256xf32>,
      %slice3A_1851 = vector.extract_strided_slice %dot_general3A_1830 {offsets = [49, 0], sizes = [1, 256], strides = [1, 1]} : vector<192x256xf32> to vector<1x256xf32>
      %swap3A_1852 = arith.constant 9 : index
      %swap3A_1853 = arith.constant 0 : index
      %swap3A_1854 = vector.load %arg15[%swap3A_1852, %swap3A_1853] : memref<384x256xf32, #tpu.memory_space<vmem>>, vector<1x256xf32>
      tpu.vector_store %arg15[%swap3A_1852, %swap3A_1853], %slice3A_1851 {strides = array<i32>} : memref<384x256xf32, #tpu.memory_space<vmem>>, vector<1x256xf32>,
      %slice3A_1855 = vector.extract_strided_slice %dot_general3A_1830 {offsets = [97, 0], sizes = [1, 256], strides = [1, 1]} : vector<192x256xf32> to vector<1x256xf32>
      %swap3A_1856 = arith.constant 10 : index
      %swap3A_1857 = arith.constant 0 : index
      %swap3A_1858 = vector.load %arg15[%swap3A_1856, %swap3A_1857] : memref<384x256xf32, #tpu.memory_space<vmem>>, vector<1x256xf32>
      tpu.vector_store %arg15[%swap3A_1856, %swap3A_1857], %slice3A_1855 {strides = array<i32>} : memref<384x256xf32, #tpu.memory_space<vmem>>, vector<1x256xf32>,
      %slice3A_1859 = vector.extract_strided_slice %dot_general3A_1830 {offsets = [145, 0], sizes = [1, 256], strides = [1, 1]} : vector<192x256xf32> to vector<1x256xf32>
      %swap3A_1860 = arith.constant 11 : index
      %swap3A_1861 = arith.constant 0 : index
      %swap3A_1862 = vector.load %arg15[%swap3A_1860, %swap3A_1861] : memref<384x256xf32, #tpu.memory_space<vmem>>, vector<1x256xf32>
      tpu.vector_store %arg15[%swap3A_1860, %swap3A_1861], %slice3A_1859 {strides = array<i32>} : memref<384x256xf32, #tpu.memory_space<vmem>>, vector<1x256xf32>,
      %slice3A_1863 = vector.extract_strided_slice %dot_general3A_1830 {offsets = [2, 0], sizes = [1, 256], strides = [1, 1]} : vector<192x256xf32> to vector<1x256xf32>
      %swap3A_1864 = arith.constant 16 : index
      %swap3A_1865 = arith.constant 0 : index
      %swap3A_1866 = vector.load %arg15[%swap3A_1864, %swap3A_1865] : memref<384x256xf32, #tpu.memory_space<vmem>>, vector<1x256xf32>
      tpu.vector_store %arg15[%swap3A_1864, %swap3A_1865], %slice3A_1863 {strides = array<i32>} : memref<384x256xf32, #tpu.memory_space<vmem>>, vector<1x256xf32>,
      %slice3A_1867 = vector.extract_strided_slice %dot_general3A_1830 {offsets = [50, 0], sizes = [1, 256], strides = [1, 1]} : vector<192x256xf32> to vector<1x256xf32>
      %swap3A_1868 = arith.constant 17 : index
      %swap3A_1869 = arith.constant 0 : index
      %swap3A_1870 = vector.load %arg15[%swap3A_1868, %swap3A_1869] : memref<384x256xf32, #tpu.memory_space<vmem>>, vector<1x256xf32>
      tpu.vector_store %arg15[%swap3A_1868, %swap3A_1869], %slice3A_1867 {strides = array<i32>} : memref<384x256xf32, #tpu.memory_space<vmem>>, vector<1x256xf32>,
      %slice3A_1871 = vector.extract_strided_slice %dot_general3A_1830 {offsets = [98, 0], sizes = [1, 256], strides = [1, 1]} : vector<192x256xf32> to vector<1x256xf32>
      %swap3A_1872 = arith.constant 18 : index
      %swap3A_1873 = arith.constant 0 : index
      %swap3A_1874 = vector.load %arg15[%swap3A_1872, %swap3A_1873] : memref<384x256xf32, #tpu.memory_space<vmem>>, vector<1x256xf32>
      tpu.vector_store %arg15[%swap3A_1872, %swap3A_1873], %slice3A_1871 {strides = array<i32>} : memref<384x256xf32, #tpu.memory_space<vmem>>, vector<1x256xf32>,
      %slice3A_1875 = vector.extract_strided_slice %dot_general3A_1830 {offsets = [146, 0], sizes = [1, 256], strides = [1, 1]} : vector<192x256xf32> to vector<1x256xf32>
      %swap3A_1876 = arith.constant 19 : index
      %swap3A_1877 = arith.constant 0 : index
      %swap3A_1878 = vector.load %arg15[%swap3A_1876, %swap3A_1877] : memref<384x256xf32, #tpu.memory_space<vmem>>, vector<1x256xf32>
      tpu.vector_store %arg15[%swap3A_1876, %swap3A_1877], %slice3A_1875 {strides = array<i32>} : memref<384x256xf32, #tpu.memory_space<vmem>>, vector<1x256xf32>,
      %slice3A_1879 = vector.extract_strided_slice %dot_general3A_1830 {offsets = [3, 0], sizes = [1, 256], strides = [1, 1]} : vector<192x256xf32> to vector<1x256xf32>
      %swap3A_1880 = arith.constant 24 : index
      %swap3A_1881 = arith.constant 0 : index
      %swap3A_1882 = vector.load %arg15[%swap3A_1880, %swap3A_1881] : memref<384x256xf32, #tpu.memory_space<vmem>>, vector<1x256xf32>
      tpu.vector_store %arg15[%swap3A_1880, %swap3A_1881], %slice3A_1879 {strides = array<i32>} : memref<384x256xf32, #tpu.memory_space<vmem>>, vector<1x256xf32>,
      %slice3A_1883 = vector.extract_strided_slice %dot_general3A_1830 {offsets = [51, 0], sizes = [1, 256], strides = [1, 1]} : vector<192x256xf32> to vector<1x256xf32>
      %swap3A_1884 = arith.constant 25 : index
      %swap3A_1885 = arith.constant 0 : index
      %swap3A_1886 = vector.load %arg15[%swap3A_1884, %swap3A_1885] : memref<384x256xf32, #tpu.memory_space<vmem>>, vector<1x256xf32>
      tpu.vector_store %arg15[%swap3A_1884, %swap3A_1885], %slice3A_1883 {strides = array<i32>} : memref<384x256xf32, #tpu.memory_space<vmem>>, vector<1x256xf32>,
      %slice3A_1887 = vector.extract_strided_slice %dot_general3A_1830 {offsets = [99, 0], sizes = [1, 256], strides = [1, 1]} : vector<192x256xf32> to vector<1x256xf32>
      %swap3A_1888 = arith.constant 26 : index
      %swap3A_1889 = arith.constant 0 : index
      %swap3A_1890 = vector.load %arg15[%swap3A_1888, %swap3A_1889] : memref<384x256xf32, #tpu.memory_space<vmem>>, vector<1x256xf32>
      tpu.vector_store %arg15[%swap3A_1888, %swap3A_1889], %slice3A_1887 {strides = array<i32>} : memref<384x256xf32, #tpu.memory_space<vmem>>, vector<1x256xf32>,
      %slice3A_1891 = vector.extract_strided_slice %dot_general3A_1830 {offsets = [147, 0], sizes = [1, 256], strides = [1, 1]} : vector<192x256xf32> to vector<1x256xf32>
      %swap3A_1892 = arith.constant 27 : index
      %swap3A_1893 = arith.constant 0 : index
      %swap3A_1894 = vector.load %arg15[%swap3A_1892, %swap3A_1893] : memref<384x256xf32, #tpu.memory_space<vmem>>, vector<1x256xf32>
      tpu.vector_store %arg15[%swap3A_1892, %swap3A_1893], %slice3A_1891 {strides = array<i32>} : memref<384x256xf32, #tpu.memory_space<vmem>>, vector<1x256xf32>,
      %slice3A_1895 = vector.extract_strided_slice %dot_general3A_1830 {offsets = [4, 0], sizes = [1, 256], strides = [1, 1]} : vector<192x256xf32> to vector<1x256xf32>
      %swap3A_1896 = arith.constant 32 : index
      %swap3A_1897 = arith.constant 0 : index
      %swap3A_1898 = vector.load %arg15[%swap3A_1896, %swap3A_1897] : memref<384x256xf32, #tpu.memory_space<vmem>>, vector<1x256xf32>
      tpu.vector_store %arg15[%swap3A_1896, %swap3A_1897], %slice3A_1895 {strides = array<i32>} : memref<384x256xf32, #tpu.memory_space<vmem>>, vector<1x256xf32>,
      %slice3A_1899 = vector.extract_strided_slice %dot_general3A_1830 {offsets = [52, 0], sizes = [1, 256], strides = [1, 1]} : vector<192x256xf32> to vector<1x256xf32>
      %swap3A_1900 = arith.constant 33 : index
      %swap3A_1901 = arith.constant 0 : index
      %swap3A_1902 = vector.load %arg15[%swap3A_1900, %swap3A_1901] : memref<384x256xf32, #tpu.memory_space<vmem>>, vector<1x256xf32>
      tpu.vector_store %arg15[%swap3A_1900, %swap3A_1901], %slice3A_1899 {strides = array<i32>} : memref<384x256xf32, #tpu.memory_space<vmem>>, vector<1x256xf32>,
      %slice3A_1903 = vector.extract_strided_slice %dot_general3A_1830 {offsets = [100, 0], sizes = [1, 256], strides = [1, 1]} : vector<192x256xf32> to vector<1x256xf32>
      %swap3A_1904 = arith.constant 34 : index
      %swap3A_1905 = arith.constant 0 : index
      %swap3A_1906 = vector.load %arg15[%swap3A_1904, %swap3A_1905] : memref<384x256xf32, #tpu.memory_space<vmem>>, vector<1x256xf32>
      tpu.vector_store %arg15[%swap3A_1904, %swap3A_1905], %slice3A_1903 {strides = array<i32>} : memref<384x256xf32, #tpu.memory_space<vmem>>, vector<1x256xf32>,
      %slice3A_1907 = vector.extract_strided_slice %dot_general3A_1830 {offsets = [148, 0], sizes = [1, 256], strides = [1, 1]} : vector<192x256xf32> to vector<1x256xf32>
      %swap3A_1908 = arith.constant 35 : index
      %swap3A_1909 = arith.constant 0 : index
      %swap3A_1910 = vector.load %arg15[%swap3A_1908, %swap3A_1909] : memref<384x256xf32, #tpu.memory_space<vmem>>, vector<1x256xf32>
      tpu.vector_store %arg15[%swap3A_1908, %swap3A_1909], %slice3A_1907 {strides = array<i32>} : memref<384x256xf32, #tpu.memory_space<vmem>>, vector<1x256xf32>,
      %slice3A_1911 = vector.extract_strided_slice %dot_general3A_1830 {offsets = [5, 0], sizes = [1, 256], strides = [1, 1]} : vector<192x256xf32> to vector<1x256xf32>
      %swap3A_1912 = arith.constant 40 : index
      %swap3A_1913 = arith.constant 0 : index
      %swap3A_1914 = vector.load %arg15[%swap3A_1912, %swap3A_1913] : memref<384x256xf32, #tpu.memory_space<vmem>>, vector<1x256xf32>
      tpu.vector_store %arg15[%swap3A_1912, %swap3A_1913], %slice3A_1911 {strides = array<i32>} : memref<384x256xf32, #tpu.memory_space<vmem>>, vector<1x256xf32>,
      %slice3A_1915 = vector.extract_strided_slice %dot_general3A_1830 {offsets = [53, 0], sizes = [1, 256], strides = [1, 1]} : vector<192x256xf32> to vector<1x256xf32>
      %swap3A_1916 = arith.constant 41 : index
      %swap3A_1917 = arith.constant 0 : index
      %swap3A_1918 = vector.load %arg15[%swap3A_1916, %swap3A_1917] : memref<384x256xf32, #tpu.memory_space<vmem>>, vector<1x256xf32>
      tpu.vector_store %arg15[%swap3A_1916, %swap3A_1917], %slice3A_1915 {strides = array<i32>} : memref<384x256xf32, #tpu.memory_space<vmem>>, vector<1x256xf32>,
      %slice3A_1919 = vector.extract_strided_slice %dot_general3A_1830 {offsets = [101, 0], sizes = [1, 256], strides = [1, 1]} : vector<192x256xf32> to vector<1x256xf32>
      %swap3A_1920 = arith.constant 42 : index
      %swap3A_1921 = arith.constant 0 : index
      %swap3A_1922 = vector.load %arg15[%swap3A_1920, %swap3A_1921] : memref<384x256xf32, #tpu.memory_space<vmem>>, vector<1x256xf32>
      tpu.vector_store %arg15[%swap3A_1920, %swap3A_1921], %slice3A_1919 {strides = array<i32>} : memref<384x256xf32, #tpu.memory_space<vmem>>, vector<1x256xf32>,
      %slice3A_1923 = vector.extract_strided_slice %dot_general3A_1830 {offsets = [149, 0], sizes = [1, 256], strides = [1, 1]} : vector<192x256xf32> to vector<1x256xf32>
      %swap3A_1924 = arith.constant 43 : index
      %swap3A_1925 = arith.constant 0 : index
      %swap3A_1926 = vector.load %arg15[%swap3A_1924, %swap3A_1925] : memref<384x256xf32, #tpu.memory_space<vmem>>, vector<1x256xf32>
      tpu.vector_store %arg15[%swap3A_1924, %swap3A_1925], %slice3A_1923 {strides = array<i32>} : memref<384x256xf32, #tpu.memory_space<vmem>>, vector<1x256xf32>,
      %slice3A_1927 = vector.extract_strided_slice %dot_general3A_1830 {offsets = [6, 0], sizes = [1, 256], strides = [1, 1]} : vector<192x256xf32> to vector<1x256xf32>
      %swap3A_1928 = arith.constant 48 : index
      %swap3A_1929 = arith.constant 0 : index
      %swap3A_1930 = vector.load %arg15[%swap3A_1928, %swap3A_1929] : memref<384x256xf32, #tpu.memory_space<vmem>>, vector<1x256xf32>
      tpu.vector_store %arg15[%swap3A_1928, %swap3A_1929], %slice3A_1927 {strides = array<i32>} : memref<384x256xf32, #tpu.memory_space<vmem>>, vector<1x256xf32>,
      %slice3A_1931 = vector.extract_strided_slice %dot_general3A_1830 {offsets = [54, 0], sizes = [1, 256], strides = [1, 1]} : vector<192x256xf32> to vector<1x256xf32>
      %swap3A_1932 = arith.constant 49 : index
      %swap3A_1933 = arith.constant 0 : index
      %swap3A_1934 = vector.load %arg15[%swap3A_1932, %swap3A_1933] : memref<384x256xf32, #tpu.memory_space<vmem>>, vector<1x256xf32>
      tpu.vector_store %arg15[%swap3A_1932, %swap3A_1933], %slice3A_1931 {strides = array<i32>} : memref<384x256xf32, #tpu.memory_space<vmem>>, vector<1x256xf32>,
      %slice3A_1935 = vector.extract_strided_slice %dot_general3A_1830 {offsets = [102, 0], sizes = [1, 256], strides = [1, 1]} : vector<192x256xf32> to vector<1x256xf32>
      %swap3A_1936 = arith.constant 50 : index
      %swap3A_1937 = arith.constant 0 : index
      %swap3A_1938 = vector.load %arg15[%swap3A_1936, %swap3A_1937] : memref<384x256xf32, #tpu.memory_space<vmem>>, vector<1x256xf32>
      tpu.vector_store %arg15[%swap3A_1936, %swap3A_1937], %slice3A_1935 {strides = array<i32>} : memref<384x256xf32, #tpu.memory_space<vmem>>, vector<1x256xf32>,
      %slice3A_1939 = vector.extract_strided_slice %dot_general3A_1830 {offsets = [150, 0], sizes = [1, 256], strides = [1, 1]} : vector<192x256xf32> to vector<1x256xf32>
      %swap3A_1940 = arith.constant 51 : index
      %swap3A_1941 = arith.constant 0 : index
      %swap3A_1942 = vector.load %arg15[%swap3A_1940, %swap3A_1941] : memref<384x256xf32, #tpu.memory_space<vmem>>, vector<1x256xf32>
      tpu.vector_store %arg15[%swap3A_1940, %swap3A_1941], %slice3A_1939 {strides = array<i32>} : memref<384x256xf32, #tpu.memory_space<vmem>>, vector<1x256xf32>,
      %slice3A_1943 = vector.extract_strided_slice %dot_general3A_1830 {offsets = [7, 0], sizes = [1, 256], strides = [1, 1]} : vector<192x256xf32> to vector<1x256xf32>
      %swap3A_1944 = arith.constant 56 : index
      %swap3A_1945 = arith.constant 0 : index
      %swap3A_1946 = vector.load %arg15[%swap3A_1944, %swap3A_1945] : memref<384x256xf32, #tpu.memory_space<vmem>>, vector<1x256xf32>
      tpu.vector_store %arg15[%swap3A_1944, %swap3A_1945], %slice3A_1943 {strides = array<i32>} : memref<384x256xf32, #tpu.memory_space<vmem>>, vector<1x256xf32>,
      %slice3A_1947 = vector.extract_strided_slice %dot_general3A_1830 {offsets = [55, 0], sizes = [1, 256], strides = [1, 1]} : vector<192x256xf32> to vector<1x256xf32>
      %swap3A_1948 = arith.constant 57 : index
      %swap3A_1949 = arith.constant 0 : index
      %swap3A_1950 = vector.load %arg15[%swap3A_1948, %swap3A_1949] : memref<384x256xf32, #tpu.memory_space<vmem>>, vector<1x256xf32>
      tpu.vector_store %arg15[%swap3A_1948, %swap3A_1949], %slice3A_1947 {strides = array<i32>} : memref<384x256xf32, #tpu.memory_space<vmem>>, vector<1x256xf32>,
      %slice3A_1951 = vector.extract_strided_slice %dot_general3A_1830 {offsets = [103, 0], sizes = [1, 256], strides = [1, 1]} : vector<192x256xf32> to vector<1x256xf32>
      %swap3A_1952 = arith.constant 58 : index
      %swap3A_1953 = arith.constant 0 : index
      %swap3A_1954 = vector.load %arg15[%swap3A_1952, %swap3A_1953] : memref<384x256xf32, #tpu.memory_space<vmem>>, vector<1x256xf32>
      tpu.vector_store %arg15[%swap3A_1952, %swap3A_1953], %slice3A_1951 {strides = array<i32>} : memref<384x256xf32, #tpu.memory_space<vmem>>, vector<1x256xf32>,
      %slice3A_1955 = vector.extract_strided_slice %dot_general3A_1830 {offsets = [151, 0], sizes = [1, 256], strides = [1, 1]} : vector<192x256xf32> to vector<1x256xf32>
      %swap3A_1956 = arith.constant 59 : index
      %swap3A_1957 = arith.constant 0 : index
      %swap3A_1958 = vector.load %arg15[%swap3A_1956, %swap3A_1957] : memref<384x256xf32, #tpu.memory_space<vmem>>, vector<1x256xf32>
      tpu.vector_store %arg15[%swap3A_1956, %swap3A_1957], %slice3A_1955 {strides = array<i32>} : memref<384x256xf32, #tpu.memory_space<vmem>>, vector<1x256xf32>,
      %slice3A_1959 = vector.extract_strided_slice %dot_general3A_1830 {offsets = [8, 0], sizes = [1, 256], strides = [1, 1]} : vector<192x256xf32> to vector<1x256xf32>
      %swap3A_1960 = arith.constant 64 : index
      %swap3A_1961 = arith.constant 0 : index
      %swap3A_1962 = vector.load %arg15[%swap3A_1960, %swap3A_1961] : memref<384x256xf32, #tpu.memory_space<vmem>>, vector<1x256xf32>
      tpu.vector_store %arg15[%swap3A_1960, %swap3A_1961], %slice3A_1959 {strides = array<i32>} : memref<384x256xf32, #tpu.memory_space<vmem>>, vector<1x256xf32>,
      %slice3A_1963 = vector.extract_strided_slice %dot_general3A_1830 {offsets = [56, 0], sizes = [1, 256], strides = [1, 1]} : vector<192x256xf32> to vector<1x256xf32>
      %swap3A_1964 = arith.constant 65 : index
      %swap3A_1965 = arith.constant 0 : index
      %swap3A_1966 = vector.load %arg15[%swap3A_1964, %swap3A_1965] : memref<384x256xf32, #tpu.memory_space<vmem>>, vector<1x256xf32>
      tpu.vector_store %arg15[%swap3A_1964, %swap3A_1965], %slice3A_1963 {strides = array<i32>} : memref<384x256xf32, #tpu.memory_space<vmem>>, vector<1x256xf32>,
      %slice3A_1967 = vector.extract_strided_slice %dot_general3A_1830 {offsets = [104, 0], sizes = [1, 256], strides = [1, 1]} : vector<192x256xf32> to vector<1x256xf32>
      %swap3A_1968 = arith.constant 66 : index
      %swap3A_1969 = arith.constant 0 : index
      %swap3A_1970 = vector.load %arg15[%swap3A_1968, %swap3A_1969] : memref<384x256xf32, #tpu.memory_space<vmem>>, vector<1x256xf32>
      tpu.vector_store %arg15[%swap3A_1968, %swap3A_1969], %slice3A_1967 {strides = array<i32>} : memref<384x256xf32, #tpu.memory_space<vmem>>, vector<1x256xf32>,
      %slice3A_1971 = vector.extract_strided_slice %dot_general3A_1830 {offsets = [152, 0], sizes = [1, 256], strides = [1, 1]} : vector<192x256xf32> to vector<1x256xf32>
      %swap3A_1972 = arith.constant 67 : index
      %swap3A_1973 = arith.constant 0 : index
      %swap3A_1974 = vector.load %arg15[%swap3A_1972, %swap3A_1973] : memref<384x256xf32, #tpu.memory_space<vmem>>, vector<1x256xf32>
      tpu.vector_store %arg15[%swap3A_1972, %swap3A_1973], %slice3A_1971 {strides = array<i32>} : memref<384x256xf32, #tpu.memory_space<vmem>>, vector<1x256xf32>,
      %slice3A_1975 = vector.extract_strided_slice %dot_general3A_1830 {offsets = [9, 0], sizes = [1, 256], strides = [1, 1]} : vector<192x256xf32> to vector<1x256xf32>
      %swap3A_1976 = arith.constant 72 : index
      %swap3A_1977 = arith.constant 0 : index
      %swap3A_1978 = vector.load %arg15[%swap3A_1976, %swap3A_1977] : memref<384x256xf32, #tpu.memory_space<vmem>>, vector<1x256xf32>
      tpu.vector_store %arg15[%swap3A_1976, %swap3A_1977], %slice3A_1975 {strides = array<i32>} : memref<384x256xf32, #tpu.memory_space<vmem>>, vector<1x256xf32>,
      %slice3A_1979 = vector.extract_strided_slice %dot_general3A_1830 {offsets = [57, 0], sizes = [1, 256], strides = [1, 1]} : vector<192x256xf32> to vector<1x256xf32>
      %swap3A_1980 = arith.constant 73 : index
      %swap3A_1981 = arith.constant 0 : index
      %swap3A_1982 = vector.load %arg15[%swap3A_1980, %swap3A_1981] : memref<384x256xf32, #tpu.memory_space<vmem>>, vector<1x256xf32>
      tpu.vector_store %arg15[%swap3A_1980, %swap3A_1981], %slice3A_1979 {strides = array<i32>} : memref<384x256xf32, #tpu.memory_space<vmem>>, vector<1x256xf32>,
      %slice3A_1983 = vector.extract_strided_slice %dot_general3A_1830 {offsets = [105, 0], sizes = [1, 256], strides = [1, 1]} : vector<192x256xf32> to vector<1x256xf32>
      %swap3A_1984 = arith.constant 74 : index
      %swap3A_1985 = arith.constant 0 : index
      %swap3A_1986 = vector.load %arg15[%swap3A_1984, %swap3A_1985] : memref<384x256xf32, #tpu.memory_space<vmem>>, vector<1x256xf32>
      tpu.vector_store %arg15[%swap3A_1984, %swap3A_1985], %slice3A_1983 {strides = array<i32>} : memref<384x256xf32, #tpu.memory_space<vmem>>, vector<1x256xf32>,
      %slice3A_1987 = vector.extract_strided_slice %dot_general3A_1830 {offsets = [153, 0], sizes = [1, 256], strides = [1, 1]} : vector<192x256xf32> to vector<1x256xf32>
      %swap3A_1988 = arith.constant 75 : index
      %swap3A_1989 = arith.constant 0 : index
      %swap3A_1990 = vector.load %arg15[%swap3A_1988, %swap3A_1989] : memref<384x256xf32, #tpu.memory_space<vmem>>, vector<1x256xf32>
      tpu.vector_store %arg15[%swap3A_1988, %swap3A_1989], %slice3A_1987 {strides = array<i32>} : memref<384x256xf32, #tpu.memory_space<vmem>>, vector<1x256xf32>,
      %slice3A_1991 = vector.extract_strided_slice %dot_general3A_1830 {offsets = [10, 0], sizes = [1, 256], strides = [1, 1]} : vector<192x256xf32> to vector<1x256xf32>
      %swap3A_1992 = arith.constant 80 : index
      %swap3A_1993 = arith.constant 0 : index
      %swap3A_1994 = vector.load %arg15[%swap3A_1992, %swap3A_1993] : memref<384x256xf32, #tpu.memory_space<vmem>>, vector<1x256xf32>
      tpu.vector_store %arg15[%swap3A_1992, %swap3A_1993], %slice3A_1991 {strides = array<i32>} : memref<384x256xf32, #tpu.memory_space<vmem>>, vector<1x256xf32>,
      %slice3A_1995 = vector.extract_strided_slice %dot_general3A_1830 {offsets = [58, 0], sizes = [1, 256], strides = [1, 1]} : vector<192x256xf32> to vector<1x256xf32>
      %swap3A_1996 = arith.constant 81 : index
      %swap3A_1997 = arith.constant 0 : index
      %swap3A_1998 = vector.load %arg15[%swap3A_1996, %swap3A_1997] : memref<384x256xf32, #tpu.memory_space<vmem>>, vector<1x256xf32>
      tpu.vector_store %arg15[%swap3A_1996, %swap3A_1997], %slice3A_1995 {strides = array<i32>} : memref<384x256xf32, #tpu.memory_space<vmem>>, vector<1x256xf32>,
      %slice3A_1999 = vector.extract_strided_slice %dot_general3A_1830 {offsets = [106, 0], sizes = [1, 256], strides = [1, 1]} : vector<192x256xf32> to vector<1x256xf32>
      %swap3A_2000 = arith.constant 82 : index
      %swap3A_2001 = arith.constant 0 : index
      %swap3A_2002 = vector.load %arg15[%swap3A_2000, %swap3A_2001] : memref<384x256xf32, #tpu.memory_space<vmem>>, vector<1x256xf32>
      tpu.vector_store %arg15[%swap3A_2000, %swap3A_2001], %slice3A_1999 {strides = array<i32>} : memref<384x256xf32, #tpu.memory_space<vmem>>, vector<1x256xf32>,
      %slice3A_2003 = vector.extract_strided_slice %dot_general3A_1830 {offsets = [154, 0], sizes = [1, 256], strides = [1, 1]} : vector<192x256xf32> to vector<1x256xf32>
      %swap3A_2004 = arith.constant 83 : index
      %swap3A_2005 = arith.constant 0 : index
      %swap3A_2006 = vector.load %arg15[%swap3A_2004, %swap3A_2005] : memref<384x256xf32, #tpu.memory_space<vmem>>, vector<1x256xf32>
      tpu.vector_store %arg15[%swap3A_2004, %swap3A_2005], %slice3A_2003 {strides = array<i32>} : memref<384x256xf32, #tpu.memory_space<vmem>>, vector<1x256xf32>,
      %slice3A_2007 = vector.extract_strided_slice %dot_general3A_1830 {offsets = [11, 0], sizes = [1, 256], strides = [1, 1]} : vector<192x256xf32> to vector<1x256xf32>
      %swap3A_2008 = arith.constant 88 : index
      %swap3A_2009 = arith.constant 0 : index
      %swap3A_2010 = vector.load %arg15[%swap3A_2008, %swap3A_2009] : memref<384x256xf32, #tpu.memory_space<vmem>>, vector<1x256xf32>
      tpu.vector_store %arg15[%swap3A_2008, %swap3A_2009], %slice3A_2007 {strides = array<i32>} : memref<384x256xf32, #tpu.memory_space<vmem>>, vector<1x256xf32>,
      %slice3A_2011 = vector.extract_strided_slice %dot_general3A_1830 {offsets = [59, 0], sizes = [1, 256], strides = [1, 1]} : vector<192x256xf32> to vector<1x256xf32>
      %swap3A_2012 = arith.constant 89 : index
      %swap3A_2013 = arith.constant 0 : index
      %swap3A_2014 = vector.load %arg15[%swap3A_2012, %swap3A_2013] : memref<384x256xf32, #tpu.memory_space<vmem>>, vector<1x256xf32>
      tpu.vector_store %arg15[%swap3A_2012, %swap3A_2013], %slice3A_2011 {strides = array<i32>} : memref<384x256xf32, #tpu.memory_space<vmem>>, vector<1x256xf32>,
      %slice3A_2015 = vector.extract_strided_slice %dot_general3A_1830 {offsets = [107, 0], sizes = [1, 256], strides = [1, 1]} : vector<192x256xf32> to vector<1x256xf32>
      %swap3A_2016 = arith.constant 90 : index
      %swap3A_2017 = arith.constant 0 : index
      %swap3A_2018 = vector.load %arg15[%swap3A_2016, %swap3A_2017] : memref<384x256xf32, #tpu.memory_space<vmem>>, vector<1x256xf32>
      tpu.vector_store %arg15[%swap3A_2016, %swap3A_2017], %slice3A_2015 {strides = array<i32>} : memref<384x256xf32, #tpu.memory_space<vmem>>, vector<1x256xf32>,
      %slice3A_2019 = vector.extract_strided_slice %dot_general3A_1830 {offsets = [155, 0], sizes = [1, 256], strides = [1, 1]} : vector<192x256xf32> to vector<1x256xf32>
      %swap3A_2020 = arith.constant 91 : index
      %swap3A_2021 = arith.constant 0 : index
      %swap3A_2022 = vector.load %arg15[%swap3A_2020, %swap3A_2021] : memref<384x256xf32, #tpu.memory_space<vmem>>, vector<1x256xf32>
      tpu.vector_store %arg15[%swap3A_2020, %swap3A_2021], %slice3A_2019 {strides = array<i32>} : memref<384x256xf32, #tpu.memory_space<vmem>>, vector<1x256xf32>,
      %slice3A_2023 = vector.extract_strided_slice %dot_general3A_1830 {offsets = [12, 0], sizes = [1, 256], strides = [1, 1]} : vector<192x256xf32> to vector<1x256xf32>
      %swap3A_2024 = arith.constant 96 : index
      %swap3A_2025 = arith.constant 0 : index
      %swap3A_2026 = vector.load %arg15[%swap3A_2024, %swap3A_2025] : memref<384x256xf32, #tpu.memory_space<vmem>>, vector<1x256xf32>
      tpu.vector_store %arg15[%swap3A_2024, %swap3A_2025], %slice3A_2023 {strides = array<i32>} : memref<384x256xf32, #tpu.memory_space<vmem>>, vector<1x256xf32>,
      %slice3A_2027 = vector.extract_strided_slice %dot_general3A_1830 {offsets = [60, 0], sizes = [1, 256], strides = [1, 1]} : vector<192x256xf32> to vector<1x256xf32>
      %swap3A_2028 = arith.constant 97 : index
      %swap3A_2029 = arith.constant 0 : index
      %swap3A_2030 = vector.load %arg15[%swap3A_2028, %swap3A_2029] : memref<384x256xf32, #tpu.memory_space<vmem>>, vector<1x256xf32>
      tpu.vector_store %arg15[%swap3A_2028, %swap3A_2029], %slice3A_2027 {strides = array<i32>} : memref<384x256xf32, #tpu.memory_space<vmem>>, vector<1x256xf32>,
      %slice3A_2031 = vector.extract_strided_slice %dot_general3A_1830 {offsets = [108, 0], sizes = [1, 256], strides = [1, 1]} : vector<192x256xf32> to vector<1x256xf32>
      %swap3A_2032 = arith.constant 98 : index
      %swap3A_2033 = arith.constant 0 : index
      %swap3A_2034 = vector.load %arg15[%swap3A_2032, %swap3A_2033] : memref<384x256xf32, #tpu.memory_space<vmem>>, vector<1x256xf32>
      tpu.vector_store %arg15[%swap3A_2032, %swap3A_2033], %slice3A_2031 {strides = array<i32>} : memref<384x256xf32, #tpu.memory_space<vmem>>, vector<1x256xf32>,
      %slice3A_2035 = vector.extract_strided_slice %dot_general3A_1830 {offsets = [156, 0], sizes = [1, 256], strides = [1, 1]} : vector<192x256xf32> to vector<1x256xf32>
      %swap3A_2036 = arith.constant 99 : index
      %swap3A_2037 = arith.constant 0 : index
      %swap3A_2038 = vector.load %arg15[%swap3A_2036, %swap3A_2037] : memref<384x256xf32, #tpu.memory_space<vmem>>, vector<1x256xf32>
      tpu.vector_store %arg15[%swap3A_2036, %swap3A_2037], %slice3A_2035 {strides = array<i32>} : memref<384x256xf32, #tpu.memory_space<vmem>>, vector<1x256xf32>,
      %slice3A_2039 = vector.extract_strided_slice %dot_general3A_1830 {offsets = [13, 0], sizes = [1, 256], strides = [1, 1]} : vector<192x256xf32> to vector<1x256xf32>
      %swap3A_2040 = arith.constant 104 : index
      %swap3A_2041 = arith.constant 0 : index
      %swap3A_2042 = vector.load %arg15[%swap3A_2040, %swap3A_2041] : memref<384x256xf32, #tpu.memory_space<vmem>>, vector<1x256xf32>
      tpu.vector_store %arg15[%swap3A_2040, %swap3A_2041], %slice3A_2039 {strides = array<i32>} : memref<384x256xf32, #tpu.memory_space<vmem>>, vector<1x256xf32>,
      %slice3A_2043 = vector.extract_strided_slice %dot_general3A_1830 {offsets = [61, 0], sizes = [1, 256], strides = [1, 1]} : vector<192x256xf32> to vector<1x256xf32>
      %swap3A_2044 = arith.constant 105 : index
      %swap3A_2045 = arith.constant 0 : index
      %swap3A_2046 = vector.load %arg15[%swap3A_2044, %swap3A_2045] : memref<384x256xf32, #tpu.memory_space<vmem>>, vector<1x256xf32>
      tpu.vector_store %arg15[%swap3A_2044, %swap3A_2045], %slice3A_2043 {strides = array<i32>} : memref<384x256xf32, #tpu.memory_space<vmem>>, vector<1x256xf32>,
      %slice3A_2047 = vector.extract_strided_slice %dot_general3A_1830 {offsets = [109, 0], sizes = [1, 256], strides = [1, 1]} : vector<192x256xf32> to vector<1x256xf32>
      %swap3A_2048 = arith.constant 106 : index
      %swap3A_2049 = arith.constant 0 : index
      %swap3A_2050 = vector.load %arg15[%swap3A_2048, %swap3A_2049] : memref<384x256xf32, #tpu.memory_space<vmem>>, vector<1x256xf32>
      tpu.vector_store %arg15[%swap3A_2048, %swap3A_2049], %slice3A_2047 {strides = array<i32>} : memref<384x256xf32, #tpu.memory_space<vmem>>, vector<1x256xf32>,
      %slice3A_2051 = vector.extract_strided_slice %dot_general3A_1830 {offsets = [157, 0], sizes = [1, 256], strides = [1, 1]} : vector<192x256xf32> to vector<1x256xf32>
      %swap3A_2052 = arith.constant 107 : index
      %swap3A_2053 = arith.constant 0 : index
      %swap3A_2054 = vector.load %arg15[%swap3A_2052, %swap3A_2053] : memref<384x256xf32, #tpu.memory_space<vmem>>, vector<1x256xf32>
      tpu.vector_store %arg15[%swap3A_2052, %swap3A_2053], %slice3A_2051 {strides = array<i32>} : memref<384x256xf32, #tpu.memory_space<vmem>>, vector<1x256xf32>,
      %slice3A_2055 = vector.extract_strided_slice %dot_general3A_1830 {offsets = [14, 0], sizes = [1, 256], strides = [1, 1]} : vector<192x256xf32> to vector<1x256xf32>
      %swap3A_2056 = arith.constant 112 : index
      %swap3A_2057 = arith.constant 0 : index
      %swap3A_2058 = vector.load %arg15[%swap3A_2056, %swap3A_2057] : memref<384x256xf32, #tpu.memory_space<vmem>>, vector<1x256xf32>
      tpu.vector_store %arg15[%swap3A_2056, %swap3A_2057], %slice3A_2055 {strides = array<i32>} : memref<384x256xf32, #tpu.memory_space<vmem>>, vector<1x256xf32>,
      %slice3A_2059 = vector.extract_strided_slice %dot_general3A_1830 {offsets = [62, 0], sizes = [1, 256], strides = [1, 1]} : vector<192x256xf32> to vector<1x256xf32>
      %swap3A_2060 = arith.constant 113 : index
      %swap3A_2061 = arith.constant 0 : index
      %swap3A_2062 = vector.load %arg15[%swap3A_2060, %swap3A_2061] : memref<384x256xf32, #tpu.memory_space<vmem>>, vector<1x256xf32>
      tpu.vector_store %arg15[%swap3A_2060, %swap3A_2061], %slice3A_2059 {strides = array<i32>} : memref<384x256xf32, #tpu.memory_space<vmem>>, vector<1x256xf32>,
      %slice3A_2063 = vector.extract_strided_slice %dot_general3A_1830 {offsets = [110, 0], sizes = [1, 256], strides = [1, 1]} : vector<192x256xf32> to vector<1x256xf32>
      %swap3A_2064 = arith.constant 114 : index
      %swap3A_2065 = arith.constant 0 : index
      %swap3A_2066 = vector.load %arg15[%swap3A_2064, %swap3A_2065] : memref<384x256xf32, #tpu.memory_space<vmem>>, vector<1x256xf32>
      tpu.vector_store %arg15[%swap3A_2064, %swap3A_2065], %slice3A_2063 {strides = array<i32>} : memref<384x256xf32, #tpu.memory_space<vmem>>, vector<1x256xf32>,
      %slice3A_2067 = vector.extract_strided_slice %dot_general3A_1830 {offsets = [158, 0], sizes = [1, 256], strides = [1, 1]} : vector<192x256xf32> to vector<1x256xf32>
      %swap3A_2068 = arith.constant 115 : index
      %swap3A_2069 = arith.constant 0 : index
      %swap3A_2070 = vector.load %arg15[%swap3A_2068, %swap3A_2069] : memref<384x256xf32, #tpu.memory_space<vmem>>, vector<1x256xf32>
      tpu.vector_store %arg15[%swap3A_2068, %swap3A_2069], %slice3A_2067 {strides = array<i32>} : memref<384x256xf32, #tpu.memory_space<vmem>>, vector<1x256xf32>,
      %slice3A_2071 = vector.extract_strided_slice %dot_general3A_1830 {offsets = [15, 0], sizes = [1, 256], strides = [1, 1]} : vector<192x256xf32> to vector<1x256xf32>
      %swap3A_2072 = arith.constant 120 : index
      %swap3A_2073 = arith.constant 0 : index
      %swap3A_2074 = vector.load %arg15[%swap3A_2072, %swap3A_2073] : memref<384x256xf32, #tpu.memory_space<vmem>>, vector<1x256xf32>
      tpu.vector_store %arg15[%swap3A_2072, %swap3A_2073], %slice3A_2071 {strides = array<i32>} : memref<384x256xf32, #tpu.memory_space<vmem>>, vector<1x256xf32>,
      %slice3A_2075 = vector.extract_strided_slice %dot_general3A_1830 {offsets = [63, 0], sizes = [1, 256], strides = [1, 1]} : vector<192x256xf32> to vector<1x256xf32>
      %swap3A_2076 = arith.constant 121 : index
      %swap3A_2077 = arith.constant 0 : index
      %swap3A_2078 = vector.load %arg15[%swap3A_2076, %swap3A_2077] : memref<384x256xf32, #tpu.memory_space<vmem>>, vector<1x256xf32>
      tpu.vector_store %arg15[%swap3A_2076, %swap3A_2077], %slice3A_2075 {strides = array<i32>} : memref<384x256xf32, #tpu.memory_space<vmem>>, vector<1x256xf32>,
      %slice3A_2079 = vector.extract_strided_slice %dot_general3A_1830 {offsets = [111, 0], sizes = [1, 256], strides = [1, 1]} : vector<192x256xf32> to vector<1x256xf32>
      %swap3A_2080 = arith.constant 122 : index
      %swap3A_2081 = arith.constant 0 : index
      %swap3A_2082 = vector.load %arg15[%swap3A_2080, %swap3A_2081] : memref<384x256xf32, #tpu.memory_space<vmem>>, vector<1x256xf32>
      tpu.vector_store %arg15[%swap3A_2080, %swap3A_2081], %slice3A_2079 {strides = array<i32>} : memref<384x256xf32, #tpu.memory_space<vmem>>, vector<1x256xf32>,
      %slice3A_2083 = vector.extract_strided_slice %dot_general3A_1830 {offsets = [159, 0], sizes = [1, 256], strides = [1, 1]} : vector<192x256xf32> to vector<1x256xf32>
      %swap3A_2084 = arith.constant 123 : index
      %swap3A_2085 = arith.constant 0 : index
      %swap3A_2086 = vector.load %arg15[%swap3A_2084, %swap3A_2085] : memref<384x256xf32, #tpu.memory_space<vmem>>, vector<1x256xf32>
      tpu.vector_store %arg15[%swap3A_2084, %swap3A_2085], %slice3A_2083 {strides = array<i32>} : memref<384x256xf32, #tpu.memory_space<vmem>>, vector<1x256xf32>,
      %slice3A_2087 = vector.extract_strided_slice %dot_general3A_1830 {offsets = [16, 0], sizes = [1, 256], strides = [1, 1]} : vector<192x256xf32> to vector<1x256xf32>
      %swap3A_2088 = arith.constant 128 : index
      %swap3A_2089 = arith.constant 0 : index
      %swap3A_2090 = vector.load %arg15[%swap3A_2088, %swap3A_2089] : memref<384x256xf32, #tpu.memory_space<vmem>>, vector<1x256xf32>
      tpu.vector_store %arg15[%swap3A_2088, %swap3A_2089], %slice3A_2087 {strides = array<i32>} : memref<384x256xf32, #tpu.memory_space<vmem>>, vector<1x256xf32>,
      %slice3A_2091 = vector.extract_strided_slice %dot_general3A_1830 {offsets = [64, 0], sizes = [1, 256], strides = [1, 1]} : vector<192x256xf32> to vector<1x256xf32>
      %swap3A_2092 = arith.constant 129 : index
      %swap3A_2093 = arith.constant 0 : index
      %swap3A_2094 = vector.load %arg15[%swap3A_2092, %swap3A_2093] : memref<384x256xf32, #tpu.memory_space<vmem>>, vector<1x256xf32>
      tpu.vector_store %arg15[%swap3A_2092, %swap3A_2093], %slice3A_2091 {strides = array<i32>} : memref<384x256xf32, #tpu.memory_space<vmem>>, vector<1x256xf32>,
      %slice3A_2095 = vector.extract_strided_slice %dot_general3A_1830 {offsets = [112, 0], sizes = [1, 256], strides = [1, 1]} : vector<192x256xf32> to vector<1x256xf32>
      %swap3A_2096 = arith.constant 130 : index
      %swap3A_2097 = arith.constant 0 : index
      %swap3A_2098 = vector.load %arg15[%swap3A_2096, %swap3A_2097] : memref<384x256xf32, #tpu.memory_space<vmem>>, vector<1x256xf32>
      tpu.vector_store %arg15[%swap3A_2096, %swap3A_2097], %slice3A_2095 {strides = array<i32>} : memref<384x256xf32, #tpu.memory_space<vmem>>, vector<1x256xf32>,
      %slice3A_2099 = vector.extract_strided_slice %dot_general3A_1830 {offsets = [160, 0], sizes = [1, 256], strides = [1, 1]} : vector<192x256xf32> to vector<1x256xf32>
      %swap3A_2100 = arith.constant 131 : index
      %swap3A_2101 = arith.constant 0 : index
      %swap3A_2102 = vector.load %arg15[%swap3A_2100, %swap3A_2101] : memref<384x256xf32, #tpu.memory_space<vmem>>, vector<1x256xf32>
      tpu.vector_store %arg15[%swap3A_2100, %swap3A_2101], %slice3A_2099 {strides = array<i32>} : memref<384x256xf32, #tpu.memory_space<vmem>>, vector<1x256xf32>,
      %slice3A_2103 = vector.extract_strided_slice %dot_general3A_1830 {offsets = [17, 0], sizes = [1, 256], strides = [1, 1]} : vector<192x256xf32> to vector<1x256xf32>
      %swap3A_2104 = arith.constant 136 : index
      %swap3A_2105 = arith.constant 0 : index
      %swap3A_2106 = vector.load %arg15[%swap3A_2104, %swap3A_2105] : memref<384x256xf32, #tpu.memory_space<vmem>>, vector<1x256xf32>
      tpu.vector_store %arg15[%swap3A_2104, %swap3A_2105], %slice3A_2103 {strides = array<i32>} : memref<384x256xf32, #tpu.memory_space<vmem>>, vector<1x256xf32>,
      %slice3A_2107 = vector.extract_strided_slice %dot_general3A_1830 {offsets = [65, 0], sizes = [1, 256], strides = [1, 1]} : vector<192x256xf32> to vector<1x256xf32>
      %swap3A_2108 = arith.constant 137 : index
      %swap3A_2109 = arith.constant 0 : index
      %swap3A_2110 = vector.load %arg15[%swap3A_2108, %swap3A_2109] : memref<384x256xf32, #tpu.memory_space<vmem>>, vector<1x256xf32>
      tpu.vector_store %arg15[%swap3A_2108, %swap3A_2109], %slice3A_2107 {strides = array<i32>} : memref<384x256xf32, #tpu.memory_space<vmem>>, vector<1x256xf32>,
      %slice3A_2111 = vector.extract_strided_slice %dot_general3A_1830 {offsets = [113, 0], sizes = [1, 256], strides = [1, 1]} : vector<192x256xf32> to vector<1x256xf32>
      %swap3A_2112 = arith.constant 138 : index
      %swap3A_2113 = arith.constant 0 : index
      %swap3A_2114 = vector.load %arg15[%swap3A_2112, %swap3A_2113] : memref<384x256xf32, #tpu.memory_space<vmem>>, vector<1x256xf32>
      tpu.vector_store %arg15[%swap3A_2112, %swap3A_2113], %slice3A_2111 {strides = array<i32>} : memref<384x256xf32, #tpu.memory_space<vmem>>, vector<1x256xf32>,
      %slice3A_2115 = vector.extract_strided_slice %dot_general3A_1830 {offsets = [161, 0], sizes = [1, 256], strides = [1, 1]} : vector<192x256xf32> to vector<1x256xf32>
      %swap3A_2116 = arith.constant 139 : index
      %swap3A_2117 = arith.constant 0 : index
      %swap3A_2118 = vector.load %arg15[%swap3A_2116, %swap3A_2117] : memref<384x256xf32, #tpu.memory_space<vmem>>, vector<1x256xf32>
      tpu.vector_store %arg15[%swap3A_2116, %swap3A_2117], %slice3A_2115 {strides = array<i32>} : memref<384x256xf32, #tpu.memory_space<vmem>>, vector<1x256xf32>,
      %slice3A_2119 = vector.extract_strided_slice %dot_general3A_1830 {offsets = [18, 0], sizes = [1, 256], strides = [1, 1]} : vector<192x256xf32> to vector<1x256xf32>
      %swap3A_2120 = arith.constant 144 : index
      %swap3A_2121 = arith.constant 0 : index
      %swap3A_2122 = vector.load %arg15[%swap3A_2120, %swap3A_2121] : memref<384x256xf32, #tpu.memory_space<vmem>>, vector<1x256xf32>
      tpu.vector_store %arg15[%swap3A_2120, %swap3A_2121], %slice3A_2119 {strides = array<i32>} : memref<384x256xf32, #tpu.memory_space<vmem>>, vector<1x256xf32>,
      %slice3A_2123 = vector.extract_strided_slice %dot_general3A_1830 {offsets = [66, 0], sizes = [1, 256], strides = [1, 1]} : vector<192x256xf32> to vector<1x256xf32>
      %swap3A_2124 = arith.constant 145 : index
      %swap3A_2125 = arith.constant 0 : index
      %swap3A_2126 = vector.load %arg15[%swap3A_2124, %swap3A_2125] : memref<384x256xf32, #tpu.memory_space<vmem>>, vector<1x256xf32>
      tpu.vector_store %arg15[%swap3A_2124, %swap3A_2125], %slice3A_2123 {strides = array<i32>} : memref<384x256xf32, #tpu.memory_space<vmem>>, vector<1x256xf32>,
      %slice3A_2127 = vector.extract_strided_slice %dot_general3A_1830 {offsets = [114, 0], sizes = [1, 256], strides = [1, 1]} : vector<192x256xf32> to vector<1x256xf32>
      %swap3A_2128 = arith.constant 146 : index
      %swap3A_2129 = arith.constant 0 : index
      %swap3A_2130 = vector.load %arg15[%swap3A_2128, %swap3A_2129] : memref<384x256xf32, #tpu.memory_space<vmem>>, vector<1x256xf32>
      tpu.vector_store %arg15[%swap3A_2128, %swap3A_2129], %slice3A_2127 {strides = array<i32>} : memref<384x256xf32, #tpu.memory_space<vmem>>, vector<1x256xf32>,
      %slice3A_2131 = vector.extract_strided_slice %dot_general3A_1830 {offsets = [162, 0], sizes = [1, 256], strides = [1, 1]} : vector<192x256xf32> to vector<1x256xf32>
      %swap3A_2132 = arith.constant 147 : index
      %swap3A_2133 = arith.constant 0 : index
      %swap3A_2134 = vector.load %arg15[%swap3A_2132, %swap3A_2133] : memref<384x256xf32, #tpu.memory_space<vmem>>, vector<1x256xf32>
      tpu.vector_store %arg15[%swap3A_2132, %swap3A_2133], %slice3A_2131 {strides = array<i32>} : memref<384x256xf32, #tpu.memory_space<vmem>>, vector<1x256xf32>,
      %slice3A_2135 = vector.extract_strided_slice %dot_general3A_1830 {offsets = [19, 0], sizes = [1, 256], strides = [1, 1]} : vector<192x256xf32> to vector<1x256xf32>
      %swap3A_2136 = arith.constant 152 : index
      %swap3A_2137 = arith.constant 0 : index
      %swap3A_2138 = vector.load %arg15[%swap3A_2136, %swap3A_2137] : memref<384x256xf32, #tpu.memory_space<vmem>>, vector<1x256xf32>
      tpu.vector_store %arg15[%swap3A_2136, %swap3A_2137], %slice3A_2135 {strides = array<i32>} : memref<384x256xf32, #tpu.memory_space<vmem>>, vector<1x256xf32>,
      %slice3A_2139 = vector.extract_strided_slice %dot_general3A_1830 {offsets = [67, 0], sizes = [1, 256], strides = [1, 1]} : vector<192x256xf32> to vector<1x256xf32>
      %swap3A_2140 = arith.constant 153 : index
      %swap3A_2141 = arith.constant 0 : index
      %swap3A_2142 = vector.load %arg15[%swap3A_2140, %swap3A_2141] : memref<384x256xf32, #tpu.memory_space<vmem>>, vector<1x256xf32>
      tpu.vector_store %arg15[%swap3A_2140, %swap3A_2141], %slice3A_2139 {strides = array<i32>} : memref<384x256xf32, #tpu.memory_space<vmem>>, vector<1x256xf32>,
      %slice3A_2143 = vector.extract_strided_slice %dot_general3A_1830 {offsets = [115, 0], sizes = [1, 256], strides = [1, 1]} : vector<192x256xf32> to vector<1x256xf32>
      %swap3A_2144 = arith.constant 154 : index
      %swap3A_2145 = arith.constant 0 : index
      %swap3A_2146 = vector.load %arg15[%swap3A_2144, %swap3A_2145] : memref<384x256xf32, #tpu.memory_space<vmem>>, vector<1x256xf32>
      tpu.vector_store %arg15[%swap3A_2144, %swap3A_2145], %slice3A_2143 {strides = array<i32>} : memref<384x256xf32, #tpu.memory_space<vmem>>, vector<1x256xf32>,
      %slice3A_2147 = vector.extract_strided_slice %dot_general3A_1830 {offsets = [163, 0], sizes = [1, 256], strides = [1, 1]} : vector<192x256xf32> to vector<1x256xf32>
      %swap3A_2148 = arith.constant 155 : index
      %swap3A_2149 = arith.constant 0 : index
      %swap3A_2150 = vector.load %arg15[%swap3A_2148, %swap3A_2149] : memref<384x256xf32, #tpu.memory_space<vmem>>, vector<1x256xf32>
      tpu.vector_store %arg15[%swap3A_2148, %swap3A_2149], %slice3A_2147 {strides = array<i32>} : memref<384x256xf32, #tpu.memory_space<vmem>>, vector<1x256xf32>,
      %slice3A_2151 = vector.extract_strided_slice %dot_general3A_1830 {offsets = [20, 0], sizes = [1, 256], strides = [1, 1]} : vector<192x256xf32> to vector<1x256xf32>
      %swap3A_2152 = arith.constant 160 : index
      %swap3A_2153 = arith.constant 0 : index
      %swap3A_2154 = vector.load %arg15[%swap3A_2152, %swap3A_2153] : memref<384x256xf32, #tpu.memory_space<vmem>>, vector<1x256xf32>
      tpu.vector_store %arg15[%swap3A_2152, %swap3A_2153], %slice3A_2151 {strides = array<i32>} : memref<384x256xf32, #tpu.memory_space<vmem>>, vector<1x256xf32>,
      %slice3A_2155 = vector.extract_strided_slice %dot_general3A_1830 {offsets = [68, 0], sizes = [1, 256], strides = [1, 1]} : vector<192x256xf32> to vector<1x256xf32>
      %swap3A_2156 = arith.constant 161 : index
      %swap3A_2157 = arith.constant 0 : index
      %swap3A_2158 = vector.load %arg15[%swap3A_2156, %swap3A_2157] : memref<384x256xf32, #tpu.memory_space<vmem>>, vector<1x256xf32>
      tpu.vector_store %arg15[%swap3A_2156, %swap3A_2157], %slice3A_2155 {strides = array<i32>} : memref<384x256xf32, #tpu.memory_space<vmem>>, vector<1x256xf32>,
      %slice3A_2159 = vector.extract_strided_slice %dot_general3A_1830 {offsets = [116, 0], sizes = [1, 256], strides = [1, 1]} : vector<192x256xf32> to vector<1x256xf32>
      %swap3A_2160 = arith.constant 162 : index
      %swap3A_2161 = arith.constant 0 : index
      %swap3A_2162 = vector.load %arg15[%swap3A_2160, %swap3A_2161] : memref<384x256xf32, #tpu.memory_space<vmem>>, vector<1x256xf32>
      tpu.vector_store %arg15[%swap3A_2160, %swap3A_2161], %slice3A_2159 {strides = array<i32>} : memref<384x256xf32, #tpu.memory_space<vmem>>, vector<1x256xf32>,
      %slice3A_2163 = vector.extract_strided_slice %dot_general3A_1830 {offsets = [164, 0], sizes = [1, 256], strides = [1, 1]} : vector<192x256xf32> to vector<1x256xf32>
      %swap3A_2164 = arith.constant 163 : index
      %swap3A_2165 = arith.constant 0 : index
      %swap3A_2166 = vector.load %arg15[%swap3A_2164, %swap3A_2165] : memref<384x256xf32, #tpu.memory_space<vmem>>, vector<1x256xf32>
      tpu.vector_store %arg15[%swap3A_2164, %swap3A_2165], %slice3A_2163 {strides = array<i32>} : memref<384x256xf32, #tpu.memory_space<vmem>>, vector<1x256xf32>,
      %slice3A_2167 = vector.extract_strided_slice %dot_general3A_1830 {offsets = [21, 0], sizes = [1, 256], strides = [1, 1]} : vector<192x256xf32> to vector<1x256xf32>
      %swap3A_2168 = arith.constant 168 : index
      %swap3A_2169 = arith.constant 0 : index
      %swap3A_2170 = vector.load %arg15[%swap3A_2168, %swap3A_2169] : memref<384x256xf32, #tpu.memory_space<vmem>>, vector<1x256xf32>
      tpu.vector_store %arg15[%swap3A_2168, %swap3A_2169], %slice3A_2167 {strides = array<i32>} : memref<384x256xf32, #tpu.memory_space<vmem>>, vector<1x256xf32>,
      %slice3A_2171 = vector.extract_strided_slice %dot_general3A_1830 {offsets = [69, 0], sizes = [1, 256], strides = [1, 1]} : vector<192x256xf32> to vector<1x256xf32>
      %swap3A_2172 = arith.constant 169 : index
      %swap3A_2173 = arith.constant 0 : index
      %swap3A_2174 = vector.load %arg15[%swap3A_2172, %swap3A_2173] : memref<384x256xf32, #tpu.memory_space<vmem>>, vector<1x256xf32>
      tpu.vector_store %arg15[%swap3A_2172, %swap3A_2173], %slice3A_2171 {strides = array<i32>} : memref<384x256xf32, #tpu.memory_space<vmem>>, vector<1x256xf32>,
      %slice3A_2175 = vector.extract_strided_slice %dot_general3A_1830 {offsets = [117, 0], sizes = [1, 256], strides = [1, 1]} : vector<192x256xf32> to vector<1x256xf32>
      %swap3A_2176 = arith.constant 170 : index
      %swap3A_2177 = arith.constant 0 : index
      %swap3A_2178 = vector.load %arg15[%swap3A_2176, %swap3A_2177] : memref<384x256xf32, #tpu.memory_space<vmem>>, vector<1x256xf32>
      tpu.vector_store %arg15[%swap3A_2176, %swap3A_2177], %slice3A_2175 {strides = array<i32>} : memref<384x256xf32, #tpu.memory_space<vmem>>, vector<1x256xf32>,
      %slice3A_2179 = vector.extract_strided_slice %dot_general3A_1830 {offsets = [165, 0], sizes = [1, 256], strides = [1, 1]} : vector<192x256xf32> to vector<1x256xf32>
      %swap3A_2180 = arith.constant 171 : index
      %swap3A_2181 = arith.constant 0 : index
      %swap3A_2182 = vector.load %arg15[%swap3A_2180, %swap3A_2181] : memref<384x256xf32, #tpu.memory_space<vmem>>, vector<1x256xf32>
      tpu.vector_store %arg15[%swap3A_2180, %swap3A_2181], %slice3A_2179 {strides = array<i32>} : memref<384x256xf32, #tpu.memory_space<vmem>>, vector<1x256xf32>,
      %slice3A_2183 = vector.extract_strided_slice %dot_general3A_1830 {offsets = [22, 0], sizes = [1, 256], strides = [1, 1]} : vector<192x256xf32> to vector<1x256xf32>
      %swap3A_2184 = arith.constant 176 : index
      %swap3A_2185 = arith.constant 0 : index
      %swap3A_2186 = vector.load %arg15[%swap3A_2184, %swap3A_2185] : memref<384x256xf32, #tpu.memory_space<vmem>>, vector<1x256xf32>
      tpu.vector_store %arg15[%swap3A_2184, %swap3A_2185], %slice3A_2183 {strides = array<i32>} : memref<384x256xf32, #tpu.memory_space<vmem>>, vector<1x256xf32>,
      %slice3A_2187 = vector.extract_strided_slice %dot_general3A_1830 {offsets = [70, 0], sizes = [1, 256], strides = [1, 1]} : vector<192x256xf32> to vector<1x256xf32>
      %swap3A_2188 = arith.constant 177 : index
      %swap3A_2189 = arith.constant 0 : index
      %swap3A_2190 = vector.load %arg15[%swap3A_2188, %swap3A_2189] : memref<384x256xf32, #tpu.memory_space<vmem>>, vector<1x256xf32>
      tpu.vector_store %arg15[%swap3A_2188, %swap3A_2189], %slice3A_2187 {strides = array<i32>} : memref<384x256xf32, #tpu.memory_space<vmem>>, vector<1x256xf32>,
      %slice3A_2191 = vector.extract_strided_slice %dot_general3A_1830 {offsets = [118, 0], sizes = [1, 256], strides = [1, 1]} : vector<192x256xf32> to vector<1x256xf32>
      %swap3A_2192 = arith.constant 178 : index
      %swap3A_2193 = arith.constant 0 : index
      %swap3A_2194 = vector.load %arg15[%swap3A_2192, %swap3A_2193] : memref<384x256xf32, #tpu.memory_space<vmem>>, vector<1x256xf32>
      tpu.vector_store %arg15[%swap3A_2192, %swap3A_2193], %slice3A_2191 {strides = array<i32>} : memref<384x256xf32, #tpu.memory_space<vmem>>, vector<1x256xf32>,
      %slice3A_2195 = vector.extract_strided_slice %dot_general3A_1830 {offsets = [166, 0], sizes = [1, 256], strides = [1, 1]} : vector<192x256xf32> to vector<1x256xf32>
      %swap3A_2196 = arith.constant 179 : index
      %swap3A_2197 = arith.constant 0 : index
      %swap3A_2198 = vector.load %arg15[%swap3A_2196, %swap3A_2197] : memref<384x256xf32, #tpu.memory_space<vmem>>, vector<1x256xf32>
      tpu.vector_store %arg15[%swap3A_2196, %swap3A_2197], %slice3A_2195 {strides = array<i32>} : memref<384x256xf32, #tpu.memory_space<vmem>>, vector<1x256xf32>,
      %slice3A_2199 = vector.extract_strided_slice %dot_general3A_1830 {offsets = [23, 0], sizes = [1, 256], strides = [1, 1]} : vector<192x256xf32> to vector<1x256xf32>
      %swap3A_2200 = arith.constant 184 : index
      %swap3A_2201 = arith.constant 0 : index
      %swap3A_2202 = vector.load %arg15[%swap3A_2200, %swap3A_2201] : memref<384x256xf32, #tpu.memory_space<vmem>>, vector<1x256xf32>
      tpu.vector_store %arg15[%swap3A_2200, %swap3A_2201], %slice3A_2199 {strides = array<i32>} : memref<384x256xf32, #tpu.memory_space<vmem>>, vector<1x256xf32>,
      %slice3A_2203 = vector.extract_strided_slice %dot_general3A_1830 {offsets = [71, 0], sizes = [1, 256], strides = [1, 1]} : vector<192x256xf32> to vector<1x256xf32>
      %swap3A_2204 = arith.constant 185 : index
      %swap3A_2205 = arith.constant 0 : index
      %swap3A_2206 = vector.load %arg15[%swap3A_2204, %swap3A_2205] : memref<384x256xf32, #tpu.memory_space<vmem>>, vector<1x256xf32>
      tpu.vector_store %arg15[%swap3A_2204, %swap3A_2205], %slice3A_2203 {strides = array<i32>} : memref<384x256xf32, #tpu.memory_space<vmem>>, vector<1x256xf32>,
      %slice3A_2207 = vector.extract_strided_slice %dot_general3A_1830 {offsets = [119, 0], sizes = [1, 256], strides = [1, 1]} : vector<192x256xf32> to vector<1x256xf32>
      %swap3A_2208 = arith.constant 186 : index
      %swap3A_2209 = arith.constant 0 : index
      %swap3A_2210 = vector.load %arg15[%swap3A_2208, %swap3A_2209] : memref<384x256xf32, #tpu.memory_space<vmem>>, vector<1x256xf32>
      tpu.vector_store %arg15[%swap3A_2208, %swap3A_2209], %slice3A_2207 {strides = array<i32>} : memref<384x256xf32, #tpu.memory_space<vmem>>, vector<1x256xf32>,
      %slice3A_2211 = vector.extract_strided_slice %dot_general3A_1830 {offsets = [167, 0], sizes = [1, 256], strides = [1, 1]} : vector<192x256xf32> to vector<1x256xf32>
      %swap3A_2212 = arith.constant 187 : index
      %swap3A_2213 = arith.constant 0 : index
      %swap3A_2214 = vector.load %arg15[%swap3A_2212, %swap3A_2213] : memref<384x256xf32, #tpu.memory_space<vmem>>, vector<1x256xf32>
      tpu.vector_store %arg15[%swap3A_2212, %swap3A_2213], %slice3A_2211 {strides = array<i32>} : memref<384x256xf32, #tpu.memory_space<vmem>>, vector<1x256xf32>,
      %slice3A_2215 = vector.extract_strided_slice %dot_general3A_1830 {offsets = [24, 0], sizes = [1, 256], strides = [1, 1]} : vector<192x256xf32> to vector<1x256xf32>
      %swap3A_2216 = arith.constant 192 : index
      %swap3A_2217 = arith.constant 0 : index
      %swap3A_2218 = vector.load %arg15[%swap3A_2216, %swap3A_2217] : memref<384x256xf32, #tpu.memory_space<vmem>>, vector<1x256xf32>
      tpu.vector_store %arg15[%swap3A_2216, %swap3A_2217], %slice3A_2215 {strides = array<i32>} : memref<384x256xf32, #tpu.memory_space<vmem>>, vector<1x256xf32>,
      %slice3A_2219 = vector.extract_strided_slice %dot_general3A_1830 {offsets = [72, 0], sizes = [1, 256], strides = [1, 1]} : vector<192x256xf32> to vector<1x256xf32>
      %swap3A_2220 = arith.constant 193 : index
      %swap3A_2221 = arith.constant 0 : index
      %swap3A_2222 = vector.load %arg15[%swap3A_2220, %swap3A_2221] : memref<384x256xf32, #tpu.memory_space<vmem>>, vector<1x256xf32>
      tpu.vector_store %arg15[%swap3A_2220, %swap3A_2221], %slice3A_2219 {strides = array<i32>} : memref<384x256xf32, #tpu.memory_space<vmem>>, vector<1x256xf32>,
      %slice3A_2223 = vector.extract_strided_slice %dot_general3A_1830 {offsets = [120, 0], sizes = [1, 256], strides = [1, 1]} : vector<192x256xf32> to vector<1x256xf32>
      %swap3A_2224 = arith.constant 194 : index
      %swap3A_2225 = arith.constant 0 : index
      %swap3A_2226 = vector.load %arg15[%swap3A_2224, %swap3A_2225] : memref<384x256xf32, #tpu.memory_space<vmem>>, vector<1x256xf32>
      tpu.vector_store %arg15[%swap3A_2224, %swap3A_2225], %slice3A_2223 {strides = array<i32>} : memref<384x256xf32, #tpu.memory_space<vmem>>, vector<1x256xf32>,
      %slice3A_2227 = vector.extract_strided_slice %dot_general3A_1830 {offsets = [168, 0], sizes = [1, 256], strides = [1, 1]} : vector<192x256xf32> to vector<1x256xf32>
      %swap3A_2228 = arith.constant 195 : index
      %swap3A_2229 = arith.constant 0 : index
      %swap3A_2230 = vector.load %arg15[%swap3A_2228, %swap3A_2229] : memref<384x256xf32, #tpu.memory_space<vmem>>, vector<1x256xf32>
      tpu.vector_store %arg15[%swap3A_2228, %swap3A_2229], %slice3A_2227 {strides = array<i32>} : memref<384x256xf32, #tpu.memory_space<vmem>>, vector<1x256xf32>,
      %slice3A_2231 = vector.extract_strided_slice %dot_general3A_1830 {offsets = [25, 0], sizes = [1, 256], strides = [1, 1]} : vector<192x256xf32> to vector<1x256xf32>
      %swap3A_2232 = arith.constant 200 : index
      %swap3A_2233 = arith.constant 0 : index
      %swap3A_2234 = vector.load %arg15[%swap3A_2232, %swap3A_2233] : memref<384x256xf32, #tpu.memory_space<vmem>>, vector<1x256xf32>
      tpu.vector_store %arg15[%swap3A_2232, %swap3A_2233], %slice3A_2231 {strides = array<i32>} : memref<384x256xf32, #tpu.memory_space<vmem>>, vector<1x256xf32>,
      %slice3A_2235 = vector.extract_strided_slice %dot_general3A_1830 {offsets = [73, 0], sizes = [1, 256], strides = [1, 1]} : vector<192x256xf32> to vector<1x256xf32>
      %swap3A_2236 = arith.constant 201 : index
      %swap3A_2237 = arith.constant 0 : index
      %swap3A_2238 = vector.load %arg15[%swap3A_2236, %swap3A_2237] : memref<384x256xf32, #tpu.memory_space<vmem>>, vector<1x256xf32>
      tpu.vector_store %arg15[%swap3A_2236, %swap3A_2237], %slice3A_2235 {strides = array<i32>} : memref<384x256xf32, #tpu.memory_space<vmem>>, vector<1x256xf32>,
      %slice3A_2239 = vector.extract_strided_slice %dot_general3A_1830 {offsets = [121, 0], sizes = [1, 256], strides = [1, 1]} : vector<192x256xf32> to vector<1x256xf32>
      %swap3A_2240 = arith.constant 202 : index
      %swap3A_2241 = arith.constant 0 : index
      %swap3A_2242 = vector.load %arg15[%swap3A_2240, %swap3A_2241] : memref<384x256xf32, #tpu.memory_space<vmem>>, vector<1x256xf32>
      tpu.vector_store %arg15[%swap3A_2240, %swap3A_2241], %slice3A_2239 {strides = array<i32>} : memref<384x256xf32, #tpu.memory_space<vmem>>, vector<1x256xf32>,
      %slice3A_2243 = vector.extract_strided_slice %dot_general3A_1830 {offsets = [169, 0], sizes = [1, 256], strides = [1, 1]} : vector<192x256xf32> to vector<1x256xf32>
      %swap3A_2244 = arith.constant 203 : index
      %swap3A_2245 = arith.constant 0 : index
      %swap3A_2246 = vector.load %arg15[%swap3A_2244, %swap3A_2245] : memref<384x256xf32, #tpu.memory_space<vmem>>, vector<1x256xf32>
      tpu.vector_store %arg15[%swap3A_2244, %swap3A_2245], %slice3A_2243 {strides = array<i32>} : memref<384x256xf32, #tpu.memory_space<vmem>>, vector<1x256xf32>,
      %slice3A_2247 = vector.extract_strided_slice %dot_general3A_1830 {offsets = [26, 0], sizes = [1, 256], strides = [1, 1]} : vector<192x256xf32> to vector<1x256xf32>
      %swap3A_2248 = arith.constant 208 : index
      %swap3A_2249 = arith.constant 0 : index
      %swap3A_2250 = vector.load %arg15[%swap3A_2248, %swap3A_2249] : memref<384x256xf32, #tpu.memory_space<vmem>>, vector<1x256xf32>
      tpu.vector_store %arg15[%swap3A_2248, %swap3A_2249], %slice3A_2247 {strides = array<i32>} : memref<384x256xf32, #tpu.memory_space<vmem>>, vector<1x256xf32>,
      %slice3A_2251 = vector.extract_strided_slice %dot_general3A_1830 {offsets = [74, 0], sizes = [1, 256], strides = [1, 1]} : vector<192x256xf32> to vector<1x256xf32>
      %swap3A_2252 = arith.constant 209 : index
      %swap3A_2253 = arith.constant 0 : index
      %swap3A_2254 = vector.load %arg15[%swap3A_2252, %swap3A_2253] : memref<384x256xf32, #tpu.memory_space<vmem>>, vector<1x256xf32>
      tpu.vector_store %arg15[%swap3A_2252, %swap3A_2253], %slice3A_2251 {strides = array<i32>} : memref<384x256xf32, #tpu.memory_space<vmem>>, vector<1x256xf32>,
      %slice3A_2255 = vector.extract_strided_slice %dot_general3A_1830 {offsets = [122, 0], sizes = [1, 256], strides = [1, 1]} : vector<192x256xf32> to vector<1x256xf32>
      %swap3A_2256 = arith.constant 210 : index
      %swap3A_2257 = arith.constant 0 : index
      %swap3A_2258 = vector.load %arg15[%swap3A_2256, %swap3A_2257] : memref<384x256xf32, #tpu.memory_space<vmem>>, vector<1x256xf32>
      tpu.vector_store %arg15[%swap3A_2256, %swap3A_2257], %slice3A_2255 {strides = array<i32>} : memref<384x256xf32, #tpu.memory_space<vmem>>, vector<1x256xf32>,
      %slice3A_2259 = vector.extract_strided_slice %dot_general3A_1830 {offsets = [170, 0], sizes = [1, 256], strides = [1, 1]} : vector<192x256xf32> to vector<1x256xf32>
      %swap3A_2260 = arith.constant 211 : index
      %swap3A_2261 = arith.constant 0 : index
      %swap3A_2262 = vector.load %arg15[%swap3A_2260, %swap3A_2261] : memref<384x256xf32, #tpu.memory_space<vmem>>, vector<1x256xf32>
      tpu.vector_store %arg15[%swap3A_2260, %swap3A_2261], %slice3A_2259 {strides = array<i32>} : memref<384x256xf32, #tpu.memory_space<vmem>>, vector<1x256xf32>,
      %slice3A_2263 = vector.extract_strided_slice %dot_general3A_1830 {offsets = [27, 0], sizes = [1, 256], strides = [1, 1]} : vector<192x256xf32> to vector<1x256xf32>
      %swap3A_2264 = arith.constant 216 : index
      %swap3A_2265 = arith.constant 0 : index
      %swap3A_2266 = vector.load %arg15[%swap3A_2264, %swap3A_2265] : memref<384x256xf32, #tpu.memory_space<vmem>>, vector<1x256xf32>
      tpu.vector_store %arg15[%swap3A_2264, %swap3A_2265], %slice3A_2263 {strides = array<i32>} : memref<384x256xf32, #tpu.memory_space<vmem>>, vector<1x256xf32>,
      %slice3A_2267 = vector.extract_strided_slice %dot_general3A_1830 {offsets = [75, 0], sizes = [1, 256], strides = [1, 1]} : vector<192x256xf32> to vector<1x256xf32>
      %swap3A_2268 = arith.constant 217 : index
      %swap3A_2269 = arith.constant 0 : index
      %swap3A_2270 = vector.load %arg15[%swap3A_2268, %swap3A_2269] : memref<384x256xf32, #tpu.memory_space<vmem>>, vector<1x256xf32>
      tpu.vector_store %arg15[%swap3A_2268, %swap3A_2269], %slice3A_2267 {strides = array<i32>} : memref<384x256xf32, #tpu.memory_space<vmem>>, vector<1x256xf32>,
      %slice3A_2271 = vector.extract_strided_slice %dot_general3A_1830 {offsets = [123, 0], sizes = [1, 256], strides = [1, 1]} : vector<192x256xf32> to vector<1x256xf32>
      %swap3A_2272 = arith.constant 218 : index
      %swap3A_2273 = arith.constant 0 : index
      %swap3A_2274 = vector.load %arg15[%swap3A_2272, %swap3A_2273] : memref<384x256xf32, #tpu.memory_space<vmem>>, vector<1x256xf32>
      tpu.vector_store %arg15[%swap3A_2272, %swap3A_2273], %slice3A_2271 {strides = array<i32>} : memref<384x256xf32, #tpu.memory_space<vmem>>, vector<1x256xf32>,
      %slice3A_2275 = vector.extract_strided_slice %dot_general3A_1830 {offsets = [171, 0], sizes = [1, 256], strides = [1, 1]} : vector<192x256xf32> to vector<1x256xf32>
      %swap3A_2276 = arith.constant 219 : index
      %swap3A_2277 = arith.constant 0 : index
      %swap3A_2278 = vector.load %arg15[%swap3A_2276, %swap3A_2277] : memref<384x256xf32, #tpu.memory_space<vmem>>, vector<1x256xf32>
      tpu.vector_store %arg15[%swap3A_2276, %swap3A_2277], %slice3A_2275 {strides = array<i32>} : memref<384x256xf32, #tpu.memory_space<vmem>>, vector<1x256xf32>,
      %slice3A_2279 = vector.extract_strided_slice %dot_general3A_1830 {offsets = [28, 0], sizes = [1, 256], strides = [1, 1]} : vector<192x256xf32> to vector<1x256xf32>
      %swap3A_2280 = arith.constant 224 : index
      %swap3A_2281 = arith.constant 0 : index
      %swap3A_2282 = vector.load %arg15[%swap3A_2280, %swap3A_2281] : memref<384x256xf32, #tpu.memory_space<vmem>>, vector<1x256xf32>
      tpu.vector_store %arg15[%swap3A_2280, %swap3A_2281], %slice3A_2279 {strides = array<i32>} : memref<384x256xf32, #tpu.memory_space<vmem>>, vector<1x256xf32>,
      %slice3A_2283 = vector.extract_strided_slice %dot_general3A_1830 {offsets = [76, 0], sizes = [1, 256], strides = [1, 1]} : vector<192x256xf32> to vector<1x256xf32>
      %swap3A_2284 = arith.constant 225 : index
      %swap3A_2285 = arith.constant 0 : index
      %swap3A_2286 = vector.load %arg15[%swap3A_2284, %swap3A_2285] : memref<384x256xf32, #tpu.memory_space<vmem>>, vector<1x256xf32>
      tpu.vector_store %arg15[%swap3A_2284, %swap3A_2285], %slice3A_2283 {strides = array<i32>} : memref<384x256xf32, #tpu.memory_space<vmem>>, vector<1x256xf32>,
      %slice3A_2287 = vector.extract_strided_slice %dot_general3A_1830 {offsets = [124, 0], sizes = [1, 256], strides = [1, 1]} : vector<192x256xf32> to vector<1x256xf32>
      %swap3A_2288 = arith.constant 226 : index
      %swap3A_2289 = arith.constant 0 : index
      %swap3A_2290 = vector.load %arg15[%swap3A_2288, %swap3A_2289] : memref<384x256xf32, #tpu.memory_space<vmem>>, vector<1x256xf32>
      tpu.vector_store %arg15[%swap3A_2288, %swap3A_2289], %slice3A_2287 {strides = array<i32>} : memref<384x256xf32, #tpu.memory_space<vmem>>, vector<1x256xf32>,
      %slice3A_2291 = vector.extract_strided_slice %dot_general3A_1830 {offsets = [172, 0], sizes = [1, 256], strides = [1, 1]} : vector<192x256xf32> to vector<1x256xf32>
      %swap3A_2292 = arith.constant 227 : index
      %swap3A_2293 = arith.constant 0 : index
      %swap3A_2294 = vector.load %arg15[%swap3A_2292, %swap3A_2293] : memref<384x256xf32, #tpu.memory_space<vmem>>, vector<1x256xf32>
      tpu.vector_store %arg15[%swap3A_2292, %swap3A_2293], %slice3A_2291 {strides = array<i32>} : memref<384x256xf32, #tpu.memory_space<vmem>>, vector<1x256xf32>,
      %slice3A_2295 = vector.extract_strided_slice %dot_general3A_1830 {offsets = [29, 0], sizes = [1, 256], strides = [1, 1]} : vector<192x256xf32> to vector<1x256xf32>
      %swap3A_2296 = arith.constant 232 : index
      %swap3A_2297 = arith.constant 0 : index
      %swap3A_2298 = vector.load %arg15[%swap3A_2296, %swap3A_2297] : memref<384x256xf32, #tpu.memory_space<vmem>>, vector<1x256xf32>
      tpu.vector_store %arg15[%swap3A_2296, %swap3A_2297], %slice3A_2295 {strides = array<i32>} : memref<384x256xf32, #tpu.memory_space<vmem>>, vector<1x256xf32>,
      %slice3A_2299 = vector.extract_strided_slice %dot_general3A_1830 {offsets = [77, 0], sizes = [1, 256], strides = [1, 1]} : vector<192x256xf32> to vector<1x256xf32>
      %swap3A_2300 = arith.constant 233 : index
      %swap3A_2301 = arith.constant 0 : index
      %swap3A_2302 = vector.load %arg15[%swap3A_2300, %swap3A_2301] : memref<384x256xf32, #tpu.memory_space<vmem>>, vector<1x256xf32>
      tpu.vector_store %arg15[%swap3A_2300, %swap3A_2301], %slice3A_2299 {strides = array<i32>} : memref<384x256xf32, #tpu.memory_space<vmem>>, vector<1x256xf32>,
      %slice3A_2303 = vector.extract_strided_slice %dot_general3A_1830 {offsets = [125, 0], sizes = [1, 256], strides = [1, 1]} : vector<192x256xf32> to vector<1x256xf32>
      %swap3A_2304 = arith.constant 234 : index
      %swap3A_2305 = arith.constant 0 : index
      %swap3A_2306 = vector.load %arg15[%swap3A_2304, %swap3A_2305] : memref<384x256xf32, #tpu.memory_space<vmem>>, vector<1x256xf32>
      tpu.vector_store %arg15[%swap3A_2304, %swap3A_2305], %slice3A_2303 {strides = array<i32>} : memref<384x256xf32, #tpu.memory_space<vmem>>, vector<1x256xf32>,
      %slice3A_2307 = vector.extract_strided_slice %dot_general3A_1830 {offsets = [173, 0], sizes = [1, 256], strides = [1, 1]} : vector<192x256xf32> to vector<1x256xf32>
      %swap3A_2308 = arith.constant 235 : index
      %swap3A_2309 = arith.constant 0 : index
      %swap3A_2310 = vector.load %arg15[%swap3A_2308, %swap3A_2309] : memref<384x256xf32, #tpu.memory_space<vmem>>, vector<1x256xf32>
      tpu.vector_store %arg15[%swap3A_2308, %swap3A_2309], %slice3A_2307 {strides = array<i32>} : memref<384x256xf32, #tpu.memory_space<vmem>>, vector<1x256xf32>,
      %slice3A_2311 = vector.extract_strided_slice %dot_general3A_1830 {offsets = [30, 0], sizes = [1, 256], strides = [1, 1]} : vector<192x256xf32> to vector<1x256xf32>
      %swap3A_2312 = arith.constant 240 : index
      %swap3A_2313 = arith.constant 0 : index
      %swap3A_2314 = vector.load %arg15[%swap3A_2312, %swap3A_2313] : memref<384x256xf32, #tpu.memory_space<vmem>>, vector<1x256xf32>
      tpu.vector_store %arg15[%swap3A_2312, %swap3A_2313], %slice3A_2311 {strides = array<i32>} : memref<384x256xf32, #tpu.memory_space<vmem>>, vector<1x256xf32>,
      %slice3A_2315 = vector.extract_strided_slice %dot_general3A_1830 {offsets = [78, 0], sizes = [1, 256], strides = [1, 1]} : vector<192x256xf32> to vector<1x256xf32>
      %swap3A_2316 = arith.constant 241 : index
      %swap3A_2317 = arith.constant 0 : index
      %swap3A_2318 = vector.load %arg15[%swap3A_2316, %swap3A_2317] : memref<384x256xf32, #tpu.memory_space<vmem>>, vector<1x256xf32>
      tpu.vector_store %arg15[%swap3A_2316, %swap3A_2317], %slice3A_2315 {strides = array<i32>} : memref<384x256xf32, #tpu.memory_space<vmem>>, vector<1x256xf32>,
      %slice3A_2319 = vector.extract_strided_slice %dot_general3A_1830 {offsets = [126, 0], sizes = [1, 256], strides = [1, 1]} : vector<192x256xf32> to vector<1x256xf32>
      %swap3A_2320 = arith.constant 242 : index
      %swap3A_2321 = arith.constant 0 : index
      %swap3A_2322 = vector.load %arg15[%swap3A_2320, %swap3A_2321] : memref<384x256xf32, #tpu.memory_space<vmem>>, vector<1x256xf32>
      tpu.vector_store %arg15[%swap3A_2320, %swap3A_2321], %slice3A_2319 {strides = array<i32>} : memref<384x256xf32, #tpu.memory_space<vmem>>, vector<1x256xf32>,
      %slice3A_2323 = vector.extract_strided_slice %dot_general3A_1830 {offsets = [174, 0], sizes = [1, 256], strides = [1, 1]} : vector<192x256xf32> to vector<1x256xf32>
      %swap3A_2324 = arith.constant 243 : index
      %swap3A_2325 = arith.constant 0 : index
      %swap3A_2326 = vector.load %arg15[%swap3A_2324, %swap3A_2325] : memref<384x256xf32, #tpu.memory_space<vmem>>, vector<1x256xf32>
      tpu.vector_store %arg15[%swap3A_2324, %swap3A_2325], %slice3A_2323 {strides = array<i32>} : memref<384x256xf32, #tpu.memory_space<vmem>>, vector<1x256xf32>,
      %slice3A_2327 = vector.extract_strided_slice %dot_general3A_1830 {offsets = [31, 0], sizes = [1, 256], strides = [1, 1]} : vector<192x256xf32> to vector<1x256xf32>
      %swap3A_2328 = arith.constant 248 : index
      %swap3A_2329 = arith.constant 0 : index
      %swap3A_2330 = vector.load %arg15[%swap3A_2328, %swap3A_2329] : memref<384x256xf32, #tpu.memory_space<vmem>>, vector<1x256xf32>
      tpu.vector_store %arg15[%swap3A_2328, %swap3A_2329], %slice3A_2327 {strides = array<i32>} : memref<384x256xf32, #tpu.memory_space<vmem>>, vector<1x256xf32>,
      %slice3A_2331 = vector.extract_strided_slice %dot_general3A_1830 {offsets = [79, 0], sizes = [1, 256], strides = [1, 1]} : vector<192x256xf32> to vector<1x256xf32>
      %swap3A_2332 = arith.constant 249 : index
      %swap3A_2333 = arith.constant 0 : index
      %swap3A_2334 = vector.load %arg15[%swap3A_2332, %swap3A_2333] : memref<384x256xf32, #tpu.memory_space<vmem>>, vector<1x256xf32>
      tpu.vector_store %arg15[%swap3A_2332, %swap3A_2333], %slice3A_2331 {strides = array<i32>} : memref<384x256xf32, #tpu.memory_space<vmem>>, vector<1x256xf32>,
      %slice3A_2335 = vector.extract_strided_slice %dot_general3A_1830 {offsets = [127, 0], sizes = [1, 256], strides = [1, 1]} : vector<192x256xf32> to vector<1x256xf32>
      %swap3A_2336 = arith.constant 250 : index
      %swap3A_2337 = arith.constant 0 : index
      %swap3A_2338 = vector.load %arg15[%swap3A_2336, %swap3A_2337] : memref<384x256xf32, #tpu.memory_space<vmem>>, vector<1x256xf32>
      tpu.vector_store %arg15[%swap3A_2336, %swap3A_2337], %slice3A_2335 {strides = array<i32>} : memref<384x256xf32, #tpu.memory_space<vmem>>, vector<1x256xf32>,
      %slice3A_2339 = vector.extract_strided_slice %dot_general3A_1830 {offsets = [175, 0], sizes = [1, 256], strides = [1, 1]} : vector<192x256xf32> to vector<1x256xf32>
      %swap3A_2340 = arith.constant 251 : index
      %swap3A_2341 = arith.constant 0 : index
      %swap3A_2342 = vector.load %arg15[%swap3A_2340, %swap3A_2341] : memref<384x256xf32, #tpu.memory_space<vmem>>, vector<1x256xf32>
      tpu.vector_store %arg15[%swap3A_2340, %swap3A_2341], %slice3A_2339 {strides = array<i32>} : memref<384x256xf32, #tpu.memory_space<vmem>>, vector<1x256xf32>,
      %slice3A_2343 = vector.extract_strided_slice %dot_general3A_1830 {offsets = [32, 0], sizes = [1, 256], strides = [1, 1]} : vector<192x256xf32> to vector<1x256xf32>
      %swap3A_2344 = arith.constant 256 : index
      %swap3A_2345 = arith.constant 0 : index
      %swap3A_2346 = vector.load %arg15[%swap3A_2344, %swap3A_2345] : memref<384x256xf32, #tpu.memory_space<vmem>>, vector<1x256xf32>
      tpu.vector_store %arg15[%swap3A_2344, %swap3A_2345], %slice3A_2343 {strides = array<i32>} : memref<384x256xf32, #tpu.memory_space<vmem>>, vector<1x256xf32>,
      %slice3A_2347 = vector.extract_strided_slice %dot_general3A_1830 {offsets = [80, 0], sizes = [1, 256], strides = [1, 1]} : vector<192x256xf32> to vector<1x256xf32>
      %swap3A_2348 = arith.constant 257 : index
      %swap3A_2349 = arith.constant 0 : index
      %swap3A_2350 = vector.load %arg15[%swap3A_2348, %swap3A_2349] : memref<384x256xf32, #tpu.memory_space<vmem>>, vector<1x256xf32>
      tpu.vector_store %arg15[%swap3A_2348, %swap3A_2349], %slice3A_2347 {strides = array<i32>} : memref<384x256xf32, #tpu.memory_space<vmem>>, vector<1x256xf32>,
      %slice3A_2351 = vector.extract_strided_slice %dot_general3A_1830 {offsets = [128, 0], sizes = [1, 256], strides = [1, 1]} : vector<192x256xf32> to vector<1x256xf32>
      %swap3A_2352 = arith.constant 258 : index
      %swap3A_2353 = arith.constant 0 : index
      %swap3A_2354 = vector.load %arg15[%swap3A_2352, %swap3A_2353] : memref<384x256xf32, #tpu.memory_space<vmem>>, vector<1x256xf32>
      tpu.vector_store %arg15[%swap3A_2352, %swap3A_2353], %slice3A_2351 {strides = array<i32>} : memref<384x256xf32, #tpu.memory_space<vmem>>, vector<1x256xf32>,
      %slice3A_2355 = vector.extract_strided_slice %dot_general3A_1830 {offsets = [176, 0], sizes = [1, 256], strides = [1, 1]} : vector<192x256xf32> to vector<1x256xf32>
      %swap3A_2356 = arith.constant 259 : index
      %swap3A_2357 = arith.constant 0 : index
      %swap3A_2358 = vector.load %arg15[%swap3A_2356, %swap3A_2357] : memref<384x256xf32, #tpu.memory_space<vmem>>, vector<1x256xf32>
      tpu.vector_store %arg15[%swap3A_2356, %swap3A_2357], %slice3A_2355 {strides = array<i32>} : memref<384x256xf32, #tpu.memory_space<vmem>>, vector<1x256xf32>,
      %slice3A_2359 = vector.extract_strided_slice %dot_general3A_1830 {offsets = [33, 0], sizes = [1, 256], strides = [1, 1]} : vector<192x256xf32> to vector<1x256xf32>
      %swap3A_2360 = arith.constant 264 : index
      %swap3A_2361 = arith.constant 0 : index
      %swap3A_2362 = vector.load %arg15[%swap3A_2360, %swap3A_2361] : memref<384x256xf32, #tpu.memory_space<vmem>>, vector<1x256xf32>
      tpu.vector_store %arg15[%swap3A_2360, %swap3A_2361], %slice3A_2359 {strides = array<i32>} : memref<384x256xf32, #tpu.memory_space<vmem>>, vector<1x256xf32>,
      %slice3A_2363 = vector.extract_strided_slice %dot_general3A_1830 {offsets = [81, 0], sizes = [1, 256], strides = [1, 1]} : vector<192x256xf32> to vector<1x256xf32>
      %swap3A_2364 = arith.constant 265 : index
      %swap3A_2365 = arith.constant 0 : index
      %swap3A_2366 = vector.load %arg15[%swap3A_2364, %swap3A_2365] : memref<384x256xf32, #tpu.memory_space<vmem>>, vector<1x256xf32>
      tpu.vector_store %arg15[%swap3A_2364, %swap3A_2365], %slice3A_2363 {strides = array<i32>} : memref<384x256xf32, #tpu.memory_space<vmem>>, vector<1x256xf32>,
      %slice3A_2367 = vector.extract_strided_slice %dot_general3A_1830 {offsets = [129, 0], sizes = [1, 256], strides = [1, 1]} : vector<192x256xf32> to vector<1x256xf32>
      %swap3A_2368 = arith.constant 266 : index
      %swap3A_2369 = arith.constant 0 : index
      %swap3A_2370 = vector.load %arg15[%swap3A_2368, %swap3A_2369] : memref<384x256xf32, #tpu.memory_space<vmem>>, vector<1x256xf32>
      tpu.vector_store %arg15[%swap3A_2368, %swap3A_2369], %slice3A_2367 {strides = array<i32>} : memref<384x256xf32, #tpu.memory_space<vmem>>, vector<1x256xf32>,
      %slice3A_2371 = vector.extract_strided_slice %dot_general3A_1830 {offsets = [177, 0], sizes = [1, 256], strides = [1, 1]} : vector<192x256xf32> to vector<1x256xf32>
      %swap3A_2372 = arith.constant 267 : index
      %swap3A_2373 = arith.constant 0 : index
      %swap3A_2374 = vector.load %arg15[%swap3A_2372, %swap3A_2373] : memref<384x256xf32, #tpu.memory_space<vmem>>, vector<1x256xf32>
      tpu.vector_store %arg15[%swap3A_2372, %swap3A_2373], %slice3A_2371 {strides = array<i32>} : memref<384x256xf32, #tpu.memory_space<vmem>>, vector<1x256xf32>,
      %slice3A_2375 = vector.extract_strided_slice %dot_general3A_1830 {offsets = [34, 0], sizes = [1, 256], strides = [1, 1]} : vector<192x256xf32> to vector<1x256xf32>
      %swap3A_2376 = arith.constant 272 : index
      %swap3A_2377 = arith.constant 0 : index
      %swap3A_2378 = vector.load %arg15[%swap3A_2376, %swap3A_2377] : memref<384x256xf32, #tpu.memory_space<vmem>>, vector<1x256xf32>
      tpu.vector_store %arg15[%swap3A_2376, %swap3A_2377], %slice3A_2375 {strides = array<i32>} : memref<384x256xf32, #tpu.memory_space<vmem>>, vector<1x256xf32>,
      %slice3A_2379 = vector.extract_strided_slice %dot_general3A_1830 {offsets = [82, 0], sizes = [1, 256], strides = [1, 1]} : vector<192x256xf32> to vector<1x256xf32>
      %swap3A_2380 = arith.constant 273 : index
      %swap3A_2381 = arith.constant 0 : index
      %swap3A_2382 = vector.load %arg15[%swap3A_2380, %swap3A_2381] : memref<384x256xf32, #tpu.memory_space<vmem>>, vector<1x256xf32>
      tpu.vector_store %arg15[%swap3A_2380, %swap3A_2381], %slice3A_2379 {strides = array<i32>} : memref<384x256xf32, #tpu.memory_space<vmem>>, vector<1x256xf32>,
      %slice3A_2383 = vector.extract_strided_slice %dot_general3A_1830 {offsets = [130, 0], sizes = [1, 256], strides = [1, 1]} : vector<192x256xf32> to vector<1x256xf32>
      %swap3A_2384 = arith.constant 274 : index
      %swap3A_2385 = arith.constant 0 : index
      %swap3A_2386 = vector.load %arg15[%swap3A_2384, %swap3A_2385] : memref<384x256xf32, #tpu.memory_space<vmem>>, vector<1x256xf32>
      tpu.vector_store %arg15[%swap3A_2384, %swap3A_2385], %slice3A_2383 {strides = array<i32>} : memref<384x256xf32, #tpu.memory_space<vmem>>, vector<1x256xf32>,
      %slice3A_2387 = vector.extract_strided_slice %dot_general3A_1830 {offsets = [178, 0], sizes = [1, 256], strides = [1, 1]} : vector<192x256xf32> to vector<1x256xf32>
      %swap3A_2388 = arith.constant 275 : index
      %swap3A_2389 = arith.constant 0 : index
      %swap3A_2390 = vector.load %arg15[%swap3A_2388, %swap3A_2389] : memref<384x256xf32, #tpu.memory_space<vmem>>, vector<1x256xf32>
      tpu.vector_store %arg15[%swap3A_2388, %swap3A_2389], %slice3A_2387 {strides = array<i32>} : memref<384x256xf32, #tpu.memory_space<vmem>>, vector<1x256xf32>,
      %slice3A_2391 = vector.extract_strided_slice %dot_general3A_1830 {offsets = [35, 0], sizes = [1, 256], strides = [1, 1]} : vector<192x256xf32> to vector<1x256xf32>
      %swap3A_2392 = arith.constant 280 : index
      %swap3A_2393 = arith.constant 0 : index
      %swap3A_2394 = vector.load %arg15[%swap3A_2392, %swap3A_2393] : memref<384x256xf32, #tpu.memory_space<vmem>>, vector<1x256xf32>
      tpu.vector_store %arg15[%swap3A_2392, %swap3A_2393], %slice3A_2391 {strides = array<i32>} : memref<384x256xf32, #tpu.memory_space<vmem>>, vector<1x256xf32>,
      %slice3A_2395 = vector.extract_strided_slice %dot_general3A_1830 {offsets = [83, 0], sizes = [1, 256], strides = [1, 1]} : vector<192x256xf32> to vector<1x256xf32>
      %swap3A_2396 = arith.constant 281 : index
      %swap3A_2397 = arith.constant 0 : index
      %swap3A_2398 = vector.load %arg15[%swap3A_2396, %swap3A_2397] : memref<384x256xf32, #tpu.memory_space<vmem>>, vector<1x256xf32>
      tpu.vector_store %arg15[%swap3A_2396, %swap3A_2397], %slice3A_2395 {strides = array<i32>} : memref<384x256xf32, #tpu.memory_space<vmem>>, vector<1x256xf32>,
      %slice3A_2399 = vector.extract_strided_slice %dot_general3A_1830 {offsets = [131, 0], sizes = [1, 256], strides = [1, 1]} : vector<192x256xf32> to vector<1x256xf32>
      %swap3A_2400 = arith.constant 282 : index
      %swap3A_2401 = arith.constant 0 : index
      %swap3A_2402 = vector.load %arg15[%swap3A_2400, %swap3A_2401] : memref<384x256xf32, #tpu.memory_space<vmem>>, vector<1x256xf32>
      tpu.vector_store %arg15[%swap3A_2400, %swap3A_2401], %slice3A_2399 {strides = array<i32>} : memref<384x256xf32, #tpu.memory_space<vmem>>, vector<1x256xf32>,
      %slice3A_2403 = vector.extract_strided_slice %dot_general3A_1830 {offsets = [179, 0], sizes = [1, 256], strides = [1, 1]} : vector<192x256xf32> to vector<1x256xf32>
      %swap3A_2404 = arith.constant 283 : index
      %swap3A_2405 = arith.constant 0 : index
      %swap3A_2406 = vector.load %arg15[%swap3A_2404, %swap3A_2405] : memref<384x256xf32, #tpu.memory_space<vmem>>, vector<1x256xf32>
      tpu.vector_store %arg15[%swap3A_2404, %swap3A_2405], %slice3A_2403 {strides = array<i32>} : memref<384x256xf32, #tpu.memory_space<vmem>>, vector<1x256xf32>,
      %slice3A_2407 = vector.extract_strided_slice %dot_general3A_1830 {offsets = [36, 0], sizes = [1, 256], strides = [1, 1]} : vector<192x256xf32> to vector<1x256xf32>
      %swap3A_2408 = arith.constant 288 : index
      %swap3A_2409 = arith.constant 0 : index
      %swap3A_2410 = vector.load %arg15[%swap3A_2408, %swap3A_2409] : memref<384x256xf32, #tpu.memory_space<vmem>>, vector<1x256xf32>
      tpu.vector_store %arg15[%swap3A_2408, %swap3A_2409], %slice3A_2407 {strides = array<i32>} : memref<384x256xf32, #tpu.memory_space<vmem>>, vector<1x256xf32>,
      %slice3A_2411 = vector.extract_strided_slice %dot_general3A_1830 {offsets = [84, 0], sizes = [1, 256], strides = [1, 1]} : vector<192x256xf32> to vector<1x256xf32>
      %swap3A_2412 = arith.constant 289 : index
      %swap3A_2413 = arith.constant 0 : index
      %swap3A_2414 = vector.load %arg15[%swap3A_2412, %swap3A_2413] : memref<384x256xf32, #tpu.memory_space<vmem>>, vector<1x256xf32>
      tpu.vector_store %arg15[%swap3A_2412, %swap3A_2413], %slice3A_2411 {strides = array<i32>} : memref<384x256xf32, #tpu.memory_space<vmem>>, vector<1x256xf32>,
      %slice3A_2415 = vector.extract_strided_slice %dot_general3A_1830 {offsets = [132, 0], sizes = [1, 256], strides = [1, 1]} : vector<192x256xf32> to vector<1x256xf32>
      %swap3A_2416 = arith.constant 290 : index
      %swap3A_2417 = arith.constant 0 : index
      %swap3A_2418 = vector.load %arg15[%swap3A_2416, %swap3A_2417] : memref<384x256xf32, #tpu.memory_space<vmem>>, vector<1x256xf32>
      tpu.vector_store %arg15[%swap3A_2416, %swap3A_2417], %slice3A_2415 {strides = array<i32>} : memref<384x256xf32, #tpu.memory_space<vmem>>, vector<1x256xf32>,
      %slice3A_2419 = vector.extract_strided_slice %dot_general3A_1830 {offsets = [180, 0], sizes = [1, 256], strides = [1, 1]} : vector<192x256xf32> to vector<1x256xf32>
      %swap3A_2420 = arith.constant 291 : index
      %swap3A_2421 = arith.constant 0 : index
      %swap3A_2422 = vector.load %arg15[%swap3A_2420, %swap3A_2421] : memref<384x256xf32, #tpu.memory_space<vmem>>, vector<1x256xf32>
      tpu.vector_store %arg15[%swap3A_2420, %swap3A_2421], %slice3A_2419 {strides = array<i32>} : memref<384x256xf32, #tpu.memory_space<vmem>>, vector<1x256xf32>,
      %slice3A_2423 = vector.extract_strided_slice %dot_general3A_1830 {offsets = [37, 0], sizes = [1, 256], strides = [1, 1]} : vector<192x256xf32> to vector<1x256xf32>
      %swap3A_2424 = arith.constant 296 : index
      %swap3A_2425 = arith.constant 0 : index
      %swap3A_2426 = vector.load %arg15[%swap3A_2424, %swap3A_2425] : memref<384x256xf32, #tpu.memory_space<vmem>>, vector<1x256xf32>
      tpu.vector_store %arg15[%swap3A_2424, %swap3A_2425], %slice3A_2423 {strides = array<i32>} : memref<384x256xf32, #tpu.memory_space<vmem>>, vector<1x256xf32>,
      %slice3A_2427 = vector.extract_strided_slice %dot_general3A_1830 {offsets = [85, 0], sizes = [1, 256], strides = [1, 1]} : vector<192x256xf32> to vector<1x256xf32>
      %swap3A_2428 = arith.constant 297 : index
      %swap3A_2429 = arith.constant 0 : index
      %swap3A_2430 = vector.load %arg15[%swap3A_2428, %swap3A_2429] : memref<384x256xf32, #tpu.memory_space<vmem>>, vector<1x256xf32>
      tpu.vector_store %arg15[%swap3A_2428, %swap3A_2429], %slice3A_2427 {strides = array<i32>} : memref<384x256xf32, #tpu.memory_space<vmem>>, vector<1x256xf32>,
      %slice3A_2431 = vector.extract_strided_slice %dot_general3A_1830 {offsets = [133, 0], sizes = [1, 256], strides = [1, 1]} : vector<192x256xf32> to vector<1x256xf32>
      %swap3A_2432 = arith.constant 298 : index
      %swap3A_2433 = arith.constant 0 : index
      %swap3A_2434 = vector.load %arg15[%swap3A_2432, %swap3A_2433] : memref<384x256xf32, #tpu.memory_space<vmem>>, vector<1x256xf32>
      tpu.vector_store %arg15[%swap3A_2432, %swap3A_2433], %slice3A_2431 {strides = array<i32>} : memref<384x256xf32, #tpu.memory_space<vmem>>, vector<1x256xf32>,
      %slice3A_2435 = vector.extract_strided_slice %dot_general3A_1830 {offsets = [181, 0], sizes = [1, 256], strides = [1, 1]} : vector<192x256xf32> to vector<1x256xf32>
      %swap3A_2436 = arith.constant 299 : index
      %swap3A_2437 = arith.constant 0 : index
      %swap3A_2438 = vector.load %arg15[%swap3A_2436, %swap3A_2437] : memref<384x256xf32, #tpu.memory_space<vmem>>, vector<1x256xf32>
      tpu.vector_store %arg15[%swap3A_2436, %swap3A_2437], %slice3A_2435 {strides = array<i32>} : memref<384x256xf32, #tpu.memory_space<vmem>>, vector<1x256xf32>,
      %slice3A_2439 = vector.extract_strided_slice %dot_general3A_1830 {offsets = [38, 0], sizes = [1, 256], strides = [1, 1]} : vector<192x256xf32> to vector<1x256xf32>
      %swap3A_2440 = arith.constant 304 : index
      %swap3A_2441 = arith.constant 0 : index
      %swap3A_2442 = vector.load %arg15[%swap3A_2440, %swap3A_2441] : memref<384x256xf32, #tpu.memory_space<vmem>>, vector<1x256xf32>
      tpu.vector_store %arg15[%swap3A_2440, %swap3A_2441], %slice3A_2439 {strides = array<i32>} : memref<384x256xf32, #tpu.memory_space<vmem>>, vector<1x256xf32>,
      %slice3A_2443 = vector.extract_strided_slice %dot_general3A_1830 {offsets = [86, 0], sizes = [1, 256], strides = [1, 1]} : vector<192x256xf32> to vector<1x256xf32>
      %swap3A_2444 = arith.constant 305 : index
      %swap3A_2445 = arith.constant 0 : index
      %swap3A_2446 = vector.load %arg15[%swap3A_2444, %swap3A_2445] : memref<384x256xf32, #tpu.memory_space<vmem>>, vector<1x256xf32>
      tpu.vector_store %arg15[%swap3A_2444, %swap3A_2445], %slice3A_2443 {strides = array<i32>} : memref<384x256xf32, #tpu.memory_space<vmem>>, vector<1x256xf32>,
      %slice3A_2447 = vector.extract_strided_slice %dot_general3A_1830 {offsets = [134, 0], sizes = [1, 256], strides = [1, 1]} : vector<192x256xf32> to vector<1x256xf32>
      %swap3A_2448 = arith.constant 306 : index
      %swap3A_2449 = arith.constant 0 : index
      %swap3A_2450 = vector.load %arg15[%swap3A_2448, %swap3A_2449] : memref<384x256xf32, #tpu.memory_space<vmem>>, vector<1x256xf32>
      tpu.vector_store %arg15[%swap3A_2448, %swap3A_2449], %slice3A_2447 {strides = array<i32>} : memref<384x256xf32, #tpu.memory_space<vmem>>, vector<1x256xf32>,
      %slice3A_2451 = vector.extract_strided_slice %dot_general3A_1830 {offsets = [182, 0], sizes = [1, 256], strides = [1, 1]} : vector<192x256xf32> to vector<1x256xf32>
      %swap3A_2452 = arith.constant 307 : index
      %swap3A_2453 = arith.constant 0 : index
      %swap3A_2454 = vector.load %arg15[%swap3A_2452, %swap3A_2453] : memref<384x256xf32, #tpu.memory_space<vmem>>, vector<1x256xf32>
      tpu.vector_store %arg15[%swap3A_2452, %swap3A_2453], %slice3A_2451 {strides = array<i32>} : memref<384x256xf32, #tpu.memory_space<vmem>>, vector<1x256xf32>,
      %slice3A_2455 = vector.extract_strided_slice %dot_general3A_1830 {offsets = [39, 0], sizes = [1, 256], strides = [1, 1]} : vector<192x256xf32> to vector<1x256xf32>
      %swap3A_2456 = arith.constant 312 : index
      %swap3A_2457 = arith.constant 0 : index
      %swap3A_2458 = vector.load %arg15[%swap3A_2456, %swap3A_2457] : memref<384x256xf32, #tpu.memory_space<vmem>>, vector<1x256xf32>
      tpu.vector_store %arg15[%swap3A_2456, %swap3A_2457], %slice3A_2455 {strides = array<i32>} : memref<384x256xf32, #tpu.memory_space<vmem>>, vector<1x256xf32>,
      %slice3A_2459 = vector.extract_strided_slice %dot_general3A_1830 {offsets = [87, 0], sizes = [1, 256], strides = [1, 1]} : vector<192x256xf32> to vector<1x256xf32>
      %swap3A_2460 = arith.constant 313 : index
      %swap3A_2461 = arith.constant 0 : index
      %swap3A_2462 = vector.load %arg15[%swap3A_2460, %swap3A_2461] : memref<384x256xf32, #tpu.memory_space<vmem>>, vector<1x256xf32>
      tpu.vector_store %arg15[%swap3A_2460, %swap3A_2461], %slice3A_2459 {strides = array<i32>} : memref<384x256xf32, #tpu.memory_space<vmem>>, vector<1x256xf32>,
      %slice3A_2463 = vector.extract_strided_slice %dot_general3A_1830 {offsets = [135, 0], sizes = [1, 256], strides = [1, 1]} : vector<192x256xf32> to vector<1x256xf32>
      %swap3A_2464 = arith.constant 314 : index
      %swap3A_2465 = arith.constant 0 : index
      %swap3A_2466 = vector.load %arg15[%swap3A_2464, %swap3A_2465] : memref<384x256xf32, #tpu.memory_space<vmem>>, vector<1x256xf32>
      tpu.vector_store %arg15[%swap3A_2464, %swap3A_2465], %slice3A_2463 {strides = array<i32>} : memref<384x256xf32, #tpu.memory_space<vmem>>, vector<1x256xf32>,
      %slice3A_2467 = vector.extract_strided_slice %dot_general3A_1830 {offsets = [183, 0], sizes = [1, 256], strides = [1, 1]} : vector<192x256xf32> to vector<1x256xf32>
      %swap3A_2468 = arith.constant 315 : index
      %swap3A_2469 = arith.constant 0 : index
      %swap3A_2470 = vector.load %arg15[%swap3A_2468, %swap3A_2469] : memref<384x256xf32, #tpu.memory_space<vmem>>, vector<1x256xf32>
      tpu.vector_store %arg15[%swap3A_2468, %swap3A_2469], %slice3A_2467 {strides = array<i32>} : memref<384x256xf32, #tpu.memory_space<vmem>>, vector<1x256xf32>,
      %slice3A_2471 = vector.extract_strided_slice %dot_general3A_1830 {offsets = [40, 0], sizes = [1, 256], strides = [1, 1]} : vector<192x256xf32> to vector<1x256xf32>
      %swap3A_2472 = arith.constant 320 : index
      %swap3A_2473 = arith.constant 0 : index
      %swap3A_2474 = vector.load %arg15[%swap3A_2472, %swap3A_2473] : memref<384x256xf32, #tpu.memory_space<vmem>>, vector<1x256xf32>
      tpu.vector_store %arg15[%swap3A_2472, %swap3A_2473], %slice3A_2471 {strides = array<i32>} : memref<384x256xf32, #tpu.memory_space<vmem>>, vector<1x256xf32>,
      %slice3A_2475 = vector.extract_strided_slice %dot_general3A_1830 {offsets = [88, 0], sizes = [1, 256], strides = [1, 1]} : vector<192x256xf32> to vector<1x256xf32>
      %swap3A_2476 = arith.constant 321 : index
      %swap3A_2477 = arith.constant 0 : index
      %swap3A_2478 = vector.load %arg15[%swap3A_2476, %swap3A_2477] : memref<384x256xf32, #tpu.memory_space<vmem>>, vector<1x256xf32>
      tpu.vector_store %arg15[%swap3A_2476, %swap3A_2477], %slice3A_2475 {strides = array<i32>} : memref<384x256xf32, #tpu.memory_space<vmem>>, vector<1x256xf32>,
      %slice3A_2479 = vector.extract_strided_slice %dot_general3A_1830 {offsets = [136, 0], sizes = [1, 256], strides = [1, 1]} : vector<192x256xf32> to vector<1x256xf32>
      %swap3A_2480 = arith.constant 322 : index
      %swap3A_2481 = arith.constant 0 : index
      %swap3A_2482 = vector.load %arg15[%swap3A_2480, %swap3A_2481] : memref<384x256xf32, #tpu.memory_space<vmem>>, vector<1x256xf32>
      tpu.vector_store %arg15[%swap3A_2480, %swap3A_2481], %slice3A_2479 {strides = array<i32>} : memref<384x256xf32, #tpu.memory_space<vmem>>, vector<1x256xf32>,
      %slice3A_2483 = vector.extract_strided_slice %dot_general3A_1830 {offsets = [184, 0], sizes = [1, 256], strides = [1, 1]} : vector<192x256xf32> to vector<1x256xf32>
      %swap3A_2484 = arith.constant 323 : index
      %swap3A_2485 = arith.constant 0 : index
      %swap3A_2486 = vector.load %arg15[%swap3A_2484, %swap3A_2485] : memref<384x256xf32, #tpu.memory_space<vmem>>, vector<1x256xf32>
      tpu.vector_store %arg15[%swap3A_2484, %swap3A_2485], %slice3A_2483 {strides = array<i32>} : memref<384x256xf32, #tpu.memory_space<vmem>>, vector<1x256xf32>,
      %slice3A_2487 = vector.extract_strided_slice %dot_general3A_1830 {offsets = [41, 0], sizes = [1, 256], strides = [1, 1]} : vector<192x256xf32> to vector<1x256xf32>
      %swap3A_2488 = arith.constant 328 : index
      %swap3A_2489 = arith.constant 0 : index
      %swap3A_2490 = vector.load %arg15[%swap3A_2488, %swap3A_2489] : memref<384x256xf32, #tpu.memory_space<vmem>>, vector<1x256xf32>
      tpu.vector_store %arg15[%swap3A_2488, %swap3A_2489], %slice3A_2487 {strides = array<i32>} : memref<384x256xf32, #tpu.memory_space<vmem>>, vector<1x256xf32>,
      %slice3A_2491 = vector.extract_strided_slice %dot_general3A_1830 {offsets = [89, 0], sizes = [1, 256], strides = [1, 1]} : vector<192x256xf32> to vector<1x256xf32>
      %swap3A_2492 = arith.constant 329 : index
      %swap3A_2493 = arith.constant 0 : index
      %swap3A_2494 = vector.load %arg15[%swap3A_2492, %swap3A_2493] : memref<384x256xf32, #tpu.memory_space<vmem>>, vector<1x256xf32>
      tpu.vector_store %arg15[%swap3A_2492, %swap3A_2493], %slice3A_2491 {strides = array<i32>} : memref<384x256xf32, #tpu.memory_space<vmem>>, vector<1x256xf32>,
      %slice3A_2495 = vector.extract_strided_slice %dot_general3A_1830 {offsets = [137, 0], sizes = [1, 256], strides = [1, 1]} : vector<192x256xf32> to vector<1x256xf32>
      %swap3A_2496 = arith.constant 330 : index
      %swap3A_2497 = arith.constant 0 : index
      %swap3A_2498 = vector.load %arg15[%swap3A_2496, %swap3A_2497] : memref<384x256xf32, #tpu.memory_space<vmem>>, vector<1x256xf32>
      tpu.vector_store %arg15[%swap3A_2496, %swap3A_2497], %slice3A_2495 {strides = array<i32>} : memref<384x256xf32, #tpu.memory_space<vmem>>, vector<1x256xf32>,
      %slice3A_2499 = vector.extract_strided_slice %dot_general3A_1830 {offsets = [185, 0], sizes = [1, 256], strides = [1, 1]} : vector<192x256xf32> to vector<1x256xf32>
      %swap3A_2500 = arith.constant 331 : index
      %swap3A_2501 = arith.constant 0 : index
      %swap3A_2502 = vector.load %arg15[%swap3A_2500, %swap3A_2501] : memref<384x256xf32, #tpu.memory_space<vmem>>, vector<1x256xf32>
      tpu.vector_store %arg15[%swap3A_2500, %swap3A_2501], %slice3A_2499 {strides = array<i32>} : memref<384x256xf32, #tpu.memory_space<vmem>>, vector<1x256xf32>,
      %slice3A_2503 = vector.extract_strided_slice %dot_general3A_1830 {offsets = [42, 0], sizes = [1, 256], strides = [1, 1]} : vector<192x256xf32> to vector<1x256xf32>
      %swap3A_2504 = arith.constant 336 : index
      %swap3A_2505 = arith.constant 0 : index
      %swap3A_2506 = vector.load %arg15[%swap3A_2504, %swap3A_2505] : memref<384x256xf32, #tpu.memory_space<vmem>>, vector<1x256xf32>
      tpu.vector_store %arg15[%swap3A_2504, %swap3A_2505], %slice3A_2503 {strides = array<i32>} : memref<384x256xf32, #tpu.memory_space<vmem>>, vector<1x256xf32>,
      %slice3A_2507 = vector.extract_strided_slice %dot_general3A_1830 {offsets = [90, 0], sizes = [1, 256], strides = [1, 1]} : vector<192x256xf32> to vector<1x256xf32>
      %swap3A_2508 = arith.constant 337 : index
      %swap3A_2509 = arith.constant 0 : index
      %swap3A_2510 = vector.load %arg15[%swap3A_2508, %swap3A_2509] : memref<384x256xf32, #tpu.memory_space<vmem>>, vector<1x256xf32>
      tpu.vector_store %arg15[%swap3A_2508, %swap3A_2509], %slice3A_2507 {strides = array<i32>} : memref<384x256xf32, #tpu.memory_space<vmem>>, vector<1x256xf32>,
      %slice3A_2511 = vector.extract_strided_slice %dot_general3A_1830 {offsets = [138, 0], sizes = [1, 256], strides = [1, 1]} : vector<192x256xf32> to vector<1x256xf32>
      %swap3A_2512 = arith.constant 338 : index
      %swap3A_2513 = arith.constant 0 : index
      %swap3A_2514 = vector.load %arg15[%swap3A_2512, %swap3A_2513] : memref<384x256xf32, #tpu.memory_space<vmem>>, vector<1x256xf32>
      tpu.vector_store %arg15[%swap3A_2512, %swap3A_2513], %slice3A_2511 {strides = array<i32>} : memref<384x256xf32, #tpu.memory_space<vmem>>, vector<1x256xf32>,
      %slice3A_2515 = vector.extract_strided_slice %dot_general3A_1830 {offsets = [186, 0], sizes = [1, 256], strides = [1, 1]} : vector<192x256xf32> to vector<1x256xf32>
      %swap3A_2516 = arith.constant 339 : index
      %swap3A_2517 = arith.constant 0 : index
      %swap3A_2518 = vector.load %arg15[%swap3A_2516, %swap3A_2517] : memref<384x256xf32, #tpu.memory_space<vmem>>, vector<1x256xf32>
      tpu.vector_store %arg15[%swap3A_2516, %swap3A_2517], %slice3A_2515 {strides = array<i32>} : memref<384x256xf32, #tpu.memory_space<vmem>>, vector<1x256xf32>,
      %slice3A_2519 = vector.extract_strided_slice %dot_general3A_1830 {offsets = [43, 0], sizes = [1, 256], strides = [1, 1]} : vector<192x256xf32> to vector<1x256xf32>
      %swap3A_2520 = arith.constant 344 : index
      %swap3A_2521 = arith.constant 0 : index
      %swap3A_2522 = vector.load %arg15[%swap3A_2520, %swap3A_2521] : memref<384x256xf32, #tpu.memory_space<vmem>>, vector<1x256xf32>
      tpu.vector_store %arg15[%swap3A_2520, %swap3A_2521], %slice3A_2519 {strides = array<i32>} : memref<384x256xf32, #tpu.memory_space<vmem>>, vector<1x256xf32>,
      %slice3A_2523 = vector.extract_strided_slice %dot_general3A_1830 {offsets = [91, 0], sizes = [1, 256], strides = [1, 1]} : vector<192x256xf32> to vector<1x256xf32>
      %swap3A_2524 = arith.constant 345 : index
      %swap3A_2525 = arith.constant 0 : index
      %swap3A_2526 = vector.load %arg15[%swap3A_2524, %swap3A_2525] : memref<384x256xf32, #tpu.memory_space<vmem>>, vector<1x256xf32>
      tpu.vector_store %arg15[%swap3A_2524, %swap3A_2525], %slice3A_2523 {strides = array<i32>} : memref<384x256xf32, #tpu.memory_space<vmem>>, vector<1x256xf32>,
      %slice3A_2527 = vector.extract_strided_slice %dot_general3A_1830 {offsets = [139, 0], sizes = [1, 256], strides = [1, 1]} : vector<192x256xf32> to vector<1x256xf32>
      %swap3A_2528 = arith.constant 346 : index
      %swap3A_2529 = arith.constant 0 : index
      %swap3A_2530 = vector.load %arg15[%swap3A_2528, %swap3A_2529] : memref<384x256xf32, #tpu.memory_space<vmem>>, vector<1x256xf32>
      tpu.vector_store %arg15[%swap3A_2528, %swap3A_2529], %slice3A_2527 {strides = array<i32>} : memref<384x256xf32, #tpu.memory_space<vmem>>, vector<1x256xf32>,
      %slice3A_2531 = vector.extract_strided_slice %dot_general3A_1830 {offsets = [187, 0], sizes = [1, 256], strides = [1, 1]} : vector<192x256xf32> to vector<1x256xf32>
      %swap3A_2532 = arith.constant 347 : index
      %swap3A_2533 = arith.constant 0 : index
      %swap3A_2534 = vector.load %arg15[%swap3A_2532, %swap3A_2533] : memref<384x256xf32, #tpu.memory_space<vmem>>, vector<1x256xf32>
      tpu.vector_store %arg15[%swap3A_2532, %swap3A_2533], %slice3A_2531 {strides = array<i32>} : memref<384x256xf32, #tpu.memory_space<vmem>>, vector<1x256xf32>,
      %slice3A_2535 = vector.extract_strided_slice %dot_general3A_1830 {offsets = [44, 0], sizes = [1, 256], strides = [1, 1]} : vector<192x256xf32> to vector<1x256xf32>
      %swap3A_2536 = arith.constant 352 : index
      %swap3A_2537 = arith.constant 0 : index
      %swap3A_2538 = vector.load %arg15[%swap3A_2536, %swap3A_2537] : memref<384x256xf32, #tpu.memory_space<vmem>>, vector<1x256xf32>
      tpu.vector_store %arg15[%swap3A_2536, %swap3A_2537], %slice3A_2535 {strides = array<i32>} : memref<384x256xf32, #tpu.memory_space<vmem>>, vector<1x256xf32>,
      %slice3A_2539 = vector.extract_strided_slice %dot_general3A_1830 {offsets = [92, 0], sizes = [1, 256], strides = [1, 1]} : vector<192x256xf32> to vector<1x256xf32>
      %swap3A_2540 = arith.constant 353 : index
      %swap3A_2541 = arith.constant 0 : index
      %swap3A_2542 = vector.load %arg15[%swap3A_2540, %swap3A_2541] : memref<384x256xf32, #tpu.memory_space<vmem>>, vector<1x256xf32>
      tpu.vector_store %arg15[%swap3A_2540, %swap3A_2541], %slice3A_2539 {strides = array<i32>} : memref<384x256xf32, #tpu.memory_space<vmem>>, vector<1x256xf32>,
      %slice3A_2543 = vector.extract_strided_slice %dot_general3A_1830 {offsets = [140, 0], sizes = [1, 256], strides = [1, 1]} : vector<192x256xf32> to vector<1x256xf32>
      %swap3A_2544 = arith.constant 354 : index
      %swap3A_2545 = arith.constant 0 : index
      %swap3A_2546 = vector.load %arg15[%swap3A_2544, %swap3A_2545] : memref<384x256xf32, #tpu.memory_space<vmem>>, vector<1x256xf32>
      tpu.vector_store %arg15[%swap3A_2544, %swap3A_2545], %slice3A_2543 {strides = array<i32>} : memref<384x256xf32, #tpu.memory_space<vmem>>, vector<1x256xf32>,
      %slice3A_2547 = vector.extract_strided_slice %dot_general3A_1830 {offsets = [188, 0], sizes = [1, 256], strides = [1, 1]} : vector<192x256xf32> to vector<1x256xf32>
      %swap3A_2548 = arith.constant 355 : index
      %swap3A_2549 = arith.constant 0 : index
      %swap3A_2550 = vector.load %arg15[%swap3A_2548, %swap3A_2549] : memref<384x256xf32, #tpu.memory_space<vmem>>, vector<1x256xf32>
      tpu.vector_store %arg15[%swap3A_2548, %swap3A_2549], %slice3A_2547 {strides = array<i32>} : memref<384x256xf32, #tpu.memory_space<vmem>>, vector<1x256xf32>,
      %slice3A_2551 = vector.extract_strided_slice %dot_general3A_1830 {offsets = [45, 0], sizes = [1, 256], strides = [1, 1]} : vector<192x256xf32> to vector<1x256xf32>
      %swap3A_2552 = arith.constant 360 : index
      %swap3A_2553 = arith.constant 0 : index
      %swap3A_2554 = vector.load %arg15[%swap3A_2552, %swap3A_2553] : memref<384x256xf32, #tpu.memory_space<vmem>>, vector<1x256xf32>
      tpu.vector_store %arg15[%swap3A_2552, %swap3A_2553], %slice3A_2551 {strides = array<i32>} : memref<384x256xf32, #tpu.memory_space<vmem>>, vector<1x256xf32>,
      %slice3A_2555 = vector.extract_strided_slice %dot_general3A_1830 {offsets = [93, 0], sizes = [1, 256], strides = [1, 1]} : vector<192x256xf32> to vector<1x256xf32>
      %swap3A_2556 = arith.constant 361 : index
      %swap3A_2557 = arith.constant 0 : index
      %swap3A_2558 = vector.load %arg15[%swap3A_2556, %swap3A_2557] : memref<384x256xf32, #tpu.memory_space<vmem>>, vector<1x256xf32>
      tpu.vector_store %arg15[%swap3A_2556, %swap3A_2557], %slice3A_2555 {strides = array<i32>} : memref<384x256xf32, #tpu.memory_space<vmem>>, vector<1x256xf32>,
      %slice3A_2559 = vector.extract_strided_slice %dot_general3A_1830 {offsets = [141, 0], sizes = [1, 256], strides = [1, 1]} : vector<192x256xf32> to vector<1x256xf32>
      %swap3A_2560 = arith.constant 362 : index
      %swap3A_2561 = arith.constant 0 : index
      %swap3A_2562 = vector.load %arg15[%swap3A_2560, %swap3A_2561] : memref<384x256xf32, #tpu.memory_space<vmem>>, vector<1x256xf32>
      tpu.vector_store %arg15[%swap3A_2560, %swap3A_2561], %slice3A_2559 {strides = array<i32>} : memref<384x256xf32, #tpu.memory_space<vmem>>, vector<1x256xf32>,
      %slice3A_2563 = vector.extract_strided_slice %dot_general3A_1830 {offsets = [189, 0], sizes = [1, 256], strides = [1, 1]} : vector<192x256xf32> to vector<1x256xf32>
      %swap3A_2564 = arith.constant 363 : index
      %swap3A_2565 = arith.constant 0 : index
      %swap3A_2566 = vector.load %arg15[%swap3A_2564, %swap3A_2565] : memref<384x256xf32, #tpu.memory_space<vmem>>, vector<1x256xf32>
      tpu.vector_store %arg15[%swap3A_2564, %swap3A_2565], %slice3A_2563 {strides = array<i32>} : memref<384x256xf32, #tpu.memory_space<vmem>>, vector<1x256xf32>,
      %slice3A_2567 = vector.extract_strided_slice %dot_general3A_1830 {offsets = [46, 0], sizes = [1, 256], strides = [1, 1]} : vector<192x256xf32> to vector<1x256xf32>
      %swap3A_2568 = arith.constant 368 : index
      %swap3A_2569 = arith.constant 0 : index
      %swap3A_2570 = vector.load %arg15[%swap3A_2568, %swap3A_2569] : memref<384x256xf32, #tpu.memory_space<vmem>>, vector<1x256xf32>
      tpu.vector_store %arg15[%swap3A_2568, %swap3A_2569], %slice3A_2567 {strides = array<i32>} : memref<384x256xf32, #tpu.memory_space<vmem>>, vector<1x256xf32>,
      %slice3A_2571 = vector.extract_strided_slice %dot_general3A_1830 {offsets = [94, 0], sizes = [1, 256], strides = [1, 1]} : vector<192x256xf32> to vector<1x256xf32>
      %swap3A_2572 = arith.constant 369 : index
      %swap3A_2573 = arith.constant 0 : index
      %swap3A_2574 = vector.load %arg15[%swap3A_2572, %swap3A_2573] : memref<384x256xf32, #tpu.memory_space<vmem>>, vector<1x256xf32>
      tpu.vector_store %arg15[%swap3A_2572, %swap3A_2573], %slice3A_2571 {strides = array<i32>} : memref<384x256xf32, #tpu.memory_space<vmem>>, vector<1x256xf32>,
      %slice3A_2575 = vector.extract_strided_slice %dot_general3A_1830 {offsets = [142, 0], sizes = [1, 256], strides = [1, 1]} : vector<192x256xf32> to vector<1x256xf32>
      %swap3A_2576 = arith.constant 370 : index
      %swap3A_2577 = arith.constant 0 : index
      %swap3A_2578 = vector.load %arg15[%swap3A_2576, %swap3A_2577] : memref<384x256xf32, #tpu.memory_space<vmem>>, vector<1x256xf32>
      tpu.vector_store %arg15[%swap3A_2576, %swap3A_2577], %slice3A_2575 {strides = array<i32>} : memref<384x256xf32, #tpu.memory_space<vmem>>, vector<1x256xf32>,
      %slice3A_2579 = vector.extract_strided_slice %dot_general3A_1830 {offsets = [190, 0], sizes = [1, 256], strides = [1, 1]} : vector<192x256xf32> to vector<1x256xf32>
      %swap3A_2580 = arith.constant 371 : index
      %swap3A_2581 = arith.constant 0 : index
      %swap3A_2582 = vector.load %arg15[%swap3A_2580, %swap3A_2581] : memref<384x256xf32, #tpu.memory_space<vmem>>, vector<1x256xf32>
      tpu.vector_store %arg15[%swap3A_2580, %swap3A_2581], %slice3A_2579 {strides = array<i32>} : memref<384x256xf32, #tpu.memory_space<vmem>>, vector<1x256xf32>,
      %slice3A_2583 = vector.extract_strided_slice %dot_general3A_1830 {offsets = [47, 0], sizes = [1, 256], strides = [1, 1]} : vector<192x256xf32> to vector<1x256xf32>
      %swap3A_2584 = arith.constant 376 : index
      %swap3A_2585 = arith.constant 0 : index
      %swap3A_2586 = vector.load %arg15[%swap3A_2584, %swap3A_2585] : memref<384x256xf32, #tpu.memory_space<vmem>>, vector<1x256xf32>
      tpu.vector_store %arg15[%swap3A_2584, %swap3A_2585], %slice3A_2583 {strides = array<i32>} : memref<384x256xf32, #tpu.memory_space<vmem>>, vector<1x256xf32>,
      %slice3A_2587 = vector.extract_strided_slice %dot_general3A_1830 {offsets = [95, 0], sizes = [1, 256], strides = [1, 1]} : vector<192x256xf32> to vector<1x256xf32>
      %swap3A_2588 = arith.constant 377 : index
      %swap3A_2589 = arith.constant 0 : index
      %swap3A_2590 = vector.load %arg15[%swap3A_2588, %swap3A_2589] : memref<384x256xf32, #tpu.memory_space<vmem>>, vector<1x256xf32>
      tpu.vector_store %arg15[%swap3A_2588, %swap3A_2589], %slice3A_2587 {strides = array<i32>} : memref<384x256xf32, #tpu.memory_space<vmem>>, vector<1x256xf32>,
      %slice3A_2591 = vector.extract_strided_slice %dot_general3A_1830 {offsets = [143, 0], sizes = [1, 256], strides = [1, 1]} : vector<192x256xf32> to vector<1x256xf32>
      %swap3A_2592 = arith.constant 378 : index
      %swap3A_2593 = arith.constant 0 : index
      %swap3A_2594 = vector.load %arg15[%swap3A_2592, %swap3A_2593] : memref<384x256xf32, #tpu.memory_space<vmem>>, vector<1x256xf32>
      tpu.vector_store %arg15[%swap3A_2592, %swap3A_2593], %slice3A_2591 {strides = array<i32>} : memref<384x256xf32, #tpu.memory_space<vmem>>, vector<1x256xf32>,
      %slice3A_2595 = vector.extract_strided_slice %dot_general3A_1830 {offsets = [191, 0], sizes = [1, 256], strides = [1, 1]} : vector<192x256xf32> to vector<1x256xf32>
      %swap3A_2596 = arith.constant 379 : index
      %swap3A_2597 = arith.constant 0 : index
      %swap3A_2598 = vector.load %arg15[%swap3A_2596, %swap3A_2597] : memref<384x256xf32, #tpu.memory_space<vmem>>, vector<1x256xf32>
      tpu.vector_store %arg15[%swap3A_2596, %swap3A_2597], %slice3A_2595 {strides = array<i32>} : memref<384x256xf32, #tpu.memory_space<vmem>>, vector<1x256xf32>,
    } else {
    }
    %iota3A = tpu.iota {dimensions = array<i32: 0>} : vector<192x1xi32>
    %rem3A = arith.constant 48 : i32
    %rem3A_2 = vector.broadcast %rem3A : i32 to vector<192x1xi32>
    %rem3A_3 = arith.remsi %iota3A, %rem3A_2 : vector<192x1xi32>
    %mul3A = arith.constant 8 : i32
    %mul3A_4 = arith.muli %arg0, %mul3A : i32
    %add3A = arith.constant 0 : i32
    %add3A_5 = arith.addi %mul3A_4, %add3A : i32
    %sub3A = arith.constant 1 : i32
    %sub3A_6 = arith.subi %add3A_5, %sub3A : i32
    %sub3A_7 = arith.constant 47 : i32
    %sub3A_8 = arith.subi %sub3A_6, %sub3A_7 : i32
    %max3A = arith.constant 0 : i32
    %max3A_9 = arith.maxsi %sub3A_8, %max3A : i32
    %min3A = arith.constant 47 : i32
    %min3A_10 = arith.minsi %sub3A_6, %min3A : i32
    %get3A = arith.constant 0 : index
    %get3A_11 = arith.constant 0 : index
    %get3A_12 = vector.load %arg11[%get3A, %get3A_11] : memref<192x256xf32, #tpu.memory_space<vmem>>, vector<192x256xf32>
    %eq3A_13 = arith.constant 0 : i32
    %eq3A_14 = vector.broadcast %eq3A_13 : i32 to vector<192x1xi32>
    %eq3A_15 = arith.cmpi eq, %rem3A_3, %eq3A_14 : vector<192x1xi32>
    %broadcast_in_dim3A = arith.constant 0.000000e+00 : f32
    %broadcast_in_dim3A_16 = vector.broadcast %broadcast_in_dim3A : f32 to vector<1x256xf32>
    %slice3A = vector.extract_strided_slice %get3A_12 {offsets = [0, 0], sizes = [191, 256], strides = [1, 1]} : vector<192x256xf32> to vector<191x256xf32>
    %concatenate3A = tpu.concatenate %broadcast_in_dim3A_16, %slice3A in 0 : vector<1x256xf32>, vector<191x256xf32> -> vector<192x256xf32>
    %jit3A = arith.constant 0.000000e+00 : f32
    %broadcast_in_dim3A_17 = vector.shape_cast %eq3A_15 : vector<192x1xi1> to vector<192x1xi1>
    %broadcast_in_dim3A_18 = vector.broadcast %broadcast_in_dim3A_17 : vector<192x1xi1> to vector<192x256xi1>
    %broadcast_in_dim3A_19 = vector.broadcast %jit3A : f32 to vector<192x256xf32>
    %select_n3A = arith.select %broadcast_in_dim3A_18, %broadcast_in_dim3A_19, %concatenate3A : vector<192x256xi1>, vector<192x256xf32>
    %get3A_20 = arith.constant 1 : index
    %get3A_21 = arith.constant 0 : index
    %get3A_22 = arith.constant 0 : index
    %get3A_23 = vector.load %arg5[%get3A_20, %get3A_21, %get3A_22] : memref<2x512x512xf32, #tpu.memory_space<vmem>>, vector<1x256x512xf32>
    %get3A_24 = vector.shape_cast %get3A_23 : vector<1x256x512xf32> to vector<256x512xf32>
    %dot_general3A = arith.constant dense<0.000000e+00> : vector<192x512xf32>
    %dot_general3A_25 = tpu.matmul %select_n3A, %get3A_24, %dot_general3A {dimension_numbers = #tpu.dot_dimension_numbers<[1], [0], [0], [1], [0, 0, 1, 1], [], []>, transpose_lhs_hint = false} : vector<192x256xf32>, vector<256x512xf32>, vector<192x512xf32> -> vector<192x512xf32>
    %get3A_26 = arith.constant 0 : index
    %get3A_27 = arith.constant 0 : index
    %get3A_28 = vector.load %arg12[%get3A_26, %get3A_27] : memref<192x256xf32, #tpu.memory_space<vmem>>, vector<192x256xf32>
    %get3A_29 = arith.constant 1 : index
    %get3A_30 = arith.constant 256 : index
    %get3A_31 = arith.constant 0 : index
    %get3A_32 = vector.load %arg5[%get3A_29, %get3A_30, %get3A_31] : memref<2x512x512xf32, #tpu.memory_space<vmem>>, vector<1x256x512xf32>
    %get3A_33 = vector.shape_cast %get3A_32 : vector<1x256x512xf32> to vector<256x512xf32>
    %dot_general3A_34 = arith.constant dense<0.000000e+00> : vector<192x512xf32>
    %dot_general3A_35 = tpu.matmul %get3A_28, %get3A_33, %dot_general3A_34 {dimension_numbers = #tpu.dot_dimension_numbers<[1], [0], [0], [1], [0, 0, 1, 1], [], []>, transpose_lhs_hint = false} : vector<192x256xf32>, vector<256x512xf32>, vector<192x512xf32> -> vector<192x512xf32>
    %add3A_36 = arith.addf %dot_general3A_25, %dot_general3A_35 : vector<192x512xf32>
    %get3A_37 = arith.constant 0 : index
    %get3A_38 = arith.constant 0 : index
    %get3A_39 = vector.load %arg9[%get3A_37, %get3A_38] : memref<192x256xf32, #tpu.memory_space<vmem>>, vector<192x256xf32>
    %get3A_40 = arith.constant 1 : index
    %get3A_41 = arith.constant 0 : index
    %get3A_42 = arith.constant 0 : index
    %get3A_43 = vector.load %arg3[%get3A_40, %get3A_41, %get3A_42] : memref<2x256x256xf32, #tpu.memory_space<vmem>>, vector<1x256x256xf32>
    %get3A_44 = vector.shape_cast %get3A_43 : vector<1x256x256xf32> to vector<256x256xf32>
    %dot_general3A_45 = arith.constant dense<0.000000e+00> : vector<192x256xf32>
    %dot_general3A_46 = tpu.matmul %get3A_39, %get3A_44, %dot_general3A_45 {dimension_numbers = #tpu.dot_dimension_numbers<[1], [0], [0], [1], [0, 0, 1, 1], [], []>, transpose_lhs_hint = false} : vector<192x256xf32>, vector<256x256xf32>, vector<192x256xf32> -> vector<192x256xf32>
    %slice3A_47 = vector.extract_strided_slice %add3A_36 {offsets = [0, 0], sizes = [192, 256], strides = [1, 1]} : vector<192x512xf32> to vector<192x256xf32>
    %add3A_48 = arith.addf %dot_general3A_46, %slice3A_47 : vector<192x256xf32>
    %get3A_49 = arith.constant 1 : index
    %get3A_50 = arith.constant 0 : index
    %get3A_51 = vector.load %arg6[%get3A_49, %get3A_50] : memref<2x256xf32, #tpu.memory_space<vmem>>, vector<1x256xf32>
    %add3A_52 = vector.broadcast %get3A_51 : vector<1x256xf32> to vector<192x256xf32>
    %add3A_53 = arith.addf %add3A_48, %add3A_52 : vector<192x256xf32>
    %tanh3A = math.tanh %add3A_53 : vector<192x256xf32>
    %get3A_54 = arith.constant 0 : index
    %get3A_55 = arith.constant 0 : index
    %get3A_56 = vector.load %arg10[%get3A_54, %get3A_55] : memref<192x256xf32, #tpu.memory_space<vmem>>, vector<192x256xf32>
    %get3A_57 = arith.constant 1 : index
    %get3A_58 = arith.constant 0 : index
    %get3A_59 = arith.constant 0 : index
    %get3A_60 = vector.load %arg4[%get3A_57, %get3A_58, %get3A_59] : memref<2x256x256xf32, #tpu.memory_space<vmem>>, vector<1x256x256xf32>
    %get3A_61 = vector.shape_cast %get3A_60 : vector<1x256x256xf32> to vector<256x256xf32>
    %dot_general3A_62 = arith.constant dense<0.000000e+00> : vector<192x256xf32>
    %dot_general3A_63 = tpu.matmul %get3A_56, %get3A_61, %dot_general3A_62 {dimension_numbers = #tpu.dot_dimension_numbers<[1], [0], [0], [1], [0, 0, 1, 1], [], []>, transpose_lhs_hint = false} : vector<192x256xf32>, vector<256x256xf32>, vector<192x256xf32> -> vector<192x256xf32>
    %slice3A_64 = vector.extract_strided_slice %add3A_36 {offsets = [0, 256], sizes = [192, 256], strides = [1, 1]} : vector<192x512xf32> to vector<192x256xf32>
    %add3A_65 = arith.addf %dot_general3A_63, %slice3A_64 : vector<192x256xf32>
    %get3A_66 = arith.constant 1 : index
    %get3A_67 = arith.constant 0 : index
    %get3A_68 = vector.load %arg7[%get3A_66, %get3A_67] : memref<2x256xf32, #tpu.memory_space<vmem>>, vector<1x256xf32>
    %add3A_69 = vector.broadcast %get3A_68 : vector<1x256xf32> to vector<192x256xf32>
    %add3A_70 = arith.addf %add3A_65, %add3A_69 : vector<192x256xf32>
    %tanh3A_71 = math.tanh %add3A_70 : vector<192x256xf32>
    %ge3A = vector.broadcast %max3A_9 : i32 to vector<192x1xi32>
    %ge3A_72 = arith.cmpi sge, %rem3A_3, %ge3A : vector<192x1xi32>
    %le3A = vector.broadcast %min3A_10 : i32 to vector<192x1xi32>
    %le3A_73 = arith.cmpi sle, %rem3A_3, %le3A : vector<192x1xi32>
    %and3A = arith.andi %ge3A_72, %le3A_73 : vector<192x1xi1>
    %jit3A_74 = arith.constant 0.000000e+00 : f32
    %broadcast_in_dim3A_75 = vector.shape_cast %and3A : vector<192x1xi1> to vector<192x1xi1>
    %broadcast_in_dim3A_76 = vector.broadcast %broadcast_in_dim3A_75 : vector<192x1xi1> to vector<192x256xi1>
    %broadcast_in_dim3A_77 = vector.broadcast %jit3A_74 : f32 to vector<192x256xf32>
    %select_n3A_78 = arith.select %broadcast_in_dim3A_76, %tanh3A_71, %broadcast_in_dim3A_77 : vector<192x256xi1>, vector<192x256xf32>
    %swap3A = arith.constant 0 : index
    %swap3A_79 = arith.constant 0 : index
    %swap3A_80 = vector.load %arg11[%swap3A, %swap3A_79] : memref<192x256xf32, #tpu.memory_space<vmem>>, vector<192x256xf32>
    tpu.vector_store %arg11[%swap3A, %swap3A_79], %tanh3A {strides = array<i32>} : memref<192x256xf32, #tpu.memory_space<vmem>>, vector<192x256xf32>,
    %swap3A_81 = arith.constant 0 : index
    %swap3A_82 = arith.constant 0 : index
    %swap3A_83 = vector.load %arg12[%swap3A_81, %swap3A_82] : memref<192x256xf32, #tpu.memory_space<vmem>>, vector<192x256xf32>
    tpu.vector_store %arg12[%swap3A_81, %swap3A_82], %select_n3A_78 {strides = array<i32>} : memref<192x256xf32, #tpu.memory_space<vmem>>, vector<192x256xf32>,
    %swap3A_84 = arith.constant 384 : index
    %swap3A_85 = arith.constant 0 : index
    %swap3A_86 = vector.load %arg8[%swap3A_84, %swap3A_85] : memref<6144x256xf32, #tpu.memory_space<vmem>>, vector<192x256xf32>
    tpu.vector_store %arg8[%swap3A_84, %swap3A_85], %tanh3A {strides = array<i32>} : memref<6144x256xf32, #tpu.memory_space<vmem>>, vector<192x256xf32>,
    %swap3A_87 = arith.constant 576 : index
    %swap3A_88 = arith.constant 0 : index
    %swap3A_89 = vector.load %arg8[%swap3A_87, %swap3A_88] : memref<6144x256xf32, #tpu.memory_space<vmem>>, vector<192x256xf32>
    tpu.vector_store %arg8[%swap3A_87, %swap3A_88], %select_n3A_78 {strides = array<i32>} : memref<6144x256xf32, #tpu.memory_space<vmem>>, vector<192x256xf32>,
    %sub3A_90 = arith.constant 47 : i32
    %sub3A_91 = arith.subi %add3A_5, %sub3A_90 : i32
    %max3A_92 = arith.constant 0 : i32
    %max3A_93 = arith.maxsi %sub3A_91, %max3A_92 : i32
    %min3A_94 = arith.constant 47 : i32
    %min3A_95 = arith.minsi %add3A_5, %min3A_94 : i32
    %get3A_96 = arith.constant 0 : index
    %get3A_97 = arith.constant 0 : index
    %get3A_98 = vector.load %arg13[%get3A_96, %get3A_97] : memref<192x256xf32, #tpu.memory_space<vmem>>, vector<192x256xf32>
    %broadcast_in_dim3A_99 = arith.constant 0.000000e+00 : f32
    %broadcast_in_dim3A_100 = vector.broadcast %broadcast_in_dim3A_99 : f32 to vector<1x256xf32>
    %slice3A_101 = vector.extract_strided_slice %get3A_98 {offsets = [0, 0], sizes = [191, 256], strides = [1, 1]} : vector<192x256xf32> to vector<191x256xf32>
    %concatenate3A_102 = tpu.concatenate %broadcast_in_dim3A_100, %slice3A_101 in 0 : vector<1x256xf32>, vector<191x256xf32> -> vector<192x256xf32>
    %swap3A_103 = arith.constant 0 : index
    %swap3A_104 = arith.constant 0 : index
    %swap3A_105 = vector.load %arg13[%swap3A_103, %swap3A_104] : memref<192x256xf32, #tpu.memory_space<vmem>>, vector<192x256xf32>
    tpu.vector_store %arg13[%swap3A_103, %swap3A_104], %concatenate3A_102 {strides = array<i32>} : memref<192x256xf32, #tpu.memory_space<vmem>>, vector<192x256xf32>,
    %min3A_106 = arith.constant 47 : i32
    %min3A_107 = arith.minsi %add3A_5, %min3A_106 : i32
    %mul3A_108 = arith.constant 8 : i32
    %mul3A_109 = arith.muli %min3A_107, %mul3A_108 : i32
    %get3A_110 = arith.index_cast %mul3A_109 : i32 to index
    %get3A_111 = arith.constant 0 : index
    %get3A_112 = vector.load %arg15[%get3A_110, %get3A_111] : memref<384x256xf32, #tpu.memory_space<vmem>>, vector<8x256xf32>
    %lt3A = arith.constant 48 : i32
    %lt3A_113 = arith.cmpi slt, %add3A_5, %lt3A : i32
    %jit3A_114 = arith.constant 0.000000e+00 : f32
    %broadcast_in_dim3A_115 = vector.broadcast %jit3A_114 : f32 to vector<8x256xf32>
    %select_n3A_116 = arith.select %lt3A_113, %get3A_112, %broadcast_in_dim3A_115 : vector<8x256xf32>
    %slice3A_117 = vector.extract_strided_slice %select_n3A_116 {offsets = [0, 0], sizes = [1, 256], strides = [1, 1]} : vector<8x256xf32> to vector<1x256xf32>
    %swap3A_118 = arith.constant 0 : index
    %swap3A_119 = arith.constant 0 : index
    %swap3A_120 = vector.load %arg13[%swap3A_118, %swap3A_119] : memref<192x256xf32, #tpu.memory_space<vmem>>, vector<1x256xf32>
    tpu.vector_store %arg13[%swap3A_118, %swap3A_119], %slice3A_117 {strides = array<i32>} : memref<192x256xf32, #tpu.memory_space<vmem>>, vector<1x256xf32>,
    %slice3A_121 = vector.extract_strided_slice %select_n3A_116 {offsets = [1, 0], sizes = [1, 256], strides = [1, 1]} : vector<8x256xf32> to vector<1x256xf32>
    %swap3A_122 = arith.constant 48 : index
    %swap3A_123 = arith.constant 0 : index
    %swap3A_124 = vector.load %arg13[%swap3A_122, %swap3A_123] : memref<192x256xf32, #tpu.memory_space<vmem>>, vector<1x256xf32>
    tpu.vector_store %arg13[%swap3A_122, %swap3A_123], %slice3A_121 {strides = array<i32>} : memref<192x256xf32, #tpu.memory_space<vmem>>, vector<1x256xf32>,
    %slice3A_125 = vector.extract_strided_slice %select_n3A_116 {offsets = [2, 0], sizes = [1, 256], strides = [1, 1]} : vector<8x256xf32> to vector<1x256xf32>
    %swap3A_126 = arith.constant 96 : index
    %swap3A_127 = arith.constant 0 : index
    %swap3A_128 = vector.load %arg13[%swap3A_126, %swap3A_127] : memref<192x256xf32, #tpu.memory_space<vmem>>, vector<1x256xf32>
    tpu.vector_store %arg13[%swap3A_126, %swap3A_127], %slice3A_125 {strides = array<i32>} : memref<192x256xf32, #tpu.memory_space<vmem>>, vector<1x256xf32>,
    %slice3A_129 = vector.extract_strided_slice %select_n3A_116 {offsets = [3, 0], sizes = [1, 256], strides = [1, 1]} : vector<8x256xf32> to vector<1x256xf32>
    %swap3A_130 = arith.constant 144 : index
    %swap3A_131 = arith.constant 0 : index
    %swap3A_132 = vector.load %arg13[%swap3A_130, %swap3A_131] : memref<192x256xf32, #tpu.memory_space<vmem>>, vector<1x256xf32>
    tpu.vector_store %arg13[%swap3A_130, %swap3A_131], %slice3A_129 {strides = array<i32>} : memref<192x256xf32, #tpu.memory_space<vmem>>, vector<1x256xf32>,
    %get3A_133 = arith.constant 0 : index
    %get3A_134 = arith.constant 0 : index
    %get3A_135 = vector.load %arg9[%get3A_133, %get3A_134] : memref<192x256xf32, #tpu.memory_space<vmem>>, vector<192x256xf32>
    %eq3A_136 = arith.constant 0 : i32
    %eq3A_137 = vector.broadcast %eq3A_136 : i32 to vector<192x1xi32>
    %eq3A_138 = arith.cmpi eq, %rem3A_3, %eq3A_137 : vector<192x1xi32>
    %broadcast_in_dim3A_139 = arith.constant 0.000000e+00 : f32
    %broadcast_in_dim3A_140 = vector.broadcast %broadcast_in_dim3A_139 : f32 to vector<1x256xf32>
    %slice3A_141 = vector.extract_strided_slice %get3A_135 {offsets = [0, 0], sizes = [191, 256], strides = [1, 1]} : vector<192x256xf32> to vector<191x256xf32>
    %concatenate3A_142 = tpu.concatenate %broadcast_in_dim3A_140, %slice3A_141 in 0 : vector<1x256xf32>, vector<191x256xf32> -> vector<192x256xf32>
    %jit3A_143 = arith.constant 0.000000e+00 : f32
    %broadcast_in_dim3A_144 = vector.shape_cast %eq3A_138 : vector<192x1xi1> to vector<192x1xi1>
    %broadcast_in_dim3A_145 = vector.broadcast %broadcast_in_dim3A_144 : vector<192x1xi1> to vector<192x256xi1>
    %broadcast_in_dim3A_146 = vector.broadcast %jit3A_143 : f32 to vector<192x256xf32>
    %select_n3A_147 = arith.select %broadcast_in_dim3A_145, %broadcast_in_dim3A_146, %concatenate3A_142 : vector<192x256xi1>, vector<192x256xf32>
    %get3A_148 = arith.constant 0 : index
    %get3A_149 = arith.constant 0 : index
    %get3A_150 = arith.constant 0 : index
    %get3A_151 = vector.load %arg5[%get3A_148, %get3A_149, %get3A_150] : memref<2x512x512xf32, #tpu.memory_space<vmem>>, vector<1x256x512xf32>
    %get3A_152 = vector.shape_cast %get3A_151 : vector<1x256x512xf32> to vector<256x512xf32>
    %dot_general3A_153 = arith.constant dense<0.000000e+00> : vector<192x512xf32>
    %dot_general3A_154 = tpu.matmul %select_n3A_147, %get3A_152, %dot_general3A_153 {dimension_numbers = #tpu.dot_dimension_numbers<[1], [0], [0], [1], [0, 0, 1, 1], [], []>, transpose_lhs_hint = false} : vector<192x256xf32>, vector<256x512xf32>, vector<192x512xf32> -> vector<192x512xf32>
    %get3A_155 = arith.constant 0 : index
    %get3A_156 = arith.constant 0 : index
    %get3A_157 = vector.load %arg10[%get3A_155, %get3A_156] : memref<192x256xf32, #tpu.memory_space<vmem>>, vector<192x256xf32>
    %get3A_158 = arith.constant 0 : index
    %get3A_159 = arith.constant 256 : index
    %get3A_160 = arith.constant 0 : index
    %get3A_161 = vector.load %arg5[%get3A_158, %get3A_159, %get3A_160] : memref<2x512x512xf32, #tpu.memory_space<vmem>>, vector<1x256x512xf32>
    %get3A_162 = vector.shape_cast %get3A_161 : vector<1x256x512xf32> to vector<256x512xf32>
    %dot_general3A_163 = arith.constant dense<0.000000e+00> : vector<192x512xf32>
    %dot_general3A_164 = tpu.matmul %get3A_157, %get3A_162, %dot_general3A_163 {dimension_numbers = #tpu.dot_dimension_numbers<[1], [0], [0], [1], [0, 0, 1, 1], [], []>, transpose_lhs_hint = false} : vector<192x256xf32>, vector<256x512xf32>, vector<192x512xf32> -> vector<192x512xf32>
    %add3A_165 = arith.addf %dot_general3A_154, %dot_general3A_164 : vector<192x512xf32>
    %get3A_166 = arith.constant 0 : index
    %get3A_167 = arith.constant 0 : index
    %get3A_168 = vector.load %arg14[%get3A_166, %get3A_167] : memref<192x256xf32, #tpu.memory_space<vmem>>, vector<192x256xf32>
    %slice3A_169 = vector.extract_strided_slice %add3A_165 {offsets = [0, 0], sizes = [192, 256], strides = [1, 1]} : vector<192x512xf32> to vector<192x256xf32>
    %add3A_170 = arith.addf %get3A_168, %slice3A_169 : vector<192x256xf32>
    %get3A_171 = arith.constant 0 : index
    %get3A_172 = arith.constant 0 : index
    %get3A_173 = vector.load %arg6[%get3A_171, %get3A_172] : memref<2x256xf32, #tpu.memory_space<vmem>>, vector<1x256xf32>
    %add3A_174 = vector.broadcast %get3A_173 : vector<1x256xf32> to vector<192x256xf32>
    %add3A_175 = arith.addf %add3A_170, %add3A_174 : vector<192x256xf32>
    %tanh3A_176 = math.tanh %add3A_175 : vector<192x256xf32>
    %get3A_177 = arith.constant 0 : index
    %get3A_178 = arith.constant 0 : index
    %get3A_179 = vector.load %arg13[%get3A_177, %get3A_178] : memref<192x256xf32, #tpu.memory_space<vmem>>, vector<192x256xf32>
    %slice3A_180 = vector.extract_strided_slice %add3A_165 {offsets = [0, 256], sizes = [192, 256], strides = [1, 1]} : vector<192x512xf32> to vector<192x256xf32>
    %add3A_181 = arith.addf %get3A_179, %slice3A_180 : vector<192x256xf32>
    %get3A_182 = arith.constant 0 : index
    %get3A_183 = arith.constant 0 : index
    %get3A_184 = vector.load %arg7[%get3A_182, %get3A_183] : memref<2x256xf32, #tpu.memory_space<vmem>>, vector<1x256xf32>
    %add3A_185 = vector.broadcast %get3A_184 : vector<1x256xf32> to vector<192x256xf32>
    %add3A_186 = arith.addf %add3A_181, %add3A_185 : vector<192x256xf32>
    %tanh3A_187 = math.tanh %add3A_186 : vector<192x256xf32>
    %ge3A_188 = vector.broadcast %max3A_93 : i32 to vector<192x1xi32>
    %ge3A_189 = arith.cmpi sge, %rem3A_3, %ge3A_188 : vector<192x1xi32>
    %le3A_190 = vector.broadcast %min3A_95 : i32 to vector<192x1xi32>
    %le3A_191 = arith.cmpi sle, %rem3A_3, %le3A_190 : vector<192x1xi32>
    %and3A_192 = arith.andi %ge3A_189, %le3A_191 : vector<192x1xi1>
    %jit3A_193 = arith.constant 0.000000e+00 : f32
    %broadcast_in_dim3A_194 = vector.shape_cast %and3A_192 : vector<192x1xi1> to vector<192x1xi1>
    %broadcast_in_dim3A_195 = vector.broadcast %broadcast_in_dim3A_194 : vector<192x1xi1> to vector<192x256xi1>
    %broadcast_in_dim3A_196 = vector.broadcast %jit3A_193 : f32 to vector<192x256xf32>
    %select_n3A_197 = arith.select %broadcast_in_dim3A_195, %tanh3A_187, %broadcast_in_dim3A_196 : vector<192x256xi1>, vector<192x256xf32>
    %swap3A_198 = arith.constant 0 : index
    %swap3A_199 = arith.constant 0 : index
    %swap3A_200 = vector.load %arg9[%swap3A_198, %swap3A_199] : memref<192x256xf32, #tpu.memory_space<vmem>>, vector<192x256xf32>
    tpu.vector_store %arg9[%swap3A_198, %swap3A_199], %tanh3A_176 {strides = array<i32>} : memref<192x256xf32, #tpu.memory_space<vmem>>, vector<192x256xf32>,
    %swap3A_201 = arith.constant 0 : index
    %swap3A_202 = arith.constant 0 : index
    %swap3A_203 = vector.load %arg10[%swap3A_201, %swap3A_202] : memref<192x256xf32, #tpu.memory_space<vmem>>, vector<192x256xf32>
    tpu.vector_store %arg10[%swap3A_201, %swap3A_202], %select_n3A_197 {strides = array<i32>} : memref<192x256xf32, #tpu.memory_space<vmem>>, vector<192x256xf32>,
    %swap3A_204 = arith.constant 0 : index
    %swap3A_205 = arith.constant 0 : index
    %swap3A_206 = vector.load %arg8[%swap3A_204, %swap3A_205] : memref<6144x256xf32, #tpu.memory_space<vmem>>, vector<192x256xf32>
    tpu.vector_store %arg8[%swap3A_204, %swap3A_205], %tanh3A_176 {strides = array<i32>} : memref<6144x256xf32, #tpu.memory_space<vmem>>, vector<192x256xf32>,
    %swap3A_207 = arith.constant 192 : index
    %swap3A_208 = arith.constant 0 : index
    %swap3A_209 = vector.load %arg8[%swap3A_207, %swap3A_208] : memref<6144x256xf32, #tpu.memory_space<vmem>>, vector<192x256xf32>
    tpu.vector_store %arg8[%swap3A_207, %swap3A_208], %select_n3A_197 {strides = array<i32>} : memref<6144x256xf32, #tpu.memory_space<vmem>>, vector<192x256xf32>,
    %mul3A_210 = arith.constant 8 : i32
    %mul3A_211 = arith.muli %arg0, %mul3A_210 : i32
    %add3A_212 = arith.constant 1 : i32
    %add3A_213 = arith.addi %mul3A_211, %add3A_212 : i32
    %sub3A_214 = arith.constant 1 : i32
    %sub3A_215 = arith.subi %add3A_213, %sub3A_214 : i32
    %sub3A_216 = arith.constant 47 : i32
    %sub3A_217 = arith.subi %sub3A_215, %sub3A_216 : i32
    %max3A_218 = arith.constant 0 : i32
    %max3A_219 = arith.maxsi %sub3A_217, %max3A_218 : i32
    %min3A_220 = arith.constant 47 : i32
    %min3A_221 = arith.minsi %sub3A_215, %min3A_220 : i32
    %get3A_222 = arith.constant 0 : index
    %get3A_223 = arith.constant 0 : index
    %get3A_224 = vector.load %arg11[%get3A_222, %get3A_223] : memref<192x256xf32, #tpu.memory_space<vmem>>, vector<192x256xf32>
    %eq3A_225 = arith.constant 0 : i32
    %eq3A_226 = vector.broadcast %eq3A_225 : i32 to vector<192x1xi32>
    %eq3A_227 = arith.cmpi eq, %rem3A_3, %eq3A_226 : vector<192x1xi32>
    %broadcast_in_dim3A_228 = arith.constant 0.000000e+00 : f32
    %broadcast_in_dim3A_229 = vector.broadcast %broadcast_in_dim3A_228 : f32 to vector<1x256xf32>
    %slice3A_230 = vector.extract_strided_slice %get3A_224 {offsets = [0, 0], sizes = [191, 256], strides = [1, 1]} : vector<192x256xf32> to vector<191x256xf32>
    %concatenate3A_231 = tpu.concatenate %broadcast_in_dim3A_229, %slice3A_230 in 0 : vector<1x256xf32>, vector<191x256xf32> -> vector<192x256xf32>
    %jit3A_232 = arith.constant 0.000000e+00 : f32
    %broadcast_in_dim3A_233 = vector.shape_cast %eq3A_227 : vector<192x1xi1> to vector<192x1xi1>
    %broadcast_in_dim3A_234 = vector.broadcast %broadcast_in_dim3A_233 : vector<192x1xi1> to vector<192x256xi1>
    %broadcast_in_dim3A_235 = vector.broadcast %jit3A_232 : f32 to vector<192x256xf32>
    %select_n3A_236 = arith.select %broadcast_in_dim3A_234, %broadcast_in_dim3A_235, %concatenate3A_231 : vector<192x256xi1>, vector<192x256xf32>
    %get3A_237 = arith.constant 1 : index
    %get3A_238 = arith.constant 0 : index
    %get3A_239 = arith.constant 0 : index
    %get3A_240 = vector.load %arg5[%get3A_237, %get3A_238, %get3A_239] : memref<2x512x512xf32, #tpu.memory_space<vmem>>, vector<1x256x512xf32>
    %get3A_241 = vector.shape_cast %get3A_240 : vector<1x256x512xf32> to vector<256x512xf32>
    %dot_general3A_242 = arith.constant dense<0.000000e+00> : vector<192x512xf32>
    %dot_general3A_243 = tpu.matmul %select_n3A_236, %get3A_241, %dot_general3A_242 {dimension_numbers = #tpu.dot_dimension_numbers<[1], [0], [0], [1], [0, 0, 1, 1], [], []>, transpose_lhs_hint = false} : vector<192x256xf32>, vector<256x512xf32>, vector<192x512xf32> -> vector<192x512xf32>
    %get3A_244 = arith.constant 0 : index
    %get3A_245 = arith.constant 0 : index
    %get3A_246 = vector.load %arg12[%get3A_244, %get3A_245] : memref<192x256xf32, #tpu.memory_space<vmem>>, vector<192x256xf32>
    %get3A_247 = arith.constant 1 : index
    %get3A_248 = arith.constant 256 : index
    %get3A_249 = arith.constant 0 : index
    %get3A_250 = vector.load %arg5[%get3A_247, %get3A_248, %get3A_249] : memref<2x512x512xf32, #tpu.memory_space<vmem>>, vector<1x256x512xf32>
    %get3A_251 = vector.shape_cast %get3A_250 : vector<1x256x512xf32> to vector<256x512xf32>
    %dot_general3A_252 = arith.constant dense<0.000000e+00> : vector<192x512xf32>
    %dot_general3A_253 = tpu.matmul %get3A_246, %get3A_251, %dot_general3A_252 {dimension_numbers = #tpu.dot_dimension_numbers<[1], [0], [0], [1], [0, 0, 1, 1], [], []>, transpose_lhs_hint = false} : vector<192x256xf32>, vector<256x512xf32>, vector<192x512xf32> -> vector<192x512xf32>
    %add3A_254 = arith.addf %dot_general3A_243, %dot_general3A_253 : vector<192x512xf32>
    %get3A_255 = arith.constant 0 : index
    %get3A_256 = arith.constant 0 : index
    %get3A_257 = vector.load %arg9[%get3A_255, %get3A_256] : memref<192x256xf32, #tpu.memory_space<vmem>>, vector<192x256xf32>
    %get3A_258 = arith.constant 1 : index
    %get3A_259 = arith.constant 0 : index
    %get3A_260 = arith.constant 0 : index
    %get3A_261 = vector.load %arg3[%get3A_258, %get3A_259, %get3A_260] : memref<2x256x256xf32, #tpu.memory_space<vmem>>, vector<1x256x256xf32>
    %get3A_262 = vector.shape_cast %get3A_261 : vector<1x256x256xf32> to vector<256x256xf32>
    %dot_general3A_263 = arith.constant dense<0.000000e+00> : vector<192x256xf32>
    %dot_general3A_264 = tpu.matmul %get3A_257, %get3A_262, %dot_general3A_263 {dimension_numbers = #tpu.dot_dimension_numbers<[1], [0], [0], [1], [0, 0, 1, 1], [], []>, transpose_lhs_hint = false} : vector<192x256xf32>, vector<256x256xf32>, vector<192x256xf32> -> vector<192x256xf32>
    %slice3A_265 = vector.extract_strided_slice %add3A_254 {offsets = [0, 0], sizes = [192, 256], strides = [1, 1]} : vector<192x512xf32> to vector<192x256xf32>
    %add3A_266 = arith.addf %dot_general3A_264, %slice3A_265 : vector<192x256xf32>
    %get3A_267 = arith.constant 1 : index
    %get3A_268 = arith.constant 0 : index
    %get3A_269 = vector.load %arg6[%get3A_267, %get3A_268] : memref<2x256xf32, #tpu.memory_space<vmem>>, vector<1x256xf32>
    %add3A_270 = vector.broadcast %get3A_269 : vector<1x256xf32> to vector<192x256xf32>
    %add3A_271 = arith.addf %add3A_266, %add3A_270 : vector<192x256xf32>
    %tanh3A_272 = math.tanh %add3A_271 : vector<192x256xf32>
    %get3A_273 = arith.constant 0 : index
    %get3A_274 = arith.constant 0 : index
    %get3A_275 = vector.load %arg10[%get3A_273, %get3A_274] : memref<192x256xf32, #tpu.memory_space<vmem>>, vector<192x256xf32>
    %get3A_276 = arith.constant 1 : index
    %get3A_277 = arith.constant 0 : index
    %get3A_278 = arith.constant 0 : index
    %get3A_279 = vector.load %arg4[%get3A_276, %get3A_277, %get3A_278] : memref<2x256x256xf32, #tpu.memory_space<vmem>>, vector<1x256x256xf32>
    %get3A_280 = vector.shape_cast %get3A_279 : vector<1x256x256xf32> to vector<256x256xf32>
    %dot_general3A_281 = arith.constant dense<0.000000e+00> : vector<192x256xf32>
    %dot_general3A_282 = tpu.matmul %get3A_275, %get3A_280, %dot_general3A_281 {dimension_numbers = #tpu.dot_dimension_numbers<[1], [0], [0], [1], [0, 0, 1, 1], [], []>, transpose_lhs_hint = false} : vector<192x256xf32>, vector<256x256xf32>, vector<192x256xf32> -> vector<192x256xf32>
    %slice3A_283 = vector.extract_strided_slice %add3A_254 {offsets = [0, 256], sizes = [192, 256], strides = [1, 1]} : vector<192x512xf32> to vector<192x256xf32>
    %add3A_284 = arith.addf %dot_general3A_282, %slice3A_283 : vector<192x256xf32>
    %get3A_285 = arith.constant 1 : index
    %get3A_286 = arith.constant 0 : index
    %get3A_287 = vector.load %arg7[%get3A_285, %get3A_286] : memref<2x256xf32, #tpu.memory_space<vmem>>, vector<1x256xf32>
    %add3A_288 = vector.broadcast %get3A_287 : vector<1x256xf32> to vector<192x256xf32>
    %add3A_289 = arith.addf %add3A_284, %add3A_288 : vector<192x256xf32>
    %tanh3A_290 = math.tanh %add3A_289 : vector<192x256xf32>
    %ge3A_291 = vector.broadcast %max3A_219 : i32 to vector<192x1xi32>
    %ge3A_292 = arith.cmpi sge, %rem3A_3, %ge3A_291 : vector<192x1xi32>
    %le3A_293 = vector.broadcast %min3A_221 : i32 to vector<192x1xi32>
    %le3A_294 = arith.cmpi sle, %rem3A_3, %le3A_293 : vector<192x1xi32>
    %and3A_295 = arith.andi %ge3A_292, %le3A_294 : vector<192x1xi1>
    %jit3A_296 = arith.constant 0.000000e+00 : f32
    %broadcast_in_dim3A_297 = vector.shape_cast %and3A_295 : vector<192x1xi1> to vector<192x1xi1>
    %broadcast_in_dim3A_298 = vector.broadcast %broadcast_in_dim3A_297 : vector<192x1xi1> to vector<192x256xi1>
    %broadcast_in_dim3A_299 = vector.broadcast %jit3A_296 : f32 to vector<192x256xf32>
    %select_n3A_300 = arith.select %broadcast_in_dim3A_298, %tanh3A_290, %broadcast_in_dim3A_299 : vector<192x256xi1>, vector<192x256xf32>
    %swap3A_301 = arith.constant 0 : index
    %swap3A_302 = arith.constant 0 : index
    %swap3A_303 = vector.load %arg11[%swap3A_301, %swap3A_302] : memref<192x256xf32, #tpu.memory_space<vmem>>, vector<192x256xf32>
    tpu.vector_store %arg11[%swap3A_301, %swap3A_302], %tanh3A_272 {strides = array<i32>} : memref<192x256xf32, #tpu.memory_space<vmem>>, vector<192x256xf32>,
    %swap3A_304 = arith.constant 0 : index
    %swap3A_305 = arith.constant 0 : index
    %swap3A_306 = vector.load %arg12[%swap3A_304, %swap3A_305] : memref<192x256xf32, #tpu.memory_space<vmem>>, vector<192x256xf32>
    tpu.vector_store %arg12[%swap3A_304, %swap3A_305], %select_n3A_300 {strides = array<i32>} : memref<192x256xf32, #tpu.memory_space<vmem>>, vector<192x256xf32>,
    %swap3A_307 = arith.constant 1152 : index
    %swap3A_308 = arith.constant 0 : index
    %swap3A_309 = vector.load %arg8[%swap3A_307, %swap3A_308] : memref<6144x256xf32, #tpu.memory_space<vmem>>, vector<192x256xf32>
    tpu.vector_store %arg8[%swap3A_307, %swap3A_308], %tanh3A_272 {strides = array<i32>} : memref<6144x256xf32, #tpu.memory_space<vmem>>, vector<192x256xf32>,
    %swap3A_310 = arith.constant 1344 : index
    %swap3A_311 = arith.constant 0 : index
    %swap3A_312 = vector.load %arg8[%swap3A_310, %swap3A_311] : memref<6144x256xf32, #tpu.memory_space<vmem>>, vector<192x256xf32>
    tpu.vector_store %arg8[%swap3A_310, %swap3A_311], %select_n3A_300 {strides = array<i32>} : memref<6144x256xf32, #tpu.memory_space<vmem>>, vector<192x256xf32>,
    %sub3A_313 = arith.constant 47 : i32
    %sub3A_314 = arith.subi %add3A_213, %sub3A_313 : i32
    %max3A_315 = arith.constant 0 : i32
    %max3A_316 = arith.maxsi %sub3A_314, %max3A_315 : i32
    %min3A_317 = arith.constant 47 : i32
    %min3A_318 = arith.minsi %add3A_213, %min3A_317 : i32
    %get3A_319 = arith.constant 0 : index
    %get3A_320 = arith.constant 0 : index
    %get3A_321 = vector.load %arg13[%get3A_319, %get3A_320] : memref<192x256xf32, #tpu.memory_space<vmem>>, vector<192x256xf32>
    %broadcast_in_dim3A_322 = arith.constant 0.000000e+00 : f32
    %broadcast_in_dim3A_323 = vector.broadcast %broadcast_in_dim3A_322 : f32 to vector<1x256xf32>
    %slice3A_324 = vector.extract_strided_slice %get3A_321 {offsets = [0, 0], sizes = [191, 256], strides = [1, 1]} : vector<192x256xf32> to vector<191x256xf32>
    %concatenate3A_325 = tpu.concatenate %broadcast_in_dim3A_323, %slice3A_324 in 0 : vector<1x256xf32>, vector<191x256xf32> -> vector<192x256xf32>
    %swap3A_326 = arith.constant 0 : index
    %swap3A_327 = arith.constant 0 : index
    %swap3A_328 = vector.load %arg13[%swap3A_326, %swap3A_327] : memref<192x256xf32, #tpu.memory_space<vmem>>, vector<192x256xf32>
    tpu.vector_store %arg13[%swap3A_326, %swap3A_327], %concatenate3A_325 {strides = array<i32>} : memref<192x256xf32, #tpu.memory_space<vmem>>, vector<192x256xf32>,
    %min3A_329 = arith.constant 47 : i32
    %min3A_330 = arith.minsi %add3A_213, %min3A_329 : i32
    %mul3A_331 = arith.constant 8 : i32
    %mul3A_332 = arith.muli %min3A_330, %mul3A_331 : i32
    %get3A_333 = arith.index_cast %mul3A_332 : i32 to index
    %get3A_334 = arith.constant 0 : index
    %get3A_335 = vector.load %arg15[%get3A_333, %get3A_334] : memref<384x256xf32, #tpu.memory_space<vmem>>, vector<8x256xf32>
    %lt3A_336 = arith.constant 48 : i32
    %lt3A_337 = arith.cmpi slt, %add3A_213, %lt3A_336 : i32
    %jit3A_338 = arith.constant 0.000000e+00 : f32
    %broadcast_in_dim3A_339 = vector.broadcast %jit3A_338 : f32 to vector<8x256xf32>
    %select_n3A_340 = arith.select %lt3A_337, %get3A_335, %broadcast_in_dim3A_339 : vector<8x256xf32>
    %slice3A_341 = vector.extract_strided_slice %select_n3A_340 {offsets = [0, 0], sizes = [1, 256], strides = [1, 1]} : vector<8x256xf32> to vector<1x256xf32>
    %swap3A_342 = arith.constant 0 : index
    %swap3A_343 = arith.constant 0 : index
    %swap3A_344 = vector.load %arg13[%swap3A_342, %swap3A_343] : memref<192x256xf32, #tpu.memory_space<vmem>>, vector<1x256xf32>
    tpu.vector_store %arg13[%swap3A_342, %swap3A_343], %slice3A_341 {strides = array<i32>} : memref<192x256xf32, #tpu.memory_space<vmem>>, vector<1x256xf32>,
    %slice3A_345 = vector.extract_strided_slice %select_n3A_340 {offsets = [1, 0], sizes = [1, 256], strides = [1, 1]} : vector<8x256xf32> to vector<1x256xf32>
    %swap3A_346 = arith.constant 48 : index
    %swap3A_347 = arith.constant 0 : index
    %swap3A_348 = vector.load %arg13[%swap3A_346, %swap3A_347] : memref<192x256xf32, #tpu.memory_space<vmem>>, vector<1x256xf32>
    tpu.vector_store %arg13[%swap3A_346, %swap3A_347], %slice3A_345 {strides = array<i32>} : memref<192x256xf32, #tpu.memory_space<vmem>>, vector<1x256xf32>,
    %slice3A_349 = vector.extract_strided_slice %select_n3A_340 {offsets = [2, 0], sizes = [1, 256], strides = [1, 1]} : vector<8x256xf32> to vector<1x256xf32>
    %swap3A_350 = arith.constant 96 : index
    %swap3A_351 = arith.constant 0 : index
    %swap3A_352 = vector.load %arg13[%swap3A_350, %swap3A_351] : memref<192x256xf32, #tpu.memory_space<vmem>>, vector<1x256xf32>
    tpu.vector_store %arg13[%swap3A_350, %swap3A_351], %slice3A_349 {strides = array<i32>} : memref<192x256xf32, #tpu.memory_space<vmem>>, vector<1x256xf32>,
    %slice3A_353 = vector.extract_strided_slice %select_n3A_340 {offsets = [3, 0], sizes = [1, 256], strides = [1, 1]} : vector<8x256xf32> to vector<1x256xf32>
    %swap3A_354 = arith.constant 144 : index
    %swap3A_355 = arith.constant 0 : index
    %swap3A_356 = vector.load %arg13[%swap3A_354, %swap3A_355] : memref<192x256xf32, #tpu.memory_space<vmem>>, vector<1x256xf32>
    tpu.vector_store %arg13[%swap3A_354, %swap3A_355], %slice3A_353 {strides = array<i32>} : memref<192x256xf32, #tpu.memory_space<vmem>>, vector<1x256xf32>,
    %get3A_357 = arith.constant 0 : index
    %get3A_358 = arith.constant 0 : index
    %get3A_359 = vector.load %arg9[%get3A_357, %get3A_358] : memref<192x256xf32, #tpu.memory_space<vmem>>, vector<192x256xf32>
    %eq3A_360 = arith.constant 0 : i32
    %eq3A_361 = vector.broadcast %eq3A_360 : i32 to vector<192x1xi32>
    %eq3A_362 = arith.cmpi eq, %rem3A_3, %eq3A_361 : vector<192x1xi32>
    %broadcast_in_dim3A_363 = arith.constant 0.000000e+00 : f32
    %broadcast_in_dim3A_364 = vector.broadcast %broadcast_in_dim3A_363 : f32 to vector<1x256xf32>
    %slice3A_365 = vector.extract_strided_slice %get3A_359 {offsets = [0, 0], sizes = [191, 256], strides = [1, 1]} : vector<192x256xf32> to vector<191x256xf32>
    %concatenate3A_366 = tpu.concatenate %broadcast_in_dim3A_364, %slice3A_365 in 0 : vector<1x256xf32>, vector<191x256xf32> -> vector<192x256xf32>
    %jit3A_367 = arith.constant 0.000000e+00 : f32
    %broadcast_in_dim3A_368 = vector.shape_cast %eq3A_362 : vector<192x1xi1> to vector<192x1xi1>
    %broadcast_in_dim3A_369 = vector.broadcast %broadcast_in_dim3A_368 : vector<192x1xi1> to vector<192x256xi1>
    %broadcast_in_dim3A_370 = vector.broadcast %jit3A_367 : f32 to vector<192x256xf32>
    %select_n3A_371 = arith.select %broadcast_in_dim3A_369, %broadcast_in_dim3A_370, %concatenate3A_366 : vector<192x256xi1>, vector<192x256xf32>
    %get3A_372 = arith.constant 0 : index
    %get3A_373 = arith.constant 0 : index
    %get3A_374 = arith.constant 0 : index
    %get3A_375 = vector.load %arg5[%get3A_372, %get3A_373, %get3A_374] : memref<2x512x512xf32, #tpu.memory_space<vmem>>, vector<1x256x512xf32>
    %get3A_376 = vector.shape_cast %get3A_375 : vector<1x256x512xf32> to vector<256x512xf32>
    %dot_general3A_377 = arith.constant dense<0.000000e+00> : vector<192x512xf32>
    %dot_general3A_378 = tpu.matmul %select_n3A_371, %get3A_376, %dot_general3A_377 {dimension_numbers = #tpu.dot_dimension_numbers<[1], [0], [0], [1], [0, 0, 1, 1], [], []>, transpose_lhs_hint = false} : vector<192x256xf32>, vector<256x512xf32>, vector<192x512xf32> -> vector<192x512xf32>
    %get3A_379 = arith.constant 0 : index
    %get3A_380 = arith.constant 0 : index
    %get3A_381 = vector.load %arg10[%get3A_379, %get3A_380] : memref<192x256xf32, #tpu.memory_space<vmem>>, vector<192x256xf32>
    %get3A_382 = arith.constant 0 : index
    %get3A_383 = arith.constant 256 : index
    %get3A_384 = arith.constant 0 : index
    %get3A_385 = vector.load %arg5[%get3A_382, %get3A_383, %get3A_384] : memref<2x512x512xf32, #tpu.memory_space<vmem>>, vector<1x256x512xf32>
    %get3A_386 = vector.shape_cast %get3A_385 : vector<1x256x512xf32> to vector<256x512xf32>
    %dot_general3A_387 = arith.constant dense<0.000000e+00> : vector<192x512xf32>
    %dot_general3A_388 = tpu.matmul %get3A_381, %get3A_386, %dot_general3A_387 {dimension_numbers = #tpu.dot_dimension_numbers<[1], [0], [0], [1], [0, 0, 1, 1], [], []>, transpose_lhs_hint = false} : vector<192x256xf32>, vector<256x512xf32>, vector<192x512xf32> -> vector<192x512xf32>
    %add3A_389 = arith.addf %dot_general3A_378, %dot_general3A_388 : vector<192x512xf32>
    %get3A_390 = arith.constant 0 : index
    %get3A_391 = arith.constant 0 : index
    %get3A_392 = vector.load %arg14[%get3A_390, %get3A_391] : memref<192x256xf32, #tpu.memory_space<vmem>>, vector<192x256xf32>
    %slice3A_393 = vector.extract_strided_slice %add3A_389 {offsets = [0, 0], sizes = [192, 256], strides = [1, 1]} : vector<192x512xf32> to vector<192x256xf32>
    %add3A_394 = arith.addf %get3A_392, %slice3A_393 : vector<192x256xf32>
    %get3A_395 = arith.constant 0 : index
    %get3A_396 = arith.constant 0 : index
    %get3A_397 = vector.load %arg6[%get3A_395, %get3A_396] : memref<2x256xf32, #tpu.memory_space<vmem>>, vector<1x256xf32>
    %add3A_398 = vector.broadcast %get3A_397 : vector<1x256xf32> to vector<192x256xf32>
    %add3A_399 = arith.addf %add3A_394, %add3A_398 : vector<192x256xf32>
    %tanh3A_400 = math.tanh %add3A_399 : vector<192x256xf32>
    %get3A_401 = arith.constant 0 : index
    %get3A_402 = arith.constant 0 : index
    %get3A_403 = vector.load %arg13[%get3A_401, %get3A_402] : memref<192x256xf32, #tpu.memory_space<vmem>>, vector<192x256xf32>
    %slice3A_404 = vector.extract_strided_slice %add3A_389 {offsets = [0, 256], sizes = [192, 256], strides = [1, 1]} : vector<192x512xf32> to vector<192x256xf32>
    %add3A_405 = arith.addf %get3A_403, %slice3A_404 : vector<192x256xf32>
    %get3A_406 = arith.constant 0 : index
    %get3A_407 = arith.constant 0 : index
    %get3A_408 = vector.load %arg7[%get3A_406, %get3A_407] : memref<2x256xf32, #tpu.memory_space<vmem>>, vector<1x256xf32>
    %add3A_409 = vector.broadcast %get3A_408 : vector<1x256xf32> to vector<192x256xf32>
    %add3A_410 = arith.addf %add3A_405, %add3A_409 : vector<192x256xf32>
    %tanh3A_411 = math.tanh %add3A_410 : vector<192x256xf32>
    %ge3A_412 = vector.broadcast %max3A_316 : i32 to vector<192x1xi32>
    %ge3A_413 = arith.cmpi sge, %rem3A_3, %ge3A_412 : vector<192x1xi32>
    %le3A_414 = vector.broadcast %min3A_318 : i32 to vector<192x1xi32>
    %le3A_415 = arith.cmpi sle, %rem3A_3, %le3A_414 : vector<192x1xi32>
    %and3A_416 = arith.andi %ge3A_413, %le3A_415 : vector<192x1xi1>
    %jit3A_417 = arith.constant 0.000000e+00 : f32
    %broadcast_in_dim3A_418 = vector.shape_cast %and3A_416 : vector<192x1xi1> to vector<192x1xi1>
    %broadcast_in_dim3A_419 = vector.broadcast %broadcast_in_dim3A_418 : vector<192x1xi1> to vector<192x256xi1>
    %broadcast_in_dim3A_420 = vector.broadcast %jit3A_417 : f32 to vector<192x256xf32>
    %select_n3A_421 = arith.select %broadcast_in_dim3A_419, %tanh3A_411, %broadcast_in_dim3A_420 : vector<192x256xi1>, vector<192x256xf32>
    %swap3A_422 = arith.constant 0 : index
    %swap3A_423 = arith.constant 0 : index
    %swap3A_424 = vector.load %arg9[%swap3A_422, %swap3A_423] : memref<192x256xf32, #tpu.memory_space<vmem>>, vector<192x256xf32>
    tpu.vector_store %arg9[%swap3A_422, %swap3A_423], %tanh3A_400 {strides = array<i32>} : memref<192x256xf32, #tpu.memory_space<vmem>>, vector<192x256xf32>,
    %swap3A_425 = arith.constant 0 : index
    %swap3A_426 = arith.constant 0 : index
    %swap3A_427 = vector.load %arg10[%swap3A_425, %swap3A_426] : memref<192x256xf32, #tpu.memory_space<vmem>>, vector<192x256xf32>
    tpu.vector_store %arg10[%swap3A_425, %swap3A_426], %select_n3A_421 {strides = array<i32>} : memref<192x256xf32, #tpu.memory_space<vmem>>, vector<192x256xf32>,
    %swap3A_428 = arith.constant 768 : index
    %swap3A_429 = arith.constant 0 : index
    %swap3A_430 = vector.load %arg8[%swap3A_428, %swap3A_429] : memref<6144x256xf32, #tpu.memory_space<vmem>>, vector<192x256xf32>
    tpu.vector_store %arg8[%swap3A_428, %swap3A_429], %tanh3A_400 {strides = array<i32>} : memref<6144x256xf32, #tpu.memory_space<vmem>>, vector<192x256xf32>,
    %swap3A_431 = arith.constant 960 : index
    %swap3A_432 = arith.constant 0 : index
    %swap3A_433 = vector.load %arg8[%swap3A_431, %swap3A_432] : memref<6144x256xf32, #tpu.memory_space<vmem>>, vector<192x256xf32>
    tpu.vector_store %arg8[%swap3A_431, %swap3A_432], %select_n3A_421 {strides = array<i32>} : memref<6144x256xf32, #tpu.memory_space<vmem>>, vector<192x256xf32>,
    %mul3A_434 = arith.constant 8 : i32
    %mul3A_435 = arith.muli %arg0, %mul3A_434 : i32
    %add3A_436 = arith.constant 2 : i32
    %add3A_437 = arith.addi %mul3A_435, %add3A_436 : i32
    %sub3A_438 = arith.constant 1 : i32
    %sub3A_439 = arith.subi %add3A_437, %sub3A_438 : i32
    %sub3A_440 = arith.constant 47 : i32
    %sub3A_441 = arith.subi %sub3A_439, %sub3A_440 : i32
    %max3A_442 = arith.constant 0 : i32
    %max3A_443 = arith.maxsi %sub3A_441, %max3A_442 : i32
    %min3A_444 = arith.constant 47 : i32
    %min3A_445 = arith.minsi %sub3A_439, %min3A_444 : i32
    %get3A_446 = arith.constant 0 : index
    %get3A_447 = arith.constant 0 : index
    %get3A_448 = vector.load %arg11[%get3A_446, %get3A_447] : memref<192x256xf32, #tpu.memory_space<vmem>>, vector<192x256xf32>
    %eq3A_449 = arith.constant 0 : i32
    %eq3A_450 = vector.broadcast %eq3A_449 : i32 to vector<192x1xi32>
    %eq3A_451 = arith.cmpi eq, %rem3A_3, %eq3A_450 : vector<192x1xi32>
    %broadcast_in_dim3A_452 = arith.constant 0.000000e+00 : f32
    %broadcast_in_dim3A_453 = vector.broadcast %broadcast_in_dim3A_452 : f32 to vector<1x256xf32>
    %slice3A_454 = vector.extract_strided_slice %get3A_448 {offsets = [0, 0], sizes = [191, 256], strides = [1, 1]} : vector<192x256xf32> to vector<191x256xf32>
    %concatenate3A_455 = tpu.concatenate %broadcast_in_dim3A_453, %slice3A_454 in 0 : vector<1x256xf32>, vector<191x256xf32> -> vector<192x256xf32>
    %jit3A_456 = arith.constant 0.000000e+00 : f32
    %broadcast_in_dim3A_457 = vector.shape_cast %eq3A_451 : vector<192x1xi1> to vector<192x1xi1>
    %broadcast_in_dim3A_458 = vector.broadcast %broadcast_in_dim3A_457 : vector<192x1xi1> to vector<192x256xi1>
    %broadcast_in_dim3A_459 = vector.broadcast %jit3A_456 : f32 to vector<192x256xf32>
    %select_n3A_460 = arith.select %broadcast_in_dim3A_458, %broadcast_in_dim3A_459, %concatenate3A_455 : vector<192x256xi1>, vector<192x256xf32>
    %get3A_461 = arith.constant 1 : index
    %get3A_462 = arith.constant 0 : index
    %get3A_463 = arith.constant 0 : index
    %get3A_464 = vector.load %arg5[%get3A_461, %get3A_462, %get3A_463] : memref<2x512x512xf32, #tpu.memory_space<vmem>>, vector<1x256x512xf32>
    %get3A_465 = vector.shape_cast %get3A_464 : vector<1x256x512xf32> to vector<256x512xf32>
    %dot_general3A_466 = arith.constant dense<0.000000e+00> : vector<192x512xf32>
    %dot_general3A_467 = tpu.matmul %select_n3A_460, %get3A_465, %dot_general3A_466 {dimension_numbers = #tpu.dot_dimension_numbers<[1], [0], [0], [1], [0, 0, 1, 1], [], []>, transpose_lhs_hint = false} : vector<192x256xf32>, vector<256x512xf32>, vector<192x512xf32> -> vector<192x512xf32>
    %get3A_468 = arith.constant 0 : index
    %get3A_469 = arith.constant 0 : index
    %get3A_470 = vector.load %arg12[%get3A_468, %get3A_469] : memref<192x256xf32, #tpu.memory_space<vmem>>, vector<192x256xf32>
    %get3A_471 = arith.constant 1 : index
    %get3A_472 = arith.constant 256 : index
    %get3A_473 = arith.constant 0 : index
    %get3A_474 = vector.load %arg5[%get3A_471, %get3A_472, %get3A_473] : memref<2x512x512xf32, #tpu.memory_space<vmem>>, vector<1x256x512xf32>
    %get3A_475 = vector.shape_cast %get3A_474 : vector<1x256x512xf32> to vector<256x512xf32>
    %dot_general3A_476 = arith.constant dense<0.000000e+00> : vector<192x512xf32>
    %dot_general3A_477 = tpu.matmul %get3A_470, %get3A_475, %dot_general3A_476 {dimension_numbers = #tpu.dot_dimension_numbers<[1], [0], [0], [1], [0, 0, 1, 1], [], []>, transpose_lhs_hint = false} : vector<192x256xf32>, vector<256x512xf32>, vector<192x512xf32> -> vector<192x512xf32>
    %add3A_478 = arith.addf %dot_general3A_467, %dot_general3A_477 : vector<192x512xf32>
    %get3A_479 = arith.constant 0 : index
    %get3A_480 = arith.constant 0 : index
    %get3A_481 = vector.load %arg9[%get3A_479, %get3A_480] : memref<192x256xf32, #tpu.memory_space<vmem>>, vector<192x256xf32>
    %get3A_482 = arith.constant 1 : index
    %get3A_483 = arith.constant 0 : index
    %get3A_484 = arith.constant 0 : index
    %get3A_485 = vector.load %arg3[%get3A_482, %get3A_483, %get3A_484] : memref<2x256x256xf32, #tpu.memory_space<vmem>>, vector<1x256x256xf32>
    %get3A_486 = vector.shape_cast %get3A_485 : vector<1x256x256xf32> to vector<256x256xf32>
    %dot_general3A_487 = arith.constant dense<0.000000e+00> : vector<192x256xf32>
    %dot_general3A_488 = tpu.matmul %get3A_481, %get3A_486, %dot_general3A_487 {dimension_numbers = #tpu.dot_dimension_numbers<[1], [0], [0], [1], [0, 0, 1, 1], [], []>, transpose_lhs_hint = false} : vector<192x256xf32>, vector<256x256xf32>, vector<192x256xf32> -> vector<192x256xf32>
    %slice3A_489 = vector.extract_strided_slice %add3A_478 {offsets = [0, 0], sizes = [192, 256], strides = [1, 1]} : vector<192x512xf32> to vector<192x256xf32>
    %add3A_490 = arith.addf %dot_general3A_488, %slice3A_489 : vector<192x256xf32>
    %get3A_491 = arith.constant 1 : index
    %get3A_492 = arith.constant 0 : index
    %get3A_493 = vector.load %arg6[%get3A_491, %get3A_492] : memref<2x256xf32, #tpu.memory_space<vmem>>, vector<1x256xf32>
    %add3A_494 = vector.broadcast %get3A_493 : vector<1x256xf32> to vector<192x256xf32>
    %add3A_495 = arith.addf %add3A_490, %add3A_494 : vector<192x256xf32>
    %tanh3A_496 = math.tanh %add3A_495 : vector<192x256xf32>
    %get3A_497 = arith.constant 0 : index
    %get3A_498 = arith.constant 0 : index
    %get3A_499 = vector.load %arg10[%get3A_497, %get3A_498] : memref<192x256xf32, #tpu.memory_space<vmem>>, vector<192x256xf32>
    %get3A_500 = arith.constant 1 : index
    %get3A_501 = arith.constant 0 : index
    %get3A_502 = arith.constant 0 : index
    %get3A_503 = vector.load %arg4[%get3A_500, %get3A_501, %get3A_502] : memref<2x256x256xf32, #tpu.memory_space<vmem>>, vector<1x256x256xf32>
    %get3A_504 = vector.shape_cast %get3A_503 : vector<1x256x256xf32> to vector<256x256xf32>
    %dot_general3A_505 = arith.constant dense<0.000000e+00> : vector<192x256xf32>
    %dot_general3A_506 = tpu.matmul %get3A_499, %get3A_504, %dot_general3A_505 {dimension_numbers = #tpu.dot_dimension_numbers<[1], [0], [0], [1], [0, 0, 1, 1], [], []>, transpose_lhs_hint = false} : vector<192x256xf32>, vector<256x256xf32>, vector<192x256xf32> -> vector<192x256xf32>
    %slice3A_507 = vector.extract_strided_slice %add3A_478 {offsets = [0, 256], sizes = [192, 256], strides = [1, 1]} : vector<192x512xf32> to vector<192x256xf32>
    %add3A_508 = arith.addf %dot_general3A_506, %slice3A_507 : vector<192x256xf32>
    %get3A_509 = arith.constant 1 : index
    %get3A_510 = arith.constant 0 : index
    %get3A_511 = vector.load %arg7[%get3A_509, %get3A_510] : memref<2x256xf32, #tpu.memory_space<vmem>>, vector<1x256xf32>
    %add3A_512 = vector.broadcast %get3A_511 : vector<1x256xf32> to vector<192x256xf32>
    %add3A_513 = arith.addf %add3A_508, %add3A_512 : vector<192x256xf32>
    %tanh3A_514 = math.tanh %add3A_513 : vector<192x256xf32>
    %ge3A_515 = vector.broadcast %max3A_443 : i32 to vector<192x1xi32>
    %ge3A_516 = arith.cmpi sge, %rem3A_3, %ge3A_515 : vector<192x1xi32>
    %le3A_517 = vector.broadcast %min3A_445 : i32 to vector<192x1xi32>
    %le3A_518 = arith.cmpi sle, %rem3A_3, %le3A_517 : vector<192x1xi32>
    %and3A_519 = arith.andi %ge3A_516, %le3A_518 : vector<192x1xi1>
    %jit3A_520 = arith.constant 0.000000e+00 : f32
    %broadcast_in_dim3A_521 = vector.shape_cast %and3A_519 : vector<192x1xi1> to vector<192x1xi1>
    %broadcast_in_dim3A_522 = vector.broadcast %broadcast_in_dim3A_521 : vector<192x1xi1> to vector<192x256xi1>
    %broadcast_in_dim3A_523 = vector.broadcast %jit3A_520 : f32 to vector<192x256xf32>
    %select_n3A_524 = arith.select %broadcast_in_dim3A_522, %tanh3A_514, %broadcast_in_dim3A_523 : vector<192x256xi1>, vector<192x256xf32>
    %swap3A_525 = arith.constant 0 : index
    %swap3A_526 = arith.constant 0 : index
    %swap3A_527 = vector.load %arg11[%swap3A_525, %swap3A_526] : memref<192x256xf32, #tpu.memory_space<vmem>>, vector<192x256xf32>
    tpu.vector_store %arg11[%swap3A_525, %swap3A_526], %tanh3A_496 {strides = array<i32>} : memref<192x256xf32, #tpu.memory_space<vmem>>, vector<192x256xf32>,
    %swap3A_528 = arith.constant 0 : index
    %swap3A_529 = arith.constant 0 : index
    %swap3A_530 = vector.load %arg12[%swap3A_528, %swap3A_529] : memref<192x256xf32, #tpu.memory_space<vmem>>, vector<192x256xf32>
    tpu.vector_store %arg12[%swap3A_528, %swap3A_529], %select_n3A_524 {strides = array<i32>} : memref<192x256xf32, #tpu.memory_space<vmem>>, vector<192x256xf32>,
    %swap3A_531 = arith.constant 1920 : index
    %swap3A_532 = arith.constant 0 : index
    %swap3A_533 = vector.load %arg8[%swap3A_531, %swap3A_532] : memref<6144x256xf32, #tpu.memory_space<vmem>>, vector<192x256xf32>
    tpu.vector_store %arg8[%swap3A_531, %swap3A_532], %tanh3A_496 {strides = array<i32>} : memref<6144x256xf32, #tpu.memory_space<vmem>>, vector<192x256xf32>,
    %swap3A_534 = arith.constant 2112 : index
    %swap3A_535 = arith.constant 0 : index
    %swap3A_536 = vector.load %arg8[%swap3A_534, %swap3A_535] : memref<6144x256xf32, #tpu.memory_space<vmem>>, vector<192x256xf32>
    tpu.vector_store %arg8[%swap3A_534, %swap3A_535], %select_n3A_524 {strides = array<i32>} : memref<6144x256xf32, #tpu.memory_space<vmem>>, vector<192x256xf32>,
    %sub3A_537 = arith.constant 47 : i32
    %sub3A_538 = arith.subi %add3A_437, %sub3A_537 : i32
    %max3A_539 = arith.constant 0 : i32
    %max3A_540 = arith.maxsi %sub3A_538, %max3A_539 : i32
    %min3A_541 = arith.constant 47 : i32
    %min3A_542 = arith.minsi %add3A_437, %min3A_541 : i32
    %get3A_543 = arith.constant 0 : index
    %get3A_544 = arith.constant 0 : index
    %get3A_545 = vector.load %arg13[%get3A_543, %get3A_544] : memref<192x256xf32, #tpu.memory_space<vmem>>, vector<192x256xf32>
    %broadcast_in_dim3A_546 = arith.constant 0.000000e+00 : f32
    %broadcast_in_dim3A_547 = vector.broadcast %broadcast_in_dim3A_546 : f32 to vector<1x256xf32>
    %slice3A_548 = vector.extract_strided_slice %get3A_545 {offsets = [0, 0], sizes = [191, 256], strides = [1, 1]} : vector<192x256xf32> to vector<191x256xf32>
    %concatenate3A_549 = tpu.concatenate %broadcast_in_dim3A_547, %slice3A_548 in 0 : vector<1x256xf32>, vector<191x256xf32> -> vector<192x256xf32>
    %swap3A_550 = arith.constant 0 : index
    %swap3A_551 = arith.constant 0 : index
    %swap3A_552 = vector.load %arg13[%swap3A_550, %swap3A_551] : memref<192x256xf32, #tpu.memory_space<vmem>>, vector<192x256xf32>
    tpu.vector_store %arg13[%swap3A_550, %swap3A_551], %concatenate3A_549 {strides = array<i32>} : memref<192x256xf32, #tpu.memory_space<vmem>>, vector<192x256xf32>,
    %min3A_553 = arith.constant 47 : i32
    %min3A_554 = arith.minsi %add3A_437, %min3A_553 : i32
    %mul3A_555 = arith.constant 8 : i32
    %mul3A_556 = arith.muli %min3A_554, %mul3A_555 : i32
    %get3A_557 = arith.index_cast %mul3A_556 : i32 to index
    %get3A_558 = arith.constant 0 : index
    %get3A_559 = vector.load %arg15[%get3A_557, %get3A_558] : memref<384x256xf32, #tpu.memory_space<vmem>>, vector<8x256xf32>
    %lt3A_560 = arith.constant 48 : i32
    %lt3A_561 = arith.cmpi slt, %add3A_437, %lt3A_560 : i32
    %jit3A_562 = arith.constant 0.000000e+00 : f32
    %broadcast_in_dim3A_563 = vector.broadcast %jit3A_562 : f32 to vector<8x256xf32>
    %select_n3A_564 = arith.select %lt3A_561, %get3A_559, %broadcast_in_dim3A_563 : vector<8x256xf32>
    %slice3A_565 = vector.extract_strided_slice %select_n3A_564 {offsets = [0, 0], sizes = [1, 256], strides = [1, 1]} : vector<8x256xf32> to vector<1x256xf32>
    %swap3A_566 = arith.constant 0 : index
    %swap3A_567 = arith.constant 0 : index
    %swap3A_568 = vector.load %arg13[%swap3A_566, %swap3A_567] : memref<192x256xf32, #tpu.memory_space<vmem>>, vector<1x256xf32>
    tpu.vector_store %arg13[%swap3A_566, %swap3A_567], %slice3A_565 {strides = array<i32>} : memref<192x256xf32, #tpu.memory_space<vmem>>, vector<1x256xf32>,
    %slice3A_569 = vector.extract_strided_slice %select_n3A_564 {offsets = [1, 0], sizes = [1, 256], strides = [1, 1]} : vector<8x256xf32> to vector<1x256xf32>
    %swap3A_570 = arith.constant 48 : index
    %swap3A_571 = arith.constant 0 : index
    %swap3A_572 = vector.load %arg13[%swap3A_570, %swap3A_571] : memref<192x256xf32, #tpu.memory_space<vmem>>, vector<1x256xf32>
    tpu.vector_store %arg13[%swap3A_570, %swap3A_571], %slice3A_569 {strides = array<i32>} : memref<192x256xf32, #tpu.memory_space<vmem>>, vector<1x256xf32>,
    %slice3A_573 = vector.extract_strided_slice %select_n3A_564 {offsets = [2, 0], sizes = [1, 256], strides = [1, 1]} : vector<8x256xf32> to vector<1x256xf32>
    %swap3A_574 = arith.constant 96 : index
    %swap3A_575 = arith.constant 0 : index
    %swap3A_576 = vector.load %arg13[%swap3A_574, %swap3A_575] : memref<192x256xf32, #tpu.memory_space<vmem>>, vector<1x256xf32>
    tpu.vector_store %arg13[%swap3A_574, %swap3A_575], %slice3A_573 {strides = array<i32>} : memref<192x256xf32, #tpu.memory_space<vmem>>, vector<1x256xf32>,
    %slice3A_577 = vector.extract_strided_slice %select_n3A_564 {offsets = [3, 0], sizes = [1, 256], strides = [1, 1]} : vector<8x256xf32> to vector<1x256xf32>
    %swap3A_578 = arith.constant 144 : index
    %swap3A_579 = arith.constant 0 : index
    %swap3A_580 = vector.load %arg13[%swap3A_578, %swap3A_579] : memref<192x256xf32, #tpu.memory_space<vmem>>, vector<1x256xf32>
    tpu.vector_store %arg13[%swap3A_578, %swap3A_579], %slice3A_577 {strides = array<i32>} : memref<192x256xf32, #tpu.memory_space<vmem>>, vector<1x256xf32>,
    %get3A_581 = arith.constant 0 : index
    %get3A_582 = arith.constant 0 : index
    %get3A_583 = vector.load %arg9[%get3A_581, %get3A_582] : memref<192x256xf32, #tpu.memory_space<vmem>>, vector<192x256xf32>
    %eq3A_584 = arith.constant 0 : i32
    %eq3A_585 = vector.broadcast %eq3A_584 : i32 to vector<192x1xi32>
    %eq3A_586 = arith.cmpi eq, %rem3A_3, %eq3A_585 : vector<192x1xi32>
    %broadcast_in_dim3A_587 = arith.constant 0.000000e+00 : f32
    %broadcast_in_dim3A_588 = vector.broadcast %broadcast_in_dim3A_587 : f32 to vector<1x256xf32>
    %slice3A_589 = vector.extract_strided_slice %get3A_583 {offsets = [0, 0], sizes = [191, 256], strides = [1, 1]} : vector<192x256xf32> to vector<191x256xf32>
    %concatenate3A_590 = tpu.concatenate %broadcast_in_dim3A_588, %slice3A_589 in 0 : vector<1x256xf32>, vector<191x256xf32> -> vector<192x256xf32>
    %jit3A_591 = arith.constant 0.000000e+00 : f32
    %broadcast_in_dim3A_592 = vector.shape_cast %eq3A_586 : vector<192x1xi1> to vector<192x1xi1>
    %broadcast_in_dim3A_593 = vector.broadcast %broadcast_in_dim3A_592 : vector<192x1xi1> to vector<192x256xi1>
    %broadcast_in_dim3A_594 = vector.broadcast %jit3A_591 : f32 to vector<192x256xf32>
    %select_n3A_595 = arith.select %broadcast_in_dim3A_593, %broadcast_in_dim3A_594, %concatenate3A_590 : vector<192x256xi1>, vector<192x256xf32>
    %get3A_596 = arith.constant 0 : index
    %get3A_597 = arith.constant 0 : index
    %get3A_598 = arith.constant 0 : index
    %get3A_599 = vector.load %arg5[%get3A_596, %get3A_597, %get3A_598] : memref<2x512x512xf32, #tpu.memory_space<vmem>>, vector<1x256x512xf32>
    %get3A_600 = vector.shape_cast %get3A_599 : vector<1x256x512xf32> to vector<256x512xf32>
    %dot_general3A_601 = arith.constant dense<0.000000e+00> : vector<192x512xf32>
    %dot_general3A_602 = tpu.matmul %select_n3A_595, %get3A_600, %dot_general3A_601 {dimension_numbers = #tpu.dot_dimension_numbers<[1], [0], [0], [1], [0, 0, 1, 1], [], []>, transpose_lhs_hint = false} : vector<192x256xf32>, vector<256x512xf32>, vector<192x512xf32> -> vector<192x512xf32>
    %get3A_603 = arith.constant 0 : index
    %get3A_604 = arith.constant 0 : index
    %get3A_605 = vector.load %arg10[%get3A_603, %get3A_604] : memref<192x256xf32, #tpu.memory_space<vmem>>, vector<192x256xf32>
    %get3A_606 = arith.constant 0 : index
    %get3A_607 = arith.constant 256 : index
    %get3A_608 = arith.constant 0 : index
    %get3A_609 = vector.load %arg5[%get3A_606, %get3A_607, %get3A_608] : memref<2x512x512xf32, #tpu.memory_space<vmem>>, vector<1x256x512xf32>
    %get3A_610 = vector.shape_cast %get3A_609 : vector<1x256x512xf32> to vector<256x512xf32>
    %dot_general3A_611 = arith.constant dense<0.000000e+00> : vector<192x512xf32>
    %dot_general3A_612 = tpu.matmul %get3A_605, %get3A_610, %dot_general3A_611 {dimension_numbers = #tpu.dot_dimension_numbers<[1], [0], [0], [1], [0, 0, 1, 1], [], []>, transpose_lhs_hint = false} : vector<192x256xf32>, vector<256x512xf32>, vector<192x512xf32> -> vector<192x512xf32>
    %add3A_613 = arith.addf %dot_general3A_602, %dot_general3A_612 : vector<192x512xf32>
    %get3A_614 = arith.constant 0 : index
    %get3A_615 = arith.constant 0 : index
    %get3A_616 = vector.load %arg14[%get3A_614, %get3A_615] : memref<192x256xf32, #tpu.memory_space<vmem>>, vector<192x256xf32>
    %slice3A_617 = vector.extract_strided_slice %add3A_613 {offsets = [0, 0], sizes = [192, 256], strides = [1, 1]} : vector<192x512xf32> to vector<192x256xf32>
    %add3A_618 = arith.addf %get3A_616, %slice3A_617 : vector<192x256xf32>
    %get3A_619 = arith.constant 0 : index
    %get3A_620 = arith.constant 0 : index
    %get3A_621 = vector.load %arg6[%get3A_619, %get3A_620] : memref<2x256xf32, #tpu.memory_space<vmem>>, vector<1x256xf32>
    %add3A_622 = vector.broadcast %get3A_621 : vector<1x256xf32> to vector<192x256xf32>
    %add3A_623 = arith.addf %add3A_618, %add3A_622 : vector<192x256xf32>
    %tanh3A_624 = math.tanh %add3A_623 : vector<192x256xf32>
    %get3A_625 = arith.constant 0 : index
    %get3A_626 = arith.constant 0 : index
    %get3A_627 = vector.load %arg13[%get3A_625, %get3A_626] : memref<192x256xf32, #tpu.memory_space<vmem>>, vector<192x256xf32>
    %slice3A_628 = vector.extract_strided_slice %add3A_613 {offsets = [0, 256], sizes = [192, 256], strides = [1, 1]} : vector<192x512xf32> to vector<192x256xf32>
    %add3A_629 = arith.addf %get3A_627, %slice3A_628 : vector<192x256xf32>
    %get3A_630 = arith.constant 0 : index
    %get3A_631 = arith.constant 0 : index
    %get3A_632 = vector.load %arg7[%get3A_630, %get3A_631] : memref<2x256xf32, #tpu.memory_space<vmem>>, vector<1x256xf32>
    %add3A_633 = vector.broadcast %get3A_632 : vector<1x256xf32> to vector<192x256xf32>
    %add3A_634 = arith.addf %add3A_629, %add3A_633 : vector<192x256xf32>
    %tanh3A_635 = math.tanh %add3A_634 : vector<192x256xf32>
    %ge3A_636 = vector.broadcast %max3A_540 : i32 to vector<192x1xi32>
    %ge3A_637 = arith.cmpi sge, %rem3A_3, %ge3A_636 : vector<192x1xi32>
    %le3A_638 = vector.broadcast %min3A_542 : i32 to vector<192x1xi32>
    %le3A_639 = arith.cmpi sle, %rem3A_3, %le3A_638 : vector<192x1xi32>
    %and3A_640 = arith.andi %ge3A_637, %le3A_639 : vector<192x1xi1>
    %jit3A_641 = arith.constant 0.000000e+00 : f32
    %broadcast_in_dim3A_642 = vector.shape_cast %and3A_640 : vector<192x1xi1> to vector<192x1xi1>
    %broadcast_in_dim3A_643 = vector.broadcast %broadcast_in_dim3A_642 : vector<192x1xi1> to vector<192x256xi1>
    %broadcast_in_dim3A_644 = vector.broadcast %jit3A_641 : f32 to vector<192x256xf32>
    %select_n3A_645 = arith.select %broadcast_in_dim3A_643, %tanh3A_635, %broadcast_in_dim3A_644 : vector<192x256xi1>, vector<192x256xf32>
    %swap3A_646 = arith.constant 0 : index
    %swap3A_647 = arith.constant 0 : index
    %swap3A_648 = vector.load %arg9[%swap3A_646, %swap3A_647] : memref<192x256xf32, #tpu.memory_space<vmem>>, vector<192x256xf32>
    tpu.vector_store %arg9[%swap3A_646, %swap3A_647], %tanh3A_624 {strides = array<i32>} : memref<192x256xf32, #tpu.memory_space<vmem>>, vector<192x256xf32>,
    %swap3A_649 = arith.constant 0 : index
    %swap3A_650 = arith.constant 0 : index
    %swap3A_651 = vector.load %arg10[%swap3A_649, %swap3A_650] : memref<192x256xf32, #tpu.memory_space<vmem>>, vector<192x256xf32>
    tpu.vector_store %arg10[%swap3A_649, %swap3A_650], %select_n3A_645 {strides = array<i32>} : memref<192x256xf32, #tpu.memory_space<vmem>>, vector<192x256xf32>,
    %swap3A_652 = arith.constant 1536 : index
    %swap3A_653 = arith.constant 0 : index
    %swap3A_654 = vector.load %arg8[%swap3A_652, %swap3A_653] : memref<6144x256xf32, #tpu.memory_space<vmem>>, vector<192x256xf32>
    tpu.vector_store %arg8[%swap3A_652, %swap3A_653], %tanh3A_624 {strides = array<i32>} : memref<6144x256xf32, #tpu.memory_space<vmem>>, vector<192x256xf32>,
    %swap3A_655 = arith.constant 1728 : index
    %swap3A_656 = arith.constant 0 : index
    %swap3A_657 = vector.load %arg8[%swap3A_655, %swap3A_656] : memref<6144x256xf32, #tpu.memory_space<vmem>>, vector<192x256xf32>
    tpu.vector_store %arg8[%swap3A_655, %swap3A_656], %select_n3A_645 {strides = array<i32>} : memref<6144x256xf32, #tpu.memory_space<vmem>>, vector<192x256xf32>,
    %mul3A_658 = arith.constant 8 : i32
    %mul3A_659 = arith.muli %arg0, %mul3A_658 : i32
    %add3A_660 = arith.constant 3 : i32
    %add3A_661 = arith.addi %mul3A_659, %add3A_660 : i32
    %sub3A_662 = arith.constant 1 : i32
    %sub3A_663 = arith.subi %add3A_661, %sub3A_662 : i32
    %sub3A_664 = arith.constant 47 : i32
    %sub3A_665 = arith.subi %sub3A_663, %sub3A_664 : i32
    %max3A_666 = arith.constant 0 : i32
    %max3A_667 = arith.maxsi %sub3A_665, %max3A_666 : i32
    %min3A_668 = arith.constant 47 : i32
    %min3A_669 = arith.minsi %sub3A_663, %min3A_668 : i32
    %get3A_670 = arith.constant 0 : index
    %get3A_671 = arith.constant 0 : index
    %get3A_672 = vector.load %arg11[%get3A_670, %get3A_671] : memref<192x256xf32, #tpu.memory_space<vmem>>, vector<192x256xf32>
    %eq3A_673 = arith.constant 0 : i32
    %eq3A_674 = vector.broadcast %eq3A_673 : i32 to vector<192x1xi32>
    %eq3A_675 = arith.cmpi eq, %rem3A_3, %eq3A_674 : vector<192x1xi32>
    %broadcast_in_dim3A_676 = arith.constant 0.000000e+00 : f32
    %broadcast_in_dim3A_677 = vector.broadcast %broadcast_in_dim3A_676 : f32 to vector<1x256xf32>
    %slice3A_678 = vector.extract_strided_slice %get3A_672 {offsets = [0, 0], sizes = [191, 256], strides = [1, 1]} : vector<192x256xf32> to vector<191x256xf32>
    %concatenate3A_679 = tpu.concatenate %broadcast_in_dim3A_677, %slice3A_678 in 0 : vector<1x256xf32>, vector<191x256xf32> -> vector<192x256xf32>
    %jit3A_680 = arith.constant 0.000000e+00 : f32
    %broadcast_in_dim3A_681 = vector.shape_cast %eq3A_675 : vector<192x1xi1> to vector<192x1xi1>
    %broadcast_in_dim3A_682 = vector.broadcast %broadcast_in_dim3A_681 : vector<192x1xi1> to vector<192x256xi1>
    %broadcast_in_dim3A_683 = vector.broadcast %jit3A_680 : f32 to vector<192x256xf32>
    %select_n3A_684 = arith.select %broadcast_in_dim3A_682, %broadcast_in_dim3A_683, %concatenate3A_679 : vector<192x256xi1>, vector<192x256xf32>
    %get3A_685 = arith.constant 1 : index
    %get3A_686 = arith.constant 0 : index
    %get3A_687 = arith.constant 0 : index
    %get3A_688 = vector.load %arg5[%get3A_685, %get3A_686, %get3A_687] : memref<2x512x512xf32, #tpu.memory_space<vmem>>, vector<1x256x512xf32>
    %get3A_689 = vector.shape_cast %get3A_688 : vector<1x256x512xf32> to vector<256x512xf32>
    %dot_general3A_690 = arith.constant dense<0.000000e+00> : vector<192x512xf32>
    %dot_general3A_691 = tpu.matmul %select_n3A_684, %get3A_689, %dot_general3A_690 {dimension_numbers = #tpu.dot_dimension_numbers<[1], [0], [0], [1], [0, 0, 1, 1], [], []>, transpose_lhs_hint = false} : vector<192x256xf32>, vector<256x512xf32>, vector<192x512xf32> -> vector<192x512xf32>
    %get3A_692 = arith.constant 0 : index
    %get3A_693 = arith.constant 0 : index
    %get3A_694 = vector.load %arg12[%get3A_692, %get3A_693] : memref<192x256xf32, #tpu.memory_space<vmem>>, vector<192x256xf32>
    %get3A_695 = arith.constant 1 : index
    %get3A_696 = arith.constant 256 : index
    %get3A_697 = arith.constant 0 : index
    %get3A_698 = vector.load %arg5[%get3A_695, %get3A_696, %get3A_697] : memref<2x512x512xf32, #tpu.memory_space<vmem>>, vector<1x256x512xf32>
    %get3A_699 = vector.shape_cast %get3A_698 : vector<1x256x512xf32> to vector<256x512xf32>
    %dot_general3A_700 = arith.constant dense<0.000000e+00> : vector<192x512xf32>
    %dot_general3A_701 = tpu.matmul %get3A_694, %get3A_699, %dot_general3A_700 {dimension_numbers = #tpu.dot_dimension_numbers<[1], [0], [0], [1], [0, 0, 1, 1], [], []>, transpose_lhs_hint = false} : vector<192x256xf32>, vector<256x512xf32>, vector<192x512xf32> -> vector<192x512xf32>
    %add3A_702 = arith.addf %dot_general3A_691, %dot_general3A_701 : vector<192x512xf32>
    %get3A_703 = arith.constant 0 : index
    %get3A_704 = arith.constant 0 : index
    %get3A_705 = vector.load %arg9[%get3A_703, %get3A_704] : memref<192x256xf32, #tpu.memory_space<vmem>>, vector<192x256xf32>
    %get3A_706 = arith.constant 1 : index
    %get3A_707 = arith.constant 0 : index
    %get3A_708 = arith.constant 0 : index
    %get3A_709 = vector.load %arg3[%get3A_706, %get3A_707, %get3A_708] : memref<2x256x256xf32, #tpu.memory_space<vmem>>, vector<1x256x256xf32>
    %get3A_710 = vector.shape_cast %get3A_709 : vector<1x256x256xf32> to vector<256x256xf32>
    %dot_general3A_711 = arith.constant dense<0.000000e+00> : vector<192x256xf32>
    %dot_general3A_712 = tpu.matmul %get3A_705, %get3A_710, %dot_general3A_711 {dimension_numbers = #tpu.dot_dimension_numbers<[1], [0], [0], [1], [0, 0, 1, 1], [], []>, transpose_lhs_hint = false} : vector<192x256xf32>, vector<256x256xf32>, vector<192x256xf32> -> vector<192x256xf32>
    %slice3A_713 = vector.extract_strided_slice %add3A_702 {offsets = [0, 0], sizes = [192, 256], strides = [1, 1]} : vector<192x512xf32> to vector<192x256xf32>
    %add3A_714 = arith.addf %dot_general3A_712, %slice3A_713 : vector<192x256xf32>
    %get3A_715 = arith.constant 1 : index
    %get3A_716 = arith.constant 0 : index
    %get3A_717 = vector.load %arg6[%get3A_715, %get3A_716] : memref<2x256xf32, #tpu.memory_space<vmem>>, vector<1x256xf32>
    %add3A_718 = vector.broadcast %get3A_717 : vector<1x256xf32> to vector<192x256xf32>
    %add3A_719 = arith.addf %add3A_714, %add3A_718 : vector<192x256xf32>
    %tanh3A_720 = math.tanh %add3A_719 : vector<192x256xf32>
    %get3A_721 = arith.constant 0 : index
    %get3A_722 = arith.constant 0 : index
    %get3A_723 = vector.load %arg10[%get3A_721, %get3A_722] : memref<192x256xf32, #tpu.memory_space<vmem>>, vector<192x256xf32>
    %get3A_724 = arith.constant 1 : index
    %get3A_725 = arith.constant 0 : index
    %get3A_726 = arith.constant 0 : index
    %get3A_727 = vector.load %arg4[%get3A_724, %get3A_725, %get3A_726] : memref<2x256x256xf32, #tpu.memory_space<vmem>>, vector<1x256x256xf32>
    %get3A_728 = vector.shape_cast %get3A_727 : vector<1x256x256xf32> to vector<256x256xf32>
    %dot_general3A_729 = arith.constant dense<0.000000e+00> : vector<192x256xf32>
    %dot_general3A_730 = tpu.matmul %get3A_723, %get3A_728, %dot_general3A_729 {dimension_numbers = #tpu.dot_dimension_numbers<[1], [0], [0], [1], [0, 0, 1, 1], [], []>, transpose_lhs_hint = false} : vector<192x256xf32>, vector<256x256xf32>, vector<192x256xf32> -> vector<192x256xf32>
    %slice3A_731 = vector.extract_strided_slice %add3A_702 {offsets = [0, 256], sizes = [192, 256], strides = [1, 1]} : vector<192x512xf32> to vector<192x256xf32>
    %add3A_732 = arith.addf %dot_general3A_730, %slice3A_731 : vector<192x256xf32>
    %get3A_733 = arith.constant 1 : index
    %get3A_734 = arith.constant 0 : index
    %get3A_735 = vector.load %arg7[%get3A_733, %get3A_734] : memref<2x256xf32, #tpu.memory_space<vmem>>, vector<1x256xf32>
    %add3A_736 = vector.broadcast %get3A_735 : vector<1x256xf32> to vector<192x256xf32>
    %add3A_737 = arith.addf %add3A_732, %add3A_736 : vector<192x256xf32>
    %tanh3A_738 = math.tanh %add3A_737 : vector<192x256xf32>
    %ge3A_739 = vector.broadcast %max3A_667 : i32 to vector<192x1xi32>
    %ge3A_740 = arith.cmpi sge, %rem3A_3, %ge3A_739 : vector<192x1xi32>
    %le3A_741 = vector.broadcast %min3A_669 : i32 to vector<192x1xi32>
    %le3A_742 = arith.cmpi sle, %rem3A_3, %le3A_741 : vector<192x1xi32>
    %and3A_743 = arith.andi %ge3A_740, %le3A_742 : vector<192x1xi1>
    %jit3A_744 = arith.constant 0.000000e+00 : f32
    %broadcast_in_dim3A_745 = vector.shape_cast %and3A_743 : vector<192x1xi1> to vector<192x1xi1>
    %broadcast_in_dim3A_746 = vector.broadcast %broadcast_in_dim3A_745 : vector<192x1xi1> to vector<192x256xi1>
    %broadcast_in_dim3A_747 = vector.broadcast %jit3A_744 : f32 to vector<192x256xf32>
    %select_n3A_748 = arith.select %broadcast_in_dim3A_746, %tanh3A_738, %broadcast_in_dim3A_747 : vector<192x256xi1>, vector<192x256xf32>
    %swap3A_749 = arith.constant 0 : index
    %swap3A_750 = arith.constant 0 : index
    %swap3A_751 = vector.load %arg11[%swap3A_749, %swap3A_750] : memref<192x256xf32, #tpu.memory_space<vmem>>, vector<192x256xf32>
    tpu.vector_store %arg11[%swap3A_749, %swap3A_750], %tanh3A_720 {strides = array<i32>} : memref<192x256xf32, #tpu.memory_space<vmem>>, vector<192x256xf32>,
    %swap3A_752 = arith.constant 0 : index
    %swap3A_753 = arith.constant 0 : index
    %swap3A_754 = vector.load %arg12[%swap3A_752, %swap3A_753] : memref<192x256xf32, #tpu.memory_space<vmem>>, vector<192x256xf32>
    tpu.vector_store %arg12[%swap3A_752, %swap3A_753], %select_n3A_748 {strides = array<i32>} : memref<192x256xf32, #tpu.memory_space<vmem>>, vector<192x256xf32>,
    %swap3A_755 = arith.constant 2688 : index
    %swap3A_756 = arith.constant 0 : index
    %swap3A_757 = vector.load %arg8[%swap3A_755, %swap3A_756] : memref<6144x256xf32, #tpu.memory_space<vmem>>, vector<192x256xf32>
    tpu.vector_store %arg8[%swap3A_755, %swap3A_756], %tanh3A_720 {strides = array<i32>} : memref<6144x256xf32, #tpu.memory_space<vmem>>, vector<192x256xf32>,
    %swap3A_758 = arith.constant 2880 : index
    %swap3A_759 = arith.constant 0 : index
    %swap3A_760 = vector.load %arg8[%swap3A_758, %swap3A_759] : memref<6144x256xf32, #tpu.memory_space<vmem>>, vector<192x256xf32>
    tpu.vector_store %arg8[%swap3A_758, %swap3A_759], %select_n3A_748 {strides = array<i32>} : memref<6144x256xf32, #tpu.memory_space<vmem>>, vector<192x256xf32>,
    %sub3A_761 = arith.constant 47 : i32
    %sub3A_762 = arith.subi %add3A_661, %sub3A_761 : i32
    %max3A_763 = arith.constant 0 : i32
    %max3A_764 = arith.maxsi %sub3A_762, %max3A_763 : i32
    %min3A_765 = arith.constant 47 : i32
    %min3A_766 = arith.minsi %add3A_661, %min3A_765 : i32
    %get3A_767 = arith.constant 0 : index
    %get3A_768 = arith.constant 0 : index
    %get3A_769 = vector.load %arg13[%get3A_767, %get3A_768] : memref<192x256xf32, #tpu.memory_space<vmem>>, vector<192x256xf32>
    %broadcast_in_dim3A_770 = arith.constant 0.000000e+00 : f32
    %broadcast_in_dim3A_771 = vector.broadcast %broadcast_in_dim3A_770 : f32 to vector<1x256xf32>
    %slice3A_772 = vector.extract_strided_slice %get3A_769 {offsets = [0, 0], sizes = [191, 256], strides = [1, 1]} : vector<192x256xf32> to vector<191x256xf32>
    %concatenate3A_773 = tpu.concatenate %broadcast_in_dim3A_771, %slice3A_772 in 0 : vector<1x256xf32>, vector<191x256xf32> -> vector<192x256xf32>
    %swap3A_774 = arith.constant 0 : index
    %swap3A_775 = arith.constant 0 : index
    %swap3A_776 = vector.load %arg13[%swap3A_774, %swap3A_775] : memref<192x256xf32, #tpu.memory_space<vmem>>, vector<192x256xf32>
    tpu.vector_store %arg13[%swap3A_774, %swap3A_775], %concatenate3A_773 {strides = array<i32>} : memref<192x256xf32, #tpu.memory_space<vmem>>, vector<192x256xf32>,
    %min3A_777 = arith.constant 47 : i32
    %min3A_778 = arith.minsi %add3A_661, %min3A_777 : i32
    %mul3A_779 = arith.constant 8 : i32
    %mul3A_780 = arith.muli %min3A_778, %mul3A_779 : i32
    %get3A_781 = arith.index_cast %mul3A_780 : i32 to index
    %get3A_782 = arith.constant 0 : index
    %get3A_783 = vector.load %arg15[%get3A_781, %get3A_782] : memref<384x256xf32, #tpu.memory_space<vmem>>, vector<8x256xf32>
    %lt3A_784 = arith.constant 48 : i32
    %lt3A_785 = arith.cmpi slt, %add3A_661, %lt3A_784 : i32
    %jit3A_786 = arith.constant 0.000000e+00 : f32
    %broadcast_in_dim3A_787 = vector.broadcast %jit3A_786 : f32 to vector<8x256xf32>
    %select_n3A_788 = arith.select %lt3A_785, %get3A_783, %broadcast_in_dim3A_787 : vector<8x256xf32>
    %slice3A_789 = vector.extract_strided_slice %select_n3A_788 {offsets = [0, 0], sizes = [1, 256], strides = [1, 1]} : vector<8x256xf32> to vector<1x256xf32>
    %swap3A_790 = arith.constant 0 : index
    %swap3A_791 = arith.constant 0 : index
    %swap3A_792 = vector.load %arg13[%swap3A_790, %swap3A_791] : memref<192x256xf32, #tpu.memory_space<vmem>>, vector<1x256xf32>
    tpu.vector_store %arg13[%swap3A_790, %swap3A_791], %slice3A_789 {strides = array<i32>} : memref<192x256xf32, #tpu.memory_space<vmem>>, vector<1x256xf32>,
    %slice3A_793 = vector.extract_strided_slice %select_n3A_788 {offsets = [1, 0], sizes = [1, 256], strides = [1, 1]} : vector<8x256xf32> to vector<1x256xf32>
    %swap3A_794 = arith.constant 48 : index
    %swap3A_795 = arith.constant 0 : index
    %swap3A_796 = vector.load %arg13[%swap3A_794, %swap3A_795] : memref<192x256xf32, #tpu.memory_space<vmem>>, vector<1x256xf32>
    tpu.vector_store %arg13[%swap3A_794, %swap3A_795], %slice3A_793 {strides = array<i32>} : memref<192x256xf32, #tpu.memory_space<vmem>>, vector<1x256xf32>,
    %slice3A_797 = vector.extract_strided_slice %select_n3A_788 {offsets = [2, 0], sizes = [1, 256], strides = [1, 1]} : vector<8x256xf32> to vector<1x256xf32>
    %swap3A_798 = arith.constant 96 : index
    %swap3A_799 = arith.constant 0 : index
    %swap3A_800 = vector.load %arg13[%swap3A_798, %swap3A_799] : memref<192x256xf32, #tpu.memory_space<vmem>>, vector<1x256xf32>
    tpu.vector_store %arg13[%swap3A_798, %swap3A_799], %slice3A_797 {strides = array<i32>} : memref<192x256xf32, #tpu.memory_space<vmem>>, vector<1x256xf32>,
    %slice3A_801 = vector.extract_strided_slice %select_n3A_788 {offsets = [3, 0], sizes = [1, 256], strides = [1, 1]} : vector<8x256xf32> to vector<1x256xf32>
    %swap3A_802 = arith.constant 144 : index
    %swap3A_803 = arith.constant 0 : index
    %swap3A_804 = vector.load %arg13[%swap3A_802, %swap3A_803] : memref<192x256xf32, #tpu.memory_space<vmem>>, vector<1x256xf32>
    tpu.vector_store %arg13[%swap3A_802, %swap3A_803], %slice3A_801 {strides = array<i32>} : memref<192x256xf32, #tpu.memory_space<vmem>>, vector<1x256xf32>,
    %get3A_805 = arith.constant 0 : index
    %get3A_806 = arith.constant 0 : index
    %get3A_807 = vector.load %arg9[%get3A_805, %get3A_806] : memref<192x256xf32, #tpu.memory_space<vmem>>, vector<192x256xf32>
    %eq3A_808 = arith.constant 0 : i32
    %eq3A_809 = vector.broadcast %eq3A_808 : i32 to vector<192x1xi32>
    %eq3A_810 = arith.cmpi eq, %rem3A_3, %eq3A_809 : vector<192x1xi32>
    %broadcast_in_dim3A_811 = arith.constant 0.000000e+00 : f32
    %broadcast_in_dim3A_812 = vector.broadcast %broadcast_in_dim3A_811 : f32 to vector<1x256xf32>
    %slice3A_813 = vector.extract_strided_slice %get3A_807 {offsets = [0, 0], sizes = [191, 256], strides = [1, 1]} : vector<192x256xf32> to vector<191x256xf32>
    %concatenate3A_814 = tpu.concatenate %broadcast_in_dim3A_812, %slice3A_813 in 0 : vector<1x256xf32>, vector<191x256xf32> -> vector<192x256xf32>
    %jit3A_815 = arith.constant 0.000000e+00 : f32
    %broadcast_in_dim3A_816 = vector.shape_cast %eq3A_810 : vector<192x1xi1> to vector<192x1xi1>
    %broadcast_in_dim3A_817 = vector.broadcast %broadcast_in_dim3A_816 : vector<192x1xi1> to vector<192x256xi1>
    %broadcast_in_dim3A_818 = vector.broadcast %jit3A_815 : f32 to vector<192x256xf32>
    %select_n3A_819 = arith.select %broadcast_in_dim3A_817, %broadcast_in_dim3A_818, %concatenate3A_814 : vector<192x256xi1>, vector<192x256xf32>
    %get3A_820 = arith.constant 0 : index
    %get3A_821 = arith.constant 0 : index
    %get3A_822 = arith.constant 0 : index
    %get3A_823 = vector.load %arg5[%get3A_820, %get3A_821, %get3A_822] : memref<2x512x512xf32, #tpu.memory_space<vmem>>, vector<1x256x512xf32>
    %get3A_824 = vector.shape_cast %get3A_823 : vector<1x256x512xf32> to vector<256x512xf32>
    %dot_general3A_825 = arith.constant dense<0.000000e+00> : vector<192x512xf32>
    %dot_general3A_826 = tpu.matmul %select_n3A_819, %get3A_824, %dot_general3A_825 {dimension_numbers = #tpu.dot_dimension_numbers<[1], [0], [0], [1], [0, 0, 1, 1], [], []>, transpose_lhs_hint = false} : vector<192x256xf32>, vector<256x512xf32>, vector<192x512xf32> -> vector<192x512xf32>
    %get3A_827 = arith.constant 0 : index
    %get3A_828 = arith.constant 0 : index
    %get3A_829 = vector.load %arg10[%get3A_827, %get3A_828] : memref<192x256xf32, #tpu.memory_space<vmem>>, vector<192x256xf32>
    %get3A_830 = arith.constant 0 : index
    %get3A_831 = arith.constant 256 : index
    %get3A_832 = arith.constant 0 : index
    %get3A_833 = vector.load %arg5[%get3A_830, %get3A_831, %get3A_832] : memref<2x512x512xf32, #tpu.memory_space<vmem>>, vector<1x256x512xf32>
    %get3A_834 = vector.shape_cast %get3A_833 : vector<1x256x512xf32> to vector<256x512xf32>
    %dot_general3A_835 = arith.constant dense<0.000000e+00> : vector<192x512xf32>
    %dot_general3A_836 = tpu.matmul %get3A_829, %get3A_834, %dot_general3A_835 {dimension_numbers = #tpu.dot_dimension_numbers<[1], [0], [0], [1], [0, 0, 1, 1], [], []>, transpose_lhs_hint = false} : vector<192x256xf32>, vector<256x512xf32>, vector<192x512xf32> -> vector<192x512xf32>
    %add3A_837 = arith.addf %dot_general3A_826, %dot_general3A_836 : vector<192x512xf32>
    %get3A_838 = arith.constant 0 : index
    %get3A_839 = arith.constant 0 : index
    %get3A_840 = vector.load %arg14[%get3A_838, %get3A_839] : memref<192x256xf32, #tpu.memory_space<vmem>>, vector<192x256xf32>
    %slice3A_841 = vector.extract_strided_slice %add3A_837 {offsets = [0, 0], sizes = [192, 256], strides = [1, 1]} : vector<192x512xf32> to vector<192x256xf32>
    %add3A_842 = arith.addf %get3A_840, %slice3A_841 : vector<192x256xf32>
    %get3A_843 = arith.constant 0 : index
    %get3A_844 = arith.constant 0 : index
    %get3A_845 = vector.load %arg6[%get3A_843, %get3A_844] : memref<2x256xf32, #tpu.memory_space<vmem>>, vector<1x256xf32>
    %add3A_846 = vector.broadcast %get3A_845 : vector<1x256xf32> to vector<192x256xf32>
    %add3A_847 = arith.addf %add3A_842, %add3A_846 : vector<192x256xf32>
    %tanh3A_848 = math.tanh %add3A_847 : vector<192x256xf32>
    %get3A_849 = arith.constant 0 : index
    %get3A_850 = arith.constant 0 : index
    %get3A_851 = vector.load %arg13[%get3A_849, %get3A_850] : memref<192x256xf32, #tpu.memory_space<vmem>>, vector<192x256xf32>
    %slice3A_852 = vector.extract_strided_slice %add3A_837 {offsets = [0, 256], sizes = [192, 256], strides = [1, 1]} : vector<192x512xf32> to vector<192x256xf32>
    %add3A_853 = arith.addf %get3A_851, %slice3A_852 : vector<192x256xf32>
    %get3A_854 = arith.constant 0 : index
    %get3A_855 = arith.constant 0 : index
    %get3A_856 = vector.load %arg7[%get3A_854, %get3A_855] : memref<2x256xf32, #tpu.memory_space<vmem>>, vector<1x256xf32>
    %add3A_857 = vector.broadcast %get3A_856 : vector<1x256xf32> to vector<192x256xf32>
    %add3A_858 = arith.addf %add3A_853, %add3A_857 : vector<192x256xf32>
    %tanh3A_859 = math.tanh %add3A_858 : vector<192x256xf32>
    %ge3A_860 = vector.broadcast %max3A_764 : i32 to vector<192x1xi32>
    %ge3A_861 = arith.cmpi sge, %rem3A_3, %ge3A_860 : vector<192x1xi32>
    %le3A_862 = vector.broadcast %min3A_766 : i32 to vector<192x1xi32>
    %le3A_863 = arith.cmpi sle, %rem3A_3, %le3A_862 : vector<192x1xi32>
    %and3A_864 = arith.andi %ge3A_861, %le3A_863 : vector<192x1xi1>
    %jit3A_865 = arith.constant 0.000000e+00 : f32
    %broadcast_in_dim3A_866 = vector.shape_cast %and3A_864 : vector<192x1xi1> to vector<192x1xi1>
    %broadcast_in_dim3A_867 = vector.broadcast %broadcast_in_dim3A_866 : vector<192x1xi1> to vector<192x256xi1>
    %broadcast_in_dim3A_868 = vector.broadcast %jit3A_865 : f32 to vector<192x256xf32>
    %select_n3A_869 = arith.select %broadcast_in_dim3A_867, %tanh3A_859, %broadcast_in_dim3A_868 : vector<192x256xi1>, vector<192x256xf32>
    %swap3A_870 = arith.constant 0 : index
    %swap3A_871 = arith.constant 0 : index
    %swap3A_872 = vector.load %arg9[%swap3A_870, %swap3A_871] : memref<192x256xf32, #tpu.memory_space<vmem>>, vector<192x256xf32>
    tpu.vector_store %arg9[%swap3A_870, %swap3A_871], %tanh3A_848 {strides = array<i32>} : memref<192x256xf32, #tpu.memory_space<vmem>>, vector<192x256xf32>,
    %swap3A_873 = arith.constant 0 : index
    %swap3A_874 = arith.constant 0 : index
    %swap3A_875 = vector.load %arg10[%swap3A_873, %swap3A_874] : memref<192x256xf32, #tpu.memory_space<vmem>>, vector<192x256xf32>
    tpu.vector_store %arg10[%swap3A_873, %swap3A_874], %select_n3A_869 {strides = array<i32>} : memref<192x256xf32, #tpu.memory_space<vmem>>, vector<192x256xf32>,
    %swap3A_876 = arith.constant 2304 : index
    %swap3A_877 = arith.constant 0 : index
    %swap3A_878 = vector.load %arg8[%swap3A_876, %swap3A_877] : memref<6144x256xf32, #tpu.memory_space<vmem>>, vector<192x256xf32>
    tpu.vector_store %arg8[%swap3A_876, %swap3A_877], %tanh3A_848 {strides = array<i32>} : memref<6144x256xf32, #tpu.memory_space<vmem>>, vector<192x256xf32>,
    %swap3A_879 = arith.constant 2496 : index
    %swap3A_880 = arith.constant 0 : index
    %swap3A_881 = vector.load %arg8[%swap3A_879, %swap3A_880] : memref<6144x256xf32, #tpu.memory_space<vmem>>, vector<192x256xf32>
    tpu.vector_store %arg8[%swap3A_879, %swap3A_880], %select_n3A_869 {strides = array<i32>} : memref<6144x256xf32, #tpu.memory_space<vmem>>, vector<192x256xf32>,
    %mul3A_882 = arith.constant 8 : i32
    %mul3A_883 = arith.muli %arg0, %mul3A_882 : i32
    %add3A_884 = arith.constant 4 : i32
    %add3A_885 = arith.addi %mul3A_883, %add3A_884 : i32
    %sub3A_886 = arith.constant 1 : i32
    %sub3A_887 = arith.subi %add3A_885, %sub3A_886 : i32
    %sub3A_888 = arith.constant 47 : i32
    %sub3A_889 = arith.subi %sub3A_887, %sub3A_888 : i32
    %max3A_890 = arith.constant 0 : i32
    %max3A_891 = arith.maxsi %sub3A_889, %max3A_890 : i32
    %min3A_892 = arith.constant 47 : i32
    %min3A_893 = arith.minsi %sub3A_887, %min3A_892 : i32
    %get3A_894 = arith.constant 0 : index
    %get3A_895 = arith.constant 0 : index
    %get3A_896 = vector.load %arg11[%get3A_894, %get3A_895] : memref<192x256xf32, #tpu.memory_space<vmem>>, vector<192x256xf32>
    %eq3A_897 = arith.constant 0 : i32
    %eq3A_898 = vector.broadcast %eq3A_897 : i32 to vector<192x1xi32>
    %eq3A_899 = arith.cmpi eq, %rem3A_3, %eq3A_898 : vector<192x1xi32>
    %broadcast_in_dim3A_900 = arith.constant 0.000000e+00 : f32
    %broadcast_in_dim3A_901 = vector.broadcast %broadcast_in_dim3A_900 : f32 to vector<1x256xf32>
    %slice3A_902 = vector.extract_strided_slice %get3A_896 {offsets = [0, 0], sizes = [191, 256], strides = [1, 1]} : vector<192x256xf32> to vector<191x256xf32>
    %concatenate3A_903 = tpu.concatenate %broadcast_in_dim3A_901, %slice3A_902 in 0 : vector<1x256xf32>, vector<191x256xf32> -> vector<192x256xf32>
    %jit3A_904 = arith.constant 0.000000e+00 : f32
    %broadcast_in_dim3A_905 = vector.shape_cast %eq3A_899 : vector<192x1xi1> to vector<192x1xi1>
    %broadcast_in_dim3A_906 = vector.broadcast %broadcast_in_dim3A_905 : vector<192x1xi1> to vector<192x256xi1>
    %broadcast_in_dim3A_907 = vector.broadcast %jit3A_904 : f32 to vector<192x256xf32>
    %select_n3A_908 = arith.select %broadcast_in_dim3A_906, %broadcast_in_dim3A_907, %concatenate3A_903 : vector<192x256xi1>, vector<192x256xf32>
    %get3A_909 = arith.constant 1 : index
    %get3A_910 = arith.constant 0 : index
    %get3A_911 = arith.constant 0 : index
    %get3A_912 = vector.load %arg5[%get3A_909, %get3A_910, %get3A_911] : memref<2x512x512xf32, #tpu.memory_space<vmem>>, vector<1x256x512xf32>
    %get3A_913 = vector.shape_cast %get3A_912 : vector<1x256x512xf32> to vector<256x512xf32>
    %dot_general3A_914 = arith.constant dense<0.000000e+00> : vector<192x512xf32>
    %dot_general3A_915 = tpu.matmul %select_n3A_908, %get3A_913, %dot_general3A_914 {dimension_numbers = #tpu.dot_dimension_numbers<[1], [0], [0], [1], [0, 0, 1, 1], [], []>, transpose_lhs_hint = false} : vector<192x256xf32>, vector<256x512xf32>, vector<192x512xf32> -> vector<192x512xf32>
    %get3A_916 = arith.constant 0 : index
    %get3A_917 = arith.constant 0 : index
    %get3A_918 = vector.load %arg12[%get3A_916, %get3A_917] : memref<192x256xf32, #tpu.memory_space<vmem>>, vector<192x256xf32>
    %get3A_919 = arith.constant 1 : index
    %get3A_920 = arith.constant 256 : index
    %get3A_921 = arith.constant 0 : index
    %get3A_922 = vector.load %arg5[%get3A_919, %get3A_920, %get3A_921] : memref<2x512x512xf32, #tpu.memory_space<vmem>>, vector<1x256x512xf32>
    %get3A_923 = vector.shape_cast %get3A_922 : vector<1x256x512xf32> to vector<256x512xf32>
    %dot_general3A_924 = arith.constant dense<0.000000e+00> : vector<192x512xf32>
    %dot_general3A_925 = tpu.matmul %get3A_918, %get3A_923, %dot_general3A_924 {dimension_numbers = #tpu.dot_dimension_numbers<[1], [0], [0], [1], [0, 0, 1, 1], [], []>, transpose_lhs_hint = false} : vector<192x256xf32>, vector<256x512xf32>, vector<192x512xf32> -> vector<192x512xf32>
    %add3A_926 = arith.addf %dot_general3A_915, %dot_general3A_925 : vector<192x512xf32>
    %get3A_927 = arith.constant 0 : index
    %get3A_928 = arith.constant 0 : index
    %get3A_929 = vector.load %arg9[%get3A_927, %get3A_928] : memref<192x256xf32, #tpu.memory_space<vmem>>, vector<192x256xf32>
    %get3A_930 = arith.constant 1 : index
    %get3A_931 = arith.constant 0 : index
    %get3A_932 = arith.constant 0 : index
    %get3A_933 = vector.load %arg3[%get3A_930, %get3A_931, %get3A_932] : memref<2x256x256xf32, #tpu.memory_space<vmem>>, vector<1x256x256xf32>
    %get3A_934 = vector.shape_cast %get3A_933 : vector<1x256x256xf32> to vector<256x256xf32>
    %dot_general3A_935 = arith.constant dense<0.000000e+00> : vector<192x256xf32>
    %dot_general3A_936 = tpu.matmul %get3A_929, %get3A_934, %dot_general3A_935 {dimension_numbers = #tpu.dot_dimension_numbers<[1], [0], [0], [1], [0, 0, 1, 1], [], []>, transpose_lhs_hint = false} : vector<192x256xf32>, vector<256x256xf32>, vector<192x256xf32> -> vector<192x256xf32>
    %slice3A_937 = vector.extract_strided_slice %add3A_926 {offsets = [0, 0], sizes = [192, 256], strides = [1, 1]} : vector<192x512xf32> to vector<192x256xf32>
    %add3A_938 = arith.addf %dot_general3A_936, %slice3A_937 : vector<192x256xf32>
    %get3A_939 = arith.constant 1 : index
    %get3A_940 = arith.constant 0 : index
    %get3A_941 = vector.load %arg6[%get3A_939, %get3A_940] : memref<2x256xf32, #tpu.memory_space<vmem>>, vector<1x256xf32>
    %add3A_942 = vector.broadcast %get3A_941 : vector<1x256xf32> to vector<192x256xf32>
    %add3A_943 = arith.addf %add3A_938, %add3A_942 : vector<192x256xf32>
    %tanh3A_944 = math.tanh %add3A_943 : vector<192x256xf32>
    %get3A_945 = arith.constant 0 : index
    %get3A_946 = arith.constant 0 : index
    %get3A_947 = vector.load %arg10[%get3A_945, %get3A_946] : memref<192x256xf32, #tpu.memory_space<vmem>>, vector<192x256xf32>
    %get3A_948 = arith.constant 1 : index
    %get3A_949 = arith.constant 0 : index
    %get3A_950 = arith.constant 0 : index
    %get3A_951 = vector.load %arg4[%get3A_948, %get3A_949, %get3A_950] : memref<2x256x256xf32, #tpu.memory_space<vmem>>, vector<1x256x256xf32>
    %get3A_952 = vector.shape_cast %get3A_951 : vector<1x256x256xf32> to vector<256x256xf32>
    %dot_general3A_953 = arith.constant dense<0.000000e+00> : vector<192x256xf32>
    %dot_general3A_954 = tpu.matmul %get3A_947, %get3A_952, %dot_general3A_953 {dimension_numbers = #tpu.dot_dimension_numbers<[1], [0], [0], [1], [0, 0, 1, 1], [], []>, transpose_lhs_hint = false} : vector<192x256xf32>, vector<256x256xf32>, vector<192x256xf32> -> vector<192x256xf32>
    %slice3A_955 = vector.extract_strided_slice %add3A_926 {offsets = [0, 256], sizes = [192, 256], strides = [1, 1]} : vector<192x512xf32> to vector<192x256xf32>
    %add3A_956 = arith.addf %dot_general3A_954, %slice3A_955 : vector<192x256xf32>
    %get3A_957 = arith.constant 1 : index
    %get3A_958 = arith.constant 0 : index
    %get3A_959 = vector.load %arg7[%get3A_957, %get3A_958] : memref<2x256xf32, #tpu.memory_space<vmem>>, vector<1x256xf32>
    %add3A_960 = vector.broadcast %get3A_959 : vector<1x256xf32> to vector<192x256xf32>
    %add3A_961 = arith.addf %add3A_956, %add3A_960 : vector<192x256xf32>
    %tanh3A_962 = math.tanh %add3A_961 : vector<192x256xf32>
    %ge3A_963 = vector.broadcast %max3A_891 : i32 to vector<192x1xi32>
    %ge3A_964 = arith.cmpi sge, %rem3A_3, %ge3A_963 : vector<192x1xi32>
    %le3A_965 = vector.broadcast %min3A_893 : i32 to vector<192x1xi32>
    %le3A_966 = arith.cmpi sle, %rem3A_3, %le3A_965 : vector<192x1xi32>
    %and3A_967 = arith.andi %ge3A_964, %le3A_966 : vector<192x1xi1>
    %jit3A_968 = arith.constant 0.000000e+00 : f32
    %broadcast_in_dim3A_969 = vector.shape_cast %and3A_967 : vector<192x1xi1> to vector<192x1xi1>
    %broadcast_in_dim3A_970 = vector.broadcast %broadcast_in_dim3A_969 : vector<192x1xi1> to vector<192x256xi1>
    %broadcast_in_dim3A_971 = vector.broadcast %jit3A_968 : f32 to vector<192x256xf32>
    %select_n3A_972 = arith.select %broadcast_in_dim3A_970, %tanh3A_962, %broadcast_in_dim3A_971 : vector<192x256xi1>, vector<192x256xf32>
    %swap3A_973 = arith.constant 0 : index
    %swap3A_974 = arith.constant 0 : index
    %swap3A_975 = vector.load %arg11[%swap3A_973, %swap3A_974] : memref<192x256xf32, #tpu.memory_space<vmem>>, vector<192x256xf32>
    tpu.vector_store %arg11[%swap3A_973, %swap3A_974], %tanh3A_944 {strides = array<i32>} : memref<192x256xf32, #tpu.memory_space<vmem>>, vector<192x256xf32>,
    %swap3A_976 = arith.constant 0 : index
    %swap3A_977 = arith.constant 0 : index
    %swap3A_978 = vector.load %arg12[%swap3A_976, %swap3A_977] : memref<192x256xf32, #tpu.memory_space<vmem>>, vector<192x256xf32>
    tpu.vector_store %arg12[%swap3A_976, %swap3A_977], %select_n3A_972 {strides = array<i32>} : memref<192x256xf32, #tpu.memory_space<vmem>>, vector<192x256xf32>,
    %swap3A_979 = arith.constant 3456 : index
    %swap3A_980 = arith.constant 0 : index
    %swap3A_981 = vector.load %arg8[%swap3A_979, %swap3A_980] : memref<6144x256xf32, #tpu.memory_space<vmem>>, vector<192x256xf32>
    tpu.vector_store %arg8[%swap3A_979, %swap3A_980], %tanh3A_944 {strides = array<i32>} : memref<6144x256xf32, #tpu.memory_space<vmem>>, vector<192x256xf32>,
    %swap3A_982 = arith.constant 3648 : index
    %swap3A_983 = arith.constant 0 : index
    %swap3A_984 = vector.load %arg8[%swap3A_982, %swap3A_983] : memref<6144x256xf32, #tpu.memory_space<vmem>>, vector<192x256xf32>
    tpu.vector_store %arg8[%swap3A_982, %swap3A_983], %select_n3A_972 {strides = array<i32>} : memref<6144x256xf32, #tpu.memory_space<vmem>>, vector<192x256xf32>,
    %sub3A_985 = arith.constant 47 : i32
    %sub3A_986 = arith.subi %add3A_885, %sub3A_985 : i32
    %max3A_987 = arith.constant 0 : i32
    %max3A_988 = arith.maxsi %sub3A_986, %max3A_987 : i32
    %min3A_989 = arith.constant 47 : i32
    %min3A_990 = arith.minsi %add3A_885, %min3A_989 : i32
    %get3A_991 = arith.constant 0 : index
    %get3A_992 = arith.constant 0 : index
    %get3A_993 = vector.load %arg13[%get3A_991, %get3A_992] : memref<192x256xf32, #tpu.memory_space<vmem>>, vector<192x256xf32>
    %broadcast_in_dim3A_994 = arith.constant 0.000000e+00 : f32
    %broadcast_in_dim3A_995 = vector.broadcast %broadcast_in_dim3A_994 : f32 to vector<1x256xf32>
    %slice3A_996 = vector.extract_strided_slice %get3A_993 {offsets = [0, 0], sizes = [191, 256], strides = [1, 1]} : vector<192x256xf32> to vector<191x256xf32>
    %concatenate3A_997 = tpu.concatenate %broadcast_in_dim3A_995, %slice3A_996 in 0 : vector<1x256xf32>, vector<191x256xf32> -> vector<192x256xf32>
    %swap3A_998 = arith.constant 0 : index
    %swap3A_999 = arith.constant 0 : index
    %swap3A_1000 = vector.load %arg13[%swap3A_998, %swap3A_999] : memref<192x256xf32, #tpu.memory_space<vmem>>, vector<192x256xf32>
    tpu.vector_store %arg13[%swap3A_998, %swap3A_999], %concatenate3A_997 {strides = array<i32>} : memref<192x256xf32, #tpu.memory_space<vmem>>, vector<192x256xf32>,
    %min3A_1001 = arith.constant 47 : i32
    %min3A_1002 = arith.minsi %add3A_885, %min3A_1001 : i32
    %mul3A_1003 = arith.constant 8 : i32
    %mul3A_1004 = arith.muli %min3A_1002, %mul3A_1003 : i32
    %get3A_1005 = arith.index_cast %mul3A_1004 : i32 to index
    %get3A_1006 = arith.constant 0 : index
    %get3A_1007 = vector.load %arg15[%get3A_1005, %get3A_1006] : memref<384x256xf32, #tpu.memory_space<vmem>>, vector<8x256xf32>
    %lt3A_1008 = arith.constant 48 : i32
    %lt3A_1009 = arith.cmpi slt, %add3A_885, %lt3A_1008 : i32
    %jit3A_1010 = arith.constant 0.000000e+00 : f32
    %broadcast_in_dim3A_1011 = vector.broadcast %jit3A_1010 : f32 to vector<8x256xf32>
    %select_n3A_1012 = arith.select %lt3A_1009, %get3A_1007, %broadcast_in_dim3A_1011 : vector<8x256xf32>
    %slice3A_1013 = vector.extract_strided_slice %select_n3A_1012 {offsets = [0, 0], sizes = [1, 256], strides = [1, 1]} : vector<8x256xf32> to vector<1x256xf32>
    %swap3A_1014 = arith.constant 0 : index
    %swap3A_1015 = arith.constant 0 : index
    %swap3A_1016 = vector.load %arg13[%swap3A_1014, %swap3A_1015] : memref<192x256xf32, #tpu.memory_space<vmem>>, vector<1x256xf32>
    tpu.vector_store %arg13[%swap3A_1014, %swap3A_1015], %slice3A_1013 {strides = array<i32>} : memref<192x256xf32, #tpu.memory_space<vmem>>, vector<1x256xf32>,
    %slice3A_1017 = vector.extract_strided_slice %select_n3A_1012 {offsets = [1, 0], sizes = [1, 256], strides = [1, 1]} : vector<8x256xf32> to vector<1x256xf32>
    %swap3A_1018 = arith.constant 48 : index
    %swap3A_1019 = arith.constant 0 : index
    %swap3A_1020 = vector.load %arg13[%swap3A_1018, %swap3A_1019] : memref<192x256xf32, #tpu.memory_space<vmem>>, vector<1x256xf32>
    tpu.vector_store %arg13[%swap3A_1018, %swap3A_1019], %slice3A_1017 {strides = array<i32>} : memref<192x256xf32, #tpu.memory_space<vmem>>, vector<1x256xf32>,
    %slice3A_1021 = vector.extract_strided_slice %select_n3A_1012 {offsets = [2, 0], sizes = [1, 256], strides = [1, 1]} : vector<8x256xf32> to vector<1x256xf32>
    %swap3A_1022 = arith.constant 96 : index
    %swap3A_1023 = arith.constant 0 : index
    %swap3A_1024 = vector.load %arg13[%swap3A_1022, %swap3A_1023] : memref<192x256xf32, #tpu.memory_space<vmem>>, vector<1x256xf32>
    tpu.vector_store %arg13[%swap3A_1022, %swap3A_1023], %slice3A_1021 {strides = array<i32>} : memref<192x256xf32, #tpu.memory_space<vmem>>, vector<1x256xf32>,
    %slice3A_1025 = vector.extract_strided_slice %select_n3A_1012 {offsets = [3, 0], sizes = [1, 256], strides = [1, 1]} : vector<8x256xf32> to vector<1x256xf32>
    %swap3A_1026 = arith.constant 144 : index
    %swap3A_1027 = arith.constant 0 : index
    %swap3A_1028 = vector.load %arg13[%swap3A_1026, %swap3A_1027] : memref<192x256xf32, #tpu.memory_space<vmem>>, vector<1x256xf32>
    tpu.vector_store %arg13[%swap3A_1026, %swap3A_1027], %slice3A_1025 {strides = array<i32>} : memref<192x256xf32, #tpu.memory_space<vmem>>, vector<1x256xf32>,
    %get3A_1029 = arith.constant 0 : index
    %get3A_1030 = arith.constant 0 : index
    %get3A_1031 = vector.load %arg9[%get3A_1029, %get3A_1030] : memref<192x256xf32, #tpu.memory_space<vmem>>, vector<192x256xf32>
    %eq3A_1032 = arith.constant 0 : i32
    %eq3A_1033 = vector.broadcast %eq3A_1032 : i32 to vector<192x1xi32>
    %eq3A_1034 = arith.cmpi eq, %rem3A_3, %eq3A_1033 : vector<192x1xi32>
    %broadcast_in_dim3A_1035 = arith.constant 0.000000e+00 : f32
    %broadcast_in_dim3A_1036 = vector.broadcast %broadcast_in_dim3A_1035 : f32 to vector<1x256xf32>
    %slice3A_1037 = vector.extract_strided_slice %get3A_1031 {offsets = [0, 0], sizes = [191, 256], strides = [1, 1]} : vector<192x256xf32> to vector<191x256xf32>
    %concatenate3A_1038 = tpu.concatenate %broadcast_in_dim3A_1036, %slice3A_1037 in 0 : vector<1x256xf32>, vector<191x256xf32> -> vector<192x256xf32>
    %jit3A_1039 = arith.constant 0.000000e+00 : f32
    %broadcast_in_dim3A_1040 = vector.shape_cast %eq3A_1034 : vector<192x1xi1> to vector<192x1xi1>
    %broadcast_in_dim3A_1041 = vector.broadcast %broadcast_in_dim3A_1040 : vector<192x1xi1> to vector<192x256xi1>
    %broadcast_in_dim3A_1042 = vector.broadcast %jit3A_1039 : f32 to vector<192x256xf32>
    %select_n3A_1043 = arith.select %broadcast_in_dim3A_1041, %broadcast_in_dim3A_1042, %concatenate3A_1038 : vector<192x256xi1>, vector<192x256xf32>
    %get3A_1044 = arith.constant 0 : index
    %get3A_1045 = arith.constant 0 : index
    %get3A_1046 = arith.constant 0 : index
    %get3A_1047 = vector.load %arg5[%get3A_1044, %get3A_1045, %get3A_1046] : memref<2x512x512xf32, #tpu.memory_space<vmem>>, vector<1x256x512xf32>
    %get3A_1048 = vector.shape_cast %get3A_1047 : vector<1x256x512xf32> to vector<256x512xf32>
    %dot_general3A_1049 = arith.constant dense<0.000000e+00> : vector<192x512xf32>
    %dot_general3A_1050 = tpu.matmul %select_n3A_1043, %get3A_1048, %dot_general3A_1049 {dimension_numbers = #tpu.dot_dimension_numbers<[1], [0], [0], [1], [0, 0, 1, 1], [], []>, transpose_lhs_hint = false} : vector<192x256xf32>, vector<256x512xf32>, vector<192x512xf32> -> vector<192x512xf32>
    %get3A_1051 = arith.constant 0 : index
    %get3A_1052 = arith.constant 0 : index
    %get3A_1053 = vector.load %arg10[%get3A_1051, %get3A_1052] : memref<192x256xf32, #tpu.memory_space<vmem>>, vector<192x256xf32>
    %get3A_1054 = arith.constant 0 : index
    %get3A_1055 = arith.constant 256 : index
    %get3A_1056 = arith.constant 0 : index
    %get3A_1057 = vector.load %arg5[%get3A_1054, %get3A_1055, %get3A_1056] : memref<2x512x512xf32, #tpu.memory_space<vmem>>, vector<1x256x512xf32>
    %get3A_1058 = vector.shape_cast %get3A_1057 : vector<1x256x512xf32> to vector<256x512xf32>
    %dot_general3A_1059 = arith.constant dense<0.000000e+00> : vector<192x512xf32>
    %dot_general3A_1060 = tpu.matmul %get3A_1053, %get3A_1058, %dot_general3A_1059 {dimension_numbers = #tpu.dot_dimension_numbers<[1], [0], [0], [1], [0, 0, 1, 1], [], []>, transpose_lhs_hint = false} : vector<192x256xf32>, vector<256x512xf32>, vector<192x512xf32> -> vector<192x512xf32>
    %add3A_1061 = arith.addf %dot_general3A_1050, %dot_general3A_1060 : vector<192x512xf32>
    %get3A_1062 = arith.constant 0 : index
    %get3A_1063 = arith.constant 0 : index
    %get3A_1064 = vector.load %arg14[%get3A_1062, %get3A_1063] : memref<192x256xf32, #tpu.memory_space<vmem>>, vector<192x256xf32>
    %slice3A_1065 = vector.extract_strided_slice %add3A_1061 {offsets = [0, 0], sizes = [192, 256], strides = [1, 1]} : vector<192x512xf32> to vector<192x256xf32>
    %add3A_1066 = arith.addf %get3A_1064, %slice3A_1065 : vector<192x256xf32>
    %get3A_1067 = arith.constant 0 : index
    %get3A_1068 = arith.constant 0 : index
    %get3A_1069 = vector.load %arg6[%get3A_1067, %get3A_1068] : memref<2x256xf32, #tpu.memory_space<vmem>>, vector<1x256xf32>
    %add3A_1070 = vector.broadcast %get3A_1069 : vector<1x256xf32> to vector<192x256xf32>
    %add3A_1071 = arith.addf %add3A_1066, %add3A_1070 : vector<192x256xf32>
    %tanh3A_1072 = math.tanh %add3A_1071 : vector<192x256xf32>
    %get3A_1073 = arith.constant 0 : index
    %get3A_1074 = arith.constant 0 : index
    %get3A_1075 = vector.load %arg13[%get3A_1073, %get3A_1074] : memref<192x256xf32, #tpu.memory_space<vmem>>, vector<192x256xf32>
    %slice3A_1076 = vector.extract_strided_slice %add3A_1061 {offsets = [0, 256], sizes = [192, 256], strides = [1, 1]} : vector<192x512xf32> to vector<192x256xf32>
    %add3A_1077 = arith.addf %get3A_1075, %slice3A_1076 : vector<192x256xf32>
    %get3A_1078 = arith.constant 0 : index
    %get3A_1079 = arith.constant 0 : index
    %get3A_1080 = vector.load %arg7[%get3A_1078, %get3A_1079] : memref<2x256xf32, #tpu.memory_space<vmem>>, vector<1x256xf32>
    %add3A_1081 = vector.broadcast %get3A_1080 : vector<1x256xf32> to vector<192x256xf32>
    %add3A_1082 = arith.addf %add3A_1077, %add3A_1081 : vector<192x256xf32>
    %tanh3A_1083 = math.tanh %add3A_1082 : vector<192x256xf32>
    %ge3A_1084 = vector.broadcast %max3A_988 : i32 to vector<192x1xi32>
    %ge3A_1085 = arith.cmpi sge, %rem3A_3, %ge3A_1084 : vector<192x1xi32>
    %le3A_1086 = vector.broadcast %min3A_990 : i32 to vector<192x1xi32>
    %le3A_1087 = arith.cmpi sle, %rem3A_3, %le3A_1086 : vector<192x1xi32>
    %and3A_1088 = arith.andi %ge3A_1085, %le3A_1087 : vector<192x1xi1>
    %jit3A_1089 = arith.constant 0.000000e+00 : f32
    %broadcast_in_dim3A_1090 = vector.shape_cast %and3A_1088 : vector<192x1xi1> to vector<192x1xi1>
    %broadcast_in_dim3A_1091 = vector.broadcast %broadcast_in_dim3A_1090 : vector<192x1xi1> to vector<192x256xi1>
    %broadcast_in_dim3A_1092 = vector.broadcast %jit3A_1089 : f32 to vector<192x256xf32>
    %select_n3A_1093 = arith.select %broadcast_in_dim3A_1091, %tanh3A_1083, %broadcast_in_dim3A_1092 : vector<192x256xi1>, vector<192x256xf32>
    %swap3A_1094 = arith.constant 0 : index
    %swap3A_1095 = arith.constant 0 : index
    %swap3A_1096 = vector.load %arg9[%swap3A_1094, %swap3A_1095] : memref<192x256xf32, #tpu.memory_space<vmem>>, vector<192x256xf32>
    tpu.vector_store %arg9[%swap3A_1094, %swap3A_1095], %tanh3A_1072 {strides = array<i32>} : memref<192x256xf32, #tpu.memory_space<vmem>>, vector<192x256xf32>,
    %swap3A_1097 = arith.constant 0 : index
    %swap3A_1098 = arith.constant 0 : index
    %swap3A_1099 = vector.load %arg10[%swap3A_1097, %swap3A_1098] : memref<192x256xf32, #tpu.memory_space<vmem>>, vector<192x256xf32>
    tpu.vector_store %arg10[%swap3A_1097, %swap3A_1098], %select_n3A_1093 {strides = array<i32>} : memref<192x256xf32, #tpu.memory_space<vmem>>, vector<192x256xf32>,
    %swap3A_1100 = arith.constant 3072 : index
    %swap3A_1101 = arith.constant 0 : index
    %swap3A_1102 = vector.load %arg8[%swap3A_1100, %swap3A_1101] : memref<6144x256xf32, #tpu.memory_space<vmem>>, vector<192x256xf32>
    tpu.vector_store %arg8[%swap3A_1100, %swap3A_1101], %tanh3A_1072 {strides = array<i32>} : memref<6144x256xf32, #tpu.memory_space<vmem>>, vector<192x256xf32>,
    %swap3A_1103 = arith.constant 3264 : index
    %swap3A_1104 = arith.constant 0 : index
    %swap3A_1105 = vector.load %arg8[%swap3A_1103, %swap3A_1104] : memref<6144x256xf32, #tpu.memory_space<vmem>>, vector<192x256xf32>
    tpu.vector_store %arg8[%swap3A_1103, %swap3A_1104], %select_n3A_1093 {strides = array<i32>} : memref<6144x256xf32, #tpu.memory_space<vmem>>, vector<192x256xf32>,
    %mul3A_1106 = arith.constant 8 : i32
    %mul3A_1107 = arith.muli %arg0, %mul3A_1106 : i32
    %add3A_1108 = arith.constant 5 : i32
    %add3A_1109 = arith.addi %mul3A_1107, %add3A_1108 : i32
    %sub3A_1110 = arith.constant 1 : i32
    %sub3A_1111 = arith.subi %add3A_1109, %sub3A_1110 : i32
    %sub3A_1112 = arith.constant 47 : i32
    %sub3A_1113 = arith.subi %sub3A_1111, %sub3A_1112 : i32
    %max3A_1114 = arith.constant 0 : i32
    %max3A_1115 = arith.maxsi %sub3A_1113, %max3A_1114 : i32
    %min3A_1116 = arith.constant 47 : i32
    %min3A_1117 = arith.minsi %sub3A_1111, %min3A_1116 : i32
    %get3A_1118 = arith.constant 0 : index
    %get3A_1119 = arith.constant 0 : index
    %get3A_1120 = vector.load %arg11[%get3A_1118, %get3A_1119] : memref<192x256xf32, #tpu.memory_space<vmem>>, vector<192x256xf32>
    %eq3A_1121 = arith.constant 0 : i32
    %eq3A_1122 = vector.broadcast %eq3A_1121 : i32 to vector<192x1xi32>
    %eq3A_1123 = arith.cmpi eq, %rem3A_3, %eq3A_1122 : vector<192x1xi32>
    %broadcast_in_dim3A_1124 = arith.constant 0.000000e+00 : f32
    %broadcast_in_dim3A_1125 = vector.broadcast %broadcast_in_dim3A_1124 : f32 to vector<1x256xf32>
    %slice3A_1126 = vector.extract_strided_slice %get3A_1120 {offsets = [0, 0], sizes = [191, 256], strides = [1, 1]} : vector<192x256xf32> to vector<191x256xf32>
    %concatenate3A_1127 = tpu.concatenate %broadcast_in_dim3A_1125, %slice3A_1126 in 0 : vector<1x256xf32>, vector<191x256xf32> -> vector<192x256xf32>
    %jit3A_1128 = arith.constant 0.000000e+00 : f32
    %broadcast_in_dim3A_1129 = vector.shape_cast %eq3A_1123 : vector<192x1xi1> to vector<192x1xi1>
    %broadcast_in_dim3A_1130 = vector.broadcast %broadcast_in_dim3A_1129 : vector<192x1xi1> to vector<192x256xi1>
    %broadcast_in_dim3A_1131 = vector.broadcast %jit3A_1128 : f32 to vector<192x256xf32>
    %select_n3A_1132 = arith.select %broadcast_in_dim3A_1130, %broadcast_in_dim3A_1131, %concatenate3A_1127 : vector<192x256xi1>, vector<192x256xf32>
    %get3A_1133 = arith.constant 1 : index
    %get3A_1134 = arith.constant 0 : index
    %get3A_1135 = arith.constant 0 : index
    %get3A_1136 = vector.load %arg5[%get3A_1133, %get3A_1134, %get3A_1135] : memref<2x512x512xf32, #tpu.memory_space<vmem>>, vector<1x256x512xf32>
    %get3A_1137 = vector.shape_cast %get3A_1136 : vector<1x256x512xf32> to vector<256x512xf32>
    %dot_general3A_1138 = arith.constant dense<0.000000e+00> : vector<192x512xf32>
    %dot_general3A_1139 = tpu.matmul %select_n3A_1132, %get3A_1137, %dot_general3A_1138 {dimension_numbers = #tpu.dot_dimension_numbers<[1], [0], [0], [1], [0, 0, 1, 1], [], []>, transpose_lhs_hint = false} : vector<192x256xf32>, vector<256x512xf32>, vector<192x512xf32> -> vector<192x512xf32>
    %get3A_1140 = arith.constant 0 : index
    %get3A_1141 = arith.constant 0 : index
    %get3A_1142 = vector.load %arg12[%get3A_1140, %get3A_1141] : memref<192x256xf32, #tpu.memory_space<vmem>>, vector<192x256xf32>
    %get3A_1143 = arith.constant 1 : index
    %get3A_1144 = arith.constant 256 : index
    %get3A_1145 = arith.constant 0 : index
    %get3A_1146 = vector.load %arg5[%get3A_1143, %get3A_1144, %get3A_1145] : memref<2x512x512xf32, #tpu.memory_space<vmem>>, vector<1x256x512xf32>
    %get3A_1147 = vector.shape_cast %get3A_1146 : vector<1x256x512xf32> to vector<256x512xf32>
    %dot_general3A_1148 = arith.constant dense<0.000000e+00> : vector<192x512xf32>
    %dot_general3A_1149 = tpu.matmul %get3A_1142, %get3A_1147, %dot_general3A_1148 {dimension_numbers = #tpu.dot_dimension_numbers<[1], [0], [0], [1], [0, 0, 1, 1], [], []>, transpose_lhs_hint = false} : vector<192x256xf32>, vector<256x512xf32>, vector<192x512xf32> -> vector<192x512xf32>
    %add3A_1150 = arith.addf %dot_general3A_1139, %dot_general3A_1149 : vector<192x512xf32>
    %get3A_1151 = arith.constant 0 : index
    %get3A_1152 = arith.constant 0 : index
    %get3A_1153 = vector.load %arg9[%get3A_1151, %get3A_1152] : memref<192x256xf32, #tpu.memory_space<vmem>>, vector<192x256xf32>
    %get3A_1154 = arith.constant 1 : index
    %get3A_1155 = arith.constant 0 : index
    %get3A_1156 = arith.constant 0 : index
    %get3A_1157 = vector.load %arg3[%get3A_1154, %get3A_1155, %get3A_1156] : memref<2x256x256xf32, #tpu.memory_space<vmem>>, vector<1x256x256xf32>
    %get3A_1158 = vector.shape_cast %get3A_1157 : vector<1x256x256xf32> to vector<256x256xf32>
    %dot_general3A_1159 = arith.constant dense<0.000000e+00> : vector<192x256xf32>
    %dot_general3A_1160 = tpu.matmul %get3A_1153, %get3A_1158, %dot_general3A_1159 {dimension_numbers = #tpu.dot_dimension_numbers<[1], [0], [0], [1], [0, 0, 1, 1], [], []>, transpose_lhs_hint = false} : vector<192x256xf32>, vector<256x256xf32>, vector<192x256xf32> -> vector<192x256xf32>
    %slice3A_1161 = vector.extract_strided_slice %add3A_1150 {offsets = [0, 0], sizes = [192, 256], strides = [1, 1]} : vector<192x512xf32> to vector<192x256xf32>
    %add3A_1162 = arith.addf %dot_general3A_1160, %slice3A_1161 : vector<192x256xf32>
    %get3A_1163 = arith.constant 1 : index
    %get3A_1164 = arith.constant 0 : index
    %get3A_1165 = vector.load %arg6[%get3A_1163, %get3A_1164] : memref<2x256xf32, #tpu.memory_space<vmem>>, vector<1x256xf32>
    %add3A_1166 = vector.broadcast %get3A_1165 : vector<1x256xf32> to vector<192x256xf32>
    %add3A_1167 = arith.addf %add3A_1162, %add3A_1166 : vector<192x256xf32>
    %tanh3A_1168 = math.tanh %add3A_1167 : vector<192x256xf32>
    %get3A_1169 = arith.constant 0 : index
    %get3A_1170 = arith.constant 0 : index
    %get3A_1171 = vector.load %arg10[%get3A_1169, %get3A_1170] : memref<192x256xf32, #tpu.memory_space<vmem>>, vector<192x256xf32>
    %get3A_1172 = arith.constant 1 : index
    %get3A_1173 = arith.constant 0 : index
    %get3A_1174 = arith.constant 0 : index
    %get3A_1175 = vector.load %arg4[%get3A_1172, %get3A_1173, %get3A_1174] : memref<2x256x256xf32, #tpu.memory_space<vmem>>, vector<1x256x256xf32>
    %get3A_1176 = vector.shape_cast %get3A_1175 : vector<1x256x256xf32> to vector<256x256xf32>
    %dot_general3A_1177 = arith.constant dense<0.000000e+00> : vector<192x256xf32>
    %dot_general3A_1178 = tpu.matmul %get3A_1171, %get3A_1176, %dot_general3A_1177 {dimension_numbers = #tpu.dot_dimension_numbers<[1], [0], [0], [1], [0, 0, 1, 1], [], []>, transpose_lhs_hint = false} : vector<192x256xf32>, vector<256x256xf32>, vector<192x256xf32> -> vector<192x256xf32>
    %slice3A_1179 = vector.extract_strided_slice %add3A_1150 {offsets = [0, 256], sizes = [192, 256], strides = [1, 1]} : vector<192x512xf32> to vector<192x256xf32>
    %add3A_1180 = arith.addf %dot_general3A_1178, %slice3A_1179 : vector<192x256xf32>
    %get3A_1181 = arith.constant 1 : index
    %get3A_1182 = arith.constant 0 : index
    %get3A_1183 = vector.load %arg7[%get3A_1181, %get3A_1182] : memref<2x256xf32, #tpu.memory_space<vmem>>, vector<1x256xf32>
    %add3A_1184 = vector.broadcast %get3A_1183 : vector<1x256xf32> to vector<192x256xf32>
    %add3A_1185 = arith.addf %add3A_1180, %add3A_1184 : vector<192x256xf32>
    %tanh3A_1186 = math.tanh %add3A_1185 : vector<192x256xf32>
    %ge3A_1187 = vector.broadcast %max3A_1115 : i32 to vector<192x1xi32>
    %ge3A_1188 = arith.cmpi sge, %rem3A_3, %ge3A_1187 : vector<192x1xi32>
    %le3A_1189 = vector.broadcast %min3A_1117 : i32 to vector<192x1xi32>
    %le3A_1190 = arith.cmpi sle, %rem3A_3, %le3A_1189 : vector<192x1xi32>
    %and3A_1191 = arith.andi %ge3A_1188, %le3A_1190 : vector<192x1xi1>
    %jit3A_1192 = arith.constant 0.000000e+00 : f32
    %broadcast_in_dim3A_1193 = vector.shape_cast %and3A_1191 : vector<192x1xi1> to vector<192x1xi1>
    %broadcast_in_dim3A_1194 = vector.broadcast %broadcast_in_dim3A_1193 : vector<192x1xi1> to vector<192x256xi1>
    %broadcast_in_dim3A_1195 = vector.broadcast %jit3A_1192 : f32 to vector<192x256xf32>
    %select_n3A_1196 = arith.select %broadcast_in_dim3A_1194, %tanh3A_1186, %broadcast_in_dim3A_1195 : vector<192x256xi1>, vector<192x256xf32>
    %swap3A_1197 = arith.constant 0 : index
    %swap3A_1198 = arith.constant 0 : index
    %swap3A_1199 = vector.load %arg11[%swap3A_1197, %swap3A_1198] : memref<192x256xf32, #tpu.memory_space<vmem>>, vector<192x256xf32>
    tpu.vector_store %arg11[%swap3A_1197, %swap3A_1198], %tanh3A_1168 {strides = array<i32>} : memref<192x256xf32, #tpu.memory_space<vmem>>, vector<192x256xf32>,
    %swap3A_1200 = arith.constant 0 : index
    %swap3A_1201 = arith.constant 0 : index
    %swap3A_1202 = vector.load %arg12[%swap3A_1200, %swap3A_1201] : memref<192x256xf32, #tpu.memory_space<vmem>>, vector<192x256xf32>
    tpu.vector_store %arg12[%swap3A_1200, %swap3A_1201], %select_n3A_1196 {strides = array<i32>} : memref<192x256xf32, #tpu.memory_space<vmem>>, vector<192x256xf32>,
    %swap3A_1203 = arith.constant 4224 : index
    %swap3A_1204 = arith.constant 0 : index
    %swap3A_1205 = vector.load %arg8[%swap3A_1203, %swap3A_1204] : memref<6144x256xf32, #tpu.memory_space<vmem>>, vector<192x256xf32>
    tpu.vector_store %arg8[%swap3A_1203, %swap3A_1204], %tanh3A_1168 {strides = array<i32>} : memref<6144x256xf32, #tpu.memory_space<vmem>>, vector<192x256xf32>,
    %swap3A_1206 = arith.constant 4416 : index
    %swap3A_1207 = arith.constant 0 : index
    %swap3A_1208 = vector.load %arg8[%swap3A_1206, %swap3A_1207] : memref<6144x256xf32, #tpu.memory_space<vmem>>, vector<192x256xf32>
    tpu.vector_store %arg8[%swap3A_1206, %swap3A_1207], %select_n3A_1196 {strides = array<i32>} : memref<6144x256xf32, #tpu.memory_space<vmem>>, vector<192x256xf32>,
    %sub3A_1209 = arith.constant 47 : i32
    %sub3A_1210 = arith.subi %add3A_1109, %sub3A_1209 : i32
    %max3A_1211 = arith.constant 0 : i32
    %max3A_1212 = arith.maxsi %sub3A_1210, %max3A_1211 : i32
    %min3A_1213 = arith.constant 47 : i32
    %min3A_1214 = arith.minsi %add3A_1109, %min3A_1213 : i32
    %get3A_1215 = arith.constant 0 : index
    %get3A_1216 = arith.constant 0 : index
    %get3A_1217 = vector.load %arg13[%get3A_1215, %get3A_1216] : memref<192x256xf32, #tpu.memory_space<vmem>>, vector<192x256xf32>
    %broadcast_in_dim3A_1218 = arith.constant 0.000000e+00 : f32
    %broadcast_in_dim3A_1219 = vector.broadcast %broadcast_in_dim3A_1218 : f32 to vector<1x256xf32>
    %slice3A_1220 = vector.extract_strided_slice %get3A_1217 {offsets = [0, 0], sizes = [191, 256], strides = [1, 1]} : vector<192x256xf32> to vector<191x256xf32>
    %concatenate3A_1221 = tpu.concatenate %broadcast_in_dim3A_1219, %slice3A_1220 in 0 : vector<1x256xf32>, vector<191x256xf32> -> vector<192x256xf32>
    %swap3A_1222 = arith.constant 0 : index
    %swap3A_1223 = arith.constant 0 : index
    %swap3A_1224 = vector.load %arg13[%swap3A_1222, %swap3A_1223] : memref<192x256xf32, #tpu.memory_space<vmem>>, vector<192x256xf32>
    tpu.vector_store %arg13[%swap3A_1222, %swap3A_1223], %concatenate3A_1221 {strides = array<i32>} : memref<192x256xf32, #tpu.memory_space<vmem>>, vector<192x256xf32>,
    %min3A_1225 = arith.constant 47 : i32
    %min3A_1226 = arith.minsi %add3A_1109, %min3A_1225 : i32
    %mul3A_1227 = arith.constant 8 : i32
    %mul3A_1228 = arith.muli %min3A_1226, %mul3A_1227 : i32
    %get3A_1229 = arith.index_cast %mul3A_1228 : i32 to index
    %get3A_1230 = arith.constant 0 : index
    %get3A_1231 = vector.load %arg15[%get3A_1229, %get3A_1230] : memref<384x256xf32, #tpu.memory_space<vmem>>, vector<8x256xf32>
    %lt3A_1232 = arith.constant 48 : i32
    %lt3A_1233 = arith.cmpi slt, %add3A_1109, %lt3A_1232 : i32
    %jit3A_1234 = arith.constant 0.000000e+00 : f32
    %broadcast_in_dim3A_1235 = vector.broadcast %jit3A_1234 : f32 to vector<8x256xf32>
    %select_n3A_1236 = arith.select %lt3A_1233, %get3A_1231, %broadcast_in_dim3A_1235 : vector<8x256xf32>
    %slice3A_1237 = vector.extract_strided_slice %select_n3A_1236 {offsets = [0, 0], sizes = [1, 256], strides = [1, 1]} : vector<8x256xf32> to vector<1x256xf32>
    %swap3A_1238 = arith.constant 0 : index
    %swap3A_1239 = arith.constant 0 : index
    %swap3A_1240 = vector.load %arg13[%swap3A_1238, %swap3A_1239] : memref<192x256xf32, #tpu.memory_space<vmem>>, vector<1x256xf32>
    tpu.vector_store %arg13[%swap3A_1238, %swap3A_1239], %slice3A_1237 {strides = array<i32>} : memref<192x256xf32, #tpu.memory_space<vmem>>, vector<1x256xf32>,
    %slice3A_1241 = vector.extract_strided_slice %select_n3A_1236 {offsets = [1, 0], sizes = [1, 256], strides = [1, 1]} : vector<8x256xf32> to vector<1x256xf32>
    %swap3A_1242 = arith.constant 48 : index
    %swap3A_1243 = arith.constant 0 : index
    %swap3A_1244 = vector.load %arg13[%swap3A_1242, %swap3A_1243] : memref<192x256xf32, #tpu.memory_space<vmem>>, vector<1x256xf32>
    tpu.vector_store %arg13[%swap3A_1242, %swap3A_1243], %slice3A_1241 {strides = array<i32>} : memref<192x256xf32, #tpu.memory_space<vmem>>, vector<1x256xf32>,
    %slice3A_1245 = vector.extract_strided_slice %select_n3A_1236 {offsets = [2, 0], sizes = [1, 256], strides = [1, 1]} : vector<8x256xf32> to vector<1x256xf32>
    %swap3A_1246 = arith.constant 96 : index
    %swap3A_1247 = arith.constant 0 : index
    %swap3A_1248 = vector.load %arg13[%swap3A_1246, %swap3A_1247] : memref<192x256xf32, #tpu.memory_space<vmem>>, vector<1x256xf32>
    tpu.vector_store %arg13[%swap3A_1246, %swap3A_1247], %slice3A_1245 {strides = array<i32>} : memref<192x256xf32, #tpu.memory_space<vmem>>, vector<1x256xf32>,
    %slice3A_1249 = vector.extract_strided_slice %select_n3A_1236 {offsets = [3, 0], sizes = [1, 256], strides = [1, 1]} : vector<8x256xf32> to vector<1x256xf32>
    %swap3A_1250 = arith.constant 144 : index
    %swap3A_1251 = arith.constant 0 : index
    %swap3A_1252 = vector.load %arg13[%swap3A_1250, %swap3A_1251] : memref<192x256xf32, #tpu.memory_space<vmem>>, vector<1x256xf32>
    tpu.vector_store %arg13[%swap3A_1250, %swap3A_1251], %slice3A_1249 {strides = array<i32>} : memref<192x256xf32, #tpu.memory_space<vmem>>, vector<1x256xf32>,
    %get3A_1253 = arith.constant 0 : index
    %get3A_1254 = arith.constant 0 : index
    %get3A_1255 = vector.load %arg9[%get3A_1253, %get3A_1254] : memref<192x256xf32, #tpu.memory_space<vmem>>, vector<192x256xf32>
    %eq3A_1256 = arith.constant 0 : i32
    %eq3A_1257 = vector.broadcast %eq3A_1256 : i32 to vector<192x1xi32>
    %eq3A_1258 = arith.cmpi eq, %rem3A_3, %eq3A_1257 : vector<192x1xi32>
    %broadcast_in_dim3A_1259 = arith.constant 0.000000e+00 : f32
    %broadcast_in_dim3A_1260 = vector.broadcast %broadcast_in_dim3A_1259 : f32 to vector<1x256xf32>
    %slice3A_1261 = vector.extract_strided_slice %get3A_1255 {offsets = [0, 0], sizes = [191, 256], strides = [1, 1]} : vector<192x256xf32> to vector<191x256xf32>
    %concatenate3A_1262 = tpu.concatenate %broadcast_in_dim3A_1260, %slice3A_1261 in 0 : vector<1x256xf32>, vector<191x256xf32> -> vector<192x256xf32>
    %jit3A_1263 = arith.constant 0.000000e+00 : f32
    %broadcast_in_dim3A_1264 = vector.shape_cast %eq3A_1258 : vector<192x1xi1> to vector<192x1xi1>
    %broadcast_in_dim3A_1265 = vector.broadcast %broadcast_in_dim3A_1264 : vector<192x1xi1> to vector<192x256xi1>
    %broadcast_in_dim3A_1266 = vector.broadcast %jit3A_1263 : f32 to vector<192x256xf32>
    %select_n3A_1267 = arith.select %broadcast_in_dim3A_1265, %broadcast_in_dim3A_1266, %concatenate3A_1262 : vector<192x256xi1>, vector<192x256xf32>
    %get3A_1268 = arith.constant 0 : index
    %get3A_1269 = arith.constant 0 : index
    %get3A_1270 = arith.constant 0 : index
    %get3A_1271 = vector.load %arg5[%get3A_1268, %get3A_1269, %get3A_1270] : memref<2x512x512xf32, #tpu.memory_space<vmem>>, vector<1x256x512xf32>
    %get3A_1272 = vector.shape_cast %get3A_1271 : vector<1x256x512xf32> to vector<256x512xf32>
    %dot_general3A_1273 = arith.constant dense<0.000000e+00> : vector<192x512xf32>
    %dot_general3A_1274 = tpu.matmul %select_n3A_1267, %get3A_1272, %dot_general3A_1273 {dimension_numbers = #tpu.dot_dimension_numbers<[1], [0], [0], [1], [0, 0, 1, 1], [], []>, transpose_lhs_hint = false} : vector<192x256xf32>, vector<256x512xf32>, vector<192x512xf32> -> vector<192x512xf32>
    %get3A_1275 = arith.constant 0 : index
    %get3A_1276 = arith.constant 0 : index
    %get3A_1277 = vector.load %arg10[%get3A_1275, %get3A_1276] : memref<192x256xf32, #tpu.memory_space<vmem>>, vector<192x256xf32>
    %get3A_1278 = arith.constant 0 : index
    %get3A_1279 = arith.constant 256 : index
    %get3A_1280 = arith.constant 0 : index
    %get3A_1281 = vector.load %arg5[%get3A_1278, %get3A_1279, %get3A_1280] : memref<2x512x512xf32, #tpu.memory_space<vmem>>, vector<1x256x512xf32>
    %get3A_1282 = vector.shape_cast %get3A_1281 : vector<1x256x512xf32> to vector<256x512xf32>
    %dot_general3A_1283 = arith.constant dense<0.000000e+00> : vector<192x512xf32>
    %dot_general3A_1284 = tpu.matmul %get3A_1277, %get3A_1282, %dot_general3A_1283 {dimension_numbers = #tpu.dot_dimension_numbers<[1], [0], [0], [1], [0, 0, 1, 1], [], []>, transpose_lhs_hint = false} : vector<192x256xf32>, vector<256x512xf32>, vector<192x512xf32> -> vector<192x512xf32>
    %add3A_1285 = arith.addf %dot_general3A_1274, %dot_general3A_1284 : vector<192x512xf32>
    %get3A_1286 = arith.constant 0 : index
    %get3A_1287 = arith.constant 0 : index
    %get3A_1288 = vector.load %arg14[%get3A_1286, %get3A_1287] : memref<192x256xf32, #tpu.memory_space<vmem>>, vector<192x256xf32>
    %slice3A_1289 = vector.extract_strided_slice %add3A_1285 {offsets = [0, 0], sizes = [192, 256], strides = [1, 1]} : vector<192x512xf32> to vector<192x256xf32>
    %add3A_1290 = arith.addf %get3A_1288, %slice3A_1289 : vector<192x256xf32>
    %get3A_1291 = arith.constant 0 : index
    %get3A_1292 = arith.constant 0 : index
    %get3A_1293 = vector.load %arg6[%get3A_1291, %get3A_1292] : memref<2x256xf32, #tpu.memory_space<vmem>>, vector<1x256xf32>
    %add3A_1294 = vector.broadcast %get3A_1293 : vector<1x256xf32> to vector<192x256xf32>
    %add3A_1295 = arith.addf %add3A_1290, %add3A_1294 : vector<192x256xf32>
    %tanh3A_1296 = math.tanh %add3A_1295 : vector<192x256xf32>
    %get3A_1297 = arith.constant 0 : index
    %get3A_1298 = arith.constant 0 : index
    %get3A_1299 = vector.load %arg13[%get3A_1297, %get3A_1298] : memref<192x256xf32, #tpu.memory_space<vmem>>, vector<192x256xf32>
    %slice3A_1300 = vector.extract_strided_slice %add3A_1285 {offsets = [0, 256], sizes = [192, 256], strides = [1, 1]} : vector<192x512xf32> to vector<192x256xf32>
    %add3A_1301 = arith.addf %get3A_1299, %slice3A_1300 : vector<192x256xf32>
    %get3A_1302 = arith.constant 0 : index
    %get3A_1303 = arith.constant 0 : index
    %get3A_1304 = vector.load %arg7[%get3A_1302, %get3A_1303] : memref<2x256xf32, #tpu.memory_space<vmem>>, vector<1x256xf32>
    %add3A_1305 = vector.broadcast %get3A_1304 : vector<1x256xf32> to vector<192x256xf32>
    %add3A_1306 = arith.addf %add3A_1301, %add3A_1305 : vector<192x256xf32>
    %tanh3A_1307 = math.tanh %add3A_1306 : vector<192x256xf32>
    %ge3A_1308 = vector.broadcast %max3A_1212 : i32 to vector<192x1xi32>
    %ge3A_1309 = arith.cmpi sge, %rem3A_3, %ge3A_1308 : vector<192x1xi32>
    %le3A_1310 = vector.broadcast %min3A_1214 : i32 to vector<192x1xi32>
    %le3A_1311 = arith.cmpi sle, %rem3A_3, %le3A_1310 : vector<192x1xi32>
    %and3A_1312 = arith.andi %ge3A_1309, %le3A_1311 : vector<192x1xi1>
    %jit3A_1313 = arith.constant 0.000000e+00 : f32
    %broadcast_in_dim3A_1314 = vector.shape_cast %and3A_1312 : vector<192x1xi1> to vector<192x1xi1>
    %broadcast_in_dim3A_1315 = vector.broadcast %broadcast_in_dim3A_1314 : vector<192x1xi1> to vector<192x256xi1>
    %broadcast_in_dim3A_1316 = vector.broadcast %jit3A_1313 : f32 to vector<192x256xf32>
    %select_n3A_1317 = arith.select %broadcast_in_dim3A_1315, %tanh3A_1307, %broadcast_in_dim3A_1316 : vector<192x256xi1>, vector<192x256xf32>
    %swap3A_1318 = arith.constant 0 : index
    %swap3A_1319 = arith.constant 0 : index
    %swap3A_1320 = vector.load %arg9[%swap3A_1318, %swap3A_1319] : memref<192x256xf32, #tpu.memory_space<vmem>>, vector<192x256xf32>
    tpu.vector_store %arg9[%swap3A_1318, %swap3A_1319], %tanh3A_1296 {strides = array<i32>} : memref<192x256xf32, #tpu.memory_space<vmem>>, vector<192x256xf32>,
    %swap3A_1321 = arith.constant 0 : index
    %swap3A_1322 = arith.constant 0 : index
    %swap3A_1323 = vector.load %arg10[%swap3A_1321, %swap3A_1322] : memref<192x256xf32, #tpu.memory_space<vmem>>, vector<192x256xf32>
    tpu.vector_store %arg10[%swap3A_1321, %swap3A_1322], %select_n3A_1317 {strides = array<i32>} : memref<192x256xf32, #tpu.memory_space<vmem>>, vector<192x256xf32>,
    %swap3A_1324 = arith.constant 3840 : index
    %swap3A_1325 = arith.constant 0 : index
    %swap3A_1326 = vector.load %arg8[%swap3A_1324, %swap3A_1325] : memref<6144x256xf32, #tpu.memory_space<vmem>>, vector<192x256xf32>
    tpu.vector_store %arg8[%swap3A_1324, %swap3A_1325], %tanh3A_1296 {strides = array<i32>} : memref<6144x256xf32, #tpu.memory_space<vmem>>, vector<192x256xf32>,
    %swap3A_1327 = arith.constant 4032 : index
    %swap3A_1328 = arith.constant 0 : index
    %swap3A_1329 = vector.load %arg8[%swap3A_1327, %swap3A_1328] : memref<6144x256xf32, #tpu.memory_space<vmem>>, vector<192x256xf32>
    tpu.vector_store %arg8[%swap3A_1327, %swap3A_1328], %select_n3A_1317 {strides = array<i32>} : memref<6144x256xf32, #tpu.memory_space<vmem>>, vector<192x256xf32>,
    %mul3A_1330 = arith.constant 8 : i32
    %mul3A_1331 = arith.muli %arg0, %mul3A_1330 : i32
    %add3A_1332 = arith.constant 6 : i32
    %add3A_1333 = arith.addi %mul3A_1331, %add3A_1332 : i32
    %sub3A_1334 = arith.constant 1 : i32
    %sub3A_1335 = arith.subi %add3A_1333, %sub3A_1334 : i32
    %sub3A_1336 = arith.constant 47 : i32
    %sub3A_1337 = arith.subi %sub3A_1335, %sub3A_1336 : i32
    %max3A_1338 = arith.constant 0 : i32
    %max3A_1339 = arith.maxsi %sub3A_1337, %max3A_1338 : i32
    %min3A_1340 = arith.constant 47 : i32
    %min3A_1341 = arith.minsi %sub3A_1335, %min3A_1340 : i32
    %get3A_1342 = arith.constant 0 : index
    %get3A_1343 = arith.constant 0 : index
    %get3A_1344 = vector.load %arg11[%get3A_1342, %get3A_1343] : memref<192x256xf32, #tpu.memory_space<vmem>>, vector<192x256xf32>
    %eq3A_1345 = arith.constant 0 : i32
    %eq3A_1346 = vector.broadcast %eq3A_1345 : i32 to vector<192x1xi32>
    %eq3A_1347 = arith.cmpi eq, %rem3A_3, %eq3A_1346 : vector<192x1xi32>
    %broadcast_in_dim3A_1348 = arith.constant 0.000000e+00 : f32
    %broadcast_in_dim3A_1349 = vector.broadcast %broadcast_in_dim3A_1348 : f32 to vector<1x256xf32>
    %slice3A_1350 = vector.extract_strided_slice %get3A_1344 {offsets = [0, 0], sizes = [191, 256], strides = [1, 1]} : vector<192x256xf32> to vector<191x256xf32>
    %concatenate3A_1351 = tpu.concatenate %broadcast_in_dim3A_1349, %slice3A_1350 in 0 : vector<1x256xf32>, vector<191x256xf32> -> vector<192x256xf32>
    %jit3A_1352 = arith.constant 0.000000e+00 : f32
    %broadcast_in_dim3A_1353 = vector.shape_cast %eq3A_1347 : vector<192x1xi1> to vector<192x1xi1>
    %broadcast_in_dim3A_1354 = vector.broadcast %broadcast_in_dim3A_1353 : vector<192x1xi1> to vector<192x256xi1>
    %broadcast_in_dim3A_1355 = vector.broadcast %jit3A_1352 : f32 to vector<192x256xf32>
    %select_n3A_1356 = arith.select %broadcast_in_dim3A_1354, %broadcast_in_dim3A_1355, %concatenate3A_1351 : vector<192x256xi1>, vector<192x256xf32>
    %get3A_1357 = arith.constant 1 : index
    %get3A_1358 = arith.constant 0 : index
    %get3A_1359 = arith.constant 0 : index
    %get3A_1360 = vector.load %arg5[%get3A_1357, %get3A_1358, %get3A_1359] : memref<2x512x512xf32, #tpu.memory_space<vmem>>, vector<1x256x512xf32>
    %get3A_1361 = vector.shape_cast %get3A_1360 : vector<1x256x512xf32> to vector<256x512xf32>
    %dot_general3A_1362 = arith.constant dense<0.000000e+00> : vector<192x512xf32>
    %dot_general3A_1363 = tpu.matmul %select_n3A_1356, %get3A_1361, %dot_general3A_1362 {dimension_numbers = #tpu.dot_dimension_numbers<[1], [0], [0], [1], [0, 0, 1, 1], [], []>, transpose_lhs_hint = false} : vector<192x256xf32>, vector<256x512xf32>, vector<192x512xf32> -> vector<192x512xf32>
    %get3A_1364 = arith.constant 0 : index
    %get3A_1365 = arith.constant 0 : index
    %get3A_1366 = vector.load %arg12[%get3A_1364, %get3A_1365] : memref<192x256xf32, #tpu.memory_space<vmem>>, vector<192x256xf32>
    %get3A_1367 = arith.constant 1 : index
    %get3A_1368 = arith.constant 256 : index
    %get3A_1369 = arith.constant 0 : index
    %get3A_1370 = vector.load %arg5[%get3A_1367, %get3A_1368, %get3A_1369] : memref<2x512x512xf32, #tpu.memory_space<vmem>>, vector<1x256x512xf32>
    %get3A_1371 = vector.shape_cast %get3A_1370 : vector<1x256x512xf32> to vector<256x512xf32>
    %dot_general3A_1372 = arith.constant dense<0.000000e+00> : vector<192x512xf32>
    %dot_general3A_1373 = tpu.matmul %get3A_1366, %get3A_1371, %dot_general3A_1372 {dimension_numbers = #tpu.dot_dimension_numbers<[1], [0], [0], [1], [0, 0, 1, 1], [], []>, transpose_lhs_hint = false} : vector<192x256xf32>, vector<256x512xf32>, vector<192x512xf32> -> vector<192x512xf32>
    %add3A_1374 = arith.addf %dot_general3A_1363, %dot_general3A_1373 : vector<192x512xf32>
    %get3A_1375 = arith.constant 0 : index
    %get3A_1376 = arith.constant 0 : index
    %get3A_1377 = vector.load %arg9[%get3A_1375, %get3A_1376] : memref<192x256xf32, #tpu.memory_space<vmem>>, vector<192x256xf32>
    %get3A_1378 = arith.constant 1 : index
    %get3A_1379 = arith.constant 0 : index
    %get3A_1380 = arith.constant 0 : index
    %get3A_1381 = vector.load %arg3[%get3A_1378, %get3A_1379, %get3A_1380] : memref<2x256x256xf32, #tpu.memory_space<vmem>>, vector<1x256x256xf32>
    %get3A_1382 = vector.shape_cast %get3A_1381 : vector<1x256x256xf32> to vector<256x256xf32>
    %dot_general3A_1383 = arith.constant dense<0.000000e+00> : vector<192x256xf32>
    %dot_general3A_1384 = tpu.matmul %get3A_1377, %get3A_1382, %dot_general3A_1383 {dimension_numbers = #tpu.dot_dimension_numbers<[1], [0], [0], [1], [0, 0, 1, 1], [], []>, transpose_lhs_hint = false} : vector<192x256xf32>, vector<256x256xf32>, vector<192x256xf32> -> vector<192x256xf32>
    %slice3A_1385 = vector.extract_strided_slice %add3A_1374 {offsets = [0, 0], sizes = [192, 256], strides = [1, 1]} : vector<192x512xf32> to vector<192x256xf32>
    %add3A_1386 = arith.addf %dot_general3A_1384, %slice3A_1385 : vector<192x256xf32>
    %get3A_1387 = arith.constant 1 : index
    %get3A_1388 = arith.constant 0 : index
    %get3A_1389 = vector.load %arg6[%get3A_1387, %get3A_1388] : memref<2x256xf32, #tpu.memory_space<vmem>>, vector<1x256xf32>
    %add3A_1390 = vector.broadcast %get3A_1389 : vector<1x256xf32> to vector<192x256xf32>
    %add3A_1391 = arith.addf %add3A_1386, %add3A_1390 : vector<192x256xf32>
    %tanh3A_1392 = math.tanh %add3A_1391 : vector<192x256xf32>
    %get3A_1393 = arith.constant 0 : index
    %get3A_1394 = arith.constant 0 : index
    %get3A_1395 = vector.load %arg10[%get3A_1393, %get3A_1394] : memref<192x256xf32, #tpu.memory_space<vmem>>, vector<192x256xf32>
    %get3A_1396 = arith.constant 1 : index
    %get3A_1397 = arith.constant 0 : index
    %get3A_1398 = arith.constant 0 : index
    %get3A_1399 = vector.load %arg4[%get3A_1396, %get3A_1397, %get3A_1398] : memref<2x256x256xf32, #tpu.memory_space<vmem>>, vector<1x256x256xf32>
    %get3A_1400 = vector.shape_cast %get3A_1399 : vector<1x256x256xf32> to vector<256x256xf32>
    %dot_general3A_1401 = arith.constant dense<0.000000e+00> : vector<192x256xf32>
    %dot_general3A_1402 = tpu.matmul %get3A_1395, %get3A_1400, %dot_general3A_1401 {dimension_numbers = #tpu.dot_dimension_numbers<[1], [0], [0], [1], [0, 0, 1, 1], [], []>, transpose_lhs_hint = false} : vector<192x256xf32>, vector<256x256xf32>, vector<192x256xf32> -> vector<192x256xf32>
    %slice3A_1403 = vector.extract_strided_slice %add3A_1374 {offsets = [0, 256], sizes = [192, 256], strides = [1, 1]} : vector<192x512xf32> to vector<192x256xf32>
    %add3A_1404 = arith.addf %dot_general3A_1402, %slice3A_1403 : vector<192x256xf32>
    %get3A_1405 = arith.constant 1 : index
    %get3A_1406 = arith.constant 0 : index
    %get3A_1407 = vector.load %arg7[%get3A_1405, %get3A_1406] : memref<2x256xf32, #tpu.memory_space<vmem>>, vector<1x256xf32>
    %add3A_1408 = vector.broadcast %get3A_1407 : vector<1x256xf32> to vector<192x256xf32>
    %add3A_1409 = arith.addf %add3A_1404, %add3A_1408 : vector<192x256xf32>
    %tanh3A_1410 = math.tanh %add3A_1409 : vector<192x256xf32>
    %ge3A_1411 = vector.broadcast %max3A_1339 : i32 to vector<192x1xi32>
    %ge3A_1412 = arith.cmpi sge, %rem3A_3, %ge3A_1411 : vector<192x1xi32>
    %le3A_1413 = vector.broadcast %min3A_1341 : i32 to vector<192x1xi32>
    %le3A_1414 = arith.cmpi sle, %rem3A_3, %le3A_1413 : vector<192x1xi32>
    %and3A_1415 = arith.andi %ge3A_1412, %le3A_1414 : vector<192x1xi1>
    %jit3A_1416 = arith.constant 0.000000e+00 : f32
    %broadcast_in_dim3A_1417 = vector.shape_cast %and3A_1415 : vector<192x1xi1> to vector<192x1xi1>
    %broadcast_in_dim3A_1418 = vector.broadcast %broadcast_in_dim3A_1417 : vector<192x1xi1> to vector<192x256xi1>
    %broadcast_in_dim3A_1419 = vector.broadcast %jit3A_1416 : f32 to vector<192x256xf32>
    %select_n3A_1420 = arith.select %broadcast_in_dim3A_1418, %tanh3A_1410, %broadcast_in_dim3A_1419 : vector<192x256xi1>, vector<192x256xf32>
    %swap3A_1421 = arith.constant 0 : index
    %swap3A_1422 = arith.constant 0 : index
    %swap3A_1423 = vector.load %arg11[%swap3A_1421, %swap3A_1422] : memref<192x256xf32, #tpu.memory_space<vmem>>, vector<192x256xf32>
    tpu.vector_store %arg11[%swap3A_1421, %swap3A_1422], %tanh3A_1392 {strides = array<i32>} : memref<192x256xf32, #tpu.memory_space<vmem>>, vector<192x256xf32>,
    %swap3A_1424 = arith.constant 0 : index
    %swap3A_1425 = arith.constant 0 : index
    %swap3A_1426 = vector.load %arg12[%swap3A_1424, %swap3A_1425] : memref<192x256xf32, #tpu.memory_space<vmem>>, vector<192x256xf32>
    tpu.vector_store %arg12[%swap3A_1424, %swap3A_1425], %select_n3A_1420 {strides = array<i32>} : memref<192x256xf32, #tpu.memory_space<vmem>>, vector<192x256xf32>,
    %swap3A_1427 = arith.constant 4992 : index
    %swap3A_1428 = arith.constant 0 : index
    %swap3A_1429 = vector.load %arg8[%swap3A_1427, %swap3A_1428] : memref<6144x256xf32, #tpu.memory_space<vmem>>, vector<192x256xf32>
    tpu.vector_store %arg8[%swap3A_1427, %swap3A_1428], %tanh3A_1392 {strides = array<i32>} : memref<6144x256xf32, #tpu.memory_space<vmem>>, vector<192x256xf32>,
    %swap3A_1430 = arith.constant 5184 : index
    %swap3A_1431 = arith.constant 0 : index
    %swap3A_1432 = vector.load %arg8[%swap3A_1430, %swap3A_1431] : memref<6144x256xf32, #tpu.memory_space<vmem>>, vector<192x256xf32>
    tpu.vector_store %arg8[%swap3A_1430, %swap3A_1431], %select_n3A_1420 {strides = array<i32>} : memref<6144x256xf32, #tpu.memory_space<vmem>>, vector<192x256xf32>,
    %sub3A_1433 = arith.constant 47 : i32
    %sub3A_1434 = arith.subi %add3A_1333, %sub3A_1433 : i32
    %max3A_1435 = arith.constant 0 : i32
    %max3A_1436 = arith.maxsi %sub3A_1434, %max3A_1435 : i32
    %min3A_1437 = arith.constant 47 : i32
    %min3A_1438 = arith.minsi %add3A_1333, %min3A_1437 : i32
    %get3A_1439 = arith.constant 0 : index
    %get3A_1440 = arith.constant 0 : index
    %get3A_1441 = vector.load %arg13[%get3A_1439, %get3A_1440] : memref<192x256xf32, #tpu.memory_space<vmem>>, vector<192x256xf32>
    %broadcast_in_dim3A_1442 = arith.constant 0.000000e+00 : f32
    %broadcast_in_dim3A_1443 = vector.broadcast %broadcast_in_dim3A_1442 : f32 to vector<1x256xf32>
    %slice3A_1444 = vector.extract_strided_slice %get3A_1441 {offsets = [0, 0], sizes = [191, 256], strides = [1, 1]} : vector<192x256xf32> to vector<191x256xf32>
    %concatenate3A_1445 = tpu.concatenate %broadcast_in_dim3A_1443, %slice3A_1444 in 0 : vector<1x256xf32>, vector<191x256xf32> -> vector<192x256xf32>
    %swap3A_1446 = arith.constant 0 : index
    %swap3A_1447 = arith.constant 0 : index
    %swap3A_1448 = vector.load %arg13[%swap3A_1446, %swap3A_1447] : memref<192x256xf32, #tpu.memory_space<vmem>>, vector<192x256xf32>
    tpu.vector_store %arg13[%swap3A_1446, %swap3A_1447], %concatenate3A_1445 {strides = array<i32>} : memref<192x256xf32, #tpu.memory_space<vmem>>, vector<192x256xf32>,
    %min3A_1449 = arith.constant 47 : i32
    %min3A_1450 = arith.minsi %add3A_1333, %min3A_1449 : i32
    %mul3A_1451 = arith.constant 8 : i32
    %mul3A_1452 = arith.muli %min3A_1450, %mul3A_1451 : i32
    %get3A_1453 = arith.index_cast %mul3A_1452 : i32 to index
    %get3A_1454 = arith.constant 0 : index
    %get3A_1455 = vector.load %arg15[%get3A_1453, %get3A_1454] : memref<384x256xf32, #tpu.memory_space<vmem>>, vector<8x256xf32>
    %lt3A_1456 = arith.constant 48 : i32
    %lt3A_1457 = arith.cmpi slt, %add3A_1333, %lt3A_1456 : i32
    %jit3A_1458 = arith.constant 0.000000e+00 : f32
    %broadcast_in_dim3A_1459 = vector.broadcast %jit3A_1458 : f32 to vector<8x256xf32>
    %select_n3A_1460 = arith.select %lt3A_1457, %get3A_1455, %broadcast_in_dim3A_1459 : vector<8x256xf32>
    %slice3A_1461 = vector.extract_strided_slice %select_n3A_1460 {offsets = [0, 0], sizes = [1, 256], strides = [1, 1]} : vector<8x256xf32> to vector<1x256xf32>
    %swap3A_1462 = arith.constant 0 : index
    %swap3A_1463 = arith.constant 0 : index
    %swap3A_1464 = vector.load %arg13[%swap3A_1462, %swap3A_1463] : memref<192x256xf32, #tpu.memory_space<vmem>>, vector<1x256xf32>
    tpu.vector_store %arg13[%swap3A_1462, %swap3A_1463], %slice3A_1461 {strides = array<i32>} : memref<192x256xf32, #tpu.memory_space<vmem>>, vector<1x256xf32>,
    %slice3A_1465 = vector.extract_strided_slice %select_n3A_1460 {offsets = [1, 0], sizes = [1, 256], strides = [1, 1]} : vector<8x256xf32> to vector<1x256xf32>
    %swap3A_1466 = arith.constant 48 : index
    %swap3A_1467 = arith.constant 0 : index
    %swap3A_1468 = vector.load %arg13[%swap3A_1466, %swap3A_1467] : memref<192x256xf32, #tpu.memory_space<vmem>>, vector<1x256xf32>
    tpu.vector_store %arg13[%swap3A_1466, %swap3A_1467], %slice3A_1465 {strides = array<i32>} : memref<192x256xf32, #tpu.memory_space<vmem>>, vector<1x256xf32>,
    %slice3A_1469 = vector.extract_strided_slice %select_n3A_1460 {offsets = [2, 0], sizes = [1, 256], strides = [1, 1]} : vector<8x256xf32> to vector<1x256xf32>
    %swap3A_1470 = arith.constant 96 : index
    %swap3A_1471 = arith.constant 0 : index
    %swap3A_1472 = vector.load %arg13[%swap3A_1470, %swap3A_1471] : memref<192x256xf32, #tpu.memory_space<vmem>>, vector<1x256xf32>
    tpu.vector_store %arg13[%swap3A_1470, %swap3A_1471], %slice3A_1469 {strides = array<i32>} : memref<192x256xf32, #tpu.memory_space<vmem>>, vector<1x256xf32>,
    %slice3A_1473 = vector.extract_strided_slice %select_n3A_1460 {offsets = [3, 0], sizes = [1, 256], strides = [1, 1]} : vector<8x256xf32> to vector<1x256xf32>
    %swap3A_1474 = arith.constant 144 : index
    %swap3A_1475 = arith.constant 0 : index
    %swap3A_1476 = vector.load %arg13[%swap3A_1474, %swap3A_1475] : memref<192x256xf32, #tpu.memory_space<vmem>>, vector<1x256xf32>
    tpu.vector_store %arg13[%swap3A_1474, %swap3A_1475], %slice3A_1473 {strides = array<i32>} : memref<192x256xf32, #tpu.memory_space<vmem>>, vector<1x256xf32>,
    %get3A_1477 = arith.constant 0 : index
    %get3A_1478 = arith.constant 0 : index
    %get3A_1479 = vector.load %arg9[%get3A_1477, %get3A_1478] : memref<192x256xf32, #tpu.memory_space<vmem>>, vector<192x256xf32>
    %eq3A_1480 = arith.constant 0 : i32
    %eq3A_1481 = vector.broadcast %eq3A_1480 : i32 to vector<192x1xi32>
    %eq3A_1482 = arith.cmpi eq, %rem3A_3, %eq3A_1481 : vector<192x1xi32>
    %broadcast_in_dim3A_1483 = arith.constant 0.000000e+00 : f32
    %broadcast_in_dim3A_1484 = vector.broadcast %broadcast_in_dim3A_1483 : f32 to vector<1x256xf32>
    %slice3A_1485 = vector.extract_strided_slice %get3A_1479 {offsets = [0, 0], sizes = [191, 256], strides = [1, 1]} : vector<192x256xf32> to vector<191x256xf32>
    %concatenate3A_1486 = tpu.concatenate %broadcast_in_dim3A_1484, %slice3A_1485 in 0 : vector<1x256xf32>, vector<191x256xf32> -> vector<192x256xf32>
    %jit3A_1487 = arith.constant 0.000000e+00 : f32
    %broadcast_in_dim3A_1488 = vector.shape_cast %eq3A_1482 : vector<192x1xi1> to vector<192x1xi1>
    %broadcast_in_dim3A_1489 = vector.broadcast %broadcast_in_dim3A_1488 : vector<192x1xi1> to vector<192x256xi1>
    %broadcast_in_dim3A_1490 = vector.broadcast %jit3A_1487 : f32 to vector<192x256xf32>
    %select_n3A_1491 = arith.select %broadcast_in_dim3A_1489, %broadcast_in_dim3A_1490, %concatenate3A_1486 : vector<192x256xi1>, vector<192x256xf32>
    %get3A_1492 = arith.constant 0 : index
    %get3A_1493 = arith.constant 0 : index
    %get3A_1494 = arith.constant 0 : index
    %get3A_1495 = vector.load %arg5[%get3A_1492, %get3A_1493, %get3A_1494] : memref<2x512x512xf32, #tpu.memory_space<vmem>>, vector<1x256x512xf32>
    %get3A_1496 = vector.shape_cast %get3A_1495 : vector<1x256x512xf32> to vector<256x512xf32>
    %dot_general3A_1497 = arith.constant dense<0.000000e+00> : vector<192x512xf32>
    %dot_general3A_1498 = tpu.matmul %select_n3A_1491, %get3A_1496, %dot_general3A_1497 {dimension_numbers = #tpu.dot_dimension_numbers<[1], [0], [0], [1], [0, 0, 1, 1], [], []>, transpose_lhs_hint = false} : vector<192x256xf32>, vector<256x512xf32>, vector<192x512xf32> -> vector<192x512xf32>
    %get3A_1499 = arith.constant 0 : index
    %get3A_1500 = arith.constant 0 : index
    %get3A_1501 = vector.load %arg10[%get3A_1499, %get3A_1500] : memref<192x256xf32, #tpu.memory_space<vmem>>, vector<192x256xf32>
    %get3A_1502 = arith.constant 0 : index
    %get3A_1503 = arith.constant 256 : index
    %get3A_1504 = arith.constant 0 : index
    %get3A_1505 = vector.load %arg5[%get3A_1502, %get3A_1503, %get3A_1504] : memref<2x512x512xf32, #tpu.memory_space<vmem>>, vector<1x256x512xf32>
    %get3A_1506 = vector.shape_cast %get3A_1505 : vector<1x256x512xf32> to vector<256x512xf32>
    %dot_general3A_1507 = arith.constant dense<0.000000e+00> : vector<192x512xf32>
    %dot_general3A_1508 = tpu.matmul %get3A_1501, %get3A_1506, %dot_general3A_1507 {dimension_numbers = #tpu.dot_dimension_numbers<[1], [0], [0], [1], [0, 0, 1, 1], [], []>, transpose_lhs_hint = false} : vector<192x256xf32>, vector<256x512xf32>, vector<192x512xf32> -> vector<192x512xf32>
    %add3A_1509 = arith.addf %dot_general3A_1498, %dot_general3A_1508 : vector<192x512xf32>
    %get3A_1510 = arith.constant 0 : index
    %get3A_1511 = arith.constant 0 : index
    %get3A_1512 = vector.load %arg14[%get3A_1510, %get3A_1511] : memref<192x256xf32, #tpu.memory_space<vmem>>, vector<192x256xf32>
    %slice3A_1513 = vector.extract_strided_slice %add3A_1509 {offsets = [0, 0], sizes = [192, 256], strides = [1, 1]} : vector<192x512xf32> to vector<192x256xf32>
    %add3A_1514 = arith.addf %get3A_1512, %slice3A_1513 : vector<192x256xf32>
    %get3A_1515 = arith.constant 0 : index
    %get3A_1516 = arith.constant 0 : index
    %get3A_1517 = vector.load %arg6[%get3A_1515, %get3A_1516] : memref<2x256xf32, #tpu.memory_space<vmem>>, vector<1x256xf32>
    %add3A_1518 = vector.broadcast %get3A_1517 : vector<1x256xf32> to vector<192x256xf32>
    %add3A_1519 = arith.addf %add3A_1514, %add3A_1518 : vector<192x256xf32>
    %tanh3A_1520 = math.tanh %add3A_1519 : vector<192x256xf32>
    %get3A_1521 = arith.constant 0 : index
    %get3A_1522 = arith.constant 0 : index
    %get3A_1523 = vector.load %arg13[%get3A_1521, %get3A_1522] : memref<192x256xf32, #tpu.memory_space<vmem>>, vector<192x256xf32>
    %slice3A_1524 = vector.extract_strided_slice %add3A_1509 {offsets = [0, 256], sizes = [192, 256], strides = [1, 1]} : vector<192x512xf32> to vector<192x256xf32>
    %add3A_1525 = arith.addf %get3A_1523, %slice3A_1524 : vector<192x256xf32>
    %get3A_1526 = arith.constant 0 : index
    %get3A_1527 = arith.constant 0 : index
    %get3A_1528 = vector.load %arg7[%get3A_1526, %get3A_1527] : memref<2x256xf32, #tpu.memory_space<vmem>>, vector<1x256xf32>
    %add3A_1529 = vector.broadcast %get3A_1528 : vector<1x256xf32> to vector<192x256xf32>
    %add3A_1530 = arith.addf %add3A_1525, %add3A_1529 : vector<192x256xf32>
    %tanh3A_1531 = math.tanh %add3A_1530 : vector<192x256xf32>
    %ge3A_1532 = vector.broadcast %max3A_1436 : i32 to vector<192x1xi32>
    %ge3A_1533 = arith.cmpi sge, %rem3A_3, %ge3A_1532 : vector<192x1xi32>
    %le3A_1534 = vector.broadcast %min3A_1438 : i32 to vector<192x1xi32>
    %le3A_1535 = arith.cmpi sle, %rem3A_3, %le3A_1534 : vector<192x1xi32>
    %and3A_1536 = arith.andi %ge3A_1533, %le3A_1535 : vector<192x1xi1>
    %jit3A_1537 = arith.constant 0.000000e+00 : f32
    %broadcast_in_dim3A_1538 = vector.shape_cast %and3A_1536 : vector<192x1xi1> to vector<192x1xi1>
    %broadcast_in_dim3A_1539 = vector.broadcast %broadcast_in_dim3A_1538 : vector<192x1xi1> to vector<192x256xi1>
    %broadcast_in_dim3A_1540 = vector.broadcast %jit3A_1537 : f32 to vector<192x256xf32>
    %select_n3A_1541 = arith.select %broadcast_in_dim3A_1539, %tanh3A_1531, %broadcast_in_dim3A_1540 : vector<192x256xi1>, vector<192x256xf32>
    %swap3A_1542 = arith.constant 0 : index
    %swap3A_1543 = arith.constant 0 : index
    %swap3A_1544 = vector.load %arg9[%swap3A_1542, %swap3A_1543] : memref<192x256xf32, #tpu.memory_space<vmem>>, vector<192x256xf32>
    tpu.vector_store %arg9[%swap3A_1542, %swap3A_1543], %tanh3A_1520 {strides = array<i32>} : memref<192x256xf32, #tpu.memory_space<vmem>>, vector<192x256xf32>,
    %swap3A_1545 = arith.constant 0 : index
    %swap3A_1546 = arith.constant 0 : index
    %swap3A_1547 = vector.load %arg10[%swap3A_1545, %swap3A_1546] : memref<192x256xf32, #tpu.memory_space<vmem>>, vector<192x256xf32>
    tpu.vector_store %arg10[%swap3A_1545, %swap3A_1546], %select_n3A_1541 {strides = array<i32>} : memref<192x256xf32, #tpu.memory_space<vmem>>, vector<192x256xf32>,
    %swap3A_1548 = arith.constant 4608 : index
    %swap3A_1549 = arith.constant 0 : index
    %swap3A_1550 = vector.load %arg8[%swap3A_1548, %swap3A_1549] : memref<6144x256xf32, #tpu.memory_space<vmem>>, vector<192x256xf32>
    tpu.vector_store %arg8[%swap3A_1548, %swap3A_1549], %tanh3A_1520 {strides = array<i32>} : memref<6144x256xf32, #tpu.memory_space<vmem>>, vector<192x256xf32>,
    %swap3A_1551 = arith.constant 4800 : index
    %swap3A_1552 = arith.constant 0 : index
    %swap3A_1553 = vector.load %arg8[%swap3A_1551, %swap3A_1552] : memref<6144x256xf32, #tpu.memory_space<vmem>>, vector<192x256xf32>
    tpu.vector_store %arg8[%swap3A_1551, %swap3A_1552], %select_n3A_1541 {strides = array<i32>} : memref<6144x256xf32, #tpu.memory_space<vmem>>, vector<192x256xf32>,
    %mul3A_1554 = arith.constant 8 : i32
    %mul3A_1555 = arith.muli %arg0, %mul3A_1554 : i32
    %add3A_1556 = arith.constant 7 : i32
    %add3A_1557 = arith.addi %mul3A_1555, %add3A_1556 : i32
    %sub3A_1558 = arith.constant 1 : i32
    %sub3A_1559 = arith.subi %add3A_1557, %sub3A_1558 : i32
    %sub3A_1560 = arith.constant 47 : i32
    %sub3A_1561 = arith.subi %sub3A_1559, %sub3A_1560 : i32
    %max3A_1562 = arith.constant 0 : i32
    %max3A_1563 = arith.maxsi %sub3A_1561, %max3A_1562 : i32
    %min3A_1564 = arith.constant 47 : i32
    %min3A_1565 = arith.minsi %sub3A_1559, %min3A_1564 : i32
    %get3A_1566 = arith.constant 0 : index
    %get3A_1567 = arith.constant 0 : index
    %get3A_1568 = vector.load %arg11[%get3A_1566, %get3A_1567] : memref<192x256xf32, #tpu.memory_space<vmem>>, vector<192x256xf32>
    %eq3A_1569 = arith.constant 0 : i32
    %eq3A_1570 = vector.broadcast %eq3A_1569 : i32 to vector<192x1xi32>
    %eq3A_1571 = arith.cmpi eq, %rem3A_3, %eq3A_1570 : vector<192x1xi32>
    %broadcast_in_dim3A_1572 = arith.constant 0.000000e+00 : f32
    %broadcast_in_dim3A_1573 = vector.broadcast %broadcast_in_dim3A_1572 : f32 to vector<1x256xf32>
    %slice3A_1574 = vector.extract_strided_slice %get3A_1568 {offsets = [0, 0], sizes = [191, 256], strides = [1, 1]} : vector<192x256xf32> to vector<191x256xf32>
    %concatenate3A_1575 = tpu.concatenate %broadcast_in_dim3A_1573, %slice3A_1574 in 0 : vector<1x256xf32>, vector<191x256xf32> -> vector<192x256xf32>
    %jit3A_1576 = arith.constant 0.000000e+00 : f32
    %broadcast_in_dim3A_1577 = vector.shape_cast %eq3A_1571 : vector<192x1xi1> to vector<192x1xi1>
    %broadcast_in_dim3A_1578 = vector.broadcast %broadcast_in_dim3A_1577 : vector<192x1xi1> to vector<192x256xi1>
    %broadcast_in_dim3A_1579 = vector.broadcast %jit3A_1576 : f32 to vector<192x256xf32>
    %select_n3A_1580 = arith.select %broadcast_in_dim3A_1578, %broadcast_in_dim3A_1579, %concatenate3A_1575 : vector<192x256xi1>, vector<192x256xf32>
    %get3A_1581 = arith.constant 1 : index
    %get3A_1582 = arith.constant 0 : index
    %get3A_1583 = arith.constant 0 : index
    %get3A_1584 = vector.load %arg5[%get3A_1581, %get3A_1582, %get3A_1583] : memref<2x512x512xf32, #tpu.memory_space<vmem>>, vector<1x256x512xf32>
    %get3A_1585 = vector.shape_cast %get3A_1584 : vector<1x256x512xf32> to vector<256x512xf32>
    %dot_general3A_1586 = arith.constant dense<0.000000e+00> : vector<192x512xf32>
    %dot_general3A_1587 = tpu.matmul %select_n3A_1580, %get3A_1585, %dot_general3A_1586 {dimension_numbers = #tpu.dot_dimension_numbers<[1], [0], [0], [1], [0, 0, 1, 1], [], []>, transpose_lhs_hint = false} : vector<192x256xf32>, vector<256x512xf32>, vector<192x512xf32> -> vector<192x512xf32>
    %get3A_1588 = arith.constant 0 : index
    %get3A_1589 = arith.constant 0 : index
    %get3A_1590 = vector.load %arg12[%get3A_1588, %get3A_1589] : memref<192x256xf32, #tpu.memory_space<vmem>>, vector<192x256xf32>
    %get3A_1591 = arith.constant 1 : index
    %get3A_1592 = arith.constant 256 : index
    %get3A_1593 = arith.constant 0 : index
    %get3A_1594 = vector.load %arg5[%get3A_1591, %get3A_1592, %get3A_1593] : memref<2x512x512xf32, #tpu.memory_space<vmem>>, vector<1x256x512xf32>
    %get3A_1595 = vector.shape_cast %get3A_1594 : vector<1x256x512xf32> to vector<256x512xf32>
    %dot_general3A_1596 = arith.constant dense<0.000000e+00> : vector<192x512xf32>
    %dot_general3A_1597 = tpu.matmul %get3A_1590, %get3A_1595, %dot_general3A_1596 {dimension_numbers = #tpu.dot_dimension_numbers<[1], [0], [0], [1], [0, 0, 1, 1], [], []>, transpose_lhs_hint = false} : vector<192x256xf32>, vector<256x512xf32>, vector<192x512xf32> -> vector<192x512xf32>
    %add3A_1598 = arith.addf %dot_general3A_1587, %dot_general3A_1597 : vector<192x512xf32>
    %get3A_1599 = arith.constant 0 : index
    %get3A_1600 = arith.constant 0 : index
    %get3A_1601 = vector.load %arg9[%get3A_1599, %get3A_1600] : memref<192x256xf32, #tpu.memory_space<vmem>>, vector<192x256xf32>
    %get3A_1602 = arith.constant 1 : index
    %get3A_1603 = arith.constant 0 : index
    %get3A_1604 = arith.constant 0 : index
    %get3A_1605 = vector.load %arg3[%get3A_1602, %get3A_1603, %get3A_1604] : memref<2x256x256xf32, #tpu.memory_space<vmem>>, vector<1x256x256xf32>
    %get3A_1606 = vector.shape_cast %get3A_1605 : vector<1x256x256xf32> to vector<256x256xf32>
    %dot_general3A_1607 = arith.constant dense<0.000000e+00> : vector<192x256xf32>
    %dot_general3A_1608 = tpu.matmul %get3A_1601, %get3A_1606, %dot_general3A_1607 {dimension_numbers = #tpu.dot_dimension_numbers<[1], [0], [0], [1], [0, 0, 1, 1], [], []>, transpose_lhs_hint = false} : vector<192x256xf32>, vector<256x256xf32>, vector<192x256xf32> -> vector<192x256xf32>
    %slice3A_1609 = vector.extract_strided_slice %add3A_1598 {offsets = [0, 0], sizes = [192, 256], strides = [1, 1]} : vector<192x512xf32> to vector<192x256xf32>
    %add3A_1610 = arith.addf %dot_general3A_1608, %slice3A_1609 : vector<192x256xf32>
    %get3A_1611 = arith.constant 1 : index
    %get3A_1612 = arith.constant 0 : index
    %get3A_1613 = vector.load %arg6[%get3A_1611, %get3A_1612] : memref<2x256xf32, #tpu.memory_space<vmem>>, vector<1x256xf32>
    %add3A_1614 = vector.broadcast %get3A_1613 : vector<1x256xf32> to vector<192x256xf32>
    %add3A_1615 = arith.addf %add3A_1610, %add3A_1614 : vector<192x256xf32>
    %tanh3A_1616 = math.tanh %add3A_1615 : vector<192x256xf32>
    %get3A_1617 = arith.constant 0 : index
    %get3A_1618 = arith.constant 0 : index
    %get3A_1619 = vector.load %arg10[%get3A_1617, %get3A_1618] : memref<192x256xf32, #tpu.memory_space<vmem>>, vector<192x256xf32>
    %get3A_1620 = arith.constant 1 : index
    %get3A_1621 = arith.constant 0 : index
    %get3A_1622 = arith.constant 0 : index
    %get3A_1623 = vector.load %arg4[%get3A_1620, %get3A_1621, %get3A_1622] : memref<2x256x256xf32, #tpu.memory_space<vmem>>, vector<1x256x256xf32>
    %get3A_1624 = vector.shape_cast %get3A_1623 : vector<1x256x256xf32> to vector<256x256xf32>
    %dot_general3A_1625 = arith.constant dense<0.000000e+00> : vector<192x256xf32>
    %dot_general3A_1626 = tpu.matmul %get3A_1619, %get3A_1624, %dot_general3A_1625 {dimension_numbers = #tpu.dot_dimension_numbers<[1], [0], [0], [1], [0, 0, 1, 1], [], []>, transpose_lhs_hint = false} : vector<192x256xf32>, vector<256x256xf32>, vector<192x256xf32> -> vector<192x256xf32>
    %slice3A_1627 = vector.extract_strided_slice %add3A_1598 {offsets = [0, 256], sizes = [192, 256], strides = [1, 1]} : vector<192x512xf32> to vector<192x256xf32>
    %add3A_1628 = arith.addf %dot_general3A_1626, %slice3A_1627 : vector<192x256xf32>
    %get3A_1629 = arith.constant 1 : index
    %get3A_1630 = arith.constant 0 : index
    %get3A_1631 = vector.load %arg7[%get3A_1629, %get3A_1630] : memref<2x256xf32, #tpu.memory_space<vmem>>, vector<1x256xf32>
    %add3A_1632 = vector.broadcast %get3A_1631 : vector<1x256xf32> to vector<192x256xf32>
    %add3A_1633 = arith.addf %add3A_1628, %add3A_1632 : vector<192x256xf32>
    %tanh3A_1634 = math.tanh %add3A_1633 : vector<192x256xf32>
    %ge3A_1635 = vector.broadcast %max3A_1563 : i32 to vector<192x1xi32>
    %ge3A_1636 = arith.cmpi sge, %rem3A_3, %ge3A_1635 : vector<192x1xi32>
    %le3A_1637 = vector.broadcast %min3A_1565 : i32 to vector<192x1xi32>
    %le3A_1638 = arith.cmpi sle, %rem3A_3, %le3A_1637 : vector<192x1xi32>
    %and3A_1639 = arith.andi %ge3A_1636, %le3A_1638 : vector<192x1xi1>
    %jit3A_1640 = arith.constant 0.000000e+00 : f32
    %broadcast_in_dim3A_1641 = vector.shape_cast %and3A_1639 : vector<192x1xi1> to vector<192x1xi1>
    %broadcast_in_dim3A_1642 = vector.broadcast %broadcast_in_dim3A_1641 : vector<192x1xi1> to vector<192x256xi1>
    %broadcast_in_dim3A_1643 = vector.broadcast %jit3A_1640 : f32 to vector<192x256xf32>
    %select_n3A_1644 = arith.select %broadcast_in_dim3A_1642, %tanh3A_1634, %broadcast_in_dim3A_1643 : vector<192x256xi1>, vector<192x256xf32>
    %swap3A_1645 = arith.constant 0 : index
    %swap3A_1646 = arith.constant 0 : index
    %swap3A_1647 = vector.load %arg11[%swap3A_1645, %swap3A_1646] : memref<192x256xf32, #tpu.memory_space<vmem>>, vector<192x256xf32>
    tpu.vector_store %arg11[%swap3A_1645, %swap3A_1646], %tanh3A_1616 {strides = array<i32>} : memref<192x256xf32, #tpu.memory_space<vmem>>, vector<192x256xf32>,
    %swap3A_1648 = arith.constant 0 : index
    %swap3A_1649 = arith.constant 0 : index
    %swap3A_1650 = vector.load %arg12[%swap3A_1648, %swap3A_1649] : memref<192x256xf32, #tpu.memory_space<vmem>>, vector<192x256xf32>
    tpu.vector_store %arg12[%swap3A_1648, %swap3A_1649], %select_n3A_1644 {strides = array<i32>} : memref<192x256xf32, #tpu.memory_space<vmem>>, vector<192x256xf32>,
    %swap3A_1651 = arith.constant 5760 : index
    %swap3A_1652 = arith.constant 0 : index
    %swap3A_1653 = vector.load %arg8[%swap3A_1651, %swap3A_1652] : memref<6144x256xf32, #tpu.memory_space<vmem>>, vector<192x256xf32>
    tpu.vector_store %arg8[%swap3A_1651, %swap3A_1652], %tanh3A_1616 {strides = array<i32>} : memref<6144x256xf32, #tpu.memory_space<vmem>>, vector<192x256xf32>,
    %swap3A_1654 = arith.constant 5952 : index
    %swap3A_1655 = arith.constant 0 : index
    %swap3A_1656 = vector.load %arg8[%swap3A_1654, %swap3A_1655] : memref<6144x256xf32, #tpu.memory_space<vmem>>, vector<192x256xf32>
    tpu.vector_store %arg8[%swap3A_1654, %swap3A_1655], %select_n3A_1644 {strides = array<i32>} : memref<6144x256xf32, #tpu.memory_space<vmem>>, vector<192x256xf32>,
    %sub3A_1657 = arith.constant 47 : i32
    %sub3A_1658 = arith.subi %add3A_1557, %sub3A_1657 : i32
    %max3A_1659 = arith.constant 0 : i32
    %max3A_1660 = arith.maxsi %sub3A_1658, %max3A_1659 : i32
    %min3A_1661 = arith.constant 47 : i32
    %min3A_1662 = arith.minsi %add3A_1557, %min3A_1661 : i32
    %get3A_1663 = arith.constant 0 : index
    %get3A_1664 = arith.constant 0 : index
    %get3A_1665 = vector.load %arg13[%get3A_1663, %get3A_1664] : memref<192x256xf32, #tpu.memory_space<vmem>>, vector<192x256xf32>
    %broadcast_in_dim3A_1666 = arith.constant 0.000000e+00 : f32
    %broadcast_in_dim3A_1667 = vector.broadcast %broadcast_in_dim3A_1666 : f32 to vector<1x256xf32>
    %slice3A_1668 = vector.extract_strided_slice %get3A_1665 {offsets = [0, 0], sizes = [191, 256], strides = [1, 1]} : vector<192x256xf32> to vector<191x256xf32>
    %concatenate3A_1669 = tpu.concatenate %broadcast_in_dim3A_1667, %slice3A_1668 in 0 : vector<1x256xf32>, vector<191x256xf32> -> vector<192x256xf32>
    %swap3A_1670 = arith.constant 0 : index
    %swap3A_1671 = arith.constant 0 : index
    %swap3A_1672 = vector.load %arg13[%swap3A_1670, %swap3A_1671] : memref<192x256xf32, #tpu.memory_space<vmem>>, vector<192x256xf32>
    tpu.vector_store %arg13[%swap3A_1670, %swap3A_1671], %concatenate3A_1669 {strides = array<i32>} : memref<192x256xf32, #tpu.memory_space<vmem>>, vector<192x256xf32>,
    %min3A_1673 = arith.constant 47 : i32
    %min3A_1674 = arith.minsi %add3A_1557, %min3A_1673 : i32
    %mul3A_1675 = arith.constant 8 : i32
    %mul3A_1676 = arith.muli %min3A_1674, %mul3A_1675 : i32
    %get3A_1677 = arith.index_cast %mul3A_1676 : i32 to index
    %get3A_1678 = arith.constant 0 : index
    %get3A_1679 = vector.load %arg15[%get3A_1677, %get3A_1678] : memref<384x256xf32, #tpu.memory_space<vmem>>, vector<8x256xf32>
    %lt3A_1680 = arith.constant 48 : i32
    %lt3A_1681 = arith.cmpi slt, %add3A_1557, %lt3A_1680 : i32
    %jit3A_1682 = arith.constant 0.000000e+00 : f32
    %broadcast_in_dim3A_1683 = vector.broadcast %jit3A_1682 : f32 to vector<8x256xf32>
    %select_n3A_1684 = arith.select %lt3A_1681, %get3A_1679, %broadcast_in_dim3A_1683 : vector<8x256xf32>
    %slice3A_1685 = vector.extract_strided_slice %select_n3A_1684 {offsets = [0, 0], sizes = [1, 256], strides = [1, 1]} : vector<8x256xf32> to vector<1x256xf32>
    %swap3A_1686 = arith.constant 0 : index
    %swap3A_1687 = arith.constant 0 : index
    %swap3A_1688 = vector.load %arg13[%swap3A_1686, %swap3A_1687] : memref<192x256xf32, #tpu.memory_space<vmem>>, vector<1x256xf32>
    tpu.vector_store %arg13[%swap3A_1686, %swap3A_1687], %slice3A_1685 {strides = array<i32>} : memref<192x256xf32, #tpu.memory_space<vmem>>, vector<1x256xf32>,
    %slice3A_1689 = vector.extract_strided_slice %select_n3A_1684 {offsets = [1, 0], sizes = [1, 256], strides = [1, 1]} : vector<8x256xf32> to vector<1x256xf32>
    %swap3A_1690 = arith.constant 48 : index
    %swap3A_1691 = arith.constant 0 : index
    %swap3A_1692 = vector.load %arg13[%swap3A_1690, %swap3A_1691] : memref<192x256xf32, #tpu.memory_space<vmem>>, vector<1x256xf32>
    tpu.vector_store %arg13[%swap3A_1690, %swap3A_1691], %slice3A_1689 {strides = array<i32>} : memref<192x256xf32, #tpu.memory_space<vmem>>, vector<1x256xf32>,
    %slice3A_1693 = vector.extract_strided_slice %select_n3A_1684 {offsets = [2, 0], sizes = [1, 256], strides = [1, 1]} : vector<8x256xf32> to vector<1x256xf32>
    %swap3A_1694 = arith.constant 96 : index
    %swap3A_1695 = arith.constant 0 : index
    %swap3A_1696 = vector.load %arg13[%swap3A_1694, %swap3A_1695] : memref<192x256xf32, #tpu.memory_space<vmem>>, vector<1x256xf32>
    tpu.vector_store %arg13[%swap3A_1694, %swap3A_1695], %slice3A_1693 {strides = array<i32>} : memref<192x256xf32, #tpu.memory_space<vmem>>, vector<1x256xf32>,
    %slice3A_1697 = vector.extract_strided_slice %select_n3A_1684 {offsets = [3, 0], sizes = [1, 256], strides = [1, 1]} : vector<8x256xf32> to vector<1x256xf32>
    %swap3A_1698 = arith.constant 144 : index
    %swap3A_1699 = arith.constant 0 : index
    %swap3A_1700 = vector.load %arg13[%swap3A_1698, %swap3A_1699] : memref<192x256xf32, #tpu.memory_space<vmem>>, vector<1x256xf32>
    tpu.vector_store %arg13[%swap3A_1698, %swap3A_1699], %slice3A_1697 {strides = array<i32>} : memref<192x256xf32, #tpu.memory_space<vmem>>, vector<1x256xf32>,
    %get3A_1701 = arith.constant 0 : index
    %get3A_1702 = arith.constant 0 : index
    %get3A_1703 = vector.load %arg9[%get3A_1701, %get3A_1702] : memref<192x256xf32, #tpu.memory_space<vmem>>, vector<192x256xf32>
    %eq3A_1704 = arith.constant 0 : i32
    %eq3A_1705 = vector.broadcast %eq3A_1704 : i32 to vector<192x1xi32>
    %eq3A_1706 = arith.cmpi eq, %rem3A_3, %eq3A_1705 : vector<192x1xi32>
    %broadcast_in_dim3A_1707 = arith.constant 0.000000e+00 : f32
    %broadcast_in_dim3A_1708 = vector.broadcast %broadcast_in_dim3A_1707 : f32 to vector<1x256xf32>
    %slice3A_1709 = vector.extract_strided_slice %get3A_1703 {offsets = [0, 0], sizes = [191, 256], strides = [1, 1]} : vector<192x256xf32> to vector<191x256xf32>
    %concatenate3A_1710 = tpu.concatenate %broadcast_in_dim3A_1708, %slice3A_1709 in 0 : vector<1x256xf32>, vector<191x256xf32> -> vector<192x256xf32>
    %jit3A_1711 = arith.constant 0.000000e+00 : f32
    %broadcast_in_dim3A_1712 = vector.shape_cast %eq3A_1706 : vector<192x1xi1> to vector<192x1xi1>
    %broadcast_in_dim3A_1713 = vector.broadcast %broadcast_in_dim3A_1712 : vector<192x1xi1> to vector<192x256xi1>
    %broadcast_in_dim3A_1714 = vector.broadcast %jit3A_1711 : f32 to vector<192x256xf32>
    %select_n3A_1715 = arith.select %broadcast_in_dim3A_1713, %broadcast_in_dim3A_1714, %concatenate3A_1710 : vector<192x256xi1>, vector<192x256xf32>
    %get3A_1716 = arith.constant 0 : index
    %get3A_1717 = arith.constant 0 : index
    %get3A_1718 = arith.constant 0 : index
    %get3A_1719 = vector.load %arg5[%get3A_1716, %get3A_1717, %get3A_1718] : memref<2x512x512xf32, #tpu.memory_space<vmem>>, vector<1x256x512xf32>
    %get3A_1720 = vector.shape_cast %get3A_1719 : vector<1x256x512xf32> to vector<256x512xf32>
    %dot_general3A_1721 = arith.constant dense<0.000000e+00> : vector<192x512xf32>
    %dot_general3A_1722 = tpu.matmul %select_n3A_1715, %get3A_1720, %dot_general3A_1721 {dimension_numbers = #tpu.dot_dimension_numbers<[1], [0], [0], [1], [0, 0, 1, 1], [], []>, transpose_lhs_hint = false} : vector<192x256xf32>, vector<256x512xf32>, vector<192x512xf32> -> vector<192x512xf32>
    %get3A_1723 = arith.constant 0 : index
    %get3A_1724 = arith.constant 0 : index
    %get3A_1725 = vector.load %arg10[%get3A_1723, %get3A_1724] : memref<192x256xf32, #tpu.memory_space<vmem>>, vector<192x256xf32>
    %get3A_1726 = arith.constant 0 : index
    %get3A_1727 = arith.constant 256 : index
    %get3A_1728 = arith.constant 0 : index
    %get3A_1729 = vector.load %arg5[%get3A_1726, %get3A_1727, %get3A_1728] : memref<2x512x512xf32, #tpu.memory_space<vmem>>, vector<1x256x512xf32>
    %get3A_1730 = vector.shape_cast %get3A_1729 : vector<1x256x512xf32> to vector<256x512xf32>
    %dot_general3A_1731 = arith.constant dense<0.000000e+00> : vector<192x512xf32>
    %dot_general3A_1732 = tpu.matmul %get3A_1725, %get3A_1730, %dot_general3A_1731 {dimension_numbers = #tpu.dot_dimension_numbers<[1], [0], [0], [1], [0, 0, 1, 1], [], []>, transpose_lhs_hint = false} : vector<192x256xf32>, vector<256x512xf32>, vector<192x512xf32> -> vector<192x512xf32>
    %add3A_1733 = arith.addf %dot_general3A_1722, %dot_general3A_1732 : vector<192x512xf32>
    %get3A_1734 = arith.constant 0 : index
    %get3A_1735 = arith.constant 0 : index
    %get3A_1736 = vector.load %arg14[%get3A_1734, %get3A_1735] : memref<192x256xf32, #tpu.memory_space<vmem>>, vector<192x256xf32>
    %slice3A_1737 = vector.extract_strided_slice %add3A_1733 {offsets = [0, 0], sizes = [192, 256], strides = [1, 1]} : vector<192x512xf32> to vector<192x256xf32>
    %add3A_1738 = arith.addf %get3A_1736, %slice3A_1737 : vector<192x256xf32>
    %get3A_1739 = arith.constant 0 : index
    %get3A_1740 = arith.constant 0 : index
    %get3A_1741 = vector.load %arg6[%get3A_1739, %get3A_1740] : memref<2x256xf32, #tpu.memory_space<vmem>>, vector<1x256xf32>
    %add3A_1742 = vector.broadcast %get3A_1741 : vector<1x256xf32> to vector<192x256xf32>
    %add3A_1743 = arith.addf %add3A_1738, %add3A_1742 : vector<192x256xf32>
    %tanh3A_1744 = math.tanh %add3A_1743 : vector<192x256xf32>
    %get3A_1745 = arith.constant 0 : index
    %get3A_1746 = arith.constant 0 : index
    %get3A_1747 = vector.load %arg13[%get3A_1745, %get3A_1746] : memref<192x256xf32, #tpu.memory_space<vmem>>, vector<192x256xf32>
    %slice3A_1748 = vector.extract_strided_slice %add3A_1733 {offsets = [0, 256], sizes = [192, 256], strides = [1, 1]} : vector<192x512xf32> to vector<192x256xf32>
    %add3A_1749 = arith.addf %get3A_1747, %slice3A_1748 : vector<192x256xf32>
    %get3A_1750 = arith.constant 0 : index
    %get3A_1751 = arith.constant 0 : index
    %get3A_1752 = vector.load %arg7[%get3A_1750, %get3A_1751] : memref<2x256xf32, #tpu.memory_space<vmem>>, vector<1x256xf32>
    %add3A_1753 = vector.broadcast %get3A_1752 : vector<1x256xf32> to vector<192x256xf32>
    %add3A_1754 = arith.addf %add3A_1749, %add3A_1753 : vector<192x256xf32>
    %tanh3A_1755 = math.tanh %add3A_1754 : vector<192x256xf32>
    %ge3A_1756 = vector.broadcast %max3A_1660 : i32 to vector<192x1xi32>
    %ge3A_1757 = arith.cmpi sge, %rem3A_3, %ge3A_1756 : vector<192x1xi32>
    %le3A_1758 = vector.broadcast %min3A_1662 : i32 to vector<192x1xi32>
    %le3A_1759 = arith.cmpi sle, %rem3A_3, %le3A_1758 : vector<192x1xi32>
    %and3A_1760 = arith.andi %ge3A_1757, %le3A_1759 : vector<192x1xi1>
    %jit3A_1761 = arith.constant 0.000000e+00 : f32
    %broadcast_in_dim3A_1762 = vector.shape_cast %and3A_1760 : vector<192x1xi1> to vector<192x1xi1>
    %broadcast_in_dim3A_1763 = vector.broadcast %broadcast_in_dim3A_1762 : vector<192x1xi1> to vector<192x256xi1>
    %broadcast_in_dim3A_1764 = vector.broadcast %jit3A_1761 : f32 to vector<192x256xf32>
    %select_n3A_1765 = arith.select %broadcast_in_dim3A_1763, %tanh3A_1755, %broadcast_in_dim3A_1764 : vector<192x256xi1>, vector<192x256xf32>
    %swap3A_1766 = arith.constant 0 : index
    %swap3A_1767 = arith.constant 0 : index
    %swap3A_1768 = vector.load %arg9[%swap3A_1766, %swap3A_1767] : memref<192x256xf32, #tpu.memory_space<vmem>>, vector<192x256xf32>
    tpu.vector_store %arg9[%swap3A_1766, %swap3A_1767], %tanh3A_1744 {strides = array<i32>} : memref<192x256xf32, #tpu.memory_space<vmem>>, vector<192x256xf32>,
    %swap3A_1769 = arith.constant 0 : index
    %swap3A_1770 = arith.constant 0 : index
    %swap3A_1771 = vector.load %arg10[%swap3A_1769, %swap3A_1770] : memref<192x256xf32, #tpu.memory_space<vmem>>, vector<192x256xf32>
    tpu.vector_store %arg10[%swap3A_1769, %swap3A_1770], %select_n3A_1765 {strides = array<i32>} : memref<192x256xf32, #tpu.memory_space<vmem>>, vector<192x256xf32>,
    %swap3A_1772 = arith.constant 5376 : index
    %swap3A_1773 = arith.constant 0 : index
    %swap3A_1774 = vector.load %arg8[%swap3A_1772, %swap3A_1773] : memref<6144x256xf32, #tpu.memory_space<vmem>>, vector<192x256xf32>
    tpu.vector_store %arg8[%swap3A_1772, %swap3A_1773], %tanh3A_1744 {strides = array<i32>} : memref<6144x256xf32, #tpu.memory_space<vmem>>, vector<192x256xf32>,
    %swap3A_1775 = arith.constant 5568 : index
    %swap3A_1776 = arith.constant 0 : index
    %swap3A_1777 = vector.load %arg8[%swap3A_1775, %swap3A_1776] : memref<6144x256xf32, #tpu.memory_space<vmem>>, vector<192x256xf32>
    tpu.vector_store %arg8[%swap3A_1775, %swap3A_1776], %select_n3A_1765 {strides = array<i32>} : memref<6144x256xf32, #tpu.memory_space<vmem>>, vector<192x256xf32>,
    return
  }
  func.func @transform_0(%arg0: i32) -> (i32, i32) {
    %c0_i32 = arith.constant 0 : i32
    %c0_i32_0 = arith.constant 0 : i32
    %c0_i32_1 = arith.constant 0 : i32
    return %c0_i32, %c0_i32_0 : i32, i32
  }
  func.func @transform_1(%arg0: i32) -> (i32, i32) {
    %c0_i32 = arith.constant 0 : i32
    %c0_i32_0 = arith.constant 0 : i32
    %c0_i32_1 = arith.constant 0 : i32
    return %c0_i32, %c0_i32_0 : i32, i32
  }
  func.func @transform_2(%arg0: i32) -> (i32, i32, i32) {
    %c0_i32 = arith.constant 0 : i32
    %c0_i32_0 = arith.constant 0 : i32
    %c0_i32_1 = arith.constant 0 : i32
    %c0_i32_2 = arith.constant 0 : i32
    return %c0_i32, %c0_i32_0, %c0_i32_1 : i32, i32, i32
  }
  func.func @transform_3(%arg0: i32) -> (i32, i32, i32) {
    %c0_i32 = arith.constant 0 : i32
    %c0_i32_0 = arith.constant 0 : i32
    %c0_i32_1 = arith.constant 0 : i32
    %c0_i32_2 = arith.constant 0 : i32
    return %c0_i32, %c0_i32_0, %c0_i32_1 : i32, i32, i32
  }
  func.func @transform_4(%arg0: i32) -> (i32, i32, i32) {
    %c0_i32 = arith.constant 0 : i32
    %c0_i32_0 = arith.constant 0 : i32
    %c0_i32_1 = arith.constant 0 : i32
    %c0_i32_2 = arith.constant 0 : i32
    return %c0_i32, %c0_i32_0, %c0_i32_1 : i32, i32, i32
  }
  func.func @transform_5(%arg0: i32) -> (i32, i32) {
    %c0_i32 = arith.constant 0 : i32
    %c0_i32_0 = arith.constant 0 : i32
    %c0_i32_1 = arith.constant 0 : i32
    return %c0_i32, %c0_i32_0 : i32, i32
  }
  func.func @transform_6(%arg0: i32) -> (i32, i32) {
    %c0_i32 = arith.constant 0 : i32
    %c0_i32_0 = arith.constant 0 : i32
    %c0_i32_1 = arith.constant 0 : i32
    return %c0_i32, %c0_i32_0 : i32, i32
  }
  func.func @transform_7(%arg0: i32) -> (i32, i32) {
    %c0_i32 = arith.constant 0 : i32
    %c0_i32_0 = arith.constant 0 : i32
    return %arg0, %c0_i32 : i32, i32
  }
}

</mosaic_0001>

<sc_bundles>
// kernel: kernel.4.cloned.1.call-start
scs
__scs_entry_jumppad:
0x0: {  	(pc) =	sbr.rel $0x88, $3  }
0x1: {  	(tag) =	ssettag $0x0;
	lr =	simm.s32 $0x1  }
0x2: {  	[smem:$0x3F99] =	sst lr;
	_ =	strace $0xD0000000  }
0x3: {  	_ = 	snop  }
0x4: {  	_ = 	snop  }
0x5: {  	_ = 	snop  }
0x6: {  	_ = 	snop  }
0x7: {  	_ = 	snop  }
__scs_overlays_trampoline_lowered:
0x8: {  	[smem:$0x3FA8] =	sst s0  }
0x9: {  	[smem:$0x3FA9] =	sst s1  }
0xa: {  	[smem:$0x3FAA] =	sst s2  }
0xb: {  	[smem:$0x3FAB] =	sst s3  }
0xc: {  	[smem:$0x3FAC] =	sst s4  }
0xd: {  	[smem:$0x3FAD] =	sst s5  }
0xe: {  	[smem:$0x3FAE] =	sst s6  }
0xf: {  	[smem:$0x3FAF] =	sst s7  }
0x10: {  	[smem:$0x3FB0] =	sst s8  }
0x11: {  	[smem:$0x3FB1] =	sst s9;
	s0 =	simm.s32 @!p0 $0x0  }
0x12: {  	s1 =	sld [smem:$0x3F97];
	s0 =	simm.s32 @p0 $0x1  }
0x13: {  	[smem:$0x3FB2] =	sst s0;
	s0 =	simm.s32 @!p1 $0x0  }
0x14: {  	s2 =	sld [smem:$0x3F96];
	s0 =	simm.s32 @p1 $0x1  }
0x15: {  	[smem:$0x3FB3] =	sst s0;
	s0 =	simm.s32 @!p2 $0x0  }
0x16: {  	s3 =	sld [smem:$0x3FDB];
	s0 =	simm.s32 @p2 $0x1  }
0x17: {  	s4 =	simm.s32 $0x1BF5;
	[smem:$0x3FB5] =	sst s0  }
0x18: {  	s0 =	sld [smem:$0x3F98];
	_ =	swait.ge [sflag:s4], $0x0  }
0x19: {  	s7 =	sld [smem:$0x3F99]  }
0x1a: {  	s8 =	sadd.s32 $0xFFFFE003, lr  }
0x1b: {  	s9 =	sadd.s32 $0xFFFFFEF7, lr;
	s5 =	simm.s32 $0xFFFFFFFF;
	p2 =	slt.u32 s8, $0xFFFFF086  }
0x1c: {  	p1 =	slt.u32 s9, $0xF7A;
	s5 =	simm.s32 @!p2 $0x0  }
0x1d: {  	s5 =	simm.s32 @p1 $0x1;
	p0 =	seq.s32 s7, s2  }
0x1e: {  	s7 =	smul.u32 @!p0 $0xF7A, s2;
	p2 =	seq.s32 @!p0 s5, $0x0  }
0x1f: {  	s9 =	smul.u32 $0xF7A, s1;
	s8 =	simm.s32 @!p0 $0x1BF5;
	p2 =	por !p2, p0  }
0x20: {  	[sflag:s8] =	ssyncset.s32 @!p0 $0xFFFFF086;
	s6 =	sadd.s32 @!p0 s3, s7;
	s7 =	simm.s32 @!p0 $0x108  }
0x21: {  	s3 =	sadd.s32 s3, s9;
	s6 =	sadd.s32 @!p0 $0x88, s6;
	s7 =	simm.s32 @p2 $0x1082  }
0x22: {  	[simem:s7], [sflag:s8] =	dma.local @!p0 [hbm:s6], $0xF7A  }
0x23: {  	s9 =	sor.u32 $0xD0000000, s2;
	s6 =	simm.s32 $0x108;
	_ =	swait.ge @!p0 [sflag:s8], $0x0  }
0x24: {  	s3 =	sadd.s32 $0x88, s3;
	s6 =	simm.s32 @!p1 $0x1082;
	[sflag:s4] =	ssyncset.s32 $0xFFFFF086  }
0x25: {  	[simem:s6], [sflag:s4] =	dma.local [hbm:s3], $0xF7A  }
0x26: {  	[smem:$0x3F99] =	sst s1;
	(tag) =	ssettag s2;
	_ =	strace s9  }
0x27: {  	s1 =	sld [smem:$0x3FA9]  }
0x28: {  	s2 =	sld [smem:$0x3FAA]  }
0x29: {  	s4 =	sld [smem:$0x3FAC]  }
0x2a: {  	p0 =	seq.s32 s5, $0x0;
	s5 =	sld [smem:$0x3FAD]  }
0x2b: {  	s6 =	sld [smem:$0x3FAE]  }
0x2c: {  	s7 =	sld [smem:$0x3FAF]  }
0x2d: {  	s3 =	simm.s32 $0x108;
	s8 =	sld [smem:$0x3FB0]  }
0x2e: {  	s3 =	simm.s32 @!p0 $0x1082;
	s9 =	sld [smem:$0x3FB1]  }
0x2f: {  	lr =	sadd.s32 s0, s3;
	s0 =	sld [smem:$0x3FA8]  }
0x30: {  	s3 =	sld [smem:$0x3FAB]  }
0x31: {  	[smem:$0x3FB4] =	sst s10  }
0x32: {  	s10 =	sld [smem:$0x3FB2];
	_ =	sdelay $0x3  }
0x33: {  	p0 =	seq.s32 s10, $0x1;
	s10 =	sld [smem:$0x3FB4];
	_ =	sdelay $0x3  }
0x34: {  	[smem:$0x3FB4] =	sst s10  }
0x35: {  	s10 =	sld [smem:$0x3FB3];
	_ =	sdelay $0x3  }
0x36: {  	p1 =	seq.s32 s10, $0x1;
	s10 =	sld [smem:$0x3FB4];
	_ =	sdelay $0x3  }
0x37: {  	[smem:$0x3FB4] =	sst s10  }
0x38: {  	s10 =	sld [smem:$0x3FB5]  }
0x39: {  	_ = 	snop;
	(pc) =	sbr.ind lr, $3  }
0x3a: {  	_ = 	snop  }
0x3b: {  	_ = 	snop  }
0x3c: {  	p2 =	seq.s32 s10, $0x1;
	s10 =	sld [smem:$0x3FB4]  }
0x3d: {  	_ =	shalt  }
0x3e: {  	_ =	shalt  }
0x3f: {  	_ =	shalt  }
0x40: {  	_ =	shalt  }
0x41: {  	_ =	shalt  }
0x42: {  	_ =	shalt  }
0x43: {  	_ =	shalt  }
0x44: {  	_ =	shalt  }
0x45: {  	_ =	shalt  }
0x46: {  	_ =	shalt  }
0x47: {  	_ =	shalt  }
0x48: {  	_ =	shalt  }
0x49: {  	_ =	shalt  }
0x4a: {  	_ =	shalt  }
0x4b: {  	_ =	shalt  }
0x4c: {  	_ =	shalt  }
0x4d: {  	_ =	shalt  }
0x4e: {  	_ =	shalt  }
0x4f: {  	_ =	shalt  }
0x50: {  	_ =	shalt  }
0x51: {  	_ =	shalt  }
0x52: {  	_ =	shalt  }
0x53: {  	_ =	shalt  }
0x54: {  	_ =	shalt  }
0x55: {  	_ =	shalt  }
0x56: {  	_ =	shalt  }
0x57: {  	_ =	shalt  }
0x58: {  	_ =	shalt  }
0x59: {  	_ =	shalt  }
0x5a: {  	_ =	shalt  }
0x5b: {  	_ =	shalt  }
0x5c: {  	_ =	shalt  }
0x5d: {  	_ =	shalt  }
0x5e: {  	_ =	shalt  }
0x5f: {  	_ =	shalt  }
0x60: {  	_ =	shalt  }
0x61: {  	_ =	shalt  }
0x62: {  	_ =	shalt  }
0x63: {  	_ =	shalt  }
0x64: {  	_ =	shalt  }
0x65: {  	_ =	shalt  }
0x66: {  	_ =	shalt  }
0x67: {  	_ =	shalt  }
0x68: {  	_ =	shalt  }
0x69: {  	_ =	shalt  }
0x6a: {  	_ =	shalt  }
0x6b: {  	_ =	shalt  }
0x6c: {  	_ =	shalt  }
0x6d: {  	_ =	shalt  }
0x6e: {  	_ =	shalt  }
0x6f: {  	_ =	shalt  }
0x70: {  	_ =	shalt  }
0x71: {  	_ =	shalt  }
0x72: {  	_ =	shalt  }
0x73: {  	_ =	shalt  }
0x74: {  	_ =	shalt  }
0x75: {  	_ =	shalt  }
0x76: {  	_ =	shalt  }
0x77: {  	_ =	shalt  }
0x78: {  	_ =	shalt  }
0x79: {  	_ =	shalt  }
0x7a: {  	_ =	shalt  }
0x7b: {  	_ =	shalt  }
0x7c: {  	_ =	shalt  }
0x7d: {  	_ =	shalt  }
0x7e: {  	_ =	shalt  }
0x7f: {  	_ =	shalt  }
0x80: {  	_ =	shalt  }
0x81: {  	_ =	shalt  }
0x82: {  	_ =	shalt  }
0x83: {  	_ =	shalt  }
0x84: {  	_ =	shalt  }
0x85: {  	_ =	shalt  }
0x86: {  	_ =	shalt  }
0x87: {  	_ =	shalt  }
.Lfunc_end0:
.L_simem_size_0:
called_computation_lowered:
.L_overlay_start_0:
0x88: {  	s2 =	sld [smem:$0x3FD9]  }
0x89: {  	s3 =	sld [smem:$0x3FFE];
	_ =	sdelay $0x1  }
0x8a: {  	s1 =	srdreg.scid  }
0x8b: {  	s0 =	sand.u32 $0x1, s1  }
0x8c: {  	s17 =	sshll.u32 s0, $0xA;
	s2 =	sadd.s32 s3, s2  }
0x8d: {  	s2 =	sadd.s32 s2, s17  }
0x8e: {  	[smem:$0x3FC0] =	sst s2  }
0x8f: {  	_ = 	snop  }
0x90: {  	s2 =	sld [smem:$0x3FD0];
	(tm) =	ssettm $0x1  }
0x91: {  	s18 =	sld [smem:$0x3FFB];
	_ =	sdelay $0x3  }
0x92: {  	_ =	strace s18  }
0x93: {  	s3 =	sld [smem:$0x3FFC];
	_ =	sdelay $0x3  }
0x94: {  	_ =	strace s3  }
0x95: {  	s3 =	sld [smem:$0x3FFD];
	_ =	sdelay $0x3  }
0x96: {  	_ =	strace s3  }
0x97: {  	_ =	strace $0x8FFFFFFF  }
0x98: {  	s19 =	sld [smem:$0x3FDB];
	_ =	sdelay $0x1  }
0x99: {  	s4 =	simm.s32 $_scs_section_size  }
0x9a: {  	s5 =	simm.s32 $_size__tile_overlayer_lowered;
	s6 =	simm.s32 $_tile_overlayer_lowered  }
0x9b: {  	s22 =	simm.s32 $0x1BFF;
	s21 =	sshll.u32 s6, $0x1;
	s3 =	sadd.s32 s4, s19  }
0x9c: {  	s7 =	simm.s32 $0x0;
	s20 =	sshll.u32 s5, $0x1;
	s5 =	sadd.s32 s21, s3  }
0x9d: {  	[timem:s7], [sflag:s22] =	dma.local [hbm:s5], s20  }
0x9e: {  	_ =	swait.ge [sflag:s22], s20  }
0x9f: {  	s4 =	ssub.s32 $0x0, s20;
	[sflag:s22] =	ssyncset.done $0x0  }
0xa0: {  	[sflag:s22] =	ssyncadd.s32 s4;
	_ =	sdelay $0x1  }
0xa1: {  	s23 =	simm.s32 $0x1B8B  }
0xa2: {  	_ =	swait.ge [sflag:s23], $0x1  }
0xa3: {  	[sflag:s23] =	ssyncset.done $0x0  }
0xa4: {  	s25 =	simm.s32 $0x1B8E;
	s24 =	sld [smem:$0x3FFE];
	[sflag:s23] =	ssyncadd.s32 $0xFFFFFFFF  }
0xa5: {  	s26 =	simm.s32 $execute0_lowered;
	[smem:$0x3FD2] =	sst s25  }
0xa6: {  	s5 =	sshll.u32 s26, $0x1;
	_ =	strace $0x80000046;
	[dreg:$0x1] =	wrdreg $0xFFFFFFFF  }
0xa7: {  	s28 =	simm.s32 $_size_execute0_lowered;
	s3 =	sadd.s32 s3, s5;
	[dreg:$0x0] =	wrdreg $0x0  }
0xa8: {  	s5 =	sshll.u32 s28, $0x1;
	[dreg:$0x2] =	wrdreg s3  }
0xa9: {  	[dreg:$0x3] =	wrdreg s5  }
0xaa: {  	[dreg:$0x4] =	wrdreg $0xC0  }
0xab: {  	_ =	task [dreg:s7], $0x5FFFF  }
0xac: {  	[dreg:$0x1] =	wrdreg $0xFFFFFFFF  }
0xad: {  	[dreg:$0x0] =	wrdreg $0x60  }
0xae: {  	[dreg:$0x2] =	wrdreg s24  }
0xaf: {  	[dreg:$0x3] =	wrdreg s2  }
0xb0: {  	[dreg:$0x4] =	wrdreg $0x9  }
0xb1: {  	_ =	task.clear_ibuf [dreg:s7], $0x5FFFF;
	_ =	strace $0x90000046  }
0xb2: {  	s29 =	simm.s32 $0x9;
	_ =	strace $0x80000048  }
0xb3: {  	_ =	swait.ge [sflag:s29], $0x1  }
0xb4: {  	[sflag:s29] =	ssyncadd.s32 $0xFFFFFFFF  }
0xb5: {  	_ =	strace $0x90000048  }
0xb6: {  	_ =	sfence  }
0xb7: {  	s30 =	sld [smem:$0x0];
	_ =	sdelay $0x2  }
0xb8: {  	s31 =	sshll.u32 s1, $0xD;
	s1 =	sshrl.u32 s1, $0x2  }
0xb9: {  	s3 =	sand.u32 $0x4000, s31;
	s1 =	sadd.s32 s1, s30  }
0xba: {  	s0 =	sor.u32 s3, s0;
	s1 =	sshll.u32 s1, $0x11  }
0xbb: {  	s0 =	sor.u32 s1, s0  }
0xbc: {  	s0 =	sadd.s32 $0x8F2B, s0  }
0xbd: {  	[sflag:s0] =	ssyncadd.remote.s32 $0x1  }
0xbe: {  	_ =	sfence.sel $0xFFFF  }
0xbf: {  	[dreg:$0x0] =	wrdreg $0xFFFFFFFF;
	(pc) =	sbr.abs _section_cstart, $3  }
0xc0: {  	[dreg:$0x1] =	wrdreg $0xFFFFFFFF  }
0xc1: {  	_ =	task.clear_ibuf [dreg:s7], $0x2FFFF;
	_ =	strace $0x9FFFFFFF  }
0xc2: {  	(tm) =	ssettm $0x7FFFFFFF  }
0xc3: {  	_ =	shalt  }
tec
execute0_lowered:
.L_overlay_start_1:
0x0: {  	(tag) =	ssettag $0x1  }
0x1: {  	s0 =	srdreg.scid  }
0x2: {  	s1 =	stileid.u32;
	s4 =	rddreg [dreg:$0x0]  }
0x3: {  	s5 =	rddreg [dreg:$0x1];
	s2 =	simm.s32 $0x0;
	s11 =	simm.s32 $0x1  }
0x4: {  	s30 =	simm.s32 $0x2;
	s0 =	sand.u32 $0x1, s0;
	s1 =	sshll.u32 s1, $0x1  }
0x5: {  	s8 =	simm.s32 $0x2C80;
	s9 =	simm.s32 $0x3480;
	s1 =	sor.u32 s0, s1  }
0x6: {  	s10 =	simm.s32 $0x3C80;
	s13 =	simm.s32 $0x4480;
	s3 =	smul.u32 $0x90, s1  }
0x7: {  	s14 =	simm.s32 $0x4C80;
	s15 =	simm.s32 $0x5480;
	s6 =	smul.u32 $0x48000, s1  }
0x8: {  	[smem:$0x7FF] =	sst s2;
	s31 =	sadd.s32 $0x120000, s5;
	s7 =	smul.u32 $0x9000, s1  }
0x9: {  	s16 =	simm.s32 $0x5C80;
	_ =	strace $0x80000047;
	[dreg:$0xe] =	wrdreg s31  }
0xa: {  	s3 =	sadd.s32 s3, s4;
	s6 =	sshrl.u32 s6, $0x3;
	s18 =	sadd.s32 s5, s7  }
0xb: {  	s3 =	sadd.s32 $0x241200, s3;
	s6 =	sadd.s32 s5, s6;
	[dreg:$0x4] =	wrdreg s18  }
0xc: {  	s17 =	simm.s32 $0x6480;
	[dreg:$0x3] =	wrdreg s3;
	s19 =	sadd.s32 $0x1000, s6  }
0xd: {  	s12 =	simm.s32 $0x8480;
	s20 =	sadd.s32 $0x2000, s6;
	[dreg:$0x5] =	wrdreg s19  }
0xe: {  	s28 =	simm.s32 $0xB480;
	s21 =	sadd.s32 $0x3000, s6;
	[dreg:$0x6] =	wrdreg s20  }
0xf: {  	s29 =	simm.s32 $0xBC80;
	s22 =	sadd.s32 $0x4000, s6;
	[dreg:$0x7] =	wrdreg s21  }
0x10: {  	s0 =	ssub.s32 $0x2, s0;
	s23 =	sadd.s32 $0x5000, s6;
	[dreg:$0x8] =	wrdreg s22  }
0x11: {  	s26 =	sshrl.u32 s0, $0x1;
	s24 =	sadd.s32 $0x6000, s6;
	[dreg:$0x9] =	wrdreg s23  }
0x12: {  	p0 =	sne.s32 s1, $0x0;
	s25 =	sadd.s32 $0x7000, s6;
	[dreg:$0xa] =	wrdreg s24  }
0x13: {  	s0 =	ssub.s32 s0, s26;
	s6 =	sadd.s32 $0x8000, s6;
	[dreg:$0xb] =	wrdreg s25  }
0x14: {  	s3 =	sadd.s32 $0x1200, s4;
	s4 =	sadd.s32 $0x242400, s4;
	[dreg:$0xc] =	wrdreg s6  }
0x15: {  	s26 =	simm.s32 $0xAC80;
	s18 =	simm.s32 $0x6C80;
	[dreg:$0xd] =	wrdreg s4  }
0x16: {  	v2 =	vlaneseq.u32;
	s4 =	smax.u32 s0, $0x1;
	s22 =	simm.s32 $0x480;
	s6 =	simm.s32 $0xC80  }
0x17: {  	vm0 =	vmmov $0xffff;
	v1 =	vshrl.u32 v2, $0x3;
	v0 =	vand.u32 $0x7, v2;
	s19 =	simm.s32 $0x7480;
	s20 =	simm.s32 $0x7C80;
	s21 =	simm.s32 $0x8C80  }
0x18: {  	v2 =	vor.u32 $0x8, v2;
	v1 =	vmul.u32 $0x8, v1;
	vm1 =	vmmov @!p0 $0xffff;
	s23 =	simm.s32 $0x9480;
	s24 =	simm.s32 $0x9C80;
	s25 =	simm.s32 $0xA480  }
.LBB2_1:
0x19: {  	s31 =	rddreg [dreg:$0x3];
	s0 =	simm.s32 $0x4  }
0x1a: {  	[tilespmem:s2], [sflag:$0x4] =	stream.linear.gather [hbm4b:s31+s2], $0x480, $0x38;
	[tilespmem:$0x18D00] =	vst v63  }
0x1b: {  	_ =	swait.ge [sflag:s0], $0x480  }
0x1c: {  	[sflag:s0] =	ssyncset.done $0x0  }
0x1d: {  	[sflag:s0] =	ssyncadd.s32 $0xFFFFFB80  }
0x1e: {  	v3 =	vld [tilespmem:$0x0];
	_ =	sdelay $0x4  }
0x1f: {  	v4 =	vshll.u32 v3, $0x1  }
0x20: {  	v3 =	vand.u32 $0x7, v3;
	v4 =	vand.u32 $0xFFFFFFF0, v4  }
0x21: {  	v3 =	vor.u32 v3, v4  }
0x22: {  	v4 =	vperm.xlane v3, v0;
	_ =	sdelay $0x1  }
0x23: {  	v3 =	vperm.xlane v3, v2;
	v4 =	vadd.s32 v1, v4;
	_ =	sdelay $0x1  }
0x24: {  	v3 =	vadd.s32 v1, v3;
	_ =	sdelay $0x2  }
0x25: {  	[tilespmem:s22], [sflag:$0x1] =	stream.indirect_vreg.gather [hbm4b:s3+s2], $0x80, v4, vm0, $0xb8;
	[tilespmem:$0x18D00] =	vst v63  }
0x26: {  	_ = 	snop  }
0x27: {  	[tilespmem:s6], [sflag:$0x1] =	stream.indirect_vreg.gather [hbm4b:s3+s2], $0x80, v3, vm0, $0xb8;
	[tilespmem:$0x18D00] =	vst v63  }
0x28: {  	v3 =	vld [tilespmem:$0x10];
	_ =	sdelay $0x4  }
0x29: {  	v49 =	vshll.u32 v3, $0x1  }
0x2a: {  	v3 =	vand.u32 $0x7, v3;
	v4 =	vand.u32 $0xFFFFFFF0, v49  }
0x2b: {  	v3 =	vor.u32 v3, v4  }
0x2c: {  	v4 =	vperm.xlane v3, v0;
	_ =	sdelay $0x1  }
0x2d: {  	v3 =	vperm.xlane v3, v2;
	v4 =	vadd.s32 v1, v4;
	_ =	sdelay $0x1  }
0x2e: {  	v3 =	vadd.s32 v1, v3;
	_ =	sdelay $0x1  }
0x2f: {  	s1 =	simm.s32 $0x1480  }
0x30: {  	[tilespmem:s1], [sflag:$0x1] =	stream.indirect_vreg.gather [hbm4b:s3+s2], $0x80, v4, vm0, $0xb8;
	[tilespmem:$0x18D00] =	vst v63  }
0x31: {  	s5 =	simm.s32 $0x1C80  }
0x32: {  	[tilespmem:s5], [sflag:$0x1] =	stream.indirect_vreg.gather [hbm4b:s3+s2], $0x80, v3, vm0, $0xb8;
	[tilespmem:$0x18D00] =	vst v63  }
0x33: {  	v3 =	vld [tilespmem:$0x20];
	_ =	sdelay $0x4  }
0x34: {  	v50 =	vshll.u32 v3, $0x1  }
0x35: {  	v3 =	vand.u32 $0x7, v3;
	v4 =	vand.u32 $0xFFFFFFF0, v50  }
0x36: {  	v3 =	vor.u32 v3, v4  }
0x37: {  	v4 =	vperm.xlane v3, v0;
	_ =	sdelay $0x1  }
0x38: {  	v3 =	vperm.xlane v3, v2;
	v4 =	vadd.s32 v1, v4;
	_ =	sdelay $0x1  }
0x39: {  	v3 =	vadd.s32 v1, v3;
	_ =	sdelay $0x1  }
0x3a: {  	s7 =	simm.s32 $0x2480  }
0x3b: {  	[tilespmem:s7], [sflag:$0x1] =	stream.indirect_vreg.gather [hbm4b:s3+s2], $0x80, v4, vm0, $0xb8;
	[tilespmem:$0x18D00] =	vst v63  }
0x3c: {  	_ = 	snop  }
0x3d: {  	[tilespmem:s8], [sflag:$0x1] =	stream.indirect_vreg.gather [hbm4b:s3+s2], $0x80, v3, vm0, $0xb8;
	[tilespmem:$0x18D00] =	vst v63  }
0x3e: {  	v3 =	vld [tilespmem:$0x30];
	_ =	sdelay $0x4  }
0x3f: {  	v51 =	vshll.u32 v3, $0x1  }
0x40: {  	v3 =	vand.u32 $0x7, v3;
	v4 =	vand.u32 $0xFFFFFFF0, v51  }
0x41: {  	v3 =	vor.u32 v3, v4  }
0x42: {  	v4 =	vperm.xlane v3, v0;
	_ =	sdelay $0x1  }
0x43: {  	v3 =	vperm.xlane v3, v2;
	v4 =	vadd.s32 v1, v4;
	_ =	sdelay $0x1  }
0x44: {  	v3 =	vadd.s32 v1, v3;
	_ =	sdelay $0x2  }
0x45: {  	[tilespmem:s9], [sflag:$0x1] =	stream.indirect_vreg.gather [hbm4b:s3+s2], $0x80, v4, vm0, $0xb8;
	[tilespmem:$0x18D00] =	vst v63  }
0x46: {  	_ = 	snop  }
0x47: {  	[tilespmem:s10], [sflag:$0x1] =	stream.indirect_vreg.gather [hbm4b:s3+s2], $0x80, v3, vm0, $0xb8;
	[tilespmem:$0x18D00] =	vst v63  }
0x48: {  	v3 =	vld [tilespmem:$0x40];
	_ =	sdelay $0x4  }
0x49: {  	v52 =	vshll.u32 v3, $0x1  }
0x4a: {  	v3 =	vand.u32 $0x7, v3;
	v4 =	vand.u32 $0xFFFFFFF0, v52  }
0x4b: {  	v3 =	vor.u32 v3, v4  }
0x4c: {  	v4 =	vperm.xlane v3, v0;
	_ =	sdelay $0x1  }
0x4d: {  	v3 =	vperm.xlane v3, v2;
	v4 =	vadd.s32 v1, v4;
	_ =	sdelay $0x1  }
0x4e: {  	v3 =	vadd.s32 v1, v3;
	_ =	sdelay $0x2  }
0x4f: {  	[tilespmem:s13], [sflag:$0x1] =	stream.indirect_vreg.gather [hbm4b:s3+s2], $0x80, v4, vm0, $0xb8;
	[tilespmem:$0x18D00] =	vst v63  }
0x50: {  	_ = 	snop  }
0x51: {  	[tilespmem:s14], [sflag:$0x1] =	stream.indirect_vreg.gather [hbm4b:s3+s2], $0x80, v3, vm0, $0xb8;
	[tilespmem:$0x18D00] =	vst v63  }
0x52: {  	v3 =	vld [tilespmem:$0x50];
	_ =	sdelay $0x4  }
0x53: {  	v53 =	vshll.u32 v3, $0x1  }
0x54: {  	v3 =	vand.u32 $0x7, v3;
	v4 =	vand.u32 $0xFFFFFFF0, v53  }
0x55: {  	v3 =	vor.u32 v3, v4  }
0x56: {  	v4 =	vperm.xlane v3, v0;
	_ =	sdelay $0x1  }
0x57: {  	v3 =	vperm.xlane v3, v2;
	v4 =	vadd.s32 v1, v4;
	_ =	sdelay $0x1  }
0x58: {  	v3 =	vadd.s32 v1, v3;
	_ =	sdelay $0x2  }
0x59: {  	[tilespmem:s15], [sflag:$0x1] =	stream.indirect_vreg.gather [hbm4b:s3+s2], $0x80, v4, vm0, $0xb8;
	[tilespmem:$0x18D00] =	vst v63  }
0x5a: {  	_ = 	snop  }
0x5b: {  	[tilespmem:s16], [sflag:$0x1] =	stream.indirect_vreg.gather [hbm4b:s3+s2], $0x80, v3, vm0, $0xb8;
	[tilespmem:$0x18D00] =	vst v63  }
0x5c: {  	v3 =	vld [tilespmem:$0x60];
	_ =	sdelay $0x4  }
0x5d: {  	v54 =	vshll.u32 v3, $0x1  }
0x5e: {  	v3 =	vand.u32 $0x7, v3;
	v4 =	vand.u32 $0xFFFFFFF0, v54  }
0x5f: {  	v3 =	vor.u32 v3, v4  }
0x60: {  	v4 =	vperm.xlane v3, v0;
	_ =	sdelay $0x1  }
0x61: {  	v3 =	vperm.xlane v3, v2;
	v4 =	vadd.s32 v1, v4;
	_ =	sdelay $0x1  }
0x62: {  	v3 =	vadd.s32 v1, v3;
	_ =	sdelay $0x2  }
0x63: {  	[tilespmem:s17], [sflag:$0x1] =	stream.indirect_vreg.gather [hbm4b:s3+s2], $0x80, v4, vm0, $0xb8;
	[tilespmem:$0x18D00] =	vst v63  }
0x64: {  	_ = 	snop  }
0x65: {  	[tilespmem:s18], [sflag:$0x1] =	stream.indirect_vreg.gather [hbm4b:s3+s2], $0x80, v3, vm0, $0xb8;
	[tilespmem:$0x18D00] =	vst v63  }
0x66: {  	v3 =	vld [tilespmem:$0x70];
	_ =	sdelay $0x4  }
0x67: {  	v55 =	vshll.u32 v3, $0x1  }
0x68: {  	v3 =	vand.u32 $0x7, v3;
	v4 =	vand.u32 $0xFFFFFFF0, v55  }
0x69: {  	v3 =	vor.u32 v3, v4  }
0x6a: {  	v4 =	vperm.xlane v3, v0;
	_ =	sdelay $0x1  }
0x6b: {  	v3 =	vperm.xlane v3, v2;
	v4 =	vadd.s32 v1, v4;
	_ =	sdelay $0x1  }
0x6c: {  	v3 =	vadd.s32 v1, v3;
	_ =	sdelay $0x2  }
0x6d: {  	[tilespmem:s19], [sflag:$0x1] =	stream.indirect_vreg.gather [hbm4b:s3+s2], $0x80, v4, vm0, $0xb8;
	[tilespmem:$0x18D00] =	vst v63  }
0x6e: {  	_ = 	snop  }
0x6f: {  	[tilespmem:s20], [sflag:$0x1] =	stream.indirect_vreg.gather [hbm4b:s3+s2], $0x80, v3, vm0, $0xb8;
	[tilespmem:$0x18D00] =	vst v63  }
0x70: {  	v3 =	vld [tilespmem:$0x80];
	_ =	sdelay $0x4  }
0x71: {  	v56 =	vshll.u32 v3, $0x1  }
0x72: {  	v3 =	vand.u32 $0x7, v3;
	v4 =	vand.u32 $0xFFFFFFF0, v56  }
0x73: {  	v3 =	vor.u32 v3, v4  }
0x74: {  	v4 =	vperm.xlane v3, v0;
	_ =	sdelay $0x1  }
0x75: {  	v3 =	vperm.xlane v3, v2;
	v4 =	vadd.s32 v1, v4;
	_ =	sdelay $0x1  }
0x76: {  	v3 =	vadd.s32 v1, v3;
	_ =	sdelay $0x2  }
0x77: {  	[tilespmem:s12], [sflag:$0x1] =	stream.indirect_vreg.gather [hbm4b:s3+s2], $0x80, v4, vm0, $0xb8;
	[tilespmem:$0x18D00] =	vst v63  }
0x78: {  	_ = 	snop  }
0x79: {  	[tilespmem:s21], [sflag:$0x1] =	stream.indirect_vreg.gather [hbm4b:s3+s2], $0x80, v3, vm0, $0xb8;
	[tilespmem:$0x18D00] =	vst v63  }
0x7a: {  	v3 =	vld [tilespmem:$0x90];
	_ =	sdelay $0x4  }
0x7b: {  	v57 =	vshll.u32 v3, $0x1  }
0x7c: {  	v3 =	vand.u32 $0x7, v3;
	v4 =	vand.u32 $0xFFFFFFF0, v57  }
0x7d: {  	v3 =	vor.u32 v3, v4  }
0x7e: {  	v4 =	vperm.xlane v3, v0;
	_ =	sdelay $0x1  }
0x7f: {  	v3 =	vperm.xlane v3, v2;
	v4 =	vadd.s32 v1, v4;
	_ =	sdelay $0x1  }
0x80: {  	v3 =	vadd.s32 v1, v3;
	_ =	sdelay $0x2  }
0x81: {  	[tilespmem:s23], [sflag:$0x1] =	stream.indirect_vreg.gather [hbm4b:s3+s2], $0x80, v4, vm0, $0xb8;
	[tilespmem:$0x18D00] =	vst v63  }
0x82: {  	_ = 	snop  }
0x83: {  	[tilespmem:s24], [sflag:$0x1] =	stream.indirect_vreg.gather [hbm4b:s3+s2], $0x80, v3, vm0, $0xb8;
	[tilespmem:$0x18D00] =	vst v63  }
0x84: {  	v3 =	vld [tilespmem:$0xA0];
	_ =	sdelay $0x4  }
0x85: {  	v58 =	vshll.u32 v3, $0x1  }
0x86: {  	v3 =	vand.u32 $0x7, v3;
	v4 =	vand.u32 $0xFFFFFFF0, v58  }
0x87: {  	v3 =	vor.u32 v3, v4  }
0x88: {  	v4 =	vperm.xlane v3, v0;
	_ =	sdelay $0x1  }
0x89: {  	v3 =	vperm.xlane v3, v2;
	v4 =	vadd.s32 v1, v4;
	_ =	sdelay $0x1  }
0x8a: {  	v3 =	vadd.s32 v1, v3;
	_ =	sdelay $0x2  }
0x8b: {  	[tilespmem:s25], [sflag:$0x1] =	stream.indirect_vreg.gather [hbm4b:s3+s2], $0x80, v4, vm0, $0xb8;
	[tilespmem:$0x18D00] =	vst v63  }
0x8c: {  	_ = 	snop  }
0x8d: {  	[tilespmem:s26], [sflag:$0x1] =	stream.indirect_vreg.gather [hbm4b:s3+s2], $0x80, v3, vm0, $0xb8;
	[tilespmem:$0x18D00] =	vst v63  }
0x8e: {  	v3 =	vld [tilespmem:$0xB0];
	_ =	sdelay $0x4  }
0x8f: {  	v59 =	vshll.u32 v3, $0x1  }
0x90: {  	v3 =	vand.u32 $0x7, v3;
	v4 =	vand.u32 $0xFFFFFFF0, v59  }
0x91: {  	v3 =	vor.u32 v3, v4  }
0x92: {  	v4 =	vperm.xlane v3, v0;
	_ =	sdelay $0x1  }
0x93: {  	v3 =	vperm.xlane v3, v2;
	v4 =	vadd.s32 v1, v4;
	_ =	sdelay $0x1  }
0x94: {  	v3 =	vadd.s32 v1, v3;
	_ =	sdelay $0x2  }
0x95: {  	[tilespmem:s28], [sflag:$0x1] =	stream.indirect_vreg.gather [hbm4b:s3+s2], $0x80, v4, vm0, $0xb8;
	[tilespmem:$0x18D00] =	vst v63  }
0x96: {  	_ = 	snop  }
0x97: {  	[tilespmem:s29], [sflag:$0x1] =	stream.indirect_vreg.gather [hbm4b:s3+s2], $0x80, v3, vm0, $0xb8;
	[tilespmem:$0x18D00] =	vst v63  }
0x98: {  	v3 =	vld [tilespmem:$0xC0];
	_ =	sdelay $0x4  }
0x99: {  	v60 =	vshll.u32 v3, $0x1  }
0x9a: {  	v3 =	vand.u32 $0x7, v3;
	v4 =	vand.u32 $0xFFFFFFF0, v60  }
0x9b: {  	v3 =	vor.u32 v3, v4  }
0x9c: {  	v4 =	vperm.xlane v3, v0;
	_ =	sdelay $0x1  }
0x9d: {  	v3 =	vperm.xlane v3, v2;
	v4 =	vadd.s32 v1, v4;
	_ =	sdelay $0x1  }
0x9e: {  	v3 =	vadd.s32 v1, v3;
	_ =	sdelay $0x1  }
0x9f: {  	s31 =	simm.s32 $0xC480  }
0xa0: {  	[tilespmem:s31], [sflag:$0x1] =	stream.indirect_vreg.gather [hbm4b:s3+s2], $0x80, v4, vm0, $0xb8;
	[tilespmem:$0x18D00] =	vst v63  }
0xa1: {  	s31 =	simm.s32 $0xCC80  }
0xa2: {  	[tilespmem:s31], [sflag:$0x1] =	stream.indirect_vreg.gather [hbm4b:s3+s2], $0x80, v3, vm0, $0xb8;
	[tilespmem:$0x18D00] =	vst v63  }
0xa3: {  	v3 =	vld [tilespmem:$0xD0];
	_ =	sdelay $0x4  }
0xa4: {  	v61 =	vshll.u32 v3, $0x1  }
0xa5: {  	v3 =	vand.u32 $0x7, v3;
	v4 =	vand.u32 $0xFFFFFFF0, v61  }
0xa6: {  	v3 =	vor.u32 v3, v4  }
0xa7: {  	v4 =	vperm.xlane v3, v0;
	_ =	sdelay $0x1  }
0xa8: {  	v3 =	vperm.xlane v3, v2;
	v4 =	vadd.s32 v1, v4;
	_ =	sdelay $0x1  }
0xa9: {  	v3 =	vadd.s32 v1, v3;
	_ =	sdelay $0x1  }
0xaa: {  	s31 =	simm.s32 $0xD480  }
0xab: {  	[tilespmem:s31], [sflag:$0x1] =	stream.indirect_vreg.gather [hbm4b:s3+s2], $0x80, v4, vm0, $0xb8;
	[tilespmem:$0x18D00] =	vst v63  }
0xac: {  	s31 =	simm.s32 $0xDC80  }
0xad: {  	[tilespmem:s31], [sflag:$0x1] =	stream.indirect_vreg.gather [hbm4b:s3+s2], $0x80, v3, vm0, $0xb8;
	[tilespmem:$0x18D00] =	vst v63  }
0xae: {  	v3 =	vld [tilespmem:$0xE0];
	_ =	sdelay $0x4  }
0xaf: {  	v62 =	vshll.u32 v3, $0x1  }
0xb0: {  	v3 =	vand.u32 $0x7, v3;
	v4 =	vand.u32 $0xFFFFFFF0, v62  }
0xb1: {  	v3 =	vor.u32 v3, v4  }
0xb2: {  	v4 =	vperm.xlane v3, v0;
	_ =	sdelay $0x1  }
0xb3: {  	v3 =	vperm.xlane v3, v2;
	v4 =	vadd.s32 v1, v4;
	_ =	sdelay $0x1  }
0xb4: {  	v3 =	vadd.s32 v1, v3;
	_ =	sdelay $0x1  }
0xb5: {  	s31 =	simm.s32 $0xE480  }
0xb6: {  	[tilespmem:s31], [sflag:$0x1] =	stream.indirect_vreg.gather [hbm4b:s3+s2], $0x80, v4, vm0, $0xb8;
	[tilespmem:$0x18D00] =	vst v63  }
0xb7: {  	s31 =	simm.s32 $0xEC80  }
0xb8: {  	[tilespmem:s31], [sflag:$0x1] =	stream.indirect_vreg.gather [hbm4b:s3+s2], $0x80, v3, vm0, $0xb8;
	[tilespmem:$0x18D00] =	vst v63  }
0xb9: {  	v3 =	vld [tilespmem:$0xF0];
	_ =	sdelay $0x4  }
0xba: {  	v63 =	vshll.u32 v3, $0x1  }
0xbb: {  	v3 =	vand.u32 $0x7, v3;
	v4 =	vand.u32 $0xFFFFFFF0, v63  }
0xbc: {  	v3 =	vor.u32 v3, v4  }
0xbd: {  	v4 =	vperm.xlane v3, v0;
	_ =	sdelay $0x1  }
0xbe: {  	v3 =	vperm.xlane v3, v2;
	v4 =	vadd.s32 v1, v4;
	_ =	sdelay $0x1  }
0xbf: {  	v3 =	vadd.s32 v1, v3;
	_ =	sdelay $0x1  }
0xc0: {  	s31 =	simm.s32 $0xF480  }
0xc1: {  	[tilespmem:s31], [sflag:$0x1] =	stream.indirect_vreg.gather [hbm4b:s3+s2], $0x80, v4, vm0, $0xb8;
	[tilespmem:$0x18D00] =	vst v63  }
0xc2: {  	s31 =	simm.s32 $0xFC80  }
0xc3: {  	[tilespmem:s31], [sflag:$0x1] =	stream.indirect_vreg.gather [hbm4b:s3+s2], $0x80, v3, vm0, $0xb8;
	[tilespmem:$0x18D00] =	vst v63  }
0xc4: {  	_ =	swait.ge [sflag:s11], $0x8000  }
0xc5: {  	[sflag:s11] =	ssyncset.done $0x0  }
0xc6: {  	s0 =	rddreg [dreg:$0x4];
	[sflag:s11] =	ssyncadd.s32 $0xFFFF8000  }
0xc7: {  	[hbm4b:s0+s2] =	stream.linear.scatter [tilespmem:s22], [sflag:$0x2], $0x8000, $0x38;
	[tilespmem:$0x18D00] =	vst v63  }
0xc8: {  	v3 =	vld [tilespmem:$0x100];
	_ =	sdelay $0x4  }
0xc9: {  	v8 =	vshll.u32 v3, $0x1  }
0xca: {  	v3 =	vand.u32 $0x7, v3;
	v4 =	vand.u32 $0xFFFFFFF0, v8  }
0xcb: {  	v3 =	vor.u32 v3, v4  }
0xcc: {  	v4 =	vperm.xlane v3, v0;
	_ =	sdelay $0x1  }
0xcd: {  	v3 =	vperm.xlane v3, v2;
	v4 =	vadd.s32 v1, v4;
	_ =	sdelay $0x1  }
0xce: {  	v3 =	vadd.s32 v1, v3;
	_ =	sdelay $0x1  }
0xcf: {  	s0 =	simm.s32 $0x10480  }
0xd0: {  	[tilespmem:s0], [sflag:$0x1] =	stream.indirect_vreg.gather [hbm4b:s3+s2], $0x80, v4, vm0, $0xb8;
	[tilespmem:$0x18D00] =	vst v63  }
0xd1: {  	s31 =	simm.s32 $0x10C80  }
0xd2: {  	[tilespmem:s31], [sflag:$0x1] =	stream.indirect_vreg.gather [hbm4b:s3+s2], $0x80, v3, vm0, $0xb8;
	[tilespmem:$0x18D00] =	vst v63  }
0xd3: {  	v3 =	vld [tilespmem:$0x110];
	_ =	sdelay $0x4  }
0xd4: {  	v9 =	vshll.u32 v3, $0x1  }
0xd5: {  	v3 =	vand.u32 $0x7, v3;
	v4 =	vand.u32 $0xFFFFFFF0, v9  }
0xd6: {  	v3 =	vor.u32 v3, v4  }
0xd7: {  	v4 =	vperm.xlane v3, v0;
	_ =	sdelay $0x1  }
0xd8: {  	v3 =	vperm.xlane v3, v2;
	v4 =	vadd.s32 v1, v4;
	_ =	sdelay $0x1  }
0xd9: {  	v3 =	vadd.s32 v1, v3;
	_ =	sdelay $0x1  }
0xda: {  	s31 =	simm.s32 $0x11480  }
0xdb: {  	[tilespmem:s31], [sflag:$0x1] =	stream.indirect_vreg.gather [hbm4b:s3+s2], $0x80, v4, vm0, $0xb8;
	[tilespmem:$0x18D00] =	vst v63  }
0xdc: {  	s31 =	simm.s32 $0x11C80  }
0xdd: {  	[tilespmem:s31], [sflag:$0x1] =	stream.indirect_vreg.gather [hbm4b:s3+s2], $0x80, v3, vm0, $0xb8;
	[tilespmem:$0x18D00] =	vst v63  }
0xde: {  	v3 =	vld [tilespmem:$0x120];
	_ =	sdelay $0x4  }
0xdf: {  	v10 =	vshll.u32 v3, $0x1  }
0xe0: {  	v3 =	vand.u32 $0x7, v3;
	v4 =	vand.u32 $0xFFFFFFF0, v10  }
0xe1: {  	v3 =	vor.u32 v3, v4  }
0xe2: {  	v4 =	vperm.xlane v3, v0;
	_ =	sdelay $0x1  }
0xe3: {  	v3 =	vperm.xlane v3, v2;
	v4 =	vadd.s32 v1, v4;
	_ =	sdelay $0x1  }
0xe4: {  	v3 =	vadd.s32 v1, v3;
	_ =	sdelay $0x1  }
0xe5: {  	s31 =	simm.s32 $0x12480  }
0xe6: {  	[tilespmem:s31], [sflag:$0x1] =	stream.indirect_vreg.gather [hbm4b:s3+s2], $0x80, v4, vm0, $0xb8;
	[tilespmem:$0x18D00] =	vst v63  }
0xe7: {  	s31 =	simm.s32 $0x12C80  }
0xe8: {  	[tilespmem:s31], [sflag:$0x1] =	stream.indirect_vreg.gather [hbm4b:s3+s2], $0x80, v3, vm0, $0xb8;
	[tilespmem:$0x18D00] =	vst v63  }
0xe9: {  	v3 =	vld [tilespmem:$0x130];
	_ =	sdelay $0x4  }
0xea: {  	v11 =	vshll.u32 v3, $0x1  }
0xeb: {  	v3 =	vand.u32 $0x7, v3;
	v4 =	vand.u32 $0xFFFFFFF0, v11  }
0xec: {  	v3 =	vor.u32 v3, v4  }
0xed: {  	v4 =	vperm.xlane v3, v0;
	_ =	sdelay $0x1  }
0xee: {  	v3 =	vperm.xlane v3, v2;
	v4 =	vadd.s32 v1, v4;
	_ =	sdelay $0x1  }
0xef: {  	v3 =	vadd.s32 v1, v3;
	_ =	sdelay $0x1  }
0xf0: {  	s31 =	simm.s32 $0x13480  }
0xf1: {  	[tilespmem:s31], [sflag:$0x1] =	stream.indirect_vreg.gather [hbm4b:s3+s2], $0x80, v4, vm0, $0xb8;
	[tilespmem:$0x18D00] =	vst v63  }
0xf2: {  	s31 =	simm.s32 $0x13C80  }
0xf3: {  	[tilespmem:s31], [sflag:$0x1] =	stream.indirect_vreg.gather [hbm4b:s3+s2], $0x80, v3, vm0, $0xb8;
	[tilespmem:$0x18D00] =	vst v63  }
0xf4: {  	v3 =	vld [tilespmem:$0x140];
	_ =	sdelay $0x4  }
0xf5: {  	v12 =	vshll.u32 v3, $0x1  }
0xf6: {  	v3 =	vand.u32 $0x7, v3;
	v4 =	vand.u32 $0xFFFFFFF0, v12  }
0xf7: {  	v3 =	vor.u32 v3, v4  }
0xf8: {  	v4 =	vperm.xlane v3, v0;
	_ =	sdelay $0x1  }
0xf9: {  	v3 =	vperm.xlane v3, v2;
	v4 =	vadd.s32 v1, v4;
	_ =	sdelay $0x1  }
0xfa: {  	v3 =	vadd.s32 v1, v3;
	_ =	sdelay $0x1  }
0xfb: {  	s31 =	simm.s32 $0x14480  }
0xfc: {  	[tilespmem:s31], [sflag:$0x1] =	stream.indirect_vreg.gather [hbm4b:s3+s2], $0x80, v4, vm0, $0xb8;
	[tilespmem:$0x18D00] =	vst v63  }
0xfd: {  	s31 =	simm.s32 $0x14C80  }
0xfe: {  	[tilespmem:s31], [sflag:$0x1] =	stream.indirect_vreg.gather [hbm4b:s3+s2], $0x80, v3, vm0, $0xb8;
	[tilespmem:$0x18D00] =	vst v63  }
0xff: {  	v3 =	vld [tilespmem:$0x150];
	_ =	sdelay $0x4  }
0x100: {  	v13 =	vshll.u32 v3, $0x1  }
0x101: {  	v3 =	vand.u32 $0x7, v3;
	v4 =	vand.u32 $0xFFFFFFF0, v13  }
0x102: {  	v3 =	vor.u32 v3, v4  }
0x103: {  	v4 =	vperm.xlane v3, v0;
	_ =	sdelay $0x1  }
0x104: {  	v3 =	vperm.xlane v3, v2;
	v4 =	vadd.s32 v1, v4;
	_ =	sdelay $0x1  }
0x105: {  	v3 =	vadd.s32 v1, v3;
	_ =	sdelay $0x1  }
0x106: {  	s31 =	simm.s32 $0x15480  }
0x107: {  	[tilespmem:s31], [sflag:$0x1] =	stream.indirect_vreg.gather [hbm4b:s3+s2], $0x80, v4, vm0, $0xb8;
	[tilespmem:$0x18D00] =	vst v63  }
0x108: {  	s31 =	simm.s32 $0x15C80  }
0x109: {  	[tilespmem:s31], [sflag:$0x1] =	stream.indirect_vreg.gather [hbm4b:s3+s2], $0x80, v3, vm0, $0xb8;
	[tilespmem:$0x18D00] =	vst v63  }
0x10a: {  	v3 =	vld [tilespmem:$0x160];
	_ =	sdelay $0x4  }
0x10b: {  	v14 =	vshll.u32 v3, $0x1  }
0x10c: {  	v3 =	vand.u32 $0x7, v3;
	v4 =	vand.u32 $0xFFFFFFF0, v14  }
0x10d: {  	v3 =	vor.u32 v3, v4  }
0x10e: {  	v4 =	vperm.xlane v3, v0;
	_ =	sdelay $0x1  }
0x10f: {  	v3 =	vperm.xlane v3, v2;
	v4 =	vadd.s32 v1, v4;
	_ =	sdelay $0x1  }
0x110: {  	v3 =	vadd.s32 v1, v3;
	_ =	sdelay $0x1  }
0x111: {  	s31 =	simm.s32 $0x16480  }
0x112: {  	[tilespmem:s31], [sflag:$0x1] =	stream.indirect_vreg.gather [hbm4b:s3+s2], $0x80, v4, vm0, $0xb8;
	[tilespmem:$0x18D00] =	vst v63  }
0x113: {  	s31 =	simm.s32 $0x16C80  }
0x114: {  	[tilespmem:s31], [sflag:$0x1] =	stream.indirect_vreg.gather [hbm4b:s3+s2], $0x80, v3, vm0, $0xb8;
	[tilespmem:$0x18D00] =	vst v63  }
0x115: {  	v3 =	vld [tilespmem:$0x170];
	_ =	sdelay $0x4  }
0x116: {  	v15 =	vshll.u32 v3, $0x1  }
0x117: {  	v3 =	vand.u32 $0x7, v3;
	v4 =	vand.u32 $0xFFFFFFF0, v15  }
0x118: {  	v3 =	vor.u32 v3, v4  }
0x119: {  	v4 =	vperm.xlane v3, v0;
	_ =	sdelay $0x1  }
0x11a: {  	v3 =	vperm.xlane v3, v2;
	v4 =	vadd.s32 v1, v4;
	_ =	sdelay $0x1  }
0x11b: {  	v3 =	vadd.s32 v1, v3;
	_ =	sdelay $0x1  }
0x11c: {  	s31 =	simm.s32 $0x17480  }
0x11d: {  	[tilespmem:s31], [sflag:$0x1] =	stream.indirect_vreg.gather [hbm4b:s3+s2], $0x80, v4, vm0, $0xb8;
	[tilespmem:$0x18D00] =	vst v63  }
0x11e: {  	s31 =	simm.s32 $0x17C80  }
0x11f: {  	[tilespmem:s31], [sflag:$0x1] =	stream.indirect_vreg.gather [hbm4b:s3+s2], $0x80, v3, vm0, $0xb8;
	[tilespmem:$0x18D00] =	vst v63  }
0x120: {  	_ =	swait.ge [sflag:s11], $0x8000  }
0x121: {  	[sflag:s11] =	ssyncset.done $0x0  }
0x122: {  	s31 =	rddreg [dreg:$0x5];
	[sflag:s11] =	ssyncadd.s32 $0xFFFF8000  }
0x123: {  	[hbm4b:s31+s2] =	stream.linear.scatter [tilespmem:s12], [sflag:$0x2], $0x8000, $0x38;
	[tilespmem:$0x18D00] =	vst v63  }
0x124: {  	_ =	swait.ge [sflag:s30], $0x8000  }
0x125: {  	[sflag:s30] =	ssyncset.done $0x0  }
0x126: {  	[sflag:s30] =	ssyncadd.s32 $0xFFFF8000  }
0x127: {  	v3 =	vld [tilespmem:$0x180];
	_ =	sdelay $0x4  }
0x128: {  	v16 =	vshll.u32 v3, $0x1  }
0x129: {  	v3 =	vand.u32 $0x7, v3;
	v4 =	vand.u32 $0xFFFFFFF0, v16  }
0x12a: {  	v3 =	vor.u32 v3, v4  }
0x12b: {  	v4 =	vperm.xlane v3, v0;
	_ =	sdelay $0x1  }
0x12c: {  	v3 =	vperm.xlane v3, v2;
	v4 =	vadd.s32 v1, v4;
	_ =	sdelay $0x1  }
0x12d: {  	v3 =	vadd.s32 v1, v3;
	_ =	sdelay $0x2  }
0x12e: {  	[tilespmem:s22], [sflag:$0x1] =	stream.indirect_vreg.gather [hbm4b:s3+s2], $0x80, v4, vm0, $0xb8;
	[tilespmem:$0x18D00] =	vst v63  }
0x12f: {  	_ = 	snop  }
0x130: {  	[tilespmem:s6], [sflag:$0x1] =	stream.indirect_vreg.gather [hbm4b:s3+s2], $0x80, v3, vm0, $0xb8;
	[tilespmem:$0x18D00] =	vst v63  }
0x131: {  	v3 =	vld [tilespmem:$0x190];
	_ =	sdelay $0x4  }
0x132: {  	v17 =	vshll.u32 v3, $0x1  }
0x133: {  	v3 =	vand.u32 $0x7, v3;
	v4 =	vand.u32 $0xFFFFFFF0, v17  }
0x134: {  	v3 =	vor.u32 v3, v4  }
0x135: {  	v4 =	vperm.xlane v3, v0;
	_ =	sdelay $0x1  }
0x136: {  	v3 =	vperm.xlane v3, v2;
	v4 =	vadd.s32 v1, v4;
	_ =	sdelay $0x1  }
0x137: {  	v3 =	vadd.s32 v1, v3;
	_ =	sdelay $0x2  }
0x138: {  	[tilespmem:s1], [sflag:$0x1] =	stream.indirect_vreg.gather [hbm4b:s3+s2], $0x80, v4, vm0, $0xb8;
	[tilespmem:$0x18D00] =	vst v63  }
0x139: {  	_ = 	snop  }
0x13a: {  	[tilespmem:s5], [sflag:$0x1] =	stream.indirect_vreg.gather [hbm4b:s3+s2], $0x80, v3, vm0, $0xb8;
	[tilespmem:$0x18D00] =	vst v63  }
0x13b: {  	v3 =	vld [tilespmem:$0x1A0];
	_ =	sdelay $0x4  }
0x13c: {  	v18 =	vshll.u32 v3, $0x1  }
0x13d: {  	v3 =	vand.u32 $0x7, v3;
	v4 =	vand.u32 $0xFFFFFFF0, v18  }
0x13e: {  	v3 =	vor.u32 v3, v4  }
0x13f: {  	v4 =	vperm.xlane v3, v0;
	_ =	sdelay $0x1  }
0x140: {  	v3 =	vperm.xlane v3, v2;
	v4 =	vadd.s32 v1, v4;
	_ =	sdelay $0x1  }
0x141: {  	v3 =	vadd.s32 v1, v3;
	_ =	sdelay $0x2  }
0x142: {  	[tilespmem:s7], [sflag:$0x1] =	stream.indirect_vreg.gather [hbm4b:s3+s2], $0x80, v4, vm0, $0xb8;
	[tilespmem:$0x18D00] =	vst v63  }
0x143: {  	_ = 	snop  }
0x144: {  	[tilespmem:s8], [sflag:$0x1] =	stream.indirect_vreg.gather [hbm4b:s3+s2], $0x80, v3, vm0, $0xb8;
	[tilespmem:$0x18D00] =	vst v63  }
0x145: {  	v3 =	vld [tilespmem:$0x1B0];
	_ =	sdelay $0x4  }
0x146: {  	v19 =	vshll.u32 v3, $0x1  }
0x147: {  	v3 =	vand.u32 $0x7, v3;
	v4 =	vand.u32 $0xFFFFFFF0, v19  }
0x148: {  	v3 =	vor.u32 v3, v4  }
0x149: {  	v4 =	vperm.xlane v3, v0;
	_ =	sdelay $0x1  }
0x14a: {  	v3 =	vperm.xlane v3, v2;
	v4 =	vadd.s32 v1, v4;
	_ =	sdelay $0x1  }
0x14b: {  	v3 =	vadd.s32 v1, v3;
	_ =	sdelay $0x2  }
0x14c: {  	[tilespmem:s9], [sflag:$0x1] =	stream.indirect_vreg.gather [hbm4b:s3+s2], $0x80, v4, vm0, $0xb8;
	[tilespmem:$0x18D00] =	vst v63  }
0x14d: {  	_ = 	snop  }
0x14e: {  	[tilespmem:s10], [sflag:$0x1] =	stream.indirect_vreg.gather [hbm4b:s3+s2], $0x80, v3, vm0, $0xb8;
	[tilespmem:$0x18D00] =	vst v63  }
0x14f: {  	v3 =	vld [tilespmem:$0x1C0];
	_ =	sdelay $0x4  }
0x150: {  	v20 =	vshll.u32 v3, $0x1  }
0x151: {  	v3 =	vand.u32 $0x7, v3;
	v4 =	vand.u32 $0xFFFFFFF0, v20  }
0x152: {  	v3 =	vor.u32 v3, v4  }
0x153: {  	v4 =	vperm.xlane v3, v0;
	_ =	sdelay $0x1  }
0x154: {  	v3 =	vperm.xlane v3, v2;
	v4 =	vadd.s32 v1, v4;
	_ =	sdelay $0x1  }
0x155: {  	v3 =	vadd.s32 v1, v3;
	_ =	sdelay $0x2  }
0x156: {  	[tilespmem:s13], [sflag:$0x1] =	stream.indirect_vreg.gather [hbm4b:s3+s2], $0x80, v4, vm0, $0xb8;
	[tilespmem:$0x18D00] =	vst v63  }
0x157: {  	_ = 	snop  }
0x158: {  	[tilespmem:s14], [sflag:$0x1] =	stream.indirect_vreg.gather [hbm4b:s3+s2], $0x80, v3, vm0, $0xb8;
	[tilespmem:$0x18D00] =	vst v63  }
0x159: {  	v3 =	vld [tilespmem:$0x1D0];
	_ =	sdelay $0x4  }
0x15a: {  	v21 =	vshll.u32 v3, $0x1  }
0x15b: {  	v3 =	vand.u32 $0x7, v3;
	v4 =	vand.u32 $0xFFFFFFF0, v21  }
0x15c: {  	v3 =	vor.u32 v3, v4  }
0x15d: {  	v4 =	vperm.xlane v3, v0;
	_ =	sdelay $0x1  }
0x15e: {  	v3 =	vperm.xlane v3, v2;
	v4 =	vadd.s32 v1, v4;
	_ =	sdelay $0x1  }
0x15f: {  	v3 =	vadd.s32 v1, v3;
	_ =	sdelay $0x2  }
0x160: {  	[tilespmem:s15], [sflag:$0x1] =	stream.indirect_vreg.gather [hbm4b:s3+s2], $0x80, v4, vm0, $0xb8;
	[tilespmem:$0x18D00] =	vst v63  }
0x161: {  	_ = 	snop  }
0x162: {  	[tilespmem:s16], [sflag:$0x1] =	stream.indirect_vreg.gather [hbm4b:s3+s2], $0x80, v3, vm0, $0xb8;
	[tilespmem:$0x18D00] =	vst v63  }
0x163: {  	v3 =	vld [tilespmem:$0x1E0];
	_ =	sdelay $0x4  }
0x164: {  	v22 =	vshll.u32 v3, $0x1  }
0x165: {  	v3 =	vand.u32 $0x7, v3;
	v4 =	vand.u32 $0xFFFFFFF0, v22  }
0x166: {  	v3 =	vor.u32 v3, v4  }
0x167: {  	v4 =	vperm.xlane v3, v0;
	_ =	sdelay $0x1  }
0x168: {  	v3 =	vperm.xlane v3, v2;
	v4 =	vadd.s32 v1, v4;
	_ =	sdelay $0x1  }
0x169: {  	v3 =	vadd.s32 v1, v3;
	_ =	sdelay $0x2  }
0x16a: {  	[tilespmem:s17], [sflag:$0x1] =	stream.indirect_vreg.gather [hbm4b:s3+s2], $0x80, v4, vm0, $0xb8;
	[tilespmem:$0x18D00] =	vst v63  }
0x16b: {  	_ = 	snop  }
0x16c: {  	[tilespmem:s18], [sflag:$0x1] =	stream.indirect_vreg.gather [hbm4b:s3+s2], $0x80, v3, vm0, $0xb8;
	[tilespmem:$0x18D00] =	vst v63  }
0x16d: {  	v3 =	vld [tilespmem:$0x1F0];
	_ =	sdelay $0x4  }
0x16e: {  	v23 =	vshll.u32 v3, $0x1  }
0x16f: {  	v3 =	vand.u32 $0x7, v3;
	v4 =	vand.u32 $0xFFFFFFF0, v23  }
0x170: {  	v3 =	vor.u32 v3, v4  }
0x171: {  	v4 =	vperm.xlane v3, v0;
	_ =	sdelay $0x1  }
0x172: {  	v3 =	vperm.xlane v3, v2;
	v4 =	vadd.s32 v1, v4;
	_ =	sdelay $0x1  }
0x173: {  	v3 =	vadd.s32 v1, v3;
	_ =	sdelay $0x2  }
0x174: {  	[tilespmem:s19], [sflag:$0x1] =	stream.indirect_vreg.gather [hbm4b:s3+s2], $0x80, v4, vm0, $0xb8;
	[tilespmem:$0x18D00] =	vst v63  }
0x175: {  	_ = 	snop  }
0x176: {  	[tilespmem:s20], [sflag:$0x1] =	stream.indirect_vreg.gather [hbm4b:s3+s2], $0x80, v3, vm0, $0xb8;
	[tilespmem:$0x18D00] =	vst v63  }
0x177: {  	_ =	swait.ge [sflag:s11], $0x8000  }
0x178: {  	[sflag:s11] =	ssyncset.done $0x0  }
0x179: {  	s31 =	rddreg [dreg:$0x6];
	[sflag:s11] =	ssyncadd.s32 $0xFFFF8000  }
0x17a: {  	[hbm4b:s31+s2] =	stream.linear.scatter [tilespmem:s0], [sflag:$0x2], $0x8000, $0x38;
	[tilespmem:$0x18D00] =	vst v63  }
0x17b: {  	_ =	swait.ge [sflag:s30], $0x8000  }
0x17c: {  	[sflag:s30] =	ssyncset.done $0x0  }
0x17d: {  	[sflag:s30] =	ssyncadd.s32 $0xFFFF8000  }
0x17e: {  	v3 =	vld [tilespmem:$0x200];
	_ =	sdelay $0x4  }
0x17f: {  	v24 =	vshll.u32 v3, $0x1  }
0x180: {  	v3 =	vand.u32 $0x7, v3;
	v4 =	vand.u32 $0xFFFFFFF0, v24  }
0x181: {  	v3 =	vor.u32 v3, v4  }
0x182: {  	v4 =	vperm.xlane v3, v0;
	_ =	sdelay $0x1  }
0x183: {  	v3 =	vperm.xlane v3, v2;
	v4 =	vadd.s32 v1, v4;
	_ =	sdelay $0x1  }
0x184: {  	v3 =	vadd.s32 v1, v3;
	_ =	sdelay $0x2  }
0x185: {  	[tilespmem:s12], [sflag:$0x1] =	stream.indirect_vreg.gather [hbm4b:s3+s2], $0x80, v4, vm0, $0xb8;
	[tilespmem:$0x18D00] =	vst v63  }
0x186: {  	_ = 	snop  }
0x187: {  	[tilespmem:s21], [sflag:$0x1] =	stream.indirect_vreg.gather [hbm4b:s3+s2], $0x80, v3, vm0, $0xb8;
	[tilespmem:$0x18D00] =	vst v63  }
0x188: {  	v3 =	vld [tilespmem:$0x210];
	_ =	sdelay $0x4  }
0x189: {  	v25 =	vshll.u32 v3, $0x1  }
0x18a: {  	v3 =	vand.u32 $0x7, v3;
	v4 =	vand.u32 $0xFFFFFFF0, v25  }
0x18b: {  	v3 =	vor.u32 v3, v4  }
0x18c: {  	v4 =	vperm.xlane v3, v0;
	_ =	sdelay $0x1  }
0x18d: {  	v3 =	vperm.xlane v3, v2;
	v4 =	vadd.s32 v1, v4;
	_ =	sdelay $0x1  }
0x18e: {  	v3 =	vadd.s32 v1, v3;
	_ =	sdelay $0x2  }
0x18f: {  	[tilespmem:s23], [sflag:$0x1] =	stream.indirect_vreg.gather [hbm4b:s3+s2], $0x80, v4, vm0, $0xb8;
	[tilespmem:$0x18D00] =	vst v63  }
0x190: {  	_ = 	snop  }
0x191: {  	[tilespmem:s24], [sflag:$0x1] =	stream.indirect_vreg.gather [hbm4b:s3+s2], $0x80, v3, vm0, $0xb8;
	[tilespmem:$0x18D00] =	vst v63  }
0x192: {  	v3 =	vld [tilespmem:$0x220];
	_ =	sdelay $0x4  }
0x193: {  	v26 =	vshll.u32 v3, $0x1  }
0x194: {  	v3 =	vand.u32 $0x7, v3;
	v4 =	vand.u32 $0xFFFFFFF0, v26  }
0x195: {  	v3 =	vor.u32 v3, v4  }
0x196: {  	v4 =	vperm.xlane v3, v0;
	_ =	sdelay $0x1  }
0x197: {  	v3 =	vperm.xlane v3, v2;
	v4 =	vadd.s32 v1, v4;
	_ =	sdelay $0x1  }
0x198: {  	v3 =	vadd.s32 v1, v3;
	_ =	sdelay $0x2  }
0x199: {  	[tilespmem:s25], [sflag:$0x1] =	stream.indirect_vreg.gather [hbm4b:s3+s2], $0x80, v4, vm0, $0xb8;
	[tilespmem:$0x18D00] =	vst v63  }
0x19a: {  	_ = 	snop  }
0x19b: {  	[tilespmem:s26], [sflag:$0x1] =	stream.indirect_vreg.gather [hbm4b:s3+s2], $0x80, v3, vm0, $0xb8;
	[tilespmem:$0x18D00] =	vst v63  }
0x19c: {  	v3 =	vld [tilespmem:$0x230];
	_ =	sdelay $0x4  }
0x19d: {  	v27 =	vshll.u32 v3, $0x1  }
0x19e: {  	v3 =	vand.u32 $0x7, v3;
	v4 =	vand.u32 $0xFFFFFFF0, v27  }
0x19f: {  	v3 =	vor.u32 v3, v4  }
0x1a0: {  	v4 =	vperm.xlane v3, v0;
	_ =	sdelay $0x1  }
0x1a1: {  	v3 =	vperm.xlane v3, v2;
	v4 =	vadd.s32 v1, v4;
	_ =	sdelay $0x1  }
0x1a2: {  	v3 =	vadd.s32 v1, v3;
	_ =	sdelay $0x2  }
0x1a3: {  	[tilespmem:s28], [sflag:$0x1] =	stream.indirect_vreg.gather [hbm4b:s3+s2], $0x80, v4, vm0, $0xb8;
	[tilespmem:$0x18D00] =	vst v63  }
0x1a4: {  	_ = 	snop  }
0x1a5: {  	[tilespmem:s29], [sflag:$0x1] =	stream.indirect_vreg.gather [hbm4b:s3+s2], $0x80, v3, vm0, $0xb8;
	[tilespmem:$0x18D00] =	vst v63  }
0x1a6: {  	v3 =	vld [tilespmem:$0x240];
	_ =	sdelay $0x4  }
0x1a7: {  	v28 =	vshll.u32 v3, $0x1  }
0x1a8: {  	v3 =	vand.u32 $0x7, v3;
	v4 =	vand.u32 $0xFFFFFFF0, v28  }
0x1a9: {  	v3 =	vor.u32 v3, v4  }
0x1aa: {  	v4 =	vperm.xlane v3, v0;
	_ =	sdelay $0x1  }
0x1ab: {  	v3 =	vperm.xlane v3, v2;
	v4 =	vadd.s32 v1, v4;
	_ =	sdelay $0x1  }
0x1ac: {  	v3 =	vadd.s32 v1, v3;
	_ =	sdelay $0x1  }
0x1ad: {  	s31 =	simm.s32 $0xC480  }
0x1ae: {  	[tilespmem:s31], [sflag:$0x1] =	stream.indirect_vreg.gather [hbm4b:s3+s2], $0x80, v4, vm0, $0xb8;
	[tilespmem:$0x18D00] =	vst v63  }
0x1af: {  	s31 =	simm.s32 $0xCC80  }
0x1b0: {  	[tilespmem:s31], [sflag:$0x1] =	stream.indirect_vreg.gather [hbm4b:s3+s2], $0x80, v3, vm0, $0xb8;
	[tilespmem:$0x18D00] =	vst v63  }
0x1b1: {  	v3 =	vld [tilespmem:$0x250];
	_ =	sdelay $0x4  }
0x1b2: {  	v29 =	vshll.u32 v3, $0x1  }
0x1b3: {  	v3 =	vand.u32 $0x7, v3;
	v4 =	vand.u32 $0xFFFFFFF0, v29  }
0x1b4: {  	v3 =	vor.u32 v3, v4  }
0x1b5: {  	v4 =	vperm.xlane v3, v0;
	_ =	sdelay $0x1  }
0x1b6: {  	v3 =	vperm.xlane v3, v2;
	v4 =	vadd.s32 v1, v4;
	_ =	sdelay $0x1  }
0x1b7: {  	v3 =	vadd.s32 v1, v3;
	_ =	sdelay $0x1  }
0x1b8: {  	s31 =	simm.s32 $0xD480  }
0x1b9: {  	[tilespmem:s31], [sflag:$0x1] =	stream.indirect_vreg.gather [hbm4b:s3+s2], $0x80, v4, vm0, $0xb8;
	[tilespmem:$0x18D00] =	vst v63  }
0x1ba: {  	s31 =	simm.s32 $0xDC80  }
0x1bb: {  	[tilespmem:s31], [sflag:$0x1] =	stream.indirect_vreg.gather [hbm4b:s3+s2], $0x80, v3, vm0, $0xb8;
	[tilespmem:$0x18D00] =	vst v63  }
0x1bc: {  	v3 =	vld [tilespmem:$0x260];
	_ =	sdelay $0x4  }
0x1bd: {  	v30 =	vshll.u32 v3, $0x1  }
0x1be: {  	v3 =	vand.u32 $0x7, v3;
	v4 =	vand.u32 $0xFFFFFFF0, v30  }
0x1bf: {  	v3 =	vor.u32 v3, v4  }
0x1c0: {  	v4 =	vperm.xlane v3, v0;
	_ =	sdelay $0x1  }
0x1c1: {  	v3 =	vperm.xlane v3, v2;
	v4 =	vadd.s32 v1, v4;
	_ =	sdelay $0x1  }
0x1c2: {  	v3 =	vadd.s32 v1, v3;
	_ =	sdelay $0x1  }
0x1c3: {  	s31 =	simm.s32 $0xE480  }
0x1c4: {  	[tilespmem:s31], [sflag:$0x1] =	stream.indirect_vreg.gather [hbm4b:s3+s2], $0x80, v4, vm0, $0xb8;
	[tilespmem:$0x18D00] =	vst v63  }
0x1c5: {  	s31 =	simm.s32 $0xEC80  }
0x1c6: {  	[tilespmem:s31], [sflag:$0x1] =	stream.indirect_vreg.gather [hbm4b:s3+s2], $0x80, v3, vm0, $0xb8;
	[tilespmem:$0x18D00] =	vst v63  }
0x1c7: {  	v3 =	vld [tilespmem:$0x270];
	_ =	sdelay $0x4  }
0x1c8: {  	v31 =	vshll.u32 v3, $0x1  }
0x1c9: {  	v3 =	vand.u32 $0x7, v3;
	v4 =	vand.u32 $0xFFFFFFF0, v31  }
0x1ca: {  	v3 =	vor.u32 v3, v4  }
0x1cb: {  	v4 =	vperm.xlane v3, v0;
	_ =	sdelay $0x1  }
0x1cc: {  	v3 =	vperm.xlane v3, v2;
	v4 =	vadd.s32 v1, v4;
	_ =	sdelay $0x1  }
0x1cd: {  	v3 =	vadd.s32 v1, v3;
	_ =	sdelay $0x1  }
0x1ce: {  	s31 =	simm.s32 $0xF480  }
0x1cf: {  	[tilespmem:s31], [sflag:$0x1] =	stream.indirect_vreg.gather [hbm4b:s3+s2], $0x80, v4, vm0, $0xb8;
	[tilespmem:$0x18D00] =	vst v63  }
0x1d0: {  	s31 =	simm.s32 $0xFC80  }
0x1d1: {  	[tilespmem:s31], [sflag:$0x1] =	stream.indirect_vreg.gather [hbm4b:s3+s2], $0x80, v3, vm0, $0xb8;
	[tilespmem:$0x18D00] =	vst v63  }
0x1d2: {  	_ =	swait.ge [sflag:s11], $0x8000  }
0x1d3: {  	[sflag:s11] =	ssyncset.done $0x0  }
0x1d4: {  	s31 =	rddreg [dreg:$0x7];
	[sflag:s11] =	ssyncadd.s32 $0xFFFF8000  }
0x1d5: {  	[hbm4b:s31+s2] =	stream.linear.scatter [tilespmem:s22], [sflag:$0x2], $0x8000, $0x38;
	[tilespmem:$0x18D00] =	vst v63  }
0x1d6: {  	_ =	swait.ge [sflag:s30], $0x8000  }
0x1d7: {  	[sflag:s30] =	ssyncset.done $0x0  }
0x1d8: {  	[sflag:s30] =	ssyncadd.s32 $0xFFFF8000  }
0x1d9: {  	v3 =	vld [tilespmem:$0x280];
	_ =	sdelay $0x4  }
0x1da: {  	v32 =	vshll.u32 v3, $0x1  }
0x1db: {  	v3 =	vand.u32 $0x7, v3;
	v4 =	vand.u32 $0xFFFFFFF0, v32  }
0x1dc: {  	v3 =	vor.u32 v3, v4  }
0x1dd: {  	v4 =	vperm.xlane v3, v0;
	_ =	sdelay $0x1  }
0x1de: {  	v3 =	vperm.xlane v3, v2;
	v4 =	vadd.s32 v1, v4;
	_ =	sdelay $0x1  }
0x1df: {  	v3 =	vadd.s32 v1, v3;
	_ =	sdelay $0x2  }
0x1e0: {  	[tilespmem:s0], [sflag:$0x1] =	stream.indirect_vreg.gather [hbm4b:s3+s2], $0x80, v4, vm0, $0xb8;
	[tilespmem:$0x18D00] =	vst v63  }
0x1e1: {  	s31 =	simm.s32 $0x10C80  }
0x1e2: {  	[tilespmem:s31], [sflag:$0x1] =	stream.indirect_vreg.gather [hbm4b:s3+s2], $0x80, v3, vm0, $0xb8;
	[tilespmem:$0x18D00] =	vst v63  }
0x1e3: {  	v3 =	vld [tilespmem:$0x290];
	_ =	sdelay $0x4  }
0x1e4: {  	v33 =	vshll.u32 v3, $0x1  }
0x1e5: {  	v3 =	vand.u32 $0x7, v3;
	v4 =	vand.u32 $0xFFFFFFF0, v33  }
0x1e6: {  	v3 =	vor.u32 v3, v4  }
0x1e7: {  	v4 =	vperm.xlane v3, v0;
	_ =	sdelay $0x1  }
0x1e8: {  	v3 =	vperm.xlane v3, v2;
	v4 =	vadd.s32 v1, v4;
	_ =	sdelay $0x1  }
0x1e9: {  	v3 =	vadd.s32 v1, v3;
	_ =	sdelay $0x1  }
0x1ea: {  	s31 =	simm.s32 $0x11480  }
0x1eb: {  	[tilespmem:s31], [sflag:$0x1] =	stream.indirect_vreg.gather [hbm4b:s3+s2], $0x80, v4, vm0, $0xb8;
	[tilespmem:$0x18D00] =	vst v63  }
0x1ec: {  	s31 =	simm.s32 $0x11C80  }
0x1ed: {  	[tilespmem:s31], [sflag:$0x1] =	stream.indirect_vreg.gather [hbm4b:s3+s2], $0x80, v3, vm0, $0xb8;
	[tilespmem:$0x18D00] =	vst v63  }
0x1ee: {  	v3 =	vld [tilespmem:$0x2A0];
	_ =	sdelay $0x4  }
0x1ef: {  	v34 =	vshll.u32 v3, $0x1  }
0x1f0: {  	v3 =	vand.u32 $0x7, v3;
	v4 =	vand.u32 $0xFFFFFFF0, v34  }
0x1f1: {  	v3 =	vor.u32 v3, v4  }
0x1f2: {  	v4 =	vperm.xlane v3, v0;
	_ =	sdelay $0x1  }
0x1f3: {  	v3 =	vperm.xlane v3, v2;
	v4 =	vadd.s32 v1, v4;
	_ =	sdelay $0x1  }
0x1f4: {  	v3 =	vadd.s32 v1, v3;
	_ =	sdelay $0x1  }
0x1f5: {  	s31 =	simm.s32 $0x12480  }
0x1f6: {  	[tilespmem:s31], [sflag:$0x1] =	stream.indirect_vreg.gather [hbm4b:s3+s2], $0x80, v4, vm0, $0xb8;
	[tilespmem:$0x18D00] =	vst v63  }
0x1f7: {  	s31 =	simm.s32 $0x12C80  }
0x1f8: {  	[tilespmem:s31], [sflag:$0x1] =	stream.indirect_vreg.gather [hbm4b:s3+s2], $0x80, v3, vm0, $0xb8;
	[tilespmem:$0x18D00] =	vst v63  }
0x1f9: {  	v3 =	vld [tilespmem:$0x2B0];
	_ =	sdelay $0x4  }
0x1fa: {  	v35 =	vshll.u32 v3, $0x1  }
0x1fb: {  	v3 =	vand.u32 $0x7, v3;
	v4 =	vand.u32 $0xFFFFFFF0, v35  }
0x1fc: {  	v3 =	vor.u32 v3, v4  }
0x1fd: {  	v4 =	vperm.xlane v3, v0;
	_ =	sdelay $0x1  }
0x1fe: {  	v3 =	vperm.xlane v3, v2;
	v4 =	vadd.s32 v1, v4;
	_ =	sdelay $0x1  }
0x1ff: {  	v3 =	vadd.s32 v1, v3;
	_ =	sdelay $0x1  }
0x200: {  	s31 =	simm.s32 $0x13480  }
0x201: {  	[tilespmem:s31], [sflag:$0x1] =	stream.indirect_vreg.gather [hbm4b:s3+s2], $0x80, v4, vm0, $0xb8;
	[tilespmem:$0x18D00] =	vst v63  }
0x202: {  	s31 =	simm.s32 $0x13C80  }
0x203: {  	[tilespmem:s31], [sflag:$0x1] =	stream.indirect_vreg.gather [hbm4b:s3+s2], $0x80, v3, vm0, $0xb8;
	[tilespmem:$0x18D00] =	vst v63  }
0x204: {  	v3 =	vld [tilespmem:$0x2C0];
	_ =	sdelay $0x4  }
0x205: {  	v36 =	vshll.u32 v3, $0x1  }
0x206: {  	v3 =	vand.u32 $0x7, v3;
	v4 =	vand.u32 $0xFFFFFFF0, v36  }
0x207: {  	v3 =	vor.u32 v3, v4  }
0x208: {  	v4 =	vperm.xlane v3, v0;
	_ =	sdelay $0x1  }
0x209: {  	v3 =	vperm.xlane v3, v2;
	v4 =	vadd.s32 v1, v4;
	_ =	sdelay $0x1  }
0x20a: {  	v3 =	vadd.s32 v1, v3;
	_ =	sdelay $0x1  }
0x20b: {  	s31 =	simm.s32 $0x14480  }
0x20c: {  	[tilespmem:s31], [sflag:$0x1] =	stream.indirect_vreg.gather [hbm4b:s3+s2], $0x80, v4, vm0, $0xb8;
	[tilespmem:$0x18D00] =	vst v63  }
0x20d: {  	s31 =	simm.s32 $0x14C80  }
0x20e: {  	[tilespmem:s31], [sflag:$0x1] =	stream.indirect_vreg.gather [hbm4b:s3+s2], $0x80, v3, vm0, $0xb8;
	[tilespmem:$0x18D00] =	vst v63  }
0x20f: {  	v3 =	vld [tilespmem:$0x2D0];
	_ =	sdelay $0x4  }
0x210: {  	v37 =	vshll.u32 v3, $0x1  }
0x211: {  	v3 =	vand.u32 $0x7, v3;
	v4 =	vand.u32 $0xFFFFFFF0, v37  }
0x212: {  	v3 =	vor.u32 v3, v4  }
0x213: {  	v4 =	vperm.xlane v3, v0;
	_ =	sdelay $0x1  }
0x214: {  	v3 =	vperm.xlane v3, v2;
	v4 =	vadd.s32 v1, v4;
	_ =	sdelay $0x1  }
0x215: {  	v3 =	vadd.s32 v1, v3;
	_ =	sdelay $0x1  }
0x216: {  	s31 =	simm.s32 $0x15480  }
0x217: {  	[tilespmem:s31], [sflag:$0x1] =	stream.indirect_vreg.gather [hbm4b:s3+s2], $0x80, v4, vm0, $0xb8;
	[tilespmem:$0x18D00] =	vst v63  }
0x218: {  	s31 =	simm.s32 $0x15C80  }
0x219: {  	[tilespmem:s31], [sflag:$0x1] =	stream.indirect_vreg.gather [hbm4b:s3+s2], $0x80, v3, vm0, $0xb8;
	[tilespmem:$0x18D00] =	vst v63  }
0x21a: {  	v3 =	vld [tilespmem:$0x2E0];
	_ =	sdelay $0x4  }
0x21b: {  	v38 =	vshll.u32 v3, $0x1  }
0x21c: {  	v3 =	vand.u32 $0x7, v3;
	v4 =	vand.u32 $0xFFFFFFF0, v38  }
0x21d: {  	v3 =	vor.u32 v3, v4  }
0x21e: {  	v4 =	vperm.xlane v3, v0;
	_ =	sdelay $0x1  }
0x21f: {  	v3 =	vperm.xlane v3, v2;
	v4 =	vadd.s32 v1, v4;
	_ =	sdelay $0x1  }
0x220: {  	v3 =	vadd.s32 v1, v3;
	_ =	sdelay $0x1  }
0x221: {  	s31 =	simm.s32 $0x16480  }
0x222: {  	[tilespmem:s31], [sflag:$0x1] =	stream.indirect_vreg.gather [hbm4b:s3+s2], $0x80, v4, vm0, $0xb8;
	[tilespmem:$0x18D00] =	vst v63  }
0x223: {  	s31 =	simm.s32 $0x16C80  }
0x224: {  	[tilespmem:s31], [sflag:$0x1] =	stream.indirect_vreg.gather [hbm4b:s3+s2], $0x80, v3, vm0, $0xb8;
	[tilespmem:$0x18D00] =	vst v63  }
0x225: {  	v3 =	vld [tilespmem:$0x2F0];
	_ =	sdelay $0x4  }
0x226: {  	v39 =	vshll.u32 v3, $0x1  }
0x227: {  	v3 =	vand.u32 $0x7, v3;
	v4 =	vand.u32 $0xFFFFFFF0, v39  }
0x228: {  	v3 =	vor.u32 v3, v4  }
0x229: {  	v4 =	vperm.xlane v3, v0;
	_ =	sdelay $0x1  }
0x22a: {  	v3 =	vperm.xlane v3, v2;
	v4 =	vadd.s32 v1, v4;
	_ =	sdelay $0x1  }
0x22b: {  	v3 =	vadd.s32 v1, v3;
	_ =	sdelay $0x1  }
0x22c: {  	s31 =	simm.s32 $0x17480  }
0x22d: {  	[tilespmem:s31], [sflag:$0x1] =	stream.indirect_vreg.gather [hbm4b:s3+s2], $0x80, v4, vm0, $0xb8;
	[tilespmem:$0x18D00] =	vst v63  }
0x22e: {  	s31 =	simm.s32 $0x17C80  }
0x22f: {  	[tilespmem:s31], [sflag:$0x1] =	stream.indirect_vreg.gather [hbm4b:s3+s2], $0x80, v3, vm0, $0xb8;
	[tilespmem:$0x18D00] =	vst v63  }
0x230: {  	_ =	swait.ge [sflag:s11], $0x8000  }
0x231: {  	[sflag:s11] =	ssyncset.done $0x0  }
0x232: {  	s31 =	rddreg [dreg:$0x8];
	[sflag:s11] =	ssyncadd.s32 $0xFFFF8000  }
0x233: {  	[hbm4b:s31+s2] =	stream.linear.scatter [tilespmem:s12], [sflag:$0x2], $0x8000, $0x38;
	[tilespmem:$0x18D00] =	vst v63  }
0x234: {  	_ =	swait.ge [sflag:s30], $0x8000  }
0x235: {  	[sflag:s30] =	ssyncset.done $0x0  }
0x236: {  	[sflag:s30] =	ssyncadd.s32 $0xFFFF8000  }
0x237: {  	v3 =	vld [tilespmem:$0x300];
	_ =	sdelay $0x4  }
0x238: {  	v40 =	vshll.u32 v3, $0x1  }
0x239: {  	v3 =	vand.u32 $0x7, v3;
	v4 =	vand.u32 $0xFFFFFFF0, v40  }
0x23a: {  	v3 =	vor.u32 v3, v4  }
0x23b: {  	v4 =	vperm.xlane v3, v0;
	_ =	sdelay $0x1  }
0x23c: {  	v3 =	vperm.xlane v3, v2;
	v4 =	vadd.s32 v1, v4;
	_ =	sdelay $0x1  }
0x23d: {  	v3 =	vadd.s32 v1, v3;
	_ =	sdelay $0x2  }
0x23e: {  	[tilespmem:s22], [sflag:$0x1] =	stream.indirect_vreg.gather [hbm4b:s3+s2], $0x80, v4, vm0, $0xb8;
	[tilespmem:$0x18D00] =	vst v63  }
0x23f: {  	_ = 	snop  }
0x240: {  	[tilespmem:s6], [sflag:$0x1] =	stream.indirect_vreg.gather [hbm4b:s3+s2], $0x80, v3, vm0, $0xb8;
	[tilespmem:$0x18D00] =	vst v63  }
0x241: {  	v3 =	vld [tilespmem:$0x310];
	_ =	sdelay $0x4  }
0x242: {  	v41 =	vshll.u32 v3, $0x1  }
0x243: {  	v3 =	vand.u32 $0x7, v3;
	v4 =	vand.u32 $0xFFFFFFF0, v41  }
0x244: {  	v3 =	vor.u32 v3, v4  }
0x245: {  	v4 =	vperm.xlane v3, v0;
	_ =	sdelay $0x1  }
0x246: {  	v3 =	vperm.xlane v3, v2;
	v4 =	vadd.s32 v1, v4;
	_ =	sdelay $0x1  }
0x247: {  	v3 =	vadd.s32 v1, v3;
	_ =	sdelay $0x2  }
0x248: {  	[tilespmem:s1], [sflag:$0x1] =	stream.indirect_vreg.gather [hbm4b:s3+s2], $0x80, v4, vm0, $0xb8;
	[tilespmem:$0x18D00] =	vst v63  }
0x249: {  	_ = 	snop  }
0x24a: {  	[tilespmem:s5], [sflag:$0x1] =	stream.indirect_vreg.gather [hbm4b:s3+s2], $0x80, v3, vm0, $0xb8;
	[tilespmem:$0x18D00] =	vst v63  }
0x24b: {  	v3 =	vld [tilespmem:$0x320];
	_ =	sdelay $0x4  }
0x24c: {  	v42 =	vshll.u32 v3, $0x1  }
0x24d: {  	v3 =	vand.u32 $0x7, v3;
	v4 =	vand.u32 $0xFFFFFFF0, v42  }
0x24e: {  	v3 =	vor.u32 v3, v4  }
0x24f: {  	v4 =	vperm.xlane v3, v0;
	_ =	sdelay $0x1  }
0x250: {  	v3 =	vperm.xlane v3, v2;
	v4 =	vadd.s32 v1, v4;
	_ =	sdelay $0x1  }
0x251: {  	v3 =	vadd.s32 v1, v3;
	_ =	sdelay $0x2  }
0x252: {  	[tilespmem:s7], [sflag:$0x1] =	stream.indirect_vreg.gather [hbm4b:s3+s2], $0x80, v4, vm0, $0xb8;
	[tilespmem:$0x18D00] =	vst v63  }
0x253: {  	_ = 	snop  }
0x254: {  	[tilespmem:s8], [sflag:$0x1] =	stream.indirect_vreg.gather [hbm4b:s3+s2], $0x80, v3, vm0, $0xb8;
	[tilespmem:$0x18D00] =	vst v63  }
0x255: {  	v3 =	vld [tilespmem:$0x330];
	_ =	sdelay $0x4  }
0x256: {  	v43 =	vshll.u32 v3, $0x1  }
0x257: {  	v3 =	vand.u32 $0x7, v3;
	v4 =	vand.u32 $0xFFFFFFF0, v43  }
0x258: {  	v3 =	vor.u32 v3, v4  }
0x259: {  	v4 =	vperm.xlane v3, v0;
	_ =	sdelay $0x1  }
0x25a: {  	v3 =	vperm.xlane v3, v2;
	v4 =	vadd.s32 v1, v4;
	_ =	sdelay $0x1  }
0x25b: {  	v3 =	vadd.s32 v1, v3;
	_ =	sdelay $0x2  }
0x25c: {  	[tilespmem:s9], [sflag:$0x1] =	stream.indirect_vreg.gather [hbm4b:s3+s2], $0x80, v4, vm0, $0xb8;
	[tilespmem:$0x18D00] =	vst v63  }
0x25d: {  	_ = 	snop  }
0x25e: {  	[tilespmem:s10], [sflag:$0x1] =	stream.indirect_vreg.gather [hbm4b:s3+s2], $0x80, v3, vm0, $0xb8;
	[tilespmem:$0x18D00] =	vst v63  }
0x25f: {  	v3 =	vld [tilespmem:$0x340];
	_ =	sdelay $0x4  }
0x260: {  	v44 =	vshll.u32 v3, $0x1  }
0x261: {  	v3 =	vand.u32 $0x7, v3;
	v4 =	vand.u32 $0xFFFFFFF0, v44  }
0x262: {  	v3 =	vor.u32 v3, v4  }
0x263: {  	v4 =	vperm.xlane v3, v0;
	_ =	sdelay $0x1  }
0x264: {  	v3 =	vperm.xlane v3, v2;
	v4 =	vadd.s32 v1, v4;
	_ =	sdelay $0x1  }
0x265: {  	v3 =	vadd.s32 v1, v3;
	_ =	sdelay $0x2  }
0x266: {  	[tilespmem:s13], [sflag:$0x1] =	stream.indirect_vreg.gather [hbm4b:s3+s2], $0x80, v4, vm0, $0xb8;
	[tilespmem:$0x18D00] =	vst v63  }
0x267: {  	_ = 	snop  }
0x268: {  	[tilespmem:s14], [sflag:$0x1] =	stream.indirect_vreg.gather [hbm4b:s3+s2], $0x80, v3, vm0, $0xb8;
	[tilespmem:$0x18D00] =	vst v63  }
0x269: {  	v3 =	vld [tilespmem:$0x350];
	_ =	sdelay $0x4  }
0x26a: {  	v45 =	vshll.u32 v3, $0x1  }
0x26b: {  	v3 =	vand.u32 $0x7, v3;
	v4 =	vand.u32 $0xFFFFFFF0, v45  }
0x26c: {  	v3 =	vor.u32 v3, v4  }
0x26d: {  	v4 =	vperm.xlane v3, v0;
	_ =	sdelay $0x1  }
0x26e: {  	v3 =	vperm.xlane v3, v2;
	v4 =	vadd.s32 v1, v4;
	_ =	sdelay $0x1  }
0x26f: {  	v3 =	vadd.s32 v1, v3;
	_ =	sdelay $0x2  }
0x270: {  	[tilespmem:s15], [sflag:$0x1] =	stream.indirect_vreg.gather [hbm4b:s3+s2], $0x80, v4, vm0, $0xb8;
	[tilespmem:$0x18D00] =	vst v63  }
0x271: {  	_ = 	snop  }
0x272: {  	[tilespmem:s16], [sflag:$0x1] =	stream.indirect_vreg.gather [hbm4b:s3+s2], $0x80, v3, vm0, $0xb8;
	[tilespmem:$0x18D00] =	vst v63  }
0x273: {  	v3 =	vld [tilespmem:$0x360];
	_ =	sdelay $0x4  }
0x274: {  	v46 =	vshll.u32 v3, $0x1  }
0x275: {  	v3 =	vand.u32 $0x7, v3;
	v4 =	vand.u32 $0xFFFFFFF0, v46  }
0x276: {  	v3 =	vor.u32 v3, v4  }
0x277: {  	v4 =	vperm.xlane v3, v0;
	_ =	sdelay $0x1  }
0x278: {  	v3 =	vperm.xlane v3, v2;
	v4 =	vadd.s32 v1, v4;
	_ =	sdelay $0x1  }
0x279: {  	v3 =	vadd.s32 v1, v3;
	_ =	sdelay $0x2  }
0x27a: {  	[tilespmem:s17], [sflag:$0x1] =	stream.indirect_vreg.gather [hbm4b:s3+s2], $0x80, v4, vm0, $0xb8;
	[tilespmem:$0x18D00] =	vst v63  }
0x27b: {  	_ = 	snop  }
0x27c: {  	[tilespmem:s18], [sflag:$0x1] =	stream.indirect_vreg.gather [hbm4b:s3+s2], $0x80, v3, vm0, $0xb8;
	[tilespmem:$0x18D00] =	vst v63  }
0x27d: {  	v3 =	vld [tilespmem:$0x370];
	_ =	sdelay $0x4  }
0x27e: {  	v47 =	vshll.u32 v3, $0x1  }
0x27f: {  	v3 =	vand.u32 $0x7, v3;
	v4 =	vand.u32 $0xFFFFFFF0, v47  }
0x280: {  	v3 =	vor.u32 v3, v4  }
0x281: {  	v4 =	vperm.xlane v3, v0;
	_ =	sdelay $0x1  }
0x282: {  	v3 =	vperm.xlane v3, v2;
	v4 =	vadd.s32 v1, v4;
	_ =	sdelay $0x1  }
0x283: {  	v3 =	vadd.s32 v1, v3;
	_ =	sdelay $0x2  }
0x284: {  	[tilespmem:s19], [sflag:$0x1] =	stream.indirect_vreg.gather [hbm4b:s3+s2], $0x80, v4, vm0, $0xb8;
	[tilespmem:$0x18D00] =	vst v63  }
0x285: {  	_ = 	snop  }
0x286: {  	[tilespmem:s20], [sflag:$0x1] =	stream.indirect_vreg.gather [hbm4b:s3+s2], $0x80, v3, vm0, $0xb8;
	[tilespmem:$0x18D00] =	vst v63  }
0x287: {  	_ =	swait.ge [sflag:s11], $0x8000  }
0x288: {  	[sflag:s11] =	ssyncset.done $0x0  }
0x289: {  	s5 =	rddreg [dreg:$0x9];
	[sflag:s11] =	ssyncadd.s32 $0xFFFF8000  }
0x28a: {  	[hbm4b:s5+s2] =	stream.linear.scatter [tilespmem:s0], [sflag:$0x2], $0x8000, $0x38;
	[tilespmem:$0x18D00] =	vst v63  }
0x28b: {  	_ =	swait.ge [sflag:s30], $0x8000  }
0x28c: {  	[sflag:s30] =	ssyncset.done $0x0  }
0x28d: {  	[sflag:s30] =	ssyncadd.s32 $0xFFFF8000  }
0x28e: {  	v3 =	vld [tilespmem:$0x380];
	_ =	sdelay $0x4  }
0x28f: {  	v48 =	vshll.u32 v3, $0x1  }
0x290: {  	v3 =	vand.u32 $0x7, v3;
	v4 =	vand.u32 $0xFFFFFFF0, v48  }
0x291: {  	v3 =	vor.u32 v3, v4  }
0x292: {  	v4 =	vperm.xlane v3, v0;
	_ =	sdelay $0x1  }
0x293: {  	v3 =	vperm.xlane v3, v2;
	v4 =	vadd.s32 v1, v4;
	_ =	sdelay $0x1  }
0x294: {  	v3 =	vadd.s32 v1, v3;
	_ =	sdelay $0x2  }
0x295: {  	[tilespmem:s12], [sflag:$0x1] =	stream.indirect_vreg.gather [hbm4b:s3+s2], $0x80, v4, vm0, $0xb8;
	[tilespmem:$0x18D00] =	vst v63  }
0x296: {  	_ = 	snop  }
0x297: {  	[tilespmem:s21], [sflag:$0x1] =	stream.indirect_vreg.gather [hbm4b:s3+s2], $0x80, v3, vm0, $0xb8;
	[tilespmem:$0x18D00] =	vst v63  }
0x298: {  	v3 =	vld [tilespmem:$0x390];
	_ =	sdelay $0x4  }
0x299: {  	v49 =	vshll.u32 v3, $0x1  }
0x29a: {  	v3 =	vand.u32 $0x7, v3;
	v4 =	vand.u32 $0xFFFFFFF0, v49  }
0x29b: {  	v3 =	vor.u32 v3, v4  }
0x29c: {  	v4 =	vperm.xlane v3, v0;
	_ =	sdelay $0x1  }
0x29d: {  	v3 =	vperm.xlane v3, v2;
	v4 =	vadd.s32 v1, v4;
	_ =	sdelay $0x1  }
0x29e: {  	v3 =	vadd.s32 v1, v3;
	_ =	sdelay $0x2  }
0x29f: {  	[tilespmem:s23], [sflag:$0x1] =	stream.indirect_vreg.gather [hbm4b:s3+s2], $0x80, v4, vm0, $0xb8;
	[tilespmem:$0x18D00] =	vst v63  }
0x2a0: {  	_ = 	snop  }
0x2a1: {  	[tilespmem:s24], [sflag:$0x1] =	stream.indirect_vreg.gather [hbm4b:s3+s2], $0x80, v3, vm0, $0xb8;
	[tilespmem:$0x18D00] =	vst v63  }
0x2a2: {  	v3 =	vld [tilespmem:$0x3A0];
	_ =	sdelay $0x4  }
0x2a3: {  	v50 =	vshll.u32 v3, $0x1  }
0x2a4: {  	v3 =	vand.u32 $0x7, v3;
	v4 =	vand.u32 $0xFFFFFFF0, v50  }
0x2a5: {  	v3 =	vor.u32 v3, v4  }
0x2a6: {  	v4 =	vperm.xlane v3, v0;
	_ =	sdelay $0x1  }
0x2a7: {  	v3 =	vperm.xlane v3, v2;
	v4 =	vadd.s32 v1, v4;
	_ =	sdelay $0x1  }
0x2a8: {  	v3 =	vadd.s32 v1, v3;
	_ =	sdelay $0x2  }
0x2a9: {  	[tilespmem:s25], [sflag:$0x1] =	stream.indirect_vreg.gather [hbm4b:s3+s2], $0x80, v4, vm0, $0xb8;
	[tilespmem:$0x18D00] =	vst v63  }
0x2aa: {  	_ = 	snop  }
0x2ab: {  	[tilespmem:s26], [sflag:$0x1] =	stream.indirect_vreg.gather [hbm4b:s3+s2], $0x80, v3, vm0, $0xb8;
	[tilespmem:$0x18D00] =	vst v63  }
0x2ac: {  	v3 =	vld [tilespmem:$0x3B0];
	_ =	sdelay $0x4  }
0x2ad: {  	v51 =	vshll.u32 v3, $0x1  }
0x2ae: {  	v3 =	vand.u32 $0x7, v3;
	v4 =	vand.u32 $0xFFFFFFF0, v51  }
0x2af: {  	v3 =	vor.u32 v3, v4  }
0x2b0: {  	v4 =	vperm.xlane v3, v0;
	_ =	sdelay $0x1  }
0x2b1: {  	v3 =	vperm.xlane v3, v2;
	v4 =	vadd.s32 v1, v4;
	_ =	sdelay $0x1  }
0x2b2: {  	v3 =	vadd.s32 v1, v3;
	_ =	sdelay $0x2  }
0x2b3: {  	[tilespmem:s28], [sflag:$0x1] =	stream.indirect_vreg.gather [hbm4b:s3+s2], $0x80, v4, vm0, $0xb8;
	[tilespmem:$0x18D00] =	vst v63  }
0x2b4: {  	_ = 	snop  }
0x2b5: {  	[tilespmem:s29], [sflag:$0x1] =	stream.indirect_vreg.gather [hbm4b:s3+s2], $0x80, v3, vm0, $0xb8;
	[tilespmem:$0x18D00] =	vst v63  }
0x2b6: {  	v3 =	vld [tilespmem:$0x3C0];
	_ =	sdelay $0x4  }
0x2b7: {  	v52 =	vshll.u32 v3, $0x1  }
0x2b8: {  	v3 =	vand.u32 $0x7, v3;
	v4 =	vand.u32 $0xFFFFFFF0, v52  }
0x2b9: {  	v3 =	vor.u32 v3, v4  }
0x2ba: {  	v4 =	vperm.xlane v3, v0;
	_ =	sdelay $0x1  }
0x2bb: {  	v3 =	vperm.xlane v3, v2;
	v4 =	vadd.s32 v1, v4;
	_ =	sdelay $0x1  }
0x2bc: {  	v3 =	vadd.s32 v1, v3;
	_ =	sdelay $0x1  }
0x2bd: {  	s7 =	simm.s32 $0xC480  }
0x2be: {  	[tilespmem:s7], [sflag:$0x1] =	stream.indirect_vreg.gather [hbm4b:s3+s2], $0x80, v4, vm0, $0xb8;
	[tilespmem:$0x18D00] =	vst v63  }
0x2bf: {  	s31 =	simm.s32 $0xCC80  }
0x2c0: {  	[tilespmem:s31], [sflag:$0x1] =	stream.indirect_vreg.gather [hbm4b:s3+s2], $0x80, v3, vm0, $0xb8;
	[tilespmem:$0x18D00] =	vst v63  }
0x2c1: {  	v3 =	vld [tilespmem:$0x3D0];
	_ =	sdelay $0x4  }
0x2c2: {  	v53 =	vshll.u32 v3, $0x1  }
0x2c3: {  	v3 =	vand.u32 $0x7, v3;
	v4 =	vand.u32 $0xFFFFFFF0, v53  }
0x2c4: {  	v3 =	vor.u32 v3, v4  }
0x2c5: {  	v4 =	vperm.xlane v3, v0;
	_ =	sdelay $0x1  }
0x2c6: {  	v3 =	vperm.xlane v3, v2;
	v4 =	vadd.s32 v1, v4;
	_ =	sdelay $0x1  }
0x2c7: {  	v3 =	vadd.s32 v1, v3;
	_ =	sdelay $0x1  }
0x2c8: {  	s5 =	simm.s32 $0xD480  }
0x2c9: {  	[tilespmem:s5], [sflag:$0x1] =	stream.indirect_vreg.gather [hbm4b:s3+s2], $0x80, v4, vm0, $0xb8;
	[tilespmem:$0x18D00] =	vst v63  }
0x2ca: {  	s7 =	simm.s32 $0xDC80  }
0x2cb: {  	[tilespmem:s7], [sflag:$0x1] =	stream.indirect_vreg.gather [hbm4b:s3+s2], $0x80, v3, vm0, $0xb8;
	[tilespmem:$0x18D00] =	vst v63  }
0x2cc: {  	v3 =	vld [tilespmem:$0x3E0];
	_ =	sdelay $0x4  }
0x2cd: {  	v54 =	vshll.u32 v3, $0x1  }
0x2ce: {  	v3 =	vand.u32 $0x7, v3;
	v4 =	vand.u32 $0xFFFFFFF0, v54  }
0x2cf: {  	v3 =	vor.u32 v3, v4  }
0x2d0: {  	v4 =	vperm.xlane v3, v0;
	_ =	sdelay $0x1  }
0x2d1: {  	v3 =	vperm.xlane v3, v2;
	v4 =	vadd.s32 v1, v4;
	_ =	sdelay $0x1  }
0x2d2: {  	v3 =	vadd.s32 v1, v3;
	_ =	sdelay $0x1  }
0x2d3: {  	s31 =	simm.s32 $0xE480  }
0x2d4: {  	[tilespmem:s31], [sflag:$0x1] =	stream.indirect_vreg.gather [hbm4b:s3+s2], $0x80, v4, vm0, $0xb8;
	[tilespmem:$0x18D00] =	vst v63  }
0x2d5: {  	s5 =	simm.s32 $0xEC80  }
0x2d6: {  	[tilespmem:s5], [sflag:$0x1] =	stream.indirect_vreg.gather [hbm4b:s3+s2], $0x80, v3, vm0, $0xb8;
	[tilespmem:$0x18D00] =	vst v63  }
0x2d7: {  	v3 =	vld [tilespmem:$0x3F0];
	_ =	sdelay $0x4  }
0x2d8: {  	v55 =	vshll.u32 v3, $0x1  }
0x2d9: {  	v3 =	vand.u32 $0x7, v3;
	v4 =	vand.u32 $0xFFFFFFF0, v55  }
0x2da: {  	v3 =	vor.u32 v3, v4  }
0x2db: {  	v4 =	vperm.xlane v3, v0;
	_ =	sdelay $0x1  }
0x2dc: {  	v3 =	vperm.xlane v3, v2;
	v4 =	vadd.s32 v1, v4;
	_ =	sdelay $0x1  }
0x2dd: {  	v3 =	vadd.s32 v1, v3;
	_ =	sdelay $0x1  }
0x2de: {  	s7 =	simm.s32 $0xF480  }
0x2df: {  	[tilespmem:s7], [sflag:$0x1] =	stream.indirect_vreg.gather [hbm4b:s3+s2], $0x80, v4, vm0, $0xb8;
	[tilespmem:$0x18D00] =	vst v63  }
0x2e0: {  	s31 =	simm.s32 $0xFC80  }
0x2e1: {  	[tilespmem:s31], [sflag:$0x1] =	stream.indirect_vreg.gather [hbm4b:s3+s2], $0x80, v3, vm0, $0xb8;
	[tilespmem:$0x18D00] =	vst v63  }
0x2e2: {  	_ =	swait.ge [sflag:s11], $0x8000  }
0x2e3: {  	[sflag:s11] =	ssyncset.done $0x0  }
0x2e4: {  	s1 =	rddreg [dreg:$0xa];
	[sflag:s11] =	ssyncadd.s32 $0xFFFF8000  }
0x2e5: {  	[hbm4b:s1+s2] =	stream.linear.scatter [tilespmem:s22], [sflag:$0x2], $0x8000, $0x38;
	[tilespmem:$0x18D00] =	vst v63  }
0x2e6: {  	_ =	swait.ge [sflag:s30], $0x8000  }
0x2e7: {  	[sflag:s30] =	ssyncset.done $0x0  }
0x2e8: {  	[sflag:s30] =	ssyncadd.s32 $0xFFFF8000  }
0x2e9: {  	v3 =	vld [tilespmem:$0x400];
	_ =	sdelay $0x4  }
0x2ea: {  	v56 =	vshll.u32 v3, $0x1  }
0x2eb: {  	v3 =	vand.u32 $0x7, v3;
	v4 =	vand.u32 $0xFFFFFFF0, v56  }
0x2ec: {  	v3 =	vor.u32 v3, v4  }
0x2ed: {  	v4 =	vperm.xlane v3, v0;
	_ =	sdelay $0x1  }
0x2ee: {  	v3 =	vperm.xlane v3, v2;
	v4 =	vadd.s32 v1, v4;
	_ =	sdelay $0x1  }
0x2ef: {  	v3 =	vadd.s32 v1, v3;
	_ =	sdelay $0x2  }
0x2f0: {  	[tilespmem:s0], [sflag:$0x1] =	stream.indirect_vreg.gather [hbm4b:s3+s2], $0x80, v4, vm0, $0xb8;
	[tilespmem:$0x18D00] =	vst v63  }
0x2f1: {  	s5 =	simm.s32 $0x10C80  }
0x2f2: {  	[tilespmem:s5], [sflag:$0x1] =	stream.indirect_vreg.gather [hbm4b:s3+s2], $0x80, v3, vm0, $0xb8;
	[tilespmem:$0x18D00] =	vst v63  }
0x2f3: {  	v3 =	vld [tilespmem:$0x410];
	_ =	sdelay $0x4  }
0x2f4: {  	v57 =	vshll.u32 v3, $0x1  }
0x2f5: {  	v3 =	vand.u32 $0x7, v3;
	v4 =	vand.u32 $0xFFFFFFF0, v57  }
0x2f6: {  	v3 =	vor.u32 v3, v4  }
0x2f7: {  	v4 =	vperm.xlane v3, v0;
	_ =	sdelay $0x1  }
0x2f8: {  	v3 =	vperm.xlane v3, v2;
	v4 =	vadd.s32 v1, v4;
	_ =	sdelay $0x1  }
0x2f9: {  	v3 =	vadd.s32 v1, v3;
	_ =	sdelay $0x1  }
0x2fa: {  	s7 =	simm.s32 $0x11480  }
0x2fb: {  	[tilespmem:s7], [sflag:$0x1] =	stream.indirect_vreg.gather [hbm4b:s3+s2], $0x80, v4, vm0, $0xb8;
	[tilespmem:$0x18D00] =	vst v63  }
0x2fc: {  	s31 =	simm.s32 $0x11C80  }
0x2fd: {  	[tilespmem:s31], [sflag:$0x1] =	stream.indirect_vreg.gather [hbm4b:s3+s2], $0x80, v3, vm0, $0xb8;
	[tilespmem:$0x18D00] =	vst v63  }
0x2fe: {  	v3 =	vld [tilespmem:$0x420];
	_ =	sdelay $0x4  }
0x2ff: {  	v58 =	vshll.u32 v3, $0x1  }
0x300: {  	v3 =	vand.u32 $0x7, v3;
	v4 =	vand.u32 $0xFFFFFFF0, v58  }
0x301: {  	v3 =	vor.u32 v3, v4  }
0x302: {  	v4 =	vperm.xlane v3, v0;
	_ =	sdelay $0x1  }
0x303: {  	v3 =	vperm.xlane v3, v2;
	v4 =	vadd.s32 v1, v4;
	_ =	sdelay $0x1  }
0x304: {  	v3 =	vadd.s32 v1, v3;
	_ =	sdelay $0x1  }
0x305: {  	s5 =	simm.s32 $0x12480  }
0x306: {  	[tilespmem:s5], [sflag:$0x1] =	stream.indirect_vreg.gather [hbm4b:s3+s2], $0x80, v4, vm0, $0xb8;
	[tilespmem:$0x18D00] =	vst v63  }
0x307: {  	s7 =	simm.s32 $0x12C80  }
0x308: {  	[tilespmem:s7], [sflag:$0x1] =	stream.indirect_vreg.gather [hbm4b:s3+s2], $0x80, v3, vm0, $0xb8;
	[tilespmem:$0x18D00] =	vst v63  }
0x309: {  	v3 =	vld [tilespmem:$0x430];
	_ =	sdelay $0x4  }
0x30a: {  	v59 =	vshll.u32 v3, $0x1  }
0x30b: {  	v3 =	vand.u32 $0x7, v3;
	v4 =	vand.u32 $0xFFFFFFF0, v59  }
0x30c: {  	v3 =	vor.u32 v3, v4  }
0x30d: {  	v4 =	vperm.xlane v3, v0;
	_ =	sdelay $0x1  }
0x30e: {  	v3 =	vperm.xlane v3, v2;
	v4 =	vadd.s32 v1, v4;
	_ =	sdelay $0x1  }
0x30f: {  	v3 =	vadd.s32 v1, v3;
	_ =	sdelay $0x1  }
0x310: {  	s31 =	simm.s32 $0x13480  }
0x311: {  	[tilespmem:s31], [sflag:$0x1] =	stream.indirect_vreg.gather [hbm4b:s3+s2], $0x80, v4, vm0, $0xb8;
	[tilespmem:$0x18D00] =	vst v63  }
0x312: {  	s5 =	simm.s32 $0x13C80  }
0x313: {  	[tilespmem:s5], [sflag:$0x1] =	stream.indirect_vreg.gather [hbm4b:s3+s2], $0x80, v3, vm0, $0xb8;
	[tilespmem:$0x18D00] =	vst v63  }
0x314: {  	v3 =	vld [tilespmem:$0x440];
	_ =	sdelay $0x4  }
0x315: {  	v60 =	vshll.u32 v3, $0x1  }
0x316: {  	v3 =	vand.u32 $0x7, v3;
	v4 =	vand.u32 $0xFFFFFFF0, v60  }
0x317: {  	v3 =	vor.u32 v3, v4  }
0x318: {  	v4 =	vperm.xlane v3, v0;
	_ =	sdelay $0x1  }
0x319: {  	v3 =	vperm.xlane v3, v2;
	v4 =	vadd.s32 v1, v4;
	_ =	sdelay $0x1  }
0x31a: {  	v3 =	vadd.s32 v1, v3;
	_ =	sdelay $0x1  }
0x31b: {  	s7 =	simm.s32 $0x14480  }
0x31c: {  	[tilespmem:s7], [sflag:$0x1] =	stream.indirect_vreg.gather [hbm4b:s3+s2], $0x80, v4, vm0, $0xb8;
	[tilespmem:$0x18D00] =	vst v63  }
0x31d: {  	s31 =	simm.s32 $0x14C80  }
0x31e: {  	[tilespmem:s31], [sflag:$0x1] =	stream.indirect_vreg.gather [hbm4b:s3+s2], $0x80, v3, vm0, $0xb8;
	[tilespmem:$0x18D00] =	vst v63  }
0x31f: {  	v3 =	vld [tilespmem:$0x450];
	_ =	sdelay $0x4  }
0x320: {  	v61 =	vshll.u32 v3, $0x1  }
0x321: {  	v3 =	vand.u32 $0x7, v3;
	v4 =	vand.u32 $0xFFFFFFF0, v61  }
0x322: {  	v3 =	vor.u32 v3, v4  }
0x323: {  	v4 =	vperm.xlane v3, v0;
	_ =	sdelay $0x1  }
0x324: {  	v3 =	vperm.xlane v3, v2;
	v4 =	vadd.s32 v1, v4;
	_ =	sdelay $0x1  }
0x325: {  	v3 =	vadd.s32 v1, v3;
	_ =	sdelay $0x1  }
0x326: {  	s5 =	simm.s32 $0x15480  }
0x327: {  	[tilespmem:s5], [sflag:$0x1] =	stream.indirect_vreg.gather [hbm4b:s3+s2], $0x80, v4, vm0, $0xb8;
	[tilespmem:$0x18D00] =	vst v63  }
0x328: {  	s7 =	simm.s32 $0x15C80  }
0x329: {  	[tilespmem:s7], [sflag:$0x1] =	stream.indirect_vreg.gather [hbm4b:s3+s2], $0x80, v3, vm0, $0xb8;
	[tilespmem:$0x18D00] =	vst v63  }
0x32a: {  	v3 =	vld [tilespmem:$0x460];
	_ =	sdelay $0x4  }
0x32b: {  	v62 =	vshll.u32 v3, $0x1  }
0x32c: {  	v3 =	vand.u32 $0x7, v3;
	v4 =	vand.u32 $0xFFFFFFF0, v62  }
0x32d: {  	v3 =	vor.u32 v3, v4  }
0x32e: {  	v4 =	vperm.xlane v3, v0;
	_ =	sdelay $0x1  }
0x32f: {  	v3 =	vperm.xlane v3, v2;
	v4 =	vadd.s32 v1, v4;
	_ =	sdelay $0x1  }
0x330: {  	v3 =	vadd.s32 v1, v3;
	_ =	sdelay $0x1  }
0x331: {  	s31 =	simm.s32 $0x16480  }
0x332: {  	[tilespmem:s31], [sflag:$0x1] =	stream.indirect_vreg.gather [hbm4b:s3+s2], $0x80, v4, vm0, $0xb8;
	[tilespmem:$0x18D00] =	vst v63  }
0x333: {  	s5 =	simm.s32 $0x16C80  }
0x334: {  	[tilespmem:s5], [sflag:$0x1] =	stream.indirect_vreg.gather [hbm4b:s3+s2], $0x80, v3, vm0, $0xb8;
	[tilespmem:$0x18D00] =	vst v63  }
0x335: {  	v3 =	vld [tilespmem:$0x470];
	_ =	sdelay $0x4  }
0x336: {  	v63 =	vshll.u32 v3, $0x1  }
0x337: {  	v3 =	vand.u32 $0x7, v3;
	v4 =	vand.u32 $0xFFFFFFF0, v63  }
0x338: {  	v3 =	vor.u32 v3, v4  }
0x339: {  	v4 =	vperm.xlane v3, v0;
	_ =	sdelay $0x1  }
0x33a: {  	v3 =	vperm.xlane v3, v2;
	v4 =	vadd.s32 v1, v4;
	_ =	sdelay $0x1  }
0x33b: {  	v3 =	vadd.s32 v1, v3;
	_ =	sdelay $0x1  }
0x33c: {  	s7 =	simm.s32 $0x17480  }
0x33d: {  	[tilespmem:s7], [sflag:$0x1] =	stream.indirect_vreg.gather [hbm4b:s3+s2], $0x80, v4, vm0, $0xb8;
	[tilespmem:$0x18D00] =	vst v63  }
0x33e: {  	s31 =	simm.s32 $0x17C80  }
0x33f: {  	[tilespmem:s31], [sflag:$0x1] =	stream.indirect_vreg.gather [hbm4b:s3+s2], $0x80, v3, vm0, $0xb8;
	[tilespmem:$0x18D00] =	vst v63  }
0x340: {  	_ =	swait.ge [sflag:s11], $0x8000  }
0x341: {  	[sflag:s11] =	ssyncset.done $0x0  }
0x342: {  	s5 =	rddreg [dreg:$0xb];
	[sflag:s11] =	ssyncadd.s32 $0xFFFF8000  }
0x343: {  	[hbm4b:s5+s2] =	stream.linear.scatter [tilespmem:s12], [sflag:$0x2], $0x8000, $0x38;
	[tilespmem:$0x18D00] =	vst v63  }
0x344: {  	_ =	swait.ge [sflag:s11], $0x8000  }
0x345: {  	[sflag:s11] =	ssyncset.done $0x0  }
0x346: {  	s7 =	rddreg [dreg:$0xc];
	[sflag:s11] =	ssyncadd.s32 $0xFFFF8000  }
0x347: {  	[hbm4b:s7+s2] =	stream.linear.scatter [tilespmem:s0], [sflag:$0x2], $0x8000, $0x38;
	[tilespmem:$0x18D00] =	vst v63  }
0x348: {  	s31 =	simm.s32 @!p0 $0x0;
	s1 =	rddreg [dreg:$0xd];
	s0 =	simm.s32 @!p0 $0x18480  }
0x349: {  	[tilespmem:s0], [sflag:$0x4] =	stream.linear.gather @!p0 [hbm4b:s1+s31], $0x8, $0x38;
	[tilespmem:$0x18D00] =	vst v63  }
0x34a: {  	s0 =	simm.s32 @!p0 $0x4  }
0x34b: {  	_ =	swait.ge @!p0 [sflag:s0], $0x8  }
0x34c: {  	[sflag:s0] =	ssyncset.done @!p0 $0x0  }
0x34d: {  	[sflag:s0] =	ssyncadd.s32 @!p0 $0xFFFFFFF8  }
0x34e: {  	v3 =	vld.msk @!p0 [tilespmem:$0x18480], $0xff;
	_ =	sdelay $0x4  }
0x34f: {  	v4 =	vshll.u32 @!p0 v3, $0x1  }
0x350: {  	v5 =	vlaneseq.u32 @!p0;
	v3 =	vand.u32 @!p0 $0x7, v3;
	v4 =	vand.u32 @!p0 $0xFFFFFFF0, v4  }
0x351: {  	v3 =	vor.u32 @!p0 v3, v4;
	v4 =	vand.u32 @!p0 $0x7, v5;
	v5 =	vshrl.u32 @!p0 v5, $0x3  }
0x352: {  	v3 =	vperm.xlane @!p0 v3, v4;
	v4 =	vmul.u32 @!p0 $0x8, v5;
	_ =	sdelay $0x1  }
0x353: {  	v3 =	vadd.s32 @!p0 v4, v3;
	_ =	sdelay $0x3  }
0x354: {  	s5 =	simm.s32 @!p0 $0x3;
	s1 =	simm.s32 @!p0 $0x18500  }
0x355: {  	[tilespmem:s1], [sflag:$0x3] =	stream.indirect_vreg.gather @!p0 [hbm4b:s3+s31], $0x80, v3, vm1, $0xb8;
	[tilespmem:$0x18D00] =	vst v63  }
0x356: {  	_ =	swait.ge @!p0 [sflag:s5], $0x800  }
0x357: {  	[sflag:s5] =	ssyncset.done @!p0 $0x0  }
0x358: {  	s7 =	rddreg [dreg:$0xe];
	[sflag:s5] =	ssyncadd.s32 @!p0 $0xFFFFF800  }
0x359: {  	[hbm4b:s7+s31] =	stream.linear.scatter @!p0 [tilespmem:s1], [sflag:$0x4], $0x800, $0x38;
	[tilespmem:$0x18D00] =	vst v63  }
0x35a: {  	_ =	swait.ge @!p0 [sflag:s0], $0x800  }
0x35b: {  	[sflag:s0] =	ssyncset.done @!p0 $0x0  }
0x35c: {  	[sflag:s0] =	ssyncadd.s32 @!p0 $0xFFFFF800  }
0x35d: {  	_ =	swait.ge [sflag:s30], $0x8000  }
0x35e: {  	[sflag:s30] =	ssyncset.done $0x0  }
0x35f: {  	s4 =	sadd.s32 $0xFFFFFFFF, s4;
	[sflag:s30] =	ssyncadd.s32 $0xFFFF8000  }
0x360: {  	p1 =	sne.s32 s4, $0x0;
	_ =	swait.ge [sflag:s30], $0x8000  }
.Ltmp0:
0x361: {  	[sflag:s30] =	ssyncset.done $0x0;
	(pc) =	sbr.rel @p1 .LBB2_1-.Ltmp0, $4  }
0x362: {  	[sflag:s30] =	ssyncadd.s32 $0xFFFF8000  }
0x363: {  	_ =	swait.ge [sflag:s30], $0x8000  }
0x364: {  	[sflag:s30] =	ssyncset.done $0x0  }
0x365: {  	[sflag:s30] =	ssyncadd.s32 $0xFFFF8000  }
0x366: {  	_ =	sfence.sel $0x180000  }
0x367: {  	[bflag:$0x0] =	sbarrier.arrive $0xFFFF  }
0x368: {  	_ =	strace $0x90000047  }
0x369: {  	s0 =	stileid.u32;
	[bflag:$0x2] =	sbarrier.arrive $0xFFFF  }
0x36a: {  	p0 =	sne.s32 s0, $0x0;
	s0 =	rddreg [dreg:$0x2]  }
0x36b: {  	s0 =	sadd.s32 @!p0 $0x100000, s0  }
0x36c: {  	[sflag:s0] =	ssyncadd.tile.s32 @!p0 $0x1;
	_ =	shalt  }
.Lfunc_end2:
_tile_overlayer_lowered:
.L_overlay_start_2:
0x36d: {  	(tag) =	ssettag $0x2  }
0x36e: {  	s0 =	rddreg [dreg:$0x0];
	s2 =	stileid.u32  }
0x36f: {  	s1 =	rddreg [dreg:$0x1];
	p0 =	sne.s32 s2, $0x0  }
0x370: {  	s3 =	rddreg [dreg:$0x2];
	[bflag:$0x3] =	sbarrier.arrive $0xFFFF;
	s2 =	simm.s32 @!p0 $0x1C04  }
0x371: {  	[timem:s3], [sflag:s2] =	dma.local @!p0 [hbm:s0], s1  }
0x372: {  	s0 =	simm.s32 @!p0 $0x4  }
0x373: {  	_ =	swait.ge @!p0 [sflag:s0], s1  }
0x374: {  	s1 =	ssub.s32 @!p0 $0x0, s1;
	[sflag:s0] =	ssyncset.done @!p0 $0x0  }
0x375: {  	[sflag:s0] =	ssyncadd.s32 @!p0 s1  }
0x376: {  	[bflag:$0x3] =	sbarrier.arrive $0xFFFF  }
0x377: {  	_ =	shalt  }

</sc_bundles>
